<compile_context>
chip_gen: v7x
topology: tpu7x:2x2x1
jax: 0.10.2.dev20260603
libtpu: 0.0.44.dev20260713+nightly
codegen_flags: <defaults>
</compile_context>

<pallas_src>
import functools

import jax
import jax.numpy as jnp
from jax import lax
from jax.experimental import pallas as pl
from jax.experimental.pallas import tpu as pltpu
from jax.experimental.pallas import tpu_sc as plsc

_L = 16
_NBUF = 2


def _pick_row_chunk(rows_per_worker: int, row_len: int) -> int:
    budget = 123000 // (2 * _NBUF) // row_len // 8 * 8
    r = min(budget, rows_per_worker // (_NBUF + 1) // 8 * 8, 16)
    if r <= 0:
        raise ValueError(f"no chunking for {rows_per_worker} rows of {row_len}")
    return r


@functools.lru_cache(maxsize=None)
def _build_sc_call(n_rows: int, row_len: int):
    info = plsc.get_sparse_core_info()
    num_workers = info.num_cores * info.num_subcores
    if n_rows % num_workers or row_len % _L:
        raise ValueError(f"bad shape ({n_rows}, {row_len})")
    rows_w = n_rows // num_workers
    rows_c = _pick_row_chunk(rows_w, row_len)
    nf = rows_w // rows_c
    tail_rows = rows_w - nf * rows_c
    ngroups = nf // _NBUF
    nvec_row = row_len // _L

    mesh = plsc.VectorSubcoreMesh(core_axis_name="c", subcore_axis_name="s")

    @functools.partial(
        pl.kernel,
        mesh=mesh,
        compiler_params=pltpu.CompilerParams(needs_layout_passes=False),
        out_type=jax.ShapeDtypeStruct((n_rows, row_len), jnp.float32),
        scratch_types=[
            pltpu.VMEM((_L,), jnp.float32),
            pltpu.VMEM((_L,), jnp.float32),
            pltpu.VMEM((_L,), jnp.int32),
            pltpu.VMEM((_L,), jnp.int32),
            pltpu.VMEM((256,), jnp.float32),
            pltpu.VMEM((_NBUF, rows_c, row_len), jnp.float32),
            pltpu.VMEM((_NBUF, rows_c, row_len), jnp.float32),
        ] + [pltpu.SemaphoreType.DMA] * (2 * _NBUF),
    )
    def sc_call(x_hbm, luta_hbm, lutb_hbm, bmin_hbm, bmax_hbm, out_hbm,
                luta_v, lutb_v, bmin_v, bmax_v, table_v,
                inb, outb, *sems):
        sem_i = sems[:_NBUF]
        sem_o = sems[_NBUF:]
        wid = lax.axis_index("s") * info.num_cores + lax.axis_index("c")
        base = wid * rows_w

        pltpu.sync_copy(luta_hbm, luta_v)
        pltpu.sync_copy(lutb_hbm, lutb_v)
        pltpu.sync_copy(bmin_hbm, bmin_v)
        pltpu.sync_copy(bmax_hbm, bmax_v)
        x2f = lax.iota(jnp.int32, _L).astype(jnp.float32)
        bmin = bmin_v[...]
        bmax = bmax_v[...]
        luta = luta_v[...]
        lutb = lutb_v[...]
        for seg in range(_L):
            a = luta[seg]
            b = lutb[seg]
            y16 = a * x2f + b * 16.0
            yi = jnp.right_shift(y16.astype(jnp.int32), 4)
            yc = jnp.minimum(jnp.maximum(yi, bmin), bmax)
            table_v[pl.ds(seg * _L, _L)] = yc.astype(jnp.float32)

        def in_copy(c, b):
            return pltpu.make_async_copy(
                x_hbm.at[pl.ds(base + c * rows_c, rows_c)], inb.at[b],
                sem_i[b])

        def out_copy(c, b):
            return pltpu.make_async_copy(
                outb.at[b], out_hbm.at[pl.ds(base + c * rows_c, rows_c)],
                sem_o[b])

        def in_copy_tail(b):
            return pltpu.make_async_copy(
                x_hbm.at[pl.ds(base + nf * rows_c, tail_rows)],
                inb.at[b, pl.ds(0, tail_rows)], sem_i[b])

        def out_copy_tail(b):
            return pltpu.make_async_copy(
                outb.at[b, pl.ds(0, tail_rows)],
                out_hbm.at[pl.ds(base + nf * rows_c, tail_rows)], sem_o[b])

        def compute(b, nrows):
            @plsc.parallel_loop(0, nrows, unroll=1)
            def _(r):
                for j in range(nvec_row):
                    xv = inb[b, r, pl.ds(j * _L, _L)]
                    idx = xv.astype(jnp.int32)
                    outb[b, r, pl.ds(j * _L, _L)] = plsc.load_gather(
                        table_v, [idx])

        for b in range(_NBUF):
            in_copy(b, b).start()

        def group(g, carry):
            for b in range(_NBUF):
                c = g * _NBUF + b
                in_copy(c, b).wait()

                @pl.when(g > 0)
                def _():
                    out_copy(c - _NBUF, b).wait()

                compute(b, rows_c)
                out_copy(c, b).start()

                @pl.when(c + _NBUF < nf)
                def _():
                    in_copy(c + _NBUF, b).start()

            return carry

        lax.fori_loop(0, ngroups, group, 0)

        for c in range(ngroups * _NBUF, nf):
            b = c % _NBUF
            in_copy(c, b).wait()
            if c - _NBUF >= 0:
                out_copy(c - _NBUF, b).wait()
            compute(b, rows_c)
            out_copy(c, b).start()
        if tail_rows:
            bt = nf % _NBUF
            if nf - _NBUF >= 0:
                out_copy(nf - _NBUF, bt).wait()
            in_copy_tail(bt).start()
            in_copy_tail(bt).wait()
            compute(bt, tail_rows)
            out_copy_tail(bt).start()
        for b in range(_NBUF):
            if tail_rows and b == nf % _NBUF:
                out_copy_tail(b).wait()
            elif b < nf:
                last = ((nf - 1 - b) // _NBUF) * _NBUF + b
                out_copy(last, b).wait()

    return sc_call


def kernel(x, lut_embedding, n):
    B, C, H, W = x.shape
    xt = jnp.transpose(x, (0, 2, 3, 1)).reshape(B * H * W, C)
    luta = lut_embedding[:, 0]
    lutb = lut_embedding[:, 1]
    ni = jnp.asarray(n, jnp.int32)
    bound = jnp.left_shift(jnp.int32(1), ni - 1)
    bmin = jnp.broadcast_to(-bound, (_L,)).astype(jnp.int32)
    bmax = jnp.broadcast_to(bound - 1, (_L,)).astype(jnp.int32)
    out = _build_sc_call(B * H * W, C)(xt, luta, lutb, bmin, bmax)
    return jnp.transpose(out.reshape(B, H, W, C), (0, 3, 1, 2))

# --- scband reference (transcript-rebuilt; emitter-appended) ---
"""Pipeline reference for scband-q-leaky-re-lu-46909632807422 (READ-ONLY COPY).

The authoritative reference and input builder live on the scoring server;
editing this copy changes nothing except your own understanding.
"""

import jax, jax.numpy as jnp
import numpy as np

DIV = 16.0
SCALE = 1.0

def build_lut(in_scale=0.05, out_scale=0.05, x_bits=8, x1_bits=4, negative_slope=0.1):
    x2_bits = x_bits - x1_bits
    mul = 2 ** x2_bits
    lut = []
    for i in list(range(0, 2 ** (x2_bits - 1))) + list(range(-2 ** (x2_bits - 1), 0)):
        x0_value = i * mul * in_scale
        x1_value = (i + 1) * mul * in_scale
        y0 = (x0_value if x0_value > 0 else negative_slope * x0_value) / out_scale
        y1 = (x1_value if x1_value > 0 else negative_slope * x1_value) / out_scale
        b = round(y0)
        a = round(y1 - y0)
        lut.append([float(a), float(b)])
    return np.array(lut, dtype=np.float32)

def setup_inputs(seed: int = 0) -> dict:
    key = jax.random.key(seed)
    k1, = jax.random.split(key, 1)
    # quantized integer-valued activations stored as float32, in [0, 256)
    x = jax.random.randint(k1, (8, 768, 56, 56), 0, 256).astype(jnp.float32)
    lut_embedding = jnp.asarray(build_lut(0.05, 0.05, 8, 4))  # [16, 2]
    return {"x": x, "lut_embedding": lut_embedding, "n": 8}

def reference(x, lut_embedding, n):
    x1 = jnp.floor(x / DIV)
    x2 = x - x1 * DIV
    x1i = x1.astype(jnp.int32)
    lookup_result = jnp.take(lut_embedding, x1i, axis=0)  # [B,C,H,W,2] gather
    y = lookup_result[..., 0] * x2 / DIV + lookup_result[..., 1]
    y = jnp.floor(y)
    # Quantizer.forward: x.mul(s).floor().clamp(min, max) with s=1.0
    q = jnp.floor(y * SCALE)
    minimum = -(2 ** (n - 1))
    maximum = 2 ** (n - 1) - 1
    out = jnp.clip(q, minimum, maximum)
    return out

if False:  # reference __main__ guard neutralized (emitter)
    inp = setup_inputs()
    out = reference(**inp)
    print(out.shape, out.dtype)

if __name__ == "__main__":
    import jax
    _d = setup_inputs()
    print(jax.jit(kernel)(*tuple(_d.values())))

</pallas_src>

<mosaic_0001>
#map = affine_map<(d0, d1) -> (0, 0)>
#map1 = affine_map<(d0, d1) -> (0)>
module attributes {stable_mosaic.version = 14 : i64} {
  func.func @sc_call(%arg0: i32, %arg1: i32, %arg2: memref<25088x768xf32, #tpu.memory_space<hbm>>, %arg3: memref<16xf32, #tpu.memory_space<hbm>>, %arg4: memref<16xf32, #tpu.memory_space<hbm>>, %arg5: memref<16xi32, #tpu.memory_space<hbm>>, %arg6: memref<16xi32, #tpu.memory_space<hbm>>, %arg7: memref<25088x768xf32, #tpu.memory_space<hbm>>, %arg8: memref<16xf32, #tpu.memory_space<vmem>>, %arg9: memref<16xf32, #tpu.memory_space<vmem>>, %arg10: memref<16xi32, #tpu.memory_space<vmem>>, %arg11: memref<16xi32, #tpu.memory_space<vmem>>, %arg12: memref<256xf32, #tpu.memory_space<vmem>>, %arg13: memref<2x16x768xf32, #tpu.memory_space<vmem>>, %arg14: memref<2x16x768xf32, #tpu.memory_space<vmem>>, %arg15: memref<!tpu.dma_semaphore, #tpu.memory_space<semaphore_mem>>, %arg16: memref<!tpu.dma_semaphore, #tpu.memory_space<semaphore_mem>>, %arg17: memref<!tpu.dma_semaphore, #tpu.memory_space<semaphore_mem>>, %arg18: memref<!tpu.dma_semaphore, #tpu.memory_space<semaphore_mem>>) attributes {dimension_semantics = [#tpu.dimension_semantics<core_parallel>, #tpu.dimension_semantics<subcore_parallel>], iteration_bounds = array<i64: 2, 16>, scalar_prefetch = 0 : i64, scratch_operands = 11 : i64, tpu.core_type = #tpu.core_type<sc_vector_subcore>, window_params = [{transform_indices = #map}, {transform_indices = #map1}, {transform_indices = #map1}, {transform_indices = #map1}, {transform_indices = #map1}, {transform_indices = #map}]} {
    %mul3A = arith.constant 2 : i32
    %mul3A_0 = arith.muli %arg1, %mul3A : i32
    %add3A = arith.addi %mul3A_0, %arg0 : i32
    %mul3A_1 = arith.constant 784 : i32
    %mul3A_2 = arith.muli %add3A, %mul3A_1 : i32
    "tpu.region"() ({
      %run_scoped3A = tpu.sem_alloc : memref<!tpu.dma_semaphore, #tpu.memory_space<semaphore_mem>>
      tpu.enqueue_dma source(%arg3 : memref<16xf32, #tpu.memory_space<hbm>>) target(%arg8 : memref<16xf32, #tpu.memory_space<vmem>>) target_semaphore(%run_scoped3A : memref<!tpu.dma_semaphore, #tpu.memory_space<semaphore_mem>>)
      tpu.wait_dma2 semaphore(%run_scoped3A : memref<!tpu.dma_semaphore, #tpu.memory_space<semaphore_mem>>) src(%arg3 : memref<16xf32, #tpu.memory_space<hbm>>) dst(%arg8 : memref<16xf32, #tpu.memory_space<vmem>>)
      tpu.yield
    }) : () -> ()
    "tpu.region"() ({
      %run_scoped3A = tpu.sem_alloc : memref<!tpu.dma_semaphore, #tpu.memory_space<semaphore_mem>>
      tpu.enqueue_dma source(%arg4 : memref<16xf32, #tpu.memory_space<hbm>>) target(%arg9 : memref<16xf32, #tpu.memory_space<vmem>>) target_semaphore(%run_scoped3A : memref<!tpu.dma_semaphore, #tpu.memory_space<semaphore_mem>>)
      tpu.wait_dma2 semaphore(%run_scoped3A : memref<!tpu.dma_semaphore, #tpu.memory_space<semaphore_mem>>) src(%arg4 : memref<16xf32, #tpu.memory_space<hbm>>) dst(%arg9 : memref<16xf32, #tpu.memory_space<vmem>>)
      tpu.yield
    }) : () -> ()
    "tpu.region"() ({
      %run_scoped3A = tpu.sem_alloc : memref<!tpu.dma_semaphore, #tpu.memory_space<semaphore_mem>>
      tpu.enqueue_dma source(%arg5 : memref<16xi32, #tpu.memory_space<hbm>>) target(%arg10 : memref<16xi32, #tpu.memory_space<vmem>>) target_semaphore(%run_scoped3A : memref<!tpu.dma_semaphore, #tpu.memory_space<semaphore_mem>>)
      tpu.wait_dma2 semaphore(%run_scoped3A : memref<!tpu.dma_semaphore, #tpu.memory_space<semaphore_mem>>) src(%arg5 : memref<16xi32, #tpu.memory_space<hbm>>) dst(%arg10 : memref<16xi32, #tpu.memory_space<vmem>>)
      tpu.yield
    }) : () -> ()
    "tpu.region"() ({
      %run_scoped3A = tpu.sem_alloc : memref<!tpu.dma_semaphore, #tpu.memory_space<semaphore_mem>>
      tpu.enqueue_dma source(%arg6 : memref<16xi32, #tpu.memory_space<hbm>>) target(%arg11 : memref<16xi32, #tpu.memory_space<vmem>>) target_semaphore(%run_scoped3A : memref<!tpu.dma_semaphore, #tpu.memory_space<semaphore_mem>>)
      tpu.wait_dma2 semaphore(%run_scoped3A : memref<!tpu.dma_semaphore, #tpu.memory_space<semaphore_mem>>) src(%arg6 : memref<16xi32, #tpu.memory_space<hbm>>) dst(%arg11 : memref<16xi32, #tpu.memory_space<vmem>>)
      tpu.yield
    }) : () -> ()
    %iota3A = tpu.iota {dimensions = array<i32: 0>} : vector<16xi32>
    %convert_element_type3A = arith.sitofp %iota3A : vector<16xi32> to vector<16xf32>
    %get3A = arith.constant 0 : index
    %get3A_3 = tpu.vector_load %arg10[%get3A] {strides = array<i32>} : memref<16xi32, #tpu.memory_space<vmem>>, vector<16xi32>,
    %get3A_4 = arith.constant 0 : index
    %get3A_5 = tpu.vector_load %arg11[%get3A_4] {strides = array<i32>} : memref<16xi32, #tpu.memory_space<vmem>>, vector<16xi32>,
    %get3A_6 = arith.constant 0 : index
    %get3A_7 = tpu.vector_load %arg8[%get3A_6] {strides = array<i32>} : memref<16xf32, #tpu.memory_space<vmem>>, vector<16xf32>,
    %get3A_8 = arith.constant 0 : index
    %get3A_9 = tpu.vector_load %arg9[%get3A_8] {strides = array<i32>} : memref<16xf32, #tpu.memory_space<vmem>>, vector<16xf32>,
    %slice3A = vector.extract_strided_slice %get3A_7 {offsets = [0], sizes = [1], strides = [1]} : vector<16xf32> to vector<1xf32>
    %squeeze3A = vector.extract %slice3A[0] : f32 from vector<1xf32>
    %slice3A_10 = vector.extract_strided_slice %get3A_9 {offsets = [0], sizes = [1], strides = [1]} : vector<16xf32> to vector<1xf32>
    %squeeze3A_11 = vector.extract %slice3A_10[0] : f32 from vector<1xf32>
    %mul3A_12 = vector.broadcast %squeeze3A : f32 to vector<16xf32>
    %mul3A_13 = arith.mulf %mul3A_12, %convert_element_type3A : vector<16xf32>
    %mul3A_14 = arith.constant 1.600000e+01 : f32
    %mul3A_15 = arith.mulf %squeeze3A_11, %mul3A_14 : f32
    %add3A_16 = vector.broadcast %mul3A_15 : f32 to vector<16xf32>
    %add3A_17 = arith.addf %mul3A_13, %add3A_16 : vector<16xf32>
    %convert_element_type3A_18 = arith.fptosi %add3A_17 : vector<16xf32> to vector<16xi32>
    %shift_right_arithmetic3A = arith.constant 4 : i32
    %shift_right_arithmetic3A_19 = vector.broadcast %shift_right_arithmetic3A : i32 to vector<16xi32>
    %shift_right_arithmetic3A_20 = arith.shrsi %convert_element_type3A_18, %shift_right_arithmetic3A_19 : vector<16xi32>
    %max3A = arith.maxsi %shift_right_arithmetic3A_20, %get3A_3 : vector<16xi32>
    %min3A = arith.minsi %max3A, %get3A_5 : vector<16xi32>
    %convert_element_type3A_21 = arith.sitofp %min3A : vector<16xi32> to vector<16xf32>
    %swap3A = arith.constant 0 : index
    %swap3A_22 = tpu.vector_load %arg12[%swap3A] {strides = array<i32>} : memref<256xf32, #tpu.memory_space<vmem>>, vector<16xf32>,
    tpu.vector_store %arg12[%swap3A], %convert_element_type3A_21 {strides = array<i32>} : memref<256xf32, #tpu.memory_space<vmem>>, vector<16xf32>,
    %slice3A_23 = vector.extract_strided_slice %get3A_7 {offsets = [1], sizes = [1], strides = [1]} : vector<16xf32> to vector<1xf32>
    %squeeze3A_24 = vector.extract %slice3A_23[0] : f32 from vector<1xf32>
    %slice3A_25 = vector.extract_strided_slice %get3A_9 {offsets = [1], sizes = [1], strides = [1]} : vector<16xf32> to vector<1xf32>
    %squeeze3A_26 = vector.extract %slice3A_25[0] : f32 from vector<1xf32>
    %mul3A_27 = vector.broadcast %squeeze3A_24 : f32 to vector<16xf32>
    %mul3A_28 = arith.mulf %mul3A_27, %convert_element_type3A : vector<16xf32>
    %mul3A_29 = arith.constant 1.600000e+01 : f32
    %mul3A_30 = arith.mulf %squeeze3A_26, %mul3A_29 : f32
    %add3A_31 = vector.broadcast %mul3A_30 : f32 to vector<16xf32>
    %add3A_32 = arith.addf %mul3A_28, %add3A_31 : vector<16xf32>
    %convert_element_type3A_33 = arith.fptosi %add3A_32 : vector<16xf32> to vector<16xi32>
    %shift_right_arithmetic3A_34 = arith.constant 4 : i32
    %shift_right_arithmetic3A_35 = vector.broadcast %shift_right_arithmetic3A_34 : i32 to vector<16xi32>
    %shift_right_arithmetic3A_36 = arith.shrsi %convert_element_type3A_33, %shift_right_arithmetic3A_35 : vector<16xi32>
    %max3A_37 = arith.maxsi %shift_right_arithmetic3A_36, %get3A_3 : vector<16xi32>
    %min3A_38 = arith.minsi %max3A_37, %get3A_5 : vector<16xi32>
    %convert_element_type3A_39 = arith.sitofp %min3A_38 : vector<16xi32> to vector<16xf32>
    %swap3A_40 = arith.constant 16 : index
    %swap3A_41 = tpu.vector_load %arg12[%swap3A_40] {strides = array<i32>} : memref<256xf32, #tpu.memory_space<vmem>>, vector<16xf32>,
    tpu.vector_store %arg12[%swap3A_40], %convert_element_type3A_39 {strides = array<i32>} : memref<256xf32, #tpu.memory_space<vmem>>, vector<16xf32>,
    %slice3A_42 = vector.extract_strided_slice %get3A_7 {offsets = [2], sizes = [1], strides = [1]} : vector<16xf32> to vector<1xf32>
    %squeeze3A_43 = vector.extract %slice3A_42[0] : f32 from vector<1xf32>
    %slice3A_44 = vector.extract_strided_slice %get3A_9 {offsets = [2], sizes = [1], strides = [1]} : vector<16xf32> to vector<1xf32>
    %squeeze3A_45 = vector.extract %slice3A_44[0] : f32 from vector<1xf32>
    %mul3A_46 = vector.broadcast %squeeze3A_43 : f32 to vector<16xf32>
    %mul3A_47 = arith.mulf %mul3A_46, %convert_element_type3A : vector<16xf32>
    %mul3A_48 = arith.constant 1.600000e+01 : f32
    %mul3A_49 = arith.mulf %squeeze3A_45, %mul3A_48 : f32
    %add3A_50 = vector.broadcast %mul3A_49 : f32 to vector<16xf32>
    %add3A_51 = arith.addf %mul3A_47, %add3A_50 : vector<16xf32>
    %convert_element_type3A_52 = arith.fptosi %add3A_51 : vector<16xf32> to vector<16xi32>
    %shift_right_arithmetic3A_53 = arith.constant 4 : i32
    %shift_right_arithmetic3A_54 = vector.broadcast %shift_right_arithmetic3A_53 : i32 to vector<16xi32>
    %shift_right_arithmetic3A_55 = arith.shrsi %convert_element_type3A_52, %shift_right_arithmetic3A_54 : vector<16xi32>
    %max3A_56 = arith.maxsi %shift_right_arithmetic3A_55, %get3A_3 : vector<16xi32>
    %min3A_57 = arith.minsi %max3A_56, %get3A_5 : vector<16xi32>
    %convert_element_type3A_58 = arith.sitofp %min3A_57 : vector<16xi32> to vector<16xf32>
    %swap3A_59 = arith.constant 32 : index
    %swap3A_60 = tpu.vector_load %arg12[%swap3A_59] {strides = array<i32>} : memref<256xf32, #tpu.memory_space<vmem>>, vector<16xf32>,
    tpu.vector_store %arg12[%swap3A_59], %convert_element_type3A_58 {strides = array<i32>} : memref<256xf32, #tpu.memory_space<vmem>>, vector<16xf32>,
    %slice3A_61 = vector.extract_strided_slice %get3A_7 {offsets = [3], sizes = [1], strides = [1]} : vector<16xf32> to vector<1xf32>
    %squeeze3A_62 = vector.extract %slice3A_61[0] : f32 from vector<1xf32>
    %slice3A_63 = vector.extract_strided_slice %get3A_9 {offsets = [3], sizes = [1], strides = [1]} : vector<16xf32> to vector<1xf32>
    %squeeze3A_64 = vector.extract %slice3A_63[0] : f32 from vector<1xf32>
    %mul3A_65 = vector.broadcast %squeeze3A_62 : f32 to vector<16xf32>
    %mul3A_66 = arith.mulf %mul3A_65, %convert_element_type3A : vector<16xf32>
    %mul3A_67 = arith.constant 1.600000e+01 : f32
    %mul3A_68 = arith.mulf %squeeze3A_64, %mul3A_67 : f32
    %add3A_69 = vector.broadcast %mul3A_68 : f32 to vector<16xf32>
    %add3A_70 = arith.addf %mul3A_66, %add3A_69 : vector<16xf32>
    %convert_element_type3A_71 = arith.fptosi %add3A_70 : vector<16xf32> to vector<16xi32>
    %shift_right_arithmetic3A_72 = arith.constant 4 : i32
    %shift_right_arithmetic3A_73 = vector.broadcast %shift_right_arithmetic3A_72 : i32 to vector<16xi32>
    %shift_right_arithmetic3A_74 = arith.shrsi %convert_element_type3A_71, %shift_right_arithmetic3A_73 : vector<16xi32>
    %max3A_75 = arith.maxsi %shift_right_arithmetic3A_74, %get3A_3 : vector<16xi32>
    %min3A_76 = arith.minsi %max3A_75, %get3A_5 : vector<16xi32>
    %convert_element_type3A_77 = arith.sitofp %min3A_76 : vector<16xi32> to vector<16xf32>
    %swap3A_78 = arith.constant 48 : index
    %swap3A_79 = tpu.vector_load %arg12[%swap3A_78] {strides = array<i32>} : memref<256xf32, #tpu.memory_space<vmem>>, vector<16xf32>,
    tpu.vector_store %arg12[%swap3A_78], %convert_element_type3A_77 {strides = array<i32>} : memref<256xf32, #tpu.memory_space<vmem>>, vector<16xf32>,
    %slice3A_80 = vector.extract_strided_slice %get3A_7 {offsets = [4], sizes = [1], strides = [1]} : vector<16xf32> to vector<1xf32>
    %squeeze3A_81 = vector.extract %slice3A_80[0] : f32 from vector<1xf32>
    %slice3A_82 = vector.extract_strided_slice %get3A_9 {offsets = [4], sizes = [1], strides = [1]} : vector<16xf32> to vector<1xf32>
    %squeeze3A_83 = vector.extract %slice3A_82[0] : f32 from vector<1xf32>
    %mul3A_84 = vector.broadcast %squeeze3A_81 : f32 to vector<16xf32>
    %mul3A_85 = arith.mulf %mul3A_84, %convert_element_type3A : vector<16xf32>
    %mul3A_86 = arith.constant 1.600000e+01 : f32
    %mul3A_87 = arith.mulf %squeeze3A_83, %mul3A_86 : f32
    %add3A_88 = vector.broadcast %mul3A_87 : f32 to vector<16xf32>
    %add3A_89 = arith.addf %mul3A_85, %add3A_88 : vector<16xf32>
    %convert_element_type3A_90 = arith.fptosi %add3A_89 : vector<16xf32> to vector<16xi32>
    %shift_right_arithmetic3A_91 = arith.constant 4 : i32
    %shift_right_arithmetic3A_92 = vector.broadcast %shift_right_arithmetic3A_91 : i32 to vector<16xi32>
    %shift_right_arithmetic3A_93 = arith.shrsi %convert_element_type3A_90, %shift_right_arithmetic3A_92 : vector<16xi32>
    %max3A_94 = arith.maxsi %shift_right_arithmetic3A_93, %get3A_3 : vector<16xi32>
    %min3A_95 = arith.minsi %max3A_94, %get3A_5 : vector<16xi32>
    %convert_element_type3A_96 = arith.sitofp %min3A_95 : vector<16xi32> to vector<16xf32>
    %swap3A_97 = arith.constant 64 : index
    %swap3A_98 = tpu.vector_load %arg12[%swap3A_97] {strides = array<i32>} : memref<256xf32, #tpu.memory_space<vmem>>, vector<16xf32>,
    tpu.vector_store %arg12[%swap3A_97], %convert_element_type3A_96 {strides = array<i32>} : memref<256xf32, #tpu.memory_space<vmem>>, vector<16xf32>,
    %slice3A_99 = vector.extract_strided_slice %get3A_7 {offsets = [5], sizes = [1], strides = [1]} : vector<16xf32> to vector<1xf32>
    %squeeze3A_100 = vector.extract %slice3A_99[0] : f32 from vector<1xf32>
    %slice3A_101 = vector.extract_strided_slice %get3A_9 {offsets = [5], sizes = [1], strides = [1]} : vector<16xf32> to vector<1xf32>
    %squeeze3A_102 = vector.extract %slice3A_101[0] : f32 from vector<1xf32>
    %mul3A_103 = vector.broadcast %squeeze3A_100 : f32 to vector<16xf32>
    %mul3A_104 = arith.mulf %mul3A_103, %convert_element_type3A : vector<16xf32>
    %mul3A_105 = arith.constant 1.600000e+01 : f32
    %mul3A_106 = arith.mulf %squeeze3A_102, %mul3A_105 : f32
    %add3A_107 = vector.broadcast %mul3A_106 : f32 to vector<16xf32>
    %add3A_108 = arith.addf %mul3A_104, %add3A_107 : vector<16xf32>
    %convert_element_type3A_109 = arith.fptosi %add3A_108 : vector<16xf32> to vector<16xi32>
    %shift_right_arithmetic3A_110 = arith.constant 4 : i32
    %shift_right_arithmetic3A_111 = vector.broadcast %shift_right_arithmetic3A_110 : i32 to vector<16xi32>
    %shift_right_arithmetic3A_112 = arith.shrsi %convert_element_type3A_109, %shift_right_arithmetic3A_111 : vector<16xi32>
    %max3A_113 = arith.maxsi %shift_right_arithmetic3A_112, %get3A_3 : vector<16xi32>
    %min3A_114 = arith.minsi %max3A_113, %get3A_5 : vector<16xi32>
    %convert_element_type3A_115 = arith.sitofp %min3A_114 : vector<16xi32> to vector<16xf32>
    %swap3A_116 = arith.constant 80 : index
    %swap3A_117 = tpu.vector_load %arg12[%swap3A_116] {strides = array<i32>} : memref<256xf32, #tpu.memory_space<vmem>>, vector<16xf32>,
    tpu.vector_store %arg12[%swap3A_116], %convert_element_type3A_115 {strides = array<i32>} : memref<256xf32, #tpu.memory_space<vmem>>, vector<16xf32>,
    %slice3A_118 = vector.extract_strided_slice %get3A_7 {offsets = [6], sizes = [1], strides = [1]} : vector<16xf32> to vector<1xf32>
    %squeeze3A_119 = vector.extract %slice3A_118[0] : f32 from vector<1xf32>
    %slice3A_120 = vector.extract_strided_slice %get3A_9 {offsets = [6], sizes = [1], strides = [1]} : vector<16xf32> to vector<1xf32>
    %squeeze3A_121 = vector.extract %slice3A_120[0] : f32 from vector<1xf32>
    %mul3A_122 = vector.broadcast %squeeze3A_119 : f32 to vector<16xf32>
    %mul3A_123 = arith.mulf %mul3A_122, %convert_element_type3A : vector<16xf32>
    %mul3A_124 = arith.constant 1.600000e+01 : f32
    %mul3A_125 = arith.mulf %squeeze3A_121, %mul3A_124 : f32
    %add3A_126 = vector.broadcast %mul3A_125 : f32 to vector<16xf32>
    %add3A_127 = arith.addf %mul3A_123, %add3A_126 : vector<16xf32>
    %convert_element_type3A_128 = arith.fptosi %add3A_127 : vector<16xf32> to vector<16xi32>
    %shift_right_arithmetic3A_129 = arith.constant 4 : i32
    %shift_right_arithmetic3A_130 = vector.broadcast %shift_right_arithmetic3A_129 : i32 to vector<16xi32>
    %shift_right_arithmetic3A_131 = arith.shrsi %convert_element_type3A_128, %shift_right_arithmetic3A_130 : vector<16xi32>
    %max3A_132 = arith.maxsi %shift_right_arithmetic3A_131, %get3A_3 : vector<16xi32>
    %min3A_133 = arith.minsi %max3A_132, %get3A_5 : vector<16xi32>
    %convert_element_type3A_134 = arith.sitofp %min3A_133 : vector<16xi32> to vector<16xf32>
    %swap3A_135 = arith.constant 96 : index
    %swap3A_136 = tpu.vector_load %arg12[%swap3A_135] {strides = array<i32>} : memref<256xf32, #tpu.memory_space<vmem>>, vector<16xf32>,
    tpu.vector_store %arg12[%swap3A_135], %convert_element_type3A_134 {strides = array<i32>} : memref<256xf32, #tpu.memory_space<vmem>>, vector<16xf32>,
    %slice3A_137 = vector.extract_strided_slice %get3A_7 {offsets = [7], sizes = [1], strides = [1]} : vector<16xf32> to vector<1xf32>
    %squeeze3A_138 = vector.extract %slice3A_137[0] : f32 from vector<1xf32>
    %slice3A_139 = vector.extract_strided_slice %get3A_9 {offsets = [7], sizes = [1], strides = [1]} : vector<16xf32> to vector<1xf32>
    %squeeze3A_140 = vector.extract %slice3A_139[0] : f32 from vector<1xf32>
    %mul3A_141 = vector.broadcast %squeeze3A_138 : f32 to vector<16xf32>
    %mul3A_142 = arith.mulf %mul3A_141, %convert_element_type3A : vector<16xf32>
    %mul3A_143 = arith.constant 1.600000e+01 : f32
    %mul3A_144 = arith.mulf %squeeze3A_140, %mul3A_143 : f32
    %add3A_145 = vector.broadcast %mul3A_144 : f32 to vector<16xf32>
    %add3A_146 = arith.addf %mul3A_142, %add3A_145 : vector<16xf32>
    %convert_element_type3A_147 = arith.fptosi %add3A_146 : vector<16xf32> to vector<16xi32>
    %shift_right_arithmetic3A_148 = arith.constant 4 : i32
    %shift_right_arithmetic3A_149 = vector.broadcast %shift_right_arithmetic3A_148 : i32 to vector<16xi32>
    %shift_right_arithmetic3A_150 = arith.shrsi %convert_element_type3A_147, %shift_right_arithmetic3A_149 : vector<16xi32>
    %max3A_151 = arith.maxsi %shift_right_arithmetic3A_150, %get3A_3 : vector<16xi32>
    %min3A_152 = arith.minsi %max3A_151, %get3A_5 : vector<16xi32>
    %convert_element_type3A_153 = arith.sitofp %min3A_152 : vector<16xi32> to vector<16xf32>
    %swap3A_154 = arith.constant 112 : index
    %swap3A_155 = tpu.vector_load %arg12[%swap3A_154] {strides = array<i32>} : memref<256xf32, #tpu.memory_space<vmem>>, vector<16xf32>,
    tpu.vector_store %arg12[%swap3A_154], %convert_element_type3A_153 {strides = array<i32>} : memref<256xf32, #tpu.memory_space<vmem>>, vector<16xf32>,
    %slice3A_156 = vector.extract_strided_slice %get3A_7 {offsets = [8], sizes = [1], strides = [1]} : vector<16xf32> to vector<1xf32>
    %squeeze3A_157 = vector.extract %slice3A_156[0] : f32 from vector<1xf32>
    %slice3A_158 = vector.extract_strided_slice %get3A_9 {offsets = [8], sizes = [1], strides = [1]} : vector<16xf32> to vector<1xf32>
    %squeeze3A_159 = vector.extract %slice3A_158[0] : f32 from vector<1xf32>
    %mul3A_160 = vector.broadcast %squeeze3A_157 : f32 to vector<16xf32>
    %mul3A_161 = arith.mulf %mul3A_160, %convert_element_type3A : vector<16xf32>
    %mul3A_162 = arith.constant 1.600000e+01 : f32
    %mul3A_163 = arith.mulf %squeeze3A_159, %mul3A_162 : f32
    %add3A_164 = vector.broadcast %mul3A_163 : f32 to vector<16xf32>
    %add3A_165 = arith.addf %mul3A_161, %add3A_164 : vector<16xf32>
    %convert_element_type3A_166 = arith.fptosi %add3A_165 : vector<16xf32> to vector<16xi32>
    %shift_right_arithmetic3A_167 = arith.constant 4 : i32
    %shift_right_arithmetic3A_168 = vector.broadcast %shift_right_arithmetic3A_167 : i32 to vector<16xi32>
    %shift_right_arithmetic3A_169 = arith.shrsi %convert_element_type3A_166, %shift_right_arithmetic3A_168 : vector<16xi32>
    %max3A_170 = arith.maxsi %shift_right_arithmetic3A_169, %get3A_3 : vector<16xi32>
    %min3A_171 = arith.minsi %max3A_170, %get3A_5 : vector<16xi32>
    %convert_element_type3A_172 = arith.sitofp %min3A_171 : vector<16xi32> to vector<16xf32>
    %swap3A_173 = arith.constant 128 : index
    %swap3A_174 = tpu.vector_load %arg12[%swap3A_173] {strides = array<i32>} : memref<256xf32, #tpu.memory_space<vmem>>, vector<16xf32>,
    tpu.vector_store %arg12[%swap3A_173], %convert_element_type3A_172 {strides = array<i32>} : memref<256xf32, #tpu.memory_space<vmem>>, vector<16xf32>,
    %slice3A_175 = vector.extract_strided_slice %get3A_7 {offsets = [9], sizes = [1], strides = [1]} : vector<16xf32> to vector<1xf32>
    %squeeze3A_176 = vector.extract %slice3A_175[0] : f32 from vector<1xf32>
    %slice3A_177 = vector.extract_strided_slice %get3A_9 {offsets = [9], sizes = [1], strides = [1]} : vector<16xf32> to vector<1xf32>
    %squeeze3A_178 = vector.extract %slice3A_177[0] : f32 from vector<1xf32>
    %mul3A_179 = vector.broadcast %squeeze3A_176 : f32 to vector<16xf32>
    %mul3A_180 = arith.mulf %mul3A_179, %convert_element_type3A : vector<16xf32>
    %mul3A_181 = arith.constant 1.600000e+01 : f32
    %mul3A_182 = arith.mulf %squeeze3A_178, %mul3A_181 : f32
    %add3A_183 = vector.broadcast %mul3A_182 : f32 to vector<16xf32>
    %add3A_184 = arith.addf %mul3A_180, %add3A_183 : vector<16xf32>
    %convert_element_type3A_185 = arith.fptosi %add3A_184 : vector<16xf32> to vector<16xi32>
    %shift_right_arithmetic3A_186 = arith.constant 4 : i32
    %shift_right_arithmetic3A_187 = vector.broadcast %shift_right_arithmetic3A_186 : i32 to vector<16xi32>
    %shift_right_arithmetic3A_188 = arith.shrsi %convert_element_type3A_185, %shift_right_arithmetic3A_187 : vector<16xi32>
    %max3A_189 = arith.maxsi %shift_right_arithmetic3A_188, %get3A_3 : vector<16xi32>
    %min3A_190 = arith.minsi %max3A_189, %get3A_5 : vector<16xi32>
    %convert_element_type3A_191 = arith.sitofp %min3A_190 : vector<16xi32> to vector<16xf32>
    %swap3A_192 = arith.constant 144 : index
    %swap3A_193 = tpu.vector_load %arg12[%swap3A_192] {strides = array<i32>} : memref<256xf32, #tpu.memory_space<vmem>>, vector<16xf32>,
    tpu.vector_store %arg12[%swap3A_192], %convert_element_type3A_191 {strides = array<i32>} : memref<256xf32, #tpu.memory_space<vmem>>, vector<16xf32>,
    %slice3A_194 = vector.extract_strided_slice %get3A_7 {offsets = [10], sizes = [1], strides = [1]} : vector<16xf32> to vector<1xf32>
    %squeeze3A_195 = vector.extract %slice3A_194[0] : f32 from vector<1xf32>
    %slice3A_196 = vector.extract_strided_slice %get3A_9 {offsets = [10], sizes = [1], strides = [1]} : vector<16xf32> to vector<1xf32>
    %squeeze3A_197 = vector.extract %slice3A_196[0] : f32 from vector<1xf32>
    %mul3A_198 = vector.broadcast %squeeze3A_195 : f32 to vector<16xf32>
    %mul3A_199 = arith.mulf %mul3A_198, %convert_element_type3A : vector<16xf32>
    %mul3A_200 = arith.constant 1.600000e+01 : f32
    %mul3A_201 = arith.mulf %squeeze3A_197, %mul3A_200 : f32
    %add3A_202 = vector.broadcast %mul3A_201 : f32 to vector<16xf32>
    %add3A_203 = arith.addf %mul3A_199, %add3A_202 : vector<16xf32>
    %convert_element_type3A_204 = arith.fptosi %add3A_203 : vector<16xf32> to vector<16xi32>
    %shift_right_arithmetic3A_205 = arith.constant 4 : i32
    %shift_right_arithmetic3A_206 = vector.broadcast %shift_right_arithmetic3A_205 : i32 to vector<16xi32>
    %shift_right_arithmetic3A_207 = arith.shrsi %convert_element_type3A_204, %shift_right_arithmetic3A_206 : vector<16xi32>
    %max3A_208 = arith.maxsi %shift_right_arithmetic3A_207, %get3A_3 : vector<16xi32>
    %min3A_209 = arith.minsi %max3A_208, %get3A_5 : vector<16xi32>
    %convert_element_type3A_210 = arith.sitofp %min3A_209 : vector<16xi32> to vector<16xf32>
    %swap3A_211 = arith.constant 160 : index
    %swap3A_212 = tpu.vector_load %arg12[%swap3A_211] {strides = array<i32>} : memref<256xf32, #tpu.memory_space<vmem>>, vector<16xf32>,
    tpu.vector_store %arg12[%swap3A_211], %convert_element_type3A_210 {strides = array<i32>} : memref<256xf32, #tpu.memory_space<vmem>>, vector<16xf32>,
    %slice3A_213 = vector.extract_strided_slice %get3A_7 {offsets = [11], sizes = [1], strides = [1]} : vector<16xf32> to vector<1xf32>
    %squeeze3A_214 = vector.extract %slice3A_213[0] : f32 from vector<1xf32>
    %slice3A_215 = vector.extract_strided_slice %get3A_9 {offsets = [11], sizes = [1], strides = [1]} : vector<16xf32> to vector<1xf32>
    %squeeze3A_216 = vector.extract %slice3A_215[0] : f32 from vector<1xf32>
    %mul3A_217 = vector.broadcast %squeeze3A_214 : f32 to vector<16xf32>
    %mul3A_218 = arith.mulf %mul3A_217, %convert_element_type3A : vector<16xf32>
    %mul3A_219 = arith.constant 1.600000e+01 : f32
    %mul3A_220 = arith.mulf %squeeze3A_216, %mul3A_219 : f32
    %add3A_221 = vector.broadcast %mul3A_220 : f32 to vector<16xf32>
    %add3A_222 = arith.addf %mul3A_218, %add3A_221 : vector<16xf32>
    %convert_element_type3A_223 = arith.fptosi %add3A_222 : vector<16xf32> to vector<16xi32>
    %shift_right_arithmetic3A_224 = arith.constant 4 : i32
    %shift_right_arithmetic3A_225 = vector.broadcast %shift_right_arithmetic3A_224 : i32 to vector<16xi32>
    %shift_right_arithmetic3A_226 = arith.shrsi %convert_element_type3A_223, %shift_right_arithmetic3A_225 : vector<16xi32>
    %max3A_227 = arith.maxsi %shift_right_arithmetic3A_226, %get3A_3 : vector<16xi32>
    %min3A_228 = arith.minsi %max3A_227, %get3A_5 : vector<16xi32>
    %convert_element_type3A_229 = arith.sitofp %min3A_228 : vector<16xi32> to vector<16xf32>
    %swap3A_230 = arith.constant 176 : index
    %swap3A_231 = tpu.vector_load %arg12[%swap3A_230] {strides = array<i32>} : memref<256xf32, #tpu.memory_space<vmem>>, vector<16xf32>,
    tpu.vector_store %arg12[%swap3A_230], %convert_element_type3A_229 {strides = array<i32>} : memref<256xf32, #tpu.memory_space<vmem>>, vector<16xf32>,
    %slice3A_232 = vector.extract_strided_slice %get3A_7 {offsets = [12], sizes = [1], strides = [1]} : vector<16xf32> to vector<1xf32>
    %squeeze3A_233 = vector.extract %slice3A_232[0] : f32 from vector<1xf32>
    %slice3A_234 = vector.extract_strided_slice %get3A_9 {offsets = [12], sizes = [1], strides = [1]} : vector<16xf32> to vector<1xf32>
    %squeeze3A_235 = vector.extract %slice3A_234[0] : f32 from vector<1xf32>
    %mul3A_236 = vector.broadcast %squeeze3A_233 : f32 to vector<16xf32>
    %mul3A_237 = arith.mulf %mul3A_236, %convert_element_type3A : vector<16xf32>
    %mul3A_238 = arith.constant 1.600000e+01 : f32
    %mul3A_239 = arith.mulf %squeeze3A_235, %mul3A_238 : f32
    %add3A_240 = vector.broadcast %mul3A_239 : f32 to vector<16xf32>
    %add3A_241 = arith.addf %mul3A_237, %add3A_240 : vector<16xf32>
    %convert_element_type3A_242 = arith.fptosi %add3A_241 : vector<16xf32> to vector<16xi32>
    %shift_right_arithmetic3A_243 = arith.constant 4 : i32
    %shift_right_arithmetic3A_244 = vector.broadcast %shift_right_arithmetic3A_243 : i32 to vector<16xi32>
    %shift_right_arithmetic3A_245 = arith.shrsi %convert_element_type3A_242, %shift_right_arithmetic3A_244 : vector<16xi32>
    %max3A_246 = arith.maxsi %shift_right_arithmetic3A_245, %get3A_3 : vector<16xi32>
    %min3A_247 = arith.minsi %max3A_246, %get3A_5 : vector<16xi32>
    %convert_element_type3A_248 = arith.sitofp %min3A_247 : vector<16xi32> to vector<16xf32>
    %swap3A_249 = arith.constant 192 : index
    %swap3A_250 = tpu.vector_load %arg12[%swap3A_249] {strides = array<i32>} : memref<256xf32, #tpu.memory_space<vmem>>, vector<16xf32>,
    tpu.vector_store %arg12[%swap3A_249], %convert_element_type3A_248 {strides = array<i32>} : memref<256xf32, #tpu.memory_space<vmem>>, vector<16xf32>,
    %slice3A_251 = vector.extract_strided_slice %get3A_7 {offsets = [13], sizes = [1], strides = [1]} : vector<16xf32> to vector<1xf32>
    %squeeze3A_252 = vector.extract %slice3A_251[0] : f32 from vector<1xf32>
    %slice3A_253 = vector.extract_strided_slice %get3A_9 {offsets = [13], sizes = [1], strides = [1]} : vector<16xf32> to vector<1xf32>
    %squeeze3A_254 = vector.extract %slice3A_253[0] : f32 from vector<1xf32>
    %mul3A_255 = vector.broadcast %squeeze3A_252 : f32 to vector<16xf32>
    %mul3A_256 = arith.mulf %mul3A_255, %convert_element_type3A : vector<16xf32>
    %mul3A_257 = arith.constant 1.600000e+01 : f32
    %mul3A_258 = arith.mulf %squeeze3A_254, %mul3A_257 : f32
    %add3A_259 = vector.broadcast %mul3A_258 : f32 to vector<16xf32>
    %add3A_260 = arith.addf %mul3A_256, %add3A_259 : vector<16xf32>
    %convert_element_type3A_261 = arith.fptosi %add3A_260 : vector<16xf32> to vector<16xi32>
    %shift_right_arithmetic3A_262 = arith.constant 4 : i32
    %shift_right_arithmetic3A_263 = vector.broadcast %shift_right_arithmetic3A_262 : i32 to vector<16xi32>
    %shift_right_arithmetic3A_264 = arith.shrsi %convert_element_type3A_261, %shift_right_arithmetic3A_263 : vector<16xi32>
    %max3A_265 = arith.maxsi %shift_right_arithmetic3A_264, %get3A_3 : vector<16xi32>
    %min3A_266 = arith.minsi %max3A_265, %get3A_5 : vector<16xi32>
    %convert_element_type3A_267 = arith.sitofp %min3A_266 : vector<16xi32> to vector<16xf32>
    %swap3A_268 = arith.constant 208 : index
    %swap3A_269 = tpu.vector_load %arg12[%swap3A_268] {strides = array<i32>} : memref<256xf32, #tpu.memory_space<vmem>>, vector<16xf32>,
    tpu.vector_store %arg12[%swap3A_268], %convert_element_type3A_267 {strides = array<i32>} : memref<256xf32, #tpu.memory_space<vmem>>, vector<16xf32>,
    %slice3A_270 = vector.extract_strided_slice %get3A_7 {offsets = [14], sizes = [1], strides = [1]} : vector<16xf32> to vector<1xf32>
    %squeeze3A_271 = vector.extract %slice3A_270[0] : f32 from vector<1xf32>
    %slice3A_272 = vector.extract_strided_slice %get3A_9 {offsets = [14], sizes = [1], strides = [1]} : vector<16xf32> to vector<1xf32>
    %squeeze3A_273 = vector.extract %slice3A_272[0] : f32 from vector<1xf32>
    %mul3A_274 = vector.broadcast %squeeze3A_271 : f32 to vector<16xf32>
    %mul3A_275 = arith.mulf %mul3A_274, %convert_element_type3A : vector<16xf32>
    %mul3A_276 = arith.constant 1.600000e+01 : f32
    %mul3A_277 = arith.mulf %squeeze3A_273, %mul3A_276 : f32
    %add3A_278 = vector.broadcast %mul3A_277 : f32 to vector<16xf32>
    %add3A_279 = arith.addf %mul3A_275, %add3A_278 : vector<16xf32>
    %convert_element_type3A_280 = arith.fptosi %add3A_279 : vector<16xf32> to vector<16xi32>
    %shift_right_arithmetic3A_281 = arith.constant 4 : i32
    %shift_right_arithmetic3A_282 = vector.broadcast %shift_right_arithmetic3A_281 : i32 to vector<16xi32>
    %shift_right_arithmetic3A_283 = arith.shrsi %convert_element_type3A_280, %shift_right_arithmetic3A_282 : vector<16xi32>
    %max3A_284 = arith.maxsi %shift_right_arithmetic3A_283, %get3A_3 : vector<16xi32>
    %min3A_285 = arith.minsi %max3A_284, %get3A_5 : vector<16xi32>
    %convert_element_type3A_286 = arith.sitofp %min3A_285 : vector<16xi32> to vector<16xf32>
    %swap3A_287 = arith.constant 224 : index
    %swap3A_288 = tpu.vector_load %arg12[%swap3A_287] {strides = array<i32>} : memref<256xf32, #tpu.memory_space<vmem>>, vector<16xf32>,
    tpu.vector_store %arg12[%swap3A_287], %convert_element_type3A_286 {strides = array<i32>} : memref<256xf32, #tpu.memory_space<vmem>>, vector<16xf32>,
    %slice3A_289 = vector.extract_strided_slice %get3A_7 {offsets = [15], sizes = [1], strides = [1]} : vector<16xf32> to vector<1xf32>
    %squeeze3A_290 = vector.extract %slice3A_289[0] : f32 from vector<1xf32>
    %slice3A_291 = vector.extract_strided_slice %get3A_9 {offsets = [15], sizes = [1], strides = [1]} : vector<16xf32> to vector<1xf32>
    %squeeze3A_292 = vector.extract %slice3A_291[0] : f32 from vector<1xf32>
    %mul3A_293 = vector.broadcast %squeeze3A_290 : f32 to vector<16xf32>
    %mul3A_294 = arith.mulf %mul3A_293, %convert_element_type3A : vector<16xf32>
    %mul3A_295 = arith.constant 1.600000e+01 : f32
    %mul3A_296 = arith.mulf %squeeze3A_292, %mul3A_295 : f32
    %add3A_297 = vector.broadcast %mul3A_296 : f32 to vector<16xf32>
    %add3A_298 = arith.addf %mul3A_294, %add3A_297 : vector<16xf32>
    %convert_element_type3A_299 = arith.fptosi %add3A_298 : vector<16xf32> to vector<16xi32>
    %shift_right_arithmetic3A_300 = arith.constant 4 : i32
    %shift_right_arithmetic3A_301 = vector.broadcast %shift_right_arithmetic3A_300 : i32 to vector<16xi32>
    %shift_right_arithmetic3A_302 = arith.shrsi %convert_element_type3A_299, %shift_right_arithmetic3A_301 : vector<16xi32>
    %max3A_303 = arith.maxsi %shift_right_arithmetic3A_302, %get3A_3 : vector<16xi32>
    %min3A_304 = arith.minsi %max3A_303, %get3A_5 : vector<16xi32>
    %convert_element_type3A_305 = arith.sitofp %min3A_304 : vector<16xi32> to vector<16xf32>
    %swap3A_306 = arith.constant 240 : index
    %swap3A_307 = tpu.vector_load %arg12[%swap3A_306] {strides = array<i32>} : memref<256xf32, #tpu.memory_space<vmem>>, vector<16xf32>,
    tpu.vector_store %arg12[%swap3A_306], %convert_element_type3A_305 {strides = array<i32>} : memref<256xf32, #tpu.memory_space<vmem>>, vector<16xf32>,
    %add3A_308 = arith.constant 0 : i32
    %add3A_309 = arith.addi %mul3A_2, %add3A_308 : i32
    %dma_start3A = arith.constant 0 : i32
    %dma_start3A_310 = arith.constant 0 : i32
    %dma_start3A_311 = arith.constant 0 : i32
    %dma_start3A_312 = tpu.memref_slice %arg13[%dma_start3A, %dma_start3A_310, %dma_start3A_311] : memref<2x16x768xf32, #tpu.memory_space<vmem>> -> memref<1x16x768xf32, #tpu.memory_space<vmem>>
    %dma_start3A_313 = tpu.memref_squeeze %dma_start3A_312 : memref<1x16x768xf32, #tpu.memory_space<vmem>> -> memref<16x768xf32, #tpu.memory_space<vmem>>
    %dma_start3A_314 = arith.constant 0 : i32
    %dma_start3A_315 = tpu.memref_slice %arg2[%add3A_309, %dma_start3A_314] : memref<25088x768xf32, #tpu.memory_space<hbm>> -> memref<16x768xf32, #tpu.memory_space<hbm>>
    %dma_start3A_316 = arith.constant 0 : i32
    %dma_start3A_317 = arith.constant 0 : i32
    %dma_start3A_318 = tpu.memref_slice %arg13[%dma_start3A, %dma_start3A_316, %dma_start3A_317] : memref<2x16x768xf32, #tpu.memory_space<vmem>> -> memref<1x16x768xf32, #tpu.memory_space<vmem>>
    %dma_start3A_319 = tpu.memref_squeeze %dma_start3A_318 : memref<1x16x768xf32, #tpu.memory_space<vmem>> -> memref<16x768xf32, #tpu.memory_space<vmem>>
    %dma_start3A_320 = arith.constant 0 : i32
    %dma_start3A_321 = tpu.memref_slice %arg2[%add3A_309, %dma_start3A_320] : memref<25088x768xf32, #tpu.memory_space<hbm>> -> memref<16x768xf32, #tpu.memory_space<hbm>>
    tpu.enqueue_dma source(%dma_start3A_321 : memref<16x768xf32, #tpu.memory_space<hbm>>) target(%dma_start3A_319 : memref<16x768xf32, #tpu.memory_space<vmem>>) target_semaphore(%arg15 : memref<!tpu.dma_semaphore, #tpu.memory_space<semaphore_mem>>)
    %add3A_322 = arith.constant 16 : i32
    %add3A_323 = arith.addi %mul3A_2, %add3A_322 : i32
    %dma_start3A_324 = arith.constant 1 : i32
    %dma_start3A_325 = arith.constant 0 : i32
    %dma_start3A_326 = arith.constant 0 : i32
    %dma_start3A_327 = tpu.memref_slice %arg13[%dma_start3A_324, %dma_start3A_325, %dma_start3A_326] : memref<2x16x768xf32, #tpu.memory_space<vmem>> -> memref<1x16x768xf32, #tpu.memory_space<vmem>>
    %dma_start3A_328 = tpu.memref_squeeze %dma_start3A_327 : memref<1x16x768xf32, #tpu.memory_space<vmem>> -> memref<16x768xf32, #tpu.memory_space<vmem>>
    %dma_start3A_329 = arith.constant 0 : i32
    %dma_start3A_330 = tpu.memref_slice %arg2[%add3A_323, %dma_start3A_329] : memref<25088x768xf32, #tpu.memory_space<hbm>> -> memref<16x768xf32, #tpu.memory_space<hbm>>
    %dma_start3A_331 = arith.constant 0 : i32
    %dma_start3A_332 = arith.constant 0 : i32
    %dma_start3A_333 = tpu.memref_slice %arg13[%dma_start3A_324, %dma_start3A_331, %dma_start3A_332] : memref<2x16x768xf32, #tpu.memory_space<vmem>> -> memref<1x16x768xf32, #tpu.memory_space<vmem>>
    %dma_start3A_334 = tpu.memref_squeeze %dma_start3A_333 : memref<1x16x768xf32, #tpu.memory_space<vmem>> -> memref<16x768xf32, #tpu.memory_space<vmem>>
    %dma_start3A_335 = arith.constant 0 : i32
    %dma_start3A_336 = tpu.memref_slice %arg2[%add3A_323, %dma_start3A_335] : memref<25088x768xf32, #tpu.memory_space<hbm>> -> memref<16x768xf32, #tpu.memory_space<hbm>>
    tpu.enqueue_dma source(%dma_start3A_336 : memref<16x768xf32, #tpu.memory_space<hbm>>) target(%dma_start3A_334 : memref<16x768xf32, #tpu.memory_space<vmem>>) target_semaphore(%arg16 : memref<!tpu.dma_semaphore, #tpu.memory_space<semaphore_mem>>)
    %scan3A = arith.constant 0 : i32
    %scan3A_337 = arith.constant 0 : i32
    %scan3A_338 = arith.constant 24 : i32
    %scan3A_339 = arith.addi %scan3A_337, %scan3A_338 : i32
    %scan3A_340 = arith.constant 1 : i32
    scf.for %scan3A_418 = %scan3A_337 to %scan3A_339 step %scan3A_340  : i32 {
      %mul3A_419 = arith.constant 2 : i32
      %mul3A_420 = arith.muli %scan3A_418, %mul3A_419 : i32
      %add3A_421 = arith.constant 0 : i32
      %add3A_422 = arith.addi %mul3A_420, %add3A_421 : i32
      %mul3A_423 = arith.constant 16 : i32
      %mul3A_424 = arith.muli %add3A_422, %mul3A_423 : i32
      %add3A_425 = arith.addi %mul3A_2, %mul3A_424 : i32
      %dma_wait3A_426 = arith.constant 0 : i32
      %dma_wait3A_427 = arith.constant 0 : i32
      %dma_wait3A_428 = arith.constant 0 : i32
      %dma_wait3A_429 = tpu.memref_slice %arg13[%dma_wait3A_426, %dma_wait3A_427, %dma_wait3A_428] : memref<2x16x768xf32, #tpu.memory_space<vmem>> -> memref<1x16x768xf32, #tpu.memory_space<vmem>>
      %dma_wait3A_430 = tpu.memref_squeeze %dma_wait3A_429 : memref<1x16x768xf32, #tpu.memory_space<vmem>> -> memref<16x768xf32, #tpu.memory_space<vmem>>
      %dma_wait3A_431 = arith.constant 0 : i32
      %dma_wait3A_432 = tpu.memref_slice %arg2[%add3A_425, %dma_wait3A_431] : memref<25088x768xf32, #tpu.memory_space<hbm>> -> memref<16x768xf32, #tpu.memory_space<hbm>>
      %dma_wait3A_433 = arith.constant 0 : i32
      %dma_wait3A_434 = arith.constant 0 : i32
      %dma_wait3A_435 = tpu.memref_slice %arg13[%dma_wait3A_426, %dma_wait3A_433, %dma_wait3A_434] : memref<2x16x768xf32, #tpu.memory_space<vmem>> -> memref<1x16x768xf32, #tpu.memory_space<vmem>>
      %dma_wait3A_436 = tpu.memref_squeeze %dma_wait3A_435 : memref<1x16x768xf32, #tpu.memory_space<vmem>> -> memref<16x768xf32, #tpu.memory_space<vmem>>
      %dma_wait3A_437 = arith.constant 0 : i32
      %dma_wait3A_438 = tpu.memref_slice %arg2[%add3A_425, %dma_wait3A_437] : memref<25088x768xf32, #tpu.memory_space<hbm>> -> memref<16x768xf32, #tpu.memory_space<hbm>>
      tpu.wait_dma2 semaphore(%arg15 : memref<!tpu.dma_semaphore, #tpu.memory_space<semaphore_mem>>) src(%dma_wait3A_438 : memref<16x768xf32, #tpu.memory_space<hbm>>) dst(%dma_wait3A_436 : memref<16x768xf32, #tpu.memory_space<vmem>>)
      %gt3A = arith.constant 0 : i32
      %gt3A_439 = arith.cmpi sgt, %scan3A_418, %gt3A : i32
      %convert_element_type3A_440 = arith.extui %gt3A_439 : i1 to i32
      %cond3A = arith.constant 0 : i32
      %cond3A_441 = arith.cmpi ne, %convert_element_type3A_440, %cond3A : i32
      scf.if %cond3A_441 {
        %sub3A = arith.constant 2 : i32
        %sub3A_518 = arith.subi %add3A_422, %sub3A : i32
        %mul3A_519 = arith.constant 16 : i32
        %mul3A_520 = arith.muli %sub3A_518, %mul3A_519 : i32
        %add3A_521 = arith.addi %mul3A_2, %mul3A_520 : i32
        %dma_wait3A_522 = arith.constant 0 : i32
        %dma_wait3A_523 = arith.constant 0 : i32
        %dma_wait3A_524 = arith.constant 0 : i32
        %dma_wait3A_525 = tpu.memref_slice %arg14[%dma_wait3A_522, %dma_wait3A_523, %dma_wait3A_524] : memref<2x16x768xf32, #tpu.memory_space<vmem>> -> memref<1x16x768xf32, #tpu.memory_space<vmem>>
        %dma_wait3A_526 = tpu.memref_squeeze %dma_wait3A_525 : memref<1x16x768xf32, #tpu.memory_space<vmem>> -> memref<16x768xf32, #tpu.memory_space<vmem>>
        %dma_wait3A_527 = arith.constant 0 : i32
        %dma_wait3A_528 = tpu.memref_slice %arg7[%add3A_521, %dma_wait3A_527] : memref<25088x768xf32, #tpu.memory_space<hbm>> -> memref<16x768xf32, #tpu.memory_space<hbm>>
        %dma_wait3A_529 = arith.constant 0 : i32
        %dma_wait3A_530 = tpu.memref_slice %arg7[%add3A_521, %dma_wait3A_529] : memref<25088x768xf32, #tpu.memory_space<hbm>> -> memref<16x768xf32, #tpu.memory_space<hbm>>
        %dma_wait3A_531 = arith.constant 0 : i32
        %dma_wait3A_532 = arith.constant 0 : i32
        %dma_wait3A_533 = tpu.memref_slice %arg14[%dma_wait3A_522, %dma_wait3A_531, %dma_wait3A_532] : memref<2x16x768xf32, #tpu.memory_space<vmem>> -> memref<1x16x768xf32, #tpu.memory_space<vmem>>
        %dma_wait3A_534 = tpu.memref_squeeze %dma_wait3A_533 : memref<1x16x768xf32, #tpu.memory_space<vmem>> -> memref<16x768xf32, #tpu.memory_space<vmem>>
        tpu.wait_dma2 semaphore(%arg17 : memref<!tpu.dma_semaphore, #tpu.memory_space<semaphore_mem>>) src(%dma_wait3A_534 : memref<16x768xf32, #tpu.memory_space<vmem>>) dst(%dma_wait3A_530 : memref<16x768xf32, #tpu.memory_space<hbm>>)
      } else {
      }
      %parallel_loop3A_442 = arith.constant 0 : i32
      %parallel_loop3A_443 = arith.constant 16 : i32
      %parallel_loop3A_444 = arith.constant 1 : i32
      scf.for %parallel_loop3A_518 = %parallel_loop3A_442 to %parallel_loop3A_443 step %parallel_loop3A_444  : i32 {
        %parallel_loop3A_519 = arith.constant 0 : i32
        %parallel_loop3A_520 = arith.index_cast %parallel_loop3A_519 : i32 to index
        %parallel_loop3A_521 = arith.index_cast %parallel_loop3A_518 : i32 to index
        %parallel_loop3A_522 = arith.constant 0 : index
        %parallel_loop3A_523 = tpu.vector_load %arg13[%parallel_loop3A_520, %parallel_loop3A_521, %parallel_loop3A_522] {strides = array<i32>} : memref<2x16x768xf32, #tpu.memory_space<vmem>>, vector<16xf32>,
        %parallel_loop3A_524 = arith.fptosi %parallel_loop3A_523 : vector<16xf32> to vector<16xi32>
        %parallel_loop3A_525 = tpu.vector_load_idx %arg12[%parallel_loop3A_524] : memref<256xf32, #tpu.memory_space<vmem>>[vector<16xi32>], vector<16xf32>,
        %parallel_loop3A_526 = arith.constant 0 : i32
        %parallel_loop3A_527 = arith.index_cast %parallel_loop3A_526 : i32 to index
        %parallel_loop3A_528 = arith.index_cast %parallel_loop3A_518 : i32 to index
        %parallel_loop3A_529 = arith.constant 0 : index
        %parallel_loop3A_530 = tpu.vector_load %arg14[%parallel_loop3A_527, %parallel_loop3A_528, %parallel_loop3A_529] {strides = array<i32>} : memref<2x16x768xf32, #tpu.memory_space<vmem>>, vector<16xf32>,
        tpu.vector_store %arg14[%parallel_loop3A_527, %parallel_loop3A_528, %parallel_loop3A_529], %parallel_loop3A_525 {strides = array<i32>} : memref<2x16x768xf32, #tpu.memory_space<vmem>>, vector<16xf32>,
        %parallel_loop3A_531 = arith.constant 0 : i32
        %parallel_loop3A_532 = arith.index_cast %parallel_loop3A_531 : i32 to index
        %parallel_loop3A_533 = arith.index_cast %parallel_loop3A_518 : i32 to index
        %parallel_loop3A_534 = arith.constant 16 : index
        %parallel_loop3A_535 = tpu.vector_load %arg13[%parallel_loop3A_532, %parallel_loop3A_533, %parallel_loop3A_534] {strides = array<i32>} : memref<2x16x768xf32, #tpu.memory_space<vmem>>, vector<16xf32>,
        %parallel_loop3A_536 = arith.fptosi %parallel_loop3A_535 : vector<16xf32> to vector<16xi32>
        %parallel_loop3A_537 = tpu.vector_load_idx %arg12[%parallel_loop3A_536] : memref<256xf32, #tpu.memory_space<vmem>>[vector<16xi32>], vector<16xf32>,
        %parallel_loop3A_538 = arith.constant 0 : i32
        %parallel_loop3A_539 = arith.index_cast %parallel_loop3A_538 : i32 to index
        %parallel_loop3A_540 = arith.index_cast %parallel_loop3A_518 : i32 to index
        %parallel_loop3A_541 = arith.constant 16 : index
        %parallel_loop3A_542 = tpu.vector_load %arg14[%parallel_loop3A_539, %parallel_loop3A_540, %parallel_loop3A_541] {strides = array<i32>} : memref<2x16x768xf32, #tpu.memory_space<vmem>>, vector<16xf32>,
        tpu.vector_store %arg14[%parallel_loop3A_539, %parallel_loop3A_540, %parallel_loop3A_541], %parallel_loop3A_537 {strides = array<i32>} : memref<2x16x768xf32, #tpu.memory_space<vmem>>, vector<16xf32>,
        %parallel_loop3A_543 = arith.constant 0 : i32
        %parallel_loop3A_544 = arith.index_cast %parallel_loop3A_543 : i32 to index
        %parallel_loop3A_545 = arith.index_cast %parallel_loop3A_518 : i32 to index
        %parallel_loop3A_546 = arith.constant 32 : index
        %parallel_loop3A_547 = tpu.vector_load %arg13[%parallel_loop3A_544, %parallel_loop3A_545, %parallel_loop3A_546] {strides = array<i32>} : memref<2x16x768xf32, #tpu.memory_space<vmem>>, vector<16xf32>,
        %parallel_loop3A_548 = arith.fptosi %parallel_loop3A_547 : vector<16xf32> to vector<16xi32>
        %parallel_loop3A_549 = tpu.vector_load_idx %arg12[%parallel_loop3A_548] : memref<256xf32, #tpu.memory_space<vmem>>[vector<16xi32>], vector<16xf32>,
        %parallel_loop3A_550 = arith.constant 0 : i32
        %parallel_loop3A_551 = arith.index_cast %parallel_loop3A_550 : i32 to index
        %parallel_loop3A_552 = arith.index_cast %parallel_loop3A_518 : i32 to index
        %parallel_loop3A_553 = arith.constant 32 : index
        %parallel_loop3A_554 = tpu.vector_load %arg14[%parallel_loop3A_551, %parallel_loop3A_552, %parallel_loop3A_553] {strides = array<i32>} : memref<2x16x768xf32, #tpu.memory_space<vmem>>, vector<16xf32>,
        tpu.vector_store %arg14[%parallel_loop3A_551, %parallel_loop3A_552, %parallel_loop3A_553], %parallel_loop3A_549 {strides = array<i32>} : memref<2x16x768xf32, #tpu.memory_space<vmem>>, vector<16xf32>,
        %parallel_loop3A_555 = arith.constant 0 : i32
        %parallel_loop3A_556 = arith.index_cast %parallel_loop3A_555 : i32 to index
        %parallel_loop3A_557 = arith.index_cast %parallel_loop3A_518 : i32 to index
        %parallel_loop3A_558 = arith.constant 48 : index
        %parallel_loop3A_559 = tpu.vector_load %arg13[%parallel_loop3A_556, %parallel_loop3A_557, %parallel_loop3A_558] {strides = array<i32>} : memref<2x16x768xf32, #tpu.memory_space<vmem>>, vector<16xf32>,
        %parallel_loop3A_560 = arith.fptosi %parallel_loop3A_559 : vector<16xf32> to vector<16xi32>
        %parallel_loop3A_561 = tpu.vector_load_idx %arg12[%parallel_loop3A_560] : memref<256xf32, #tpu.memory_space<vmem>>[vector<16xi32>], vector<16xf32>,
        %parallel_loop3A_562 = arith.constant 0 : i32
        %parallel_loop3A_563 = arith.index_cast %parallel_loop3A_562 : i32 to index
        %parallel_loop3A_564 = arith.index_cast %parallel_loop3A_518 : i32 to index
        %parallel_loop3A_565 = arith.constant 48 : index
        %parallel_loop3A_566 = tpu.vector_load %arg14[%parallel_loop3A_563, %parallel_loop3A_564, %parallel_loop3A_565] {strides = array<i32>} : memref<2x16x768xf32, #tpu.memory_space<vmem>>, vector<16xf32>,
        tpu.vector_store %arg14[%parallel_loop3A_563, %parallel_loop3A_564, %parallel_loop3A_565], %parallel_loop3A_561 {strides = array<i32>} : memref<2x16x768xf32, #tpu.memory_space<vmem>>, vector<16xf32>,
        %parallel_loop3A_567 = arith.constant 0 : i32
        %parallel_loop3A_568 = arith.index_cast %parallel_loop3A_567 : i32 to index
        %parallel_loop3A_569 = arith.index_cast %parallel_loop3A_518 : i32 to index
        %parallel_loop3A_570 = arith.constant 64 : index
        %parallel_loop3A_571 = tpu.vector_load %arg13[%parallel_loop3A_568, %parallel_loop3A_569, %parallel_loop3A_570] {strides = array<i32>} : memref<2x16x768xf32, #tpu.memory_space<vmem>>, vector<16xf32>,
        %parallel_loop3A_572 = arith.fptosi %parallel_loop3A_571 : vector<16xf32> to vector<16xi32>
        %parallel_loop3A_573 = tpu.vector_load_idx %arg12[%parallel_loop3A_572] : memref<256xf32, #tpu.memory_space<vmem>>[vector<16xi32>], vector<16xf32>,
        %parallel_loop3A_574 = arith.constant 0 : i32
        %parallel_loop3A_575 = arith.index_cast %parallel_loop3A_574 : i32 to index
        %parallel_loop3A_576 = arith.index_cast %parallel_loop3A_518 : i32 to index
        %parallel_loop3A_577 = arith.constant 64 : index
        %parallel_loop3A_578 = tpu.vector_load %arg14[%parallel_loop3A_575, %parallel_loop3A_576, %parallel_loop3A_577] {strides = array<i32>} : memref<2x16x768xf32, #tpu.memory_space<vmem>>, vector<16xf32>,
        tpu.vector_store %arg14[%parallel_loop3A_575, %parallel_loop3A_576, %parallel_loop3A_577], %parallel_loop3A_573 {strides = array<i32>} : memref<2x16x768xf32, #tpu.memory_space<vmem>>, vector<16xf32>,
        %parallel_loop3A_579 = arith.constant 0 : i32
        %parallel_loop3A_580 = arith.index_cast %parallel_loop3A_579 : i32 to index
        %parallel_loop3A_581 = arith.index_cast %parallel_loop3A_518 : i32 to index
        %parallel_loop3A_582 = arith.constant 80 : index
        %parallel_loop3A_583 = tpu.vector_load %arg13[%parallel_loop3A_580, %parallel_loop3A_581, %parallel_loop3A_582] {strides = array<i32>} : memref<2x16x768xf32, #tpu.memory_space<vmem>>, vector<16xf32>,
        %parallel_loop3A_584 = arith.fptosi %parallel_loop3A_583 : vector<16xf32> to vector<16xi32>
        %parallel_loop3A_585 = tpu.vector_load_idx %arg12[%parallel_loop3A_584] : memref<256xf32, #tpu.memory_space<vmem>>[vector<16xi32>], vector<16xf32>,
        %parallel_loop3A_586 = arith.constant 0 : i32
        %parallel_loop3A_587 = arith.index_cast %parallel_loop3A_586 : i32 to index
        %parallel_loop3A_588 = arith.index_cast %parallel_loop3A_518 : i32 to index
        %parallel_loop3A_589 = arith.constant 80 : index
        %parallel_loop3A_590 = tpu.vector_load %arg14[%parallel_loop3A_587, %parallel_loop3A_588, %parallel_loop3A_589] {strides = array<i32>} : memref<2x16x768xf32, #tpu.memory_space<vmem>>, vector<16xf32>,
        tpu.vector_store %arg14[%parallel_loop3A_587, %parallel_loop3A_588, %parallel_loop3A_589], %parallel_loop3A_585 {strides = array<i32>} : memref<2x16x768xf32, #tpu.memory_space<vmem>>, vector<16xf32>,
        %parallel_loop3A_591 = arith.constant 0 : i32
        %parallel_loop3A_592 = arith.index_cast %parallel_loop3A_591 : i32 to index
        %parallel_loop3A_593 = arith.index_cast %parallel_loop3A_518 : i32 to index
        %parallel_loop3A_594 = arith.constant 96 : index
        %parallel_loop3A_595 = tpu.vector_load %arg13[%parallel_loop3A_592, %parallel_loop3A_593, %parallel_loop3A_594] {strides = array<i32>} : memref<2x16x768xf32, #tpu.memory_space<vmem>>, vector<16xf32>,
        %parallel_loop3A_596 = arith.fptosi %parallel_loop3A_595 : vector<16xf32> to vector<16xi32>
        %parallel_loop3A_597 = tpu.vector_load_idx %arg12[%parallel_loop3A_596] : memref<256xf32, #tpu.memory_space<vmem>>[vector<16xi32>], vector<16xf32>,
        %parallel_loop3A_598 = arith.constant 0 : i32
        %parallel_loop3A_599 = arith.index_cast %parallel_loop3A_598 : i32 to index
        %parallel_loop3A_600 = arith.index_cast %parallel_loop3A_518 : i32 to index
        %parallel_loop3A_601 = arith.constant 96 : index
        %parallel_loop3A_602 = tpu.vector_load %arg14[%parallel_loop3A_599, %parallel_loop3A_600, %parallel_loop3A_601] {strides = array<i32>} : memref<2x16x768xf32, #tpu.memory_space<vmem>>, vector<16xf32>,
        tpu.vector_store %arg14[%parallel_loop3A_599, %parallel_loop3A_600, %parallel_loop3A_601], %parallel_loop3A_597 {strides = array<i32>} : memref<2x16x768xf32, #tpu.memory_space<vmem>>, vector<16xf32>,
        %parallel_loop3A_603 = arith.constant 0 : i32
        %parallel_loop3A_604 = arith.index_cast %parallel_loop3A_603 : i32 to index
        %parallel_loop3A_605 = arith.index_cast %parallel_loop3A_518 : i32 to index
        %parallel_loop3A_606 = arith.constant 112 : index
        %parallel_loop3A_607 = tpu.vector_load %arg13[%parallel_loop3A_604, %parallel_loop3A_605, %parallel_loop3A_606] {strides = array<i32>} : memref<2x16x768xf32, #tpu.memory_space<vmem>>, vector<16xf32>,
        %parallel_loop3A_608 = arith.fptosi %parallel_loop3A_607 : vector<16xf32> to vector<16xi32>
        %parallel_loop3A_609 = tpu.vector_load_idx %arg12[%parallel_loop3A_608] : memref<256xf32, #tpu.memory_space<vmem>>[vector<16xi32>], vector<16xf32>,
        %parallel_loop3A_610 = arith.constant 0 : i32
        %parallel_loop3A_611 = arith.index_cast %parallel_loop3A_610 : i32 to index
        %parallel_loop3A_612 = arith.index_cast %parallel_loop3A_518 : i32 to index
        %parallel_loop3A_613 = arith.constant 112 : index
        %parallel_loop3A_614 = tpu.vector_load %arg14[%parallel_loop3A_611, %parallel_loop3A_612, %parallel_loop3A_613] {strides = array<i32>} : memref<2x16x768xf32, #tpu.memory_space<vmem>>, vector<16xf32>,
        tpu.vector_store %arg14[%parallel_loop3A_611, %parallel_loop3A_612, %parallel_loop3A_613], %parallel_loop3A_609 {strides = array<i32>} : memref<2x16x768xf32, #tpu.memory_space<vmem>>, vector<16xf32>,
        %parallel_loop3A_615 = arith.constant 0 : i32
        %parallel_loop3A_616 = arith.index_cast %parallel_loop3A_615 : i32 to index
        %parallel_loop3A_617 = arith.index_cast %parallel_loop3A_518 : i32 to index
        %parallel_loop3A_618 = arith.constant 128 : index
        %parallel_loop3A_619 = tpu.vector_load %arg13[%parallel_loop3A_616, %parallel_loop3A_617, %parallel_loop3A_618] {strides = array<i32>} : memref<2x16x768xf32, #tpu.memory_space<vmem>>, vector<16xf32>,
        %parallel_loop3A_620 = arith.fptosi %parallel_loop3A_619 : vector<16xf32> to vector<16xi32>
        %parallel_loop3A_621 = tpu.vector_load_idx %arg12[%parallel_loop3A_620] : memref<256xf32, #tpu.memory_space<vmem>>[vector<16xi32>], vector<16xf32>,
        %parallel_loop3A_622 = arith.constant 0 : i32
        %parallel_loop3A_623 = arith.index_cast %parallel_loop3A_622 : i32 to index
        %parallel_loop3A_624 = arith.index_cast %parallel_loop3A_518 : i32 to index
        %parallel_loop3A_625 = arith.constant 128 : index
        %parallel_loop3A_626 = tpu.vector_load %arg14[%parallel_loop3A_623, %parallel_loop3A_624, %parallel_loop3A_625] {strides = array<i32>} : memref<2x16x768xf32, #tpu.memory_space<vmem>>, vector<16xf32>,
        tpu.vector_store %arg14[%parallel_loop3A_623, %parallel_loop3A_624, %parallel_loop3A_625], %parallel_loop3A_621 {strides = array<i32>} : memref<2x16x768xf32, #tpu.memory_space<vmem>>, vector<16xf32>,
        %parallel_loop3A_627 = arith.constant 0 : i32
        %parallel_loop3A_628 = arith.index_cast %parallel_loop3A_627 : i32 to index
        %parallel_loop3A_629 = arith.index_cast %parallel_loop3A_518 : i32 to index
        %parallel_loop3A_630 = arith.constant 144 : index
        %parallel_loop3A_631 = tpu.vector_load %arg13[%parallel_loop3A_628, %parallel_loop3A_629, %parallel_loop3A_630] {strides = array<i32>} : memref<2x16x768xf32, #tpu.memory_space<vmem>>, vector<16xf32>,
        %parallel_loop3A_632 = arith.fptosi %parallel_loop3A_631 : vector<16xf32> to vector<16xi32>
        %parallel_loop3A_633 = tpu.vector_load_idx %arg12[%parallel_loop3A_632] : memref<256xf32, #tpu.memory_space<vmem>>[vector<16xi32>], vector<16xf32>,
        %parallel_loop3A_634 = arith.constant 0 : i32
        %parallel_loop3A_635 = arith.index_cast %parallel_loop3A_634 : i32 to index
        %parallel_loop3A_636 = arith.index_cast %parallel_loop3A_518 : i32 to index
        %parallel_loop3A_637 = arith.constant 144 : index
        %parallel_loop3A_638 = tpu.vector_load %arg14[%parallel_loop3A_635, %parallel_loop3A_636, %parallel_loop3A_637] {strides = array<i32>} : memref<2x16x768xf32, #tpu.memory_space<vmem>>, vector<16xf32>,
        tpu.vector_store %arg14[%parallel_loop3A_635, %parallel_loop3A_636, %parallel_loop3A_637], %parallel_loop3A_633 {strides = array<i32>} : memref<2x16x768xf32, #tpu.memory_space<vmem>>, vector<16xf32>,
        %parallel_loop3A_639 = arith.constant 0 : i32
        %parallel_loop3A_640 = arith.index_cast %parallel_loop3A_639 : i32 to index
        %parallel_loop3A_641 = arith.index_cast %parallel_loop3A_518 : i32 to index
        %parallel_loop3A_642 = arith.constant 160 : index
        %parallel_loop3A_643 = tpu.vector_load %arg13[%parallel_loop3A_640, %parallel_loop3A_641, %parallel_loop3A_642] {strides = array<i32>} : memref<2x16x768xf32, #tpu.memory_space<vmem>>, vector<16xf32>,
        %parallel_loop3A_644 = arith.fptosi %parallel_loop3A_643 : vector<16xf32> to vector<16xi32>
        %parallel_loop3A_645 = tpu.vector_load_idx %arg12[%parallel_loop3A_644] : memref<256xf32, #tpu.memory_space<vmem>>[vector<16xi32>], vector<16xf32>,
        %parallel_loop3A_646 = arith.constant 0 : i32
        %parallel_loop3A_647 = arith.index_cast %parallel_loop3A_646 : i32 to index
        %parallel_loop3A_648 = arith.index_cast %parallel_loop3A_518 : i32 to index
        %parallel_loop3A_649 = arith.constant 160 : index
        %parallel_loop3A_650 = tpu.vector_load %arg14[%parallel_loop3A_647, %parallel_loop3A_648, %parallel_loop3A_649] {strides = array<i32>} : memref<2x16x768xf32, #tpu.memory_space<vmem>>, vector<16xf32>,
        tpu.vector_store %arg14[%parallel_loop3A_647, %parallel_loop3A_648, %parallel_loop3A_649], %parallel_loop3A_645 {strides = array<i32>} : memref<2x16x768xf32, #tpu.memory_space<vmem>>, vector<16xf32>,
        %parallel_loop3A_651 = arith.constant 0 : i32
        %parallel_loop3A_652 = arith.index_cast %parallel_loop3A_651 : i32 to index
        %parallel_loop3A_653 = arith.index_cast %parallel_loop3A_518 : i32 to index
        %parallel_loop3A_654 = arith.constant 176 : index
        %parallel_loop3A_655 = tpu.vector_load %arg13[%parallel_loop3A_652, %parallel_loop3A_653, %parallel_loop3A_654] {strides = array<i32>} : memref<2x16x768xf32, #tpu.memory_space<vmem>>, vector<16xf32>,
        %parallel_loop3A_656 = arith.fptosi %parallel_loop3A_655 : vector<16xf32> to vector<16xi32>
        %parallel_loop3A_657 = tpu.vector_load_idx %arg12[%parallel_loop3A_656] : memref<256xf32, #tpu.memory_space<vmem>>[vector<16xi32>], vector<16xf32>,
        %parallel_loop3A_658 = arith.constant 0 : i32
        %parallel_loop3A_659 = arith.index_cast %parallel_loop3A_658 : i32 to index
        %parallel_loop3A_660 = arith.index_cast %parallel_loop3A_518 : i32 to index
        %parallel_loop3A_661 = arith.constant 176 : index
        %parallel_loop3A_662 = tpu.vector_load %arg14[%parallel_loop3A_659, %parallel_loop3A_660, %parallel_loop3A_661] {strides = array<i32>} : memref<2x16x768xf32, #tpu.memory_space<vmem>>, vector<16xf32>,
        tpu.vector_store %arg14[%parallel_loop3A_659, %parallel_loop3A_660, %parallel_loop3A_661], %parallel_loop3A_657 {strides = array<i32>} : memref<2x16x768xf32, #tpu.memory_space<vmem>>, vector<16xf32>,
        %parallel_loop3A_663 = arith.constant 0 : i32
        %parallel_loop3A_664 = arith.index_cast %parallel_loop3A_663 : i32 to index
        %parallel_loop3A_665 = arith.index_cast %parallel_loop3A_518 : i32 to index
        %parallel_loop3A_666 = arith.constant 192 : index
        %parallel_loop3A_667 = tpu.vector_load %arg13[%parallel_loop3A_664, %parallel_loop3A_665, %parallel_loop3A_666] {strides = array<i32>} : memref<2x16x768xf32, #tpu.memory_space<vmem>>, vector<16xf32>,
        %parallel_loop3A_668 = arith.fptosi %parallel_loop3A_667 : vector<16xf32> to vector<16xi32>
        %parallel_loop3A_669 = tpu.vector_load_idx %arg12[%parallel_loop3A_668] : memref<256xf32, #tpu.memory_space<vmem>>[vector<16xi32>], vector<16xf32>,
        %parallel_loop3A_670 = arith.constant 0 : i32
        %parallel_loop3A_671 = arith.index_cast %parallel_loop3A_670 : i32 to index
        %parallel_loop3A_672 = arith.index_cast %parallel_loop3A_518 : i32 to index
        %parallel_loop3A_673 = arith.constant 192 : index
        %parallel_loop3A_674 = tpu.vector_load %arg14[%parallel_loop3A_671, %parallel_loop3A_672, %parallel_loop3A_673] {strides = array<i32>} : memref<2x16x768xf32, #tpu.memory_space<vmem>>, vector<16xf32>,
        tpu.vector_store %arg14[%parallel_loop3A_671, %parallel_loop3A_672, %parallel_loop3A_673], %parallel_loop3A_669 {strides = array<i32>} : memref<2x16x768xf32, #tpu.memory_space<vmem>>, vector<16xf32>,
        %parallel_loop3A_675 = arith.constant 0 : i32
        %parallel_loop3A_676 = arith.index_cast %parallel_loop3A_675 : i32 to index
        %parallel_loop3A_677 = arith.index_cast %parallel_loop3A_518 : i32 to index
        %parallel_loop3A_678 = arith.constant 208 : index
        %parallel_loop3A_679 = tpu.vector_load %arg13[%parallel_loop3A_676, %parallel_loop3A_677, %parallel_loop3A_678] {strides = array<i32>} : memref<2x16x768xf32, #tpu.memory_space<vmem>>, vector<16xf32>,
        %parallel_loop3A_680 = arith.fptosi %parallel_loop3A_679 : vector<16xf32> to vector<16xi32>
        %parallel_loop3A_681 = tpu.vector_load_idx %arg12[%parallel_loop3A_680] : memref<256xf32, #tpu.memory_space<vmem>>[vector<16xi32>], vector<16xf32>,
        %parallel_loop3A_682 = arith.constant 0 : i32
        %parallel_loop3A_683 = arith.index_cast %parallel_loop3A_682 : i32 to index
        %parallel_loop3A_684 = arith.index_cast %parallel_loop3A_518 : i32 to index
        %parallel_loop3A_685 = arith.constant 208 : index
        %parallel_loop3A_686 = tpu.vector_load %arg14[%parallel_loop3A_683, %parallel_loop3A_684, %parallel_loop3A_685] {strides = array<i32>} : memref<2x16x768xf32, #tpu.memory_space<vmem>>, vector<16xf32>,
        tpu.vector_store %arg14[%parallel_loop3A_683, %parallel_loop3A_684, %parallel_loop3A_685], %parallel_loop3A_681 {strides = array<i32>} : memref<2x16x768xf32, #tpu.memory_space<vmem>>, vector<16xf32>,
        %parallel_loop3A_687 = arith.constant 0 : i32
        %parallel_loop3A_688 = arith.index_cast %parallel_loop3A_687 : i32 to index
        %parallel_loop3A_689 = arith.index_cast %parallel_loop3A_518 : i32 to index
        %parallel_loop3A_690 = arith.constant 224 : index
        %parallel_loop3A_691 = tpu.vector_load %arg13[%parallel_loop3A_688, %parallel_loop3A_689, %parallel_loop3A_690] {strides = array<i32>} : memref<2x16x768xf32, #tpu.memory_space<vmem>>, vector<16xf32>,
        %parallel_loop3A_692 = arith.fptosi %parallel_loop3A_691 : vector<16xf32> to vector<16xi32>
        %parallel_loop3A_693 = tpu.vector_load_idx %arg12[%parallel_loop3A_692] : memref<256xf32, #tpu.memory_space<vmem>>[vector<16xi32>], vector<16xf32>,
        %parallel_loop3A_694 = arith.constant 0 : i32
        %parallel_loop3A_695 = arith.index_cast %parallel_loop3A_694 : i32 to index
        %parallel_loop3A_696 = arith.index_cast %parallel_loop3A_518 : i32 to index
        %parallel_loop3A_697 = arith.constant 224 : index
        %parallel_loop3A_698 = tpu.vector_load %arg14[%parallel_loop3A_695, %parallel_loop3A_696, %parallel_loop3A_697] {strides = array<i32>} : memref<2x16x768xf32, #tpu.memory_space<vmem>>, vector<16xf32>,
        tpu.vector_store %arg14[%parallel_loop3A_695, %parallel_loop3A_696, %parallel_loop3A_697], %parallel_loop3A_693 {strides = array<i32>} : memref<2x16x768xf32, #tpu.memory_space<vmem>>, vector<16xf32>,
        %parallel_loop3A_699 = arith.constant 0 : i32
        %parallel_loop3A_700 = arith.index_cast %parallel_loop3A_699 : i32 to index
        %parallel_loop3A_701 = arith.index_cast %parallel_loop3A_518 : i32 to index
        %parallel_loop3A_702 = arith.constant 240 : index
        %parallel_loop3A_703 = tpu.vector_load %arg13[%parallel_loop3A_700, %parallel_loop3A_701, %parallel_loop3A_702] {strides = array<i32>} : memref<2x16x768xf32, #tpu.memory_space<vmem>>, vector<16xf32>,
        %parallel_loop3A_704 = arith.fptosi %parallel_loop3A_703 : vector<16xf32> to vector<16xi32>
        %parallel_loop3A_705 = tpu.vector_load_idx %arg12[%parallel_loop3A_704] : memref<256xf32, #tpu.memory_space<vmem>>[vector<16xi32>], vector<16xf32>,
        %parallel_loop3A_706 = arith.constant 0 : i32
        %parallel_loop3A_707 = arith.index_cast %parallel_loop3A_706 : i32 to index
        %parallel_loop3A_708 = arith.index_cast %parallel_loop3A_518 : i32 to index
        %parallel_loop3A_709 = arith.constant 240 : index
        %parallel_loop3A_710 = tpu.vector_load %arg14[%parallel_loop3A_707, %parallel_loop3A_708, %parallel_loop3A_709] {strides = array<i32>} : memref<2x16x768xf32, #tpu.memory_space<vmem>>, vector<16xf32>,
        tpu.vector_store %arg14[%parallel_loop3A_707, %parallel_loop3A_708, %parallel_loop3A_709], %parallel_loop3A_705 {strides = array<i32>} : memref<2x16x768xf32, #tpu.memory_space<vmem>>, vector<16xf32>,
        %parallel_loop3A_711 = arith.constant 0 : i32
        %parallel_loop3A_712 = arith.index_cast %parallel_loop3A_711 : i32 to index
        %parallel_loop3A_713 = arith.index_cast %parallel_loop3A_518 : i32 to index
        %parallel_loop3A_714 = arith.constant 256 : index
        %parallel_loop3A_715 = tpu.vector_load %arg13[%parallel_loop3A_712, %parallel_loop3A_713, %parallel_loop3A_714] {strides = array<i32>} : memref<2x16x768xf32, #tpu.memory_space<vmem>>, vector<16xf32>,
        %parallel_loop3A_716 = arith.fptosi %parallel_loop3A_715 : vector<16xf32> to vector<16xi32>
        %parallel_loop3A_717 = tpu.vector_load_idx %arg12[%parallel_loop3A_716] : memref<256xf32, #tpu.memory_space<vmem>>[vector<16xi32>], vector<16xf32>,
        %parallel_loop3A_718 = arith.constant 0 : i32
        %parallel_loop3A_719 = arith.index_cast %parallel_loop3A_718 : i32 to index
        %parallel_loop3A_720 = arith.index_cast %parallel_loop3A_518 : i32 to index
        %parallel_loop3A_721 = arith.constant 256 : index
        %parallel_loop3A_722 = tpu.vector_load %arg14[%parallel_loop3A_719, %parallel_loop3A_720, %parallel_loop3A_721] {strides = array<i32>} : memref<2x16x768xf32, #tpu.memory_space<vmem>>, vector<16xf32>,
        tpu.vector_store %arg14[%parallel_loop3A_719, %parallel_loop3A_720, %parallel_loop3A_721], %parallel_loop3A_717 {strides = array<i32>} : memref<2x16x768xf32, #tpu.memory_space<vmem>>, vector<16xf32>,
        %parallel_loop3A_723 = arith.constant 0 : i32
        %parallel_loop3A_724 = arith.index_cast %parallel_loop3A_723 : i32 to index
        %parallel_loop3A_725 = arith.index_cast %parallel_loop3A_518 : i32 to index
        %parallel_loop3A_726 = arith.constant 272 : index
        %parallel_loop3A_727 = tpu.vector_load %arg13[%parallel_loop3A_724, %parallel_loop3A_725, %parallel_loop3A_726] {strides = array<i32>} : memref<2x16x768xf32, #tpu.memory_space<vmem>>, vector<16xf32>,
        %parallel_loop3A_728 = arith.fptosi %parallel_loop3A_727 : vector<16xf32> to vector<16xi32>
        %parallel_loop3A_729 = tpu.vector_load_idx %arg12[%parallel_loop3A_728] : memref<256xf32, #tpu.memory_space<vmem>>[vector<16xi32>], vector<16xf32>,
        %parallel_loop3A_730 = arith.constant 0 : i32
        %parallel_loop3A_731 = arith.index_cast %parallel_loop3A_730 : i32 to index
        %parallel_loop3A_732 = arith.index_cast %parallel_loop3A_518 : i32 to index
        %parallel_loop3A_733 = arith.constant 272 : index
        %parallel_loop3A_734 = tpu.vector_load %arg14[%parallel_loop3A_731, %parallel_loop3A_732, %parallel_loop3A_733] {strides = array<i32>} : memref<2x16x768xf32, #tpu.memory_space<vmem>>, vector<16xf32>,
        tpu.vector_store %arg14[%parallel_loop3A_731, %parallel_loop3A_732, %parallel_loop3A_733], %parallel_loop3A_729 {strides = array<i32>} : memref<2x16x768xf32, #tpu.memory_space<vmem>>, vector<16xf32>,
        %parallel_loop3A_735 = arith.constant 0 : i32
        %parallel_loop3A_736 = arith.index_cast %parallel_loop3A_735 : i32 to index
        %parallel_loop3A_737 = arith.index_cast %parallel_loop3A_518 : i32 to index
        %parallel_loop3A_738 = arith.constant 288 : index
        %parallel_loop3A_739 = tpu.vector_load %arg13[%parallel_loop3A_736, %parallel_loop3A_737, %parallel_loop3A_738] {strides = array<i32>} : memref<2x16x768xf32, #tpu.memory_space<vmem>>, vector<16xf32>,
        %parallel_loop3A_740 = arith.fptosi %parallel_loop3A_739 : vector<16xf32> to vector<16xi32>
        %parallel_loop3A_741 = tpu.vector_load_idx %arg12[%parallel_loop3A_740] : memref<256xf32, #tpu.memory_space<vmem>>[vector<16xi32>], vector<16xf32>,
        %parallel_loop3A_742 = arith.constant 0 : i32
        %parallel_loop3A_743 = arith.index_cast %parallel_loop3A_742 : i32 to index
        %parallel_loop3A_744 = arith.index_cast %parallel_loop3A_518 : i32 to index
        %parallel_loop3A_745 = arith.constant 288 : index
        %parallel_loop3A_746 = tpu.vector_load %arg14[%parallel_loop3A_743, %parallel_loop3A_744, %parallel_loop3A_745] {strides = array<i32>} : memref<2x16x768xf32, #tpu.memory_space<vmem>>, vector<16xf32>,
        tpu.vector_store %arg14[%parallel_loop3A_743, %parallel_loop3A_744, %parallel_loop3A_745], %parallel_loop3A_741 {strides = array<i32>} : memref<2x16x768xf32, #tpu.memory_space<vmem>>, vector<16xf32>,
        %parallel_loop3A_747 = arith.constant 0 : i32
        %parallel_loop3A_748 = arith.index_cast %parallel_loop3A_747 : i32 to index
        %parallel_loop3A_749 = arith.index_cast %parallel_loop3A_518 : i32 to index
        %parallel_loop3A_750 = arith.constant 304 : index
        %parallel_loop3A_751 = tpu.vector_load %arg13[%parallel_loop3A_748, %parallel_loop3A_749, %parallel_loop3A_750] {strides = array<i32>} : memref<2x16x768xf32, #tpu.memory_space<vmem>>, vector<16xf32>,
        %parallel_loop3A_752 = arith.fptosi %parallel_loop3A_751 : vector<16xf32> to vector<16xi32>
        %parallel_loop3A_753 = tpu.vector_load_idx %arg12[%parallel_loop3A_752] : memref<256xf32, #tpu.memory_space<vmem>>[vector<16xi32>], vector<16xf32>,
        %parallel_loop3A_754 = arith.constant 0 : i32
        %parallel_loop3A_755 = arith.index_cast %parallel_loop3A_754 : i32 to index
        %parallel_loop3A_756 = arith.index_cast %parallel_loop3A_518 : i32 to index
        %parallel_loop3A_757 = arith.constant 304 : index
        %parallel_loop3A_758 = tpu.vector_load %arg14[%parallel_loop3A_755, %parallel_loop3A_756, %parallel_loop3A_757] {strides = array<i32>} : memref<2x16x768xf32, #tpu.memory_space<vmem>>, vector<16xf32>,
        tpu.vector_store %arg14[%parallel_loop3A_755, %parallel_loop3A_756, %parallel_loop3A_757], %parallel_loop3A_753 {strides = array<i32>} : memref<2x16x768xf32, #tpu.memory_space<vmem>>, vector<16xf32>,
        %parallel_loop3A_759 = arith.constant 0 : i32
        %parallel_loop3A_760 = arith.index_cast %parallel_loop3A_759 : i32 to index
        %parallel_loop3A_761 = arith.index_cast %parallel_loop3A_518 : i32 to index
        %parallel_loop3A_762 = arith.constant 320 : index
        %parallel_loop3A_763 = tpu.vector_load %arg13[%parallel_loop3A_760, %parallel_loop3A_761, %parallel_loop3A_762] {strides = array<i32>} : memref<2x16x768xf32, #tpu.memory_space<vmem>>, vector<16xf32>,
        %parallel_loop3A_764 = arith.fptosi %parallel_loop3A_763 : vector<16xf32> to vector<16xi32>
        %parallel_loop3A_765 = tpu.vector_load_idx %arg12[%parallel_loop3A_764] : memref<256xf32, #tpu.memory_space<vmem>>[vector<16xi32>], vector<16xf32>,
        %parallel_loop3A_766 = arith.constant 0 : i32
        %parallel_loop3A_767 = arith.index_cast %parallel_loop3A_766 : i32 to index
        %parallel_loop3A_768 = arith.index_cast %parallel_loop3A_518 : i32 to index
        %parallel_loop3A_769 = arith.constant 320 : index
        %parallel_loop3A_770 = tpu.vector_load %arg14[%parallel_loop3A_767, %parallel_loop3A_768, %parallel_loop3A_769] {strides = array<i32>} : memref<2x16x768xf32, #tpu.memory_space<vmem>>, vector<16xf32>,
        tpu.vector_store %arg14[%parallel_loop3A_767, %parallel_loop3A_768, %parallel_loop3A_769], %parallel_loop3A_765 {strides = array<i32>} : memref<2x16x768xf32, #tpu.memory_space<vmem>>, vector<16xf32>,
        %parallel_loop3A_771 = arith.constant 0 : i32
        %parallel_loop3A_772 = arith.index_cast %parallel_loop3A_771 : i32 to index
        %parallel_loop3A_773 = arith.index_cast %parallel_loop3A_518 : i32 to index
        %parallel_loop3A_774 = arith.constant 336 : index
        %parallel_loop3A_775 = tpu.vector_load %arg13[%parallel_loop3A_772, %parallel_loop3A_773, %parallel_loop3A_774] {strides = array<i32>} : memref<2x16x768xf32, #tpu.memory_space<vmem>>, vector<16xf32>,
        %parallel_loop3A_776 = arith.fptosi %parallel_loop3A_775 : vector<16xf32> to vector<16xi32>
        %parallel_loop3A_777 = tpu.vector_load_idx %arg12[%parallel_loop3A_776] : memref<256xf32, #tpu.memory_space<vmem>>[vector<16xi32>], vector<16xf32>,
        %parallel_loop3A_778 = arith.constant 0 : i32
        %parallel_loop3A_779 = arith.index_cast %parallel_loop3A_778 : i32 to index
        %parallel_loop3A_780 = arith.index_cast %parallel_loop3A_518 : i32 to index
        %parallel_loop3A_781 = arith.constant 336 : index
        %parallel_loop3A_782 = tpu.vector_load %arg14[%parallel_loop3A_779, %parallel_loop3A_780, %parallel_loop3A_781] {strides = array<i32>} : memref<2x16x768xf32, #tpu.memory_space<vmem>>, vector<16xf32>,
        tpu.vector_store %arg14[%parallel_loop3A_779, %parallel_loop3A_780, %parallel_loop3A_781], %parallel_loop3A_777 {strides = array<i32>} : memref<2x16x768xf32, #tpu.memory_space<vmem>>, vector<16xf32>,
        %parallel_loop3A_783 = arith.constant 0 : i32
        %parallel_loop3A_784 = arith.index_cast %parallel_loop3A_783 : i32 to index
        %parallel_loop3A_785 = arith.index_cast %parallel_loop3A_518 : i32 to index
        %parallel_loop3A_786 = arith.constant 352 : index
        %parallel_loop3A_787 = tpu.vector_load %arg13[%parallel_loop3A_784, %parallel_loop3A_785, %parallel_loop3A_786] {strides = array<i32>} : memref<2x16x768xf32, #tpu.memory_space<vmem>>, vector<16xf32>,
        %parallel_loop3A_788 = arith.fptosi %parallel_loop3A_787 : vector<16xf32> to vector<16xi32>
        %parallel_loop3A_789 = tpu.vector_load_idx %arg12[%parallel_loop3A_788] : memref<256xf32, #tpu.memory_space<vmem>>[vector<16xi32>], vector<16xf32>,
        %parallel_loop3A_790 = arith.constant 0 : i32
        %parallel_loop3A_791 = arith.index_cast %parallel_loop3A_790 : i32 to index
        %parallel_loop3A_792 = arith.index_cast %parallel_loop3A_518 : i32 to index
        %parallel_loop3A_793 = arith.constant 352 : index
        %parallel_loop3A_794 = tpu.vector_load %arg14[%parallel_loop3A_791, %parallel_loop3A_792, %parallel_loop3A_793] {strides = array<i32>} : memref<2x16x768xf32, #tpu.memory_space<vmem>>, vector<16xf32>,
        tpu.vector_store %arg14[%parallel_loop3A_791, %parallel_loop3A_792, %parallel_loop3A_793], %parallel_loop3A_789 {strides = array<i32>} : memref<2x16x768xf32, #tpu.memory_space<vmem>>, vector<16xf32>,
        %parallel_loop3A_795 = arith.constant 0 : i32
        %parallel_loop3A_796 = arith.index_cast %parallel_loop3A_795 : i32 to index
        %parallel_loop3A_797 = arith.index_cast %parallel_loop3A_518 : i32 to index
        %parallel_loop3A_798 = arith.constant 368 : index
        %parallel_loop3A_799 = tpu.vector_load %arg13[%parallel_loop3A_796, %parallel_loop3A_797, %parallel_loop3A_798] {strides = array<i32>} : memref<2x16x768xf32, #tpu.memory_space<vmem>>, vector<16xf32>,
        %parallel_loop3A_800 = arith.fptosi %parallel_loop3A_799 : vector<16xf32> to vector<16xi32>
        %parallel_loop3A_801 = tpu.vector_load_idx %arg12[%parallel_loop3A_800] : memref<256xf32, #tpu.memory_space<vmem>>[vector<16xi32>], vector<16xf32>,
        %parallel_loop3A_802 = arith.constant 0 : i32
        %parallel_loop3A_803 = arith.index_cast %parallel_loop3A_802 : i32 to index
        %parallel_loop3A_804 = arith.index_cast %parallel_loop3A_518 : i32 to index
        %parallel_loop3A_805 = arith.constant 368 : index
        %parallel_loop3A_806 = tpu.vector_load %arg14[%parallel_loop3A_803, %parallel_loop3A_804, %parallel_loop3A_805] {strides = array<i32>} : memref<2x16x768xf32, #tpu.memory_space<vmem>>, vector<16xf32>,
        tpu.vector_store %arg14[%parallel_loop3A_803, %parallel_loop3A_804, %parallel_loop3A_805], %parallel_loop3A_801 {strides = array<i32>} : memref<2x16x768xf32, #tpu.memory_space<vmem>>, vector<16xf32>,
        %parallel_loop3A_807 = arith.constant 0 : i32
        %parallel_loop3A_808 = arith.index_cast %parallel_loop3A_807 : i32 to index
        %parallel_loop3A_809 = arith.index_cast %parallel_loop3A_518 : i32 to index
        %parallel_loop3A_810 = arith.constant 384 : index
        %parallel_loop3A_811 = tpu.vector_load %arg13[%parallel_loop3A_808, %parallel_loop3A_809, %parallel_loop3A_810] {strides = array<i32>} : memref<2x16x768xf32, #tpu.memory_space<vmem>>, vector<16xf32>,
        %parallel_loop3A_812 = arith.fptosi %parallel_loop3A_811 : vector<16xf32> to vector<16xi32>
        %parallel_loop3A_813 = tpu.vector_load_idx %arg12[%parallel_loop3A_812] : memref<256xf32, #tpu.memory_space<vmem>>[vector<16xi32>], vector<16xf32>,
        %parallel_loop3A_814 = arith.constant 0 : i32
        %parallel_loop3A_815 = arith.index_cast %parallel_loop3A_814 : i32 to index
        %parallel_loop3A_816 = arith.index_cast %parallel_loop3A_518 : i32 to index
        %parallel_loop3A_817 = arith.constant 384 : index
        %parallel_loop3A_818 = tpu.vector_load %arg14[%parallel_loop3A_815, %parallel_loop3A_816, %parallel_loop3A_817] {strides = array<i32>} : memref<2x16x768xf32, #tpu.memory_space<vmem>>, vector<16xf32>,
        tpu.vector_store %arg14[%parallel_loop3A_815, %parallel_loop3A_816, %parallel_loop3A_817], %parallel_loop3A_813 {strides = array<i32>} : memref<2x16x768xf32, #tpu.memory_space<vmem>>, vector<16xf32>,
        %parallel_loop3A_819 = arith.constant 0 : i32
        %parallel_loop3A_820 = arith.index_cast %parallel_loop3A_819 : i32 to index
        %parallel_loop3A_821 = arith.index_cast %parallel_loop3A_518 : i32 to index
        %parallel_loop3A_822 = arith.constant 400 : index
        %parallel_loop3A_823 = tpu.vector_load %arg13[%parallel_loop3A_820, %parallel_loop3A_821, %parallel_loop3A_822] {strides = array<i32>} : memref<2x16x768xf32, #tpu.memory_space<vmem>>, vector<16xf32>,
        %parallel_loop3A_824 = arith.fptosi %parallel_loop3A_823 : vector<16xf32> to vector<16xi32>
        %parallel_loop3A_825 = tpu.vector_load_idx %arg12[%parallel_loop3A_824] : memref<256xf32, #tpu.memory_space<vmem>>[vector<16xi32>], vector<16xf32>,
        %parallel_loop3A_826 = arith.constant 0 : i32
        %parallel_loop3A_827 = arith.index_cast %parallel_loop3A_826 : i32 to index
        %parallel_loop3A_828 = arith.index_cast %parallel_loop3A_518 : i32 to index
        %parallel_loop3A_829 = arith.constant 400 : index
        %parallel_loop3A_830 = tpu.vector_load %arg14[%parallel_loop3A_827, %parallel_loop3A_828, %parallel_loop3A_829] {strides = array<i32>} : memref<2x16x768xf32, #tpu.memory_space<vmem>>, vector<16xf32>,
        tpu.vector_store %arg14[%parallel_loop3A_827, %parallel_loop3A_828, %parallel_loop3A_829], %parallel_loop3A_825 {strides = array<i32>} : memref<2x16x768xf32, #tpu.memory_space<vmem>>, vector<16xf32>,
        %parallel_loop3A_831 = arith.constant 0 : i32
        %parallel_loop3A_832 = arith.index_cast %parallel_loop3A_831 : i32 to index
        %parallel_loop3A_833 = arith.index_cast %parallel_loop3A_518 : i32 to index
        %parallel_loop3A_834 = arith.constant 416 : index
        %parallel_loop3A_835 = tpu.vector_load %arg13[%parallel_loop3A_832, %parallel_loop3A_833, %parallel_loop3A_834] {strides = array<i32>} : memref<2x16x768xf32, #tpu.memory_space<vmem>>, vector<16xf32>,
        %parallel_loop3A_836 = arith.fptosi %parallel_loop3A_835 : vector<16xf32> to vector<16xi32>
        %parallel_loop3A_837 = tpu.vector_load_idx %arg12[%parallel_loop3A_836] : memref<256xf32, #tpu.memory_space<vmem>>[vector<16xi32>], vector<16xf32>,
        %parallel_loop3A_838 = arith.constant 0 : i32
        %parallel_loop3A_839 = arith.index_cast %parallel_loop3A_838 : i32 to index
        %parallel_loop3A_840 = arith.index_cast %parallel_loop3A_518 : i32 to index
        %parallel_loop3A_841 = arith.constant 416 : index
        %parallel_loop3A_842 = tpu.vector_load %arg14[%parallel_loop3A_839, %parallel_loop3A_840, %parallel_loop3A_841] {strides = array<i32>} : memref<2x16x768xf32, #tpu.memory_space<vmem>>, vector<16xf32>,
        tpu.vector_store %arg14[%parallel_loop3A_839, %parallel_loop3A_840, %parallel_loop3A_841], %parallel_loop3A_837 {strides = array<i32>} : memref<2x16x768xf32, #tpu.memory_space<vmem>>, vector<16xf32>,
        %parallel_loop3A_843 = arith.constant 0 : i32
        %parallel_loop3A_844 = arith.index_cast %parallel_loop3A_843 : i32 to index
        %parallel_loop3A_845 = arith.index_cast %parallel_loop3A_518 : i32 to index
        %parallel_loop3A_846 = arith.constant 432 : index
        %parallel_loop3A_847 = tpu.vector_load %arg13[%parallel_loop3A_844, %parallel_loop3A_845, %parallel_loop3A_846] {strides = array<i32>} : memref<2x16x768xf32, #tpu.memory_space<vmem>>, vector<16xf32>,
        %parallel_loop3A_848 = arith.fptosi %parallel_loop3A_847 : vector<16xf32> to vector<16xi32>
        %parallel_loop3A_849 = tpu.vector_load_idx %arg12[%parallel_loop3A_848] : memref<256xf32, #tpu.memory_space<vmem>>[vector<16xi32>], vector<16xf32>,
        %parallel_loop3A_850 = arith.constant 0 : i32
        %parallel_loop3A_851 = arith.index_cast %parallel_loop3A_850 : i32 to index
        %parallel_loop3A_852 = arith.index_cast %parallel_loop3A_518 : i32 to index
        %parallel_loop3A_853 = arith.constant 432 : index
        %parallel_loop3A_854 = tpu.vector_load %arg14[%parallel_loop3A_851, %parallel_loop3A_852, %parallel_loop3A_853] {strides = array<i32>} : memref<2x16x768xf32, #tpu.memory_space<vmem>>, vector<16xf32>,
        tpu.vector_store %arg14[%parallel_loop3A_851, %parallel_loop3A_852, %parallel_loop3A_853], %parallel_loop3A_849 {strides = array<i32>} : memref<2x16x768xf32, #tpu.memory_space<vmem>>, vector<16xf32>,
        %parallel_loop3A_855 = arith.constant 0 : i32
        %parallel_loop3A_856 = arith.index_cast %parallel_loop3A_855 : i32 to index
        %parallel_loop3A_857 = arith.index_cast %parallel_loop3A_518 : i32 to index
        %parallel_loop3A_858 = arith.constant 448 : index
        %parallel_loop3A_859 = tpu.vector_load %arg13[%parallel_loop3A_856, %parallel_loop3A_857, %parallel_loop3A_858] {strides = array<i32>} : memref<2x16x768xf32, #tpu.memory_space<vmem>>, vector<16xf32>,
        %parallel_loop3A_860 = arith.fptosi %parallel_loop3A_859 : vector<16xf32> to vector<16xi32>
        %parallel_loop3A_861 = tpu.vector_load_idx %arg12[%parallel_loop3A_860] : memref<256xf32, #tpu.memory_space<vmem>>[vector<16xi32>], vector<16xf32>,
        %parallel_loop3A_862 = arith.constant 0 : i32
        %parallel_loop3A_863 = arith.index_cast %parallel_loop3A_862 : i32 to index
        %parallel_loop3A_864 = arith.index_cast %parallel_loop3A_518 : i32 to index
        %parallel_loop3A_865 = arith.constant 448 : index
        %parallel_loop3A_866 = tpu.vector_load %arg14[%parallel_loop3A_863, %parallel_loop3A_864, %parallel_loop3A_865] {strides = array<i32>} : memref<2x16x768xf32, #tpu.memory_space<vmem>>, vector<16xf32>,
        tpu.vector_store %arg14[%parallel_loop3A_863, %parallel_loop3A_864, %parallel_loop3A_865], %parallel_loop3A_861 {strides = array<i32>} : memref<2x16x768xf32, #tpu.memory_space<vmem>>, vector<16xf32>,
        %parallel_loop3A_867 = arith.constant 0 : i32
        %parallel_loop3A_868 = arith.index_cast %parallel_loop3A_867 : i32 to index
        %parallel_loop3A_869 = arith.index_cast %parallel_loop3A_518 : i32 to index
        %parallel_loop3A_870 = arith.constant 464 : index
        %parallel_loop3A_871 = tpu.vector_load %arg13[%parallel_loop3A_868, %parallel_loop3A_869, %parallel_loop3A_870] {strides = array<i32>} : memref<2x16x768xf32, #tpu.memory_space<vmem>>, vector<16xf32>,
        %parallel_loop3A_872 = arith.fptosi %parallel_loop3A_871 : vector<16xf32> to vector<16xi32>
        %parallel_loop3A_873 = tpu.vector_load_idx %arg12[%parallel_loop3A_872] : memref<256xf32, #tpu.memory_space<vmem>>[vector<16xi32>], vector<16xf32>,
        %parallel_loop3A_874 = arith.constant 0 : i32
        %parallel_loop3A_875 = arith.index_cast %parallel_loop3A_874 : i32 to index
        %parallel_loop3A_876 = arith.index_cast %parallel_loop3A_518 : i32 to index
        %parallel_loop3A_877 = arith.constant 464 : index
        %parallel_loop3A_878 = tpu.vector_load %arg14[%parallel_loop3A_875, %parallel_loop3A_876, %parallel_loop3A_877] {strides = array<i32>} : memref<2x16x768xf32, #tpu.memory_space<vmem>>, vector<16xf32>,
        tpu.vector_store %arg14[%parallel_loop3A_875, %parallel_loop3A_876, %parallel_loop3A_877], %parallel_loop3A_873 {strides = array<i32>} : memref<2x16x768xf32, #tpu.memory_space<vmem>>, vector<16xf32>,
        %parallel_loop3A_879 = arith.constant 0 : i32
        %parallel_loop3A_880 = arith.index_cast %parallel_loop3A_879 : i32 to index
        %parallel_loop3A_881 = arith.index_cast %parallel_loop3A_518 : i32 to index
        %parallel_loop3A_882 = arith.constant 480 : index
        %parallel_loop3A_883 = tpu.vector_load %arg13[%parallel_loop3A_880, %parallel_loop3A_881, %parallel_loop3A_882] {strides = array<i32>} : memref<2x16x768xf32, #tpu.memory_space<vmem>>, vector<16xf32>,
        %parallel_loop3A_884 = arith.fptosi %parallel_loop3A_883 : vector<16xf32> to vector<16xi32>
        %parallel_loop3A_885 = tpu.vector_load_idx %arg12[%parallel_loop3A_884] : memref<256xf32, #tpu.memory_space<vmem>>[vector<16xi32>], vector<16xf32>,
        %parallel_loop3A_886 = arith.constant 0 : i32
        %parallel_loop3A_887 = arith.index_cast %parallel_loop3A_886 : i32 to index
        %parallel_loop3A_888 = arith.index_cast %parallel_loop3A_518 : i32 to index
        %parallel_loop3A_889 = arith.constant 480 : index
        %parallel_loop3A_890 = tpu.vector_load %arg14[%parallel_loop3A_887, %parallel_loop3A_888, %parallel_loop3A_889] {strides = array<i32>} : memref<2x16x768xf32, #tpu.memory_space<vmem>>, vector<16xf32>,
        tpu.vector_store %arg14[%parallel_loop3A_887, %parallel_loop3A_888, %parallel_loop3A_889], %parallel_loop3A_885 {strides = array<i32>} : memref<2x16x768xf32, #tpu.memory_space<vmem>>, vector<16xf32>,
        %parallel_loop3A_891 = arith.constant 0 : i32
        %parallel_loop3A_892 = arith.index_cast %parallel_loop3A_891 : i32 to index
        %parallel_loop3A_893 = arith.index_cast %parallel_loop3A_518 : i32 to index
        %parallel_loop3A_894 = arith.constant 496 : index
        %parallel_loop3A_895 = tpu.vector_load %arg13[%parallel_loop3A_892, %parallel_loop3A_893, %parallel_loop3A_894] {strides = array<i32>} : memref<2x16x768xf32, #tpu.memory_space<vmem>>, vector<16xf32>,
        %parallel_loop3A_896 = arith.fptosi %parallel_loop3A_895 : vector<16xf32> to vector<16xi32>
        %parallel_loop3A_897 = tpu.vector_load_idx %arg12[%parallel_loop3A_896] : memref<256xf32, #tpu.memory_space<vmem>>[vector<16xi32>], vector<16xf32>,
        %parallel_loop3A_898 = arith.constant 0 : i32
        %parallel_loop3A_899 = arith.index_cast %parallel_loop3A_898 : i32 to index
        %parallel_loop3A_900 = arith.index_cast %parallel_loop3A_518 : i32 to index
        %parallel_loop3A_901 = arith.constant 496 : index
        %parallel_loop3A_902 = tpu.vector_load %arg14[%parallel_loop3A_899, %parallel_loop3A_900, %parallel_loop3A_901] {strides = array<i32>} : memref<2x16x768xf32, #tpu.memory_space<vmem>>, vector<16xf32>,
        tpu.vector_store %arg14[%parallel_loop3A_899, %parallel_loop3A_900, %parallel_loop3A_901], %parallel_loop3A_897 {strides = array<i32>} : memref<2x16x768xf32, #tpu.memory_space<vmem>>, vector<16xf32>,
        %parallel_loop3A_903 = arith.constant 0 : i32
        %parallel_loop3A_904 = arith.index_cast %parallel_loop3A_903 : i32 to index
        %parallel_loop3A_905 = arith.index_cast %parallel_loop3A_518 : i32 to index
        %parallel_loop3A_906 = arith.constant 512 : index
        %parallel_loop3A_907 = tpu.vector_load %arg13[%parallel_loop3A_904, %parallel_loop3A_905, %parallel_loop3A_906] {strides = array<i32>} : memref<2x16x768xf32, #tpu.memory_space<vmem>>, vector<16xf32>,
        %parallel_loop3A_908 = arith.fptosi %parallel_loop3A_907 : vector<16xf32> to vector<16xi32>
        %parallel_loop3A_909 = tpu.vector_load_idx %arg12[%parallel_loop3A_908] : memref<256xf32, #tpu.memory_space<vmem>>[vector<16xi32>], vector<16xf32>,
        %parallel_loop3A_910 = arith.constant 0 : i32
        %parallel_loop3A_911 = arith.index_cast %parallel_loop3A_910 : i32 to index
        %parallel_loop3A_912 = arith.index_cast %parallel_loop3A_518 : i32 to index
        %parallel_loop3A_913 = arith.constant 512 : index
        %parallel_loop3A_914 = tpu.vector_load %arg14[%parallel_loop3A_911, %parallel_loop3A_912, %parallel_loop3A_913] {strides = array<i32>} : memref<2x16x768xf32, #tpu.memory_space<vmem>>, vector<16xf32>,
        tpu.vector_store %arg14[%parallel_loop3A_911, %parallel_loop3A_912, %parallel_loop3A_913], %parallel_loop3A_909 {strides = array<i32>} : memref<2x16x768xf32, #tpu.memory_space<vmem>>, vector<16xf32>,
        %parallel_loop3A_915 = arith.constant 0 : i32
        %parallel_loop3A_916 = arith.index_cast %parallel_loop3A_915 : i32 to index
        %parallel_loop3A_917 = arith.index_cast %parallel_loop3A_518 : i32 to index
        %parallel_loop3A_918 = arith.constant 528 : index
        %parallel_loop3A_919 = tpu.vector_load %arg13[%parallel_loop3A_916, %parallel_loop3A_917, %parallel_loop3A_918] {strides = array<i32>} : memref<2x16x768xf32, #tpu.memory_space<vmem>>, vector<16xf32>,
        %parallel_loop3A_920 = arith.fptosi %parallel_loop3A_919 : vector<16xf32> to vector<16xi32>
        %parallel_loop3A_921 = tpu.vector_load_idx %arg12[%parallel_loop3A_920] : memref<256xf32, #tpu.memory_space<vmem>>[vector<16xi32>], vector<16xf32>,
        %parallel_loop3A_922 = arith.constant 0 : i32
        %parallel_loop3A_923 = arith.index_cast %parallel_loop3A_922 : i32 to index
        %parallel_loop3A_924 = arith.index_cast %parallel_loop3A_518 : i32 to index
        %parallel_loop3A_925 = arith.constant 528 : index
        %parallel_loop3A_926 = tpu.vector_load %arg14[%parallel_loop3A_923, %parallel_loop3A_924, %parallel_loop3A_925] {strides = array<i32>} : memref<2x16x768xf32, #tpu.memory_space<vmem>>, vector<16xf32>,
        tpu.vector_store %arg14[%parallel_loop3A_923, %parallel_loop3A_924, %parallel_loop3A_925], %parallel_loop3A_921 {strides = array<i32>} : memref<2x16x768xf32, #tpu.memory_space<vmem>>, vector<16xf32>,
        %parallel_loop3A_927 = arith.constant 0 : i32
        %parallel_loop3A_928 = arith.index_cast %parallel_loop3A_927 : i32 to index
        %parallel_loop3A_929 = arith.index_cast %parallel_loop3A_518 : i32 to index
        %parallel_loop3A_930 = arith.constant 544 : index
        %parallel_loop3A_931 = tpu.vector_load %arg13[%parallel_loop3A_928, %parallel_loop3A_929, %parallel_loop3A_930] {strides = array<i32>} : memref<2x16x768xf32, #tpu.memory_space<vmem>>, vector<16xf32>,
        %parallel_loop3A_932 = arith.fptosi %parallel_loop3A_931 : vector<16xf32> to vector<16xi32>
        %parallel_loop3A_933 = tpu.vector_load_idx %arg12[%parallel_loop3A_932] : memref<256xf32, #tpu.memory_space<vmem>>[vector<16xi32>], vector<16xf32>,
        %parallel_loop3A_934 = arith.constant 0 : i32
        %parallel_loop3A_935 = arith.index_cast %parallel_loop3A_934 : i32 to index
        %parallel_loop3A_936 = arith.index_cast %parallel_loop3A_518 : i32 to index
        %parallel_loop3A_937 = arith.constant 544 : index
        %parallel_loop3A_938 = tpu.vector_load %arg14[%parallel_loop3A_935, %parallel_loop3A_936, %parallel_loop3A_937] {strides = array<i32>} : memref<2x16x768xf32, #tpu.memory_space<vmem>>, vector<16xf32>,
        tpu.vector_store %arg14[%parallel_loop3A_935, %parallel_loop3A_936, %parallel_loop3A_937], %parallel_loop3A_933 {strides = array<i32>} : memref<2x16x768xf32, #tpu.memory_space<vmem>>, vector<16xf32>,
        %parallel_loop3A_939 = arith.constant 0 : i32
        %parallel_loop3A_940 = arith.index_cast %parallel_loop3A_939 : i32 to index
        %parallel_loop3A_941 = arith.index_cast %parallel_loop3A_518 : i32 to index
        %parallel_loop3A_942 = arith.constant 560 : index
        %parallel_loop3A_943 = tpu.vector_load %arg13[%parallel_loop3A_940, %parallel_loop3A_941, %parallel_loop3A_942] {strides = array<i32>} : memref<2x16x768xf32, #tpu.memory_space<vmem>>, vector<16xf32>,
        %parallel_loop3A_944 = arith.fptosi %parallel_loop3A_943 : vector<16xf32> to vector<16xi32>
        %parallel_loop3A_945 = tpu.vector_load_idx %arg12[%parallel_loop3A_944] : memref<256xf32, #tpu.memory_space<vmem>>[vector<16xi32>], vector<16xf32>,
        %parallel_loop3A_946 = arith.constant 0 : i32
        %parallel_loop3A_947 = arith.index_cast %parallel_loop3A_946 : i32 to index
        %parallel_loop3A_948 = arith.index_cast %parallel_loop3A_518 : i32 to index
        %parallel_loop3A_949 = arith.constant 560 : index
        %parallel_loop3A_950 = tpu.vector_load %arg14[%parallel_loop3A_947, %parallel_loop3A_948, %parallel_loop3A_949] {strides = array<i32>} : memref<2x16x768xf32, #tpu.memory_space<vmem>>, vector<16xf32>,
        tpu.vector_store %arg14[%parallel_loop3A_947, %parallel_loop3A_948, %parallel_loop3A_949], %parallel_loop3A_945 {strides = array<i32>} : memref<2x16x768xf32, #tpu.memory_space<vmem>>, vector<16xf32>,
        %parallel_loop3A_951 = arith.constant 0 : i32
        %parallel_loop3A_952 = arith.index_cast %parallel_loop3A_951 : i32 to index
        %parallel_loop3A_953 = arith.index_cast %parallel_loop3A_518 : i32 to index
        %parallel_loop3A_954 = arith.constant 576 : index
        %parallel_loop3A_955 = tpu.vector_load %arg13[%parallel_loop3A_952, %parallel_loop3A_953, %parallel_loop3A_954] {strides = array<i32>} : memref<2x16x768xf32, #tpu.memory_space<vmem>>, vector<16xf32>,
        %parallel_loop3A_956 = arith.fptosi %parallel_loop3A_955 : vector<16xf32> to vector<16xi32>
        %parallel_loop3A_957 = tpu.vector_load_idx %arg12[%parallel_loop3A_956] : memref<256xf32, #tpu.memory_space<vmem>>[vector<16xi32>], vector<16xf32>,
        %parallel_loop3A_958 = arith.constant 0 : i32
        %parallel_loop3A_959 = arith.index_cast %parallel_loop3A_958 : i32 to index
        %parallel_loop3A_960 = arith.index_cast %parallel_loop3A_518 : i32 to index
        %parallel_loop3A_961 = arith.constant 576 : index
        %parallel_loop3A_962 = tpu.vector_load %arg14[%parallel_loop3A_959, %parallel_loop3A_960, %parallel_loop3A_961] {strides = array<i32>} : memref<2x16x768xf32, #tpu.memory_space<vmem>>, vector<16xf32>,
        tpu.vector_store %arg14[%parallel_loop3A_959, %parallel_loop3A_960, %parallel_loop3A_961], %parallel_loop3A_957 {strides = array<i32>} : memref<2x16x768xf32, #tpu.memory_space<vmem>>, vector<16xf32>,
        %parallel_loop3A_963 = arith.constant 0 : i32
        %parallel_loop3A_964 = arith.index_cast %parallel_loop3A_963 : i32 to index
        %parallel_loop3A_965 = arith.index_cast %parallel_loop3A_518 : i32 to index
        %parallel_loop3A_966 = arith.constant 592 : index
        %parallel_loop3A_967 = tpu.vector_load %arg13[%parallel_loop3A_964, %parallel_loop3A_965, %parallel_loop3A_966] {strides = array<i32>} : memref<2x16x768xf32, #tpu.memory_space<vmem>>, vector<16xf32>,
        %parallel_loop3A_968 = arith.fptosi %parallel_loop3A_967 : vector<16xf32> to vector<16xi32>
        %parallel_loop3A_969 = tpu.vector_load_idx %arg12[%parallel_loop3A_968] : memref<256xf32, #tpu.memory_space<vmem>>[vector<16xi32>], vector<16xf32>,
        %parallel_loop3A_970 = arith.constant 0 : i32
        %parallel_loop3A_971 = arith.index_cast %parallel_loop3A_970 : i32 to index
        %parallel_loop3A_972 = arith.index_cast %parallel_loop3A_518 : i32 to index
        %parallel_loop3A_973 = arith.constant 592 : index
        %parallel_loop3A_974 = tpu.vector_load %arg14[%parallel_loop3A_971, %parallel_loop3A_972, %parallel_loop3A_973] {strides = array<i32>} : memref<2x16x768xf32, #tpu.memory_space<vmem>>, vector<16xf32>,
        tpu.vector_store %arg14[%parallel_loop3A_971, %parallel_loop3A_972, %parallel_loop3A_973], %parallel_loop3A_969 {strides = array<i32>} : memref<2x16x768xf32, #tpu.memory_space<vmem>>, vector<16xf32>,
        %parallel_loop3A_975 = arith.constant 0 : i32
        %parallel_loop3A_976 = arith.index_cast %parallel_loop3A_975 : i32 to index
        %parallel_loop3A_977 = arith.index_cast %parallel_loop3A_518 : i32 to index
        %parallel_loop3A_978 = arith.constant 608 : index
        %parallel_loop3A_979 = tpu.vector_load %arg13[%parallel_loop3A_976, %parallel_loop3A_977, %parallel_loop3A_978] {strides = array<i32>} : memref<2x16x768xf32, #tpu.memory_space<vmem>>, vector<16xf32>,
        %parallel_loop3A_980 = arith.fptosi %parallel_loop3A_979 : vector<16xf32> to vector<16xi32>
        %parallel_loop3A_981 = tpu.vector_load_idx %arg12[%parallel_loop3A_980] : memref<256xf32, #tpu.memory_space<vmem>>[vector<16xi32>], vector<16xf32>,
        %parallel_loop3A_982 = arith.constant 0 : i32
        %parallel_loop3A_983 = arith.index_cast %parallel_loop3A_982 : i32 to index
        %parallel_loop3A_984 = arith.index_cast %parallel_loop3A_518 : i32 to index
        %parallel_loop3A_985 = arith.constant 608 : index
        %parallel_loop3A_986 = tpu.vector_load %arg14[%parallel_loop3A_983, %parallel_loop3A_984, %parallel_loop3A_985] {strides = array<i32>} : memref<2x16x768xf32, #tpu.memory_space<vmem>>, vector<16xf32>,
        tpu.vector_store %arg14[%parallel_loop3A_983, %parallel_loop3A_984, %parallel_loop3A_985], %parallel_loop3A_981 {strides = array<i32>} : memref<2x16x768xf32, #tpu.memory_space<vmem>>, vector<16xf32>,
        %parallel_loop3A_987 = arith.constant 0 : i32
        %parallel_loop3A_988 = arith.index_cast %parallel_loop3A_987 : i32 to index
        %parallel_loop3A_989 = arith.index_cast %parallel_loop3A_518 : i32 to index
        %parallel_loop3A_990 = arith.constant 624 : index
        %parallel_loop3A_991 = tpu.vector_load %arg13[%parallel_loop3A_988, %parallel_loop3A_989, %parallel_loop3A_990] {strides = array<i32>} : memref<2x16x768xf32, #tpu.memory_space<vmem>>, vector<16xf32>,
        %parallel_loop3A_992 = arith.fptosi %parallel_loop3A_991 : vector<16xf32> to vector<16xi32>
        %parallel_loop3A_993 = tpu.vector_load_idx %arg12[%parallel_loop3A_992] : memref<256xf32, #tpu.memory_space<vmem>>[vector<16xi32>], vector<16xf32>,
        %parallel_loop3A_994 = arith.constant 0 : i32
        %parallel_loop3A_995 = arith.index_cast %parallel_loop3A_994 : i32 to index
        %parallel_loop3A_996 = arith.index_cast %parallel_loop3A_518 : i32 to index
        %parallel_loop3A_997 = arith.constant 624 : index
        %parallel_loop3A_998 = tpu.vector_load %arg14[%parallel_loop3A_995, %parallel_loop3A_996, %parallel_loop3A_997] {strides = array<i32>} : memref<2x16x768xf32, #tpu.memory_space<vmem>>, vector<16xf32>,
        tpu.vector_store %arg14[%parallel_loop3A_995, %parallel_loop3A_996, %parallel_loop3A_997], %parallel_loop3A_993 {strides = array<i32>} : memref<2x16x768xf32, #tpu.memory_space<vmem>>, vector<16xf32>,
        %parallel_loop3A_999 = arith.constant 0 : i32
        %parallel_loop3A_1000 = arith.index_cast %parallel_loop3A_999 : i32 to index
        %parallel_loop3A_1001 = arith.index_cast %parallel_loop3A_518 : i32 to index
        %parallel_loop3A_1002 = arith.constant 640 : index
        %parallel_loop3A_1003 = tpu.vector_load %arg13[%parallel_loop3A_1000, %parallel_loop3A_1001, %parallel_loop3A_1002] {strides = array<i32>} : memref<2x16x768xf32, #tpu.memory_space<vmem>>, vector<16xf32>,
        %parallel_loop3A_1004 = arith.fptosi %parallel_loop3A_1003 : vector<16xf32> to vector<16xi32>
        %parallel_loop3A_1005 = tpu.vector_load_idx %arg12[%parallel_loop3A_1004] : memref<256xf32, #tpu.memory_space<vmem>>[vector<16xi32>], vector<16xf32>,
        %parallel_loop3A_1006 = arith.constant 0 : i32
        %parallel_loop3A_1007 = arith.index_cast %parallel_loop3A_1006 : i32 to index
        %parallel_loop3A_1008 = arith.index_cast %parallel_loop3A_518 : i32 to index
        %parallel_loop3A_1009 = arith.constant 640 : index
        %parallel_loop3A_1010 = tpu.vector_load %arg14[%parallel_loop3A_1007, %parallel_loop3A_1008, %parallel_loop3A_1009] {strides = array<i32>} : memref<2x16x768xf32, #tpu.memory_space<vmem>>, vector<16xf32>,
        tpu.vector_store %arg14[%parallel_loop3A_1007, %parallel_loop3A_1008, %parallel_loop3A_1009], %parallel_loop3A_1005 {strides = array<i32>} : memref<2x16x768xf32, #tpu.memory_space<vmem>>, vector<16xf32>,
        %parallel_loop3A_1011 = arith.constant 0 : i32
        %parallel_loop3A_1012 = arith.index_cast %parallel_loop3A_1011 : i32 to index
        %parallel_loop3A_1013 = arith.index_cast %parallel_loop3A_518 : i32 to index
        %parallel_loop3A_1014 = arith.constant 656 : index
        %parallel_loop3A_1015 = tpu.vector_load %arg13[%parallel_loop3A_1012, %parallel_loop3A_1013, %parallel_loop3A_1014] {strides = array<i32>} : memref<2x16x768xf32, #tpu.memory_space<vmem>>, vector<16xf32>,
        %parallel_loop3A_1016 = arith.fptosi %parallel_loop3A_1015 : vector<16xf32> to vector<16xi32>
        %parallel_loop3A_1017 = tpu.vector_load_idx %arg12[%parallel_loop3A_1016] : memref<256xf32, #tpu.memory_space<vmem>>[vector<16xi32>], vector<16xf32>,
        %parallel_loop3A_1018 = arith.constant 0 : i32
        %parallel_loop3A_1019 = arith.index_cast %parallel_loop3A_1018 : i32 to index
        %parallel_loop3A_1020 = arith.index_cast %parallel_loop3A_518 : i32 to index
        %parallel_loop3A_1021 = arith.constant 656 : index
        %parallel_loop3A_1022 = tpu.vector_load %arg14[%parallel_loop3A_1019, %parallel_loop3A_1020, %parallel_loop3A_1021] {strides = array<i32>} : memref<2x16x768xf32, #tpu.memory_space<vmem>>, vector<16xf32>,
        tpu.vector_store %arg14[%parallel_loop3A_1019, %parallel_loop3A_1020, %parallel_loop3A_1021], %parallel_loop3A_1017 {strides = array<i32>} : memref<2x16x768xf32, #tpu.memory_space<vmem>>, vector<16xf32>,
        %parallel_loop3A_1023 = arith.constant 0 : i32
        %parallel_loop3A_1024 = arith.index_cast %parallel_loop3A_1023 : i32 to index
        %parallel_loop3A_1025 = arith.index_cast %parallel_loop3A_518 : i32 to index
        %parallel_loop3A_1026 = arith.constant 672 : index
        %parallel_loop3A_1027 = tpu.vector_load %arg13[%parallel_loop3A_1024, %parallel_loop3A_1025, %parallel_loop3A_1026] {strides = array<i32>} : memref<2x16x768xf32, #tpu.memory_space<vmem>>, vector<16xf32>,
        %parallel_loop3A_1028 = arith.fptosi %parallel_loop3A_1027 : vector<16xf32> to vector<16xi32>
        %parallel_loop3A_1029 = tpu.vector_load_idx %arg12[%parallel_loop3A_1028] : memref<256xf32, #tpu.memory_space<vmem>>[vector<16xi32>], vector<16xf32>,
        %parallel_loop3A_1030 = arith.constant 0 : i32
        %parallel_loop3A_1031 = arith.index_cast %parallel_loop3A_1030 : i32 to index
        %parallel_loop3A_1032 = arith.index_cast %parallel_loop3A_518 : i32 to index
        %parallel_loop3A_1033 = arith.constant 672 : index
        %parallel_loop3A_1034 = tpu.vector_load %arg14[%parallel_loop3A_1031, %parallel_loop3A_1032, %parallel_loop3A_1033] {strides = array<i32>} : memref<2x16x768xf32, #tpu.memory_space<vmem>>, vector<16xf32>,
        tpu.vector_store %arg14[%parallel_loop3A_1031, %parallel_loop3A_1032, %parallel_loop3A_1033], %parallel_loop3A_1029 {strides = array<i32>} : memref<2x16x768xf32, #tpu.memory_space<vmem>>, vector<16xf32>,
        %parallel_loop3A_1035 = arith.constant 0 : i32
        %parallel_loop3A_1036 = arith.index_cast %parallel_loop3A_1035 : i32 to index
        %parallel_loop3A_1037 = arith.index_cast %parallel_loop3A_518 : i32 to index
        %parallel_loop3A_1038 = arith.constant 688 : index
        %parallel_loop3A_1039 = tpu.vector_load %arg13[%parallel_loop3A_1036, %parallel_loop3A_1037, %parallel_loop3A_1038] {strides = array<i32>} : memref<2x16x768xf32, #tpu.memory_space<vmem>>, vector<16xf32>,
        %parallel_loop3A_1040 = arith.fptosi %parallel_loop3A_1039 : vector<16xf32> to vector<16xi32>
        %parallel_loop3A_1041 = tpu.vector_load_idx %arg12[%parallel_loop3A_1040] : memref<256xf32, #tpu.memory_space<vmem>>[vector<16xi32>], vector<16xf32>,
        %parallel_loop3A_1042 = arith.constant 0 : i32
        %parallel_loop3A_1043 = arith.index_cast %parallel_loop3A_1042 : i32 to index
        %parallel_loop3A_1044 = arith.index_cast %parallel_loop3A_518 : i32 to index
        %parallel_loop3A_1045 = arith.constant 688 : index
        %parallel_loop3A_1046 = tpu.vector_load %arg14[%parallel_loop3A_1043, %parallel_loop3A_1044, %parallel_loop3A_1045] {strides = array<i32>} : memref<2x16x768xf32, #tpu.memory_space<vmem>>, vector<16xf32>,
        tpu.vector_store %arg14[%parallel_loop3A_1043, %parallel_loop3A_1044, %parallel_loop3A_1045], %parallel_loop3A_1041 {strides = array<i32>} : memref<2x16x768xf32, #tpu.memory_space<vmem>>, vector<16xf32>,
        %parallel_loop3A_1047 = arith.constant 0 : i32
        %parallel_loop3A_1048 = arith.index_cast %parallel_loop3A_1047 : i32 to index
        %parallel_loop3A_1049 = arith.index_cast %parallel_loop3A_518 : i32 to index
        %parallel_loop3A_1050 = arith.constant 704 : index
        %parallel_loop3A_1051 = tpu.vector_load %arg13[%parallel_loop3A_1048, %parallel_loop3A_1049, %parallel_loop3A_1050] {strides = array<i32>} : memref<2x16x768xf32, #tpu.memory_space<vmem>>, vector<16xf32>,
        %parallel_loop3A_1052 = arith.fptosi %parallel_loop3A_1051 : vector<16xf32> to vector<16xi32>
        %parallel_loop3A_1053 = tpu.vector_load_idx %arg12[%parallel_loop3A_1052] : memref<256xf32, #tpu.memory_space<vmem>>[vector<16xi32>], vector<16xf32>,
        %parallel_loop3A_1054 = arith.constant 0 : i32
        %parallel_loop3A_1055 = arith.index_cast %parallel_loop3A_1054 : i32 to index
        %parallel_loop3A_1056 = arith.index_cast %parallel_loop3A_518 : i32 to index
        %parallel_loop3A_1057 = arith.constant 704 : index
        %parallel_loop3A_1058 = tpu.vector_load %arg14[%parallel_loop3A_1055, %parallel_loop3A_1056, %parallel_loop3A_1057] {strides = array<i32>} : memref<2x16x768xf32, #tpu.memory_space<vmem>>, vector<16xf32>,
        tpu.vector_store %arg14[%parallel_loop3A_1055, %parallel_loop3A_1056, %parallel_loop3A_1057], %parallel_loop3A_1053 {strides = array<i32>} : memref<2x16x768xf32, #tpu.memory_space<vmem>>, vector<16xf32>,
        %parallel_loop3A_1059 = arith.constant 0 : i32
        %parallel_loop3A_1060 = arith.index_cast %parallel_loop3A_1059 : i32 to index
        %parallel_loop3A_1061 = arith.index_cast %parallel_loop3A_518 : i32 to index
        %parallel_loop3A_1062 = arith.constant 720 : index
        %parallel_loop3A_1063 = tpu.vector_load %arg13[%parallel_loop3A_1060, %parallel_loop3A_1061, %parallel_loop3A_1062] {strides = array<i32>} : memref<2x16x768xf32, #tpu.memory_space<vmem>>, vector<16xf32>,
        %parallel_loop3A_1064 = arith.fptosi %parallel_loop3A_1063 : vector<16xf32> to vector<16xi32>
        %parallel_loop3A_1065 = tpu.vector_load_idx %arg12[%parallel_loop3A_1064] : memref<256xf32, #tpu.memory_space<vmem>>[vector<16xi32>], vector<16xf32>,
        %parallel_loop3A_1066 = arith.constant 0 : i32
        %parallel_loop3A_1067 = arith.index_cast %parallel_loop3A_1066 : i32 to index
        %parallel_loop3A_1068 = arith.index_cast %parallel_loop3A_518 : i32 to index
        %parallel_loop3A_1069 = arith.constant 720 : index
        %parallel_loop3A_1070 = tpu.vector_load %arg14[%parallel_loop3A_1067, %parallel_loop3A_1068, %parallel_loop3A_1069] {strides = array<i32>} : memref<2x16x768xf32, #tpu.memory_space<vmem>>, vector<16xf32>,
        tpu.vector_store %arg14[%parallel_loop3A_1067, %parallel_loop3A_1068, %parallel_loop3A_1069], %parallel_loop3A_1065 {strides = array<i32>} : memref<2x16x768xf32, #tpu.memory_space<vmem>>, vector<16xf32>,
        %parallel_loop3A_1071 = arith.constant 0 : i32
        %parallel_loop3A_1072 = arith.index_cast %parallel_loop3A_1071 : i32 to index
        %parallel_loop3A_1073 = arith.index_cast %parallel_loop3A_518 : i32 to index
        %parallel_loop3A_1074 = arith.constant 736 : index
        %parallel_loop3A_1075 = tpu.vector_load %arg13[%parallel_loop3A_1072, %parallel_loop3A_1073, %parallel_loop3A_1074] {strides = array<i32>} : memref<2x16x768xf32, #tpu.memory_space<vmem>>, vector<16xf32>,
        %parallel_loop3A_1076 = arith.fptosi %parallel_loop3A_1075 : vector<16xf32> to vector<16xi32>
        %parallel_loop3A_1077 = tpu.vector_load_idx %arg12[%parallel_loop3A_1076] : memref<256xf32, #tpu.memory_space<vmem>>[vector<16xi32>], vector<16xf32>,
        %parallel_loop3A_1078 = arith.constant 0 : i32
        %parallel_loop3A_1079 = arith.index_cast %parallel_loop3A_1078 : i32 to index
        %parallel_loop3A_1080 = arith.index_cast %parallel_loop3A_518 : i32 to index
        %parallel_loop3A_1081 = arith.constant 736 : index
        %parallel_loop3A_1082 = tpu.vector_load %arg14[%parallel_loop3A_1079, %parallel_loop3A_1080, %parallel_loop3A_1081] {strides = array<i32>} : memref<2x16x768xf32, #tpu.memory_space<vmem>>, vector<16xf32>,
        tpu.vector_store %arg14[%parallel_loop3A_1079, %parallel_loop3A_1080, %parallel_loop3A_1081], %parallel_loop3A_1077 {strides = array<i32>} : memref<2x16x768xf32, #tpu.memory_space<vmem>>, vector<16xf32>,
        %parallel_loop3A_1083 = arith.constant 0 : i32
        %parallel_loop3A_1084 = arith.index_cast %parallel_loop3A_1083 : i32 to index
        %parallel_loop3A_1085 = arith.index_cast %parallel_loop3A_518 : i32 to index
        %parallel_loop3A_1086 = arith.constant 752 : index
        %parallel_loop3A_1087 = tpu.vector_load %arg13[%parallel_loop3A_1084, %parallel_loop3A_1085, %parallel_loop3A_1086] {strides = array<i32>} : memref<2x16x768xf32, #tpu.memory_space<vmem>>, vector<16xf32>,
        %parallel_loop3A_1088 = arith.fptosi %parallel_loop3A_1087 : vector<16xf32> to vector<16xi32>
        %parallel_loop3A_1089 = tpu.vector_load_idx %arg12[%parallel_loop3A_1088] : memref<256xf32, #tpu.memory_space<vmem>>[vector<16xi32>], vector<16xf32>,
        %parallel_loop3A_1090 = arith.constant 0 : i32
        %parallel_loop3A_1091 = arith.index_cast %parallel_loop3A_1090 : i32 to index
        %parallel_loop3A_1092 = arith.index_cast %parallel_loop3A_518 : i32 to index
        %parallel_loop3A_1093 = arith.constant 752 : index
        %parallel_loop3A_1094 = tpu.vector_load %arg14[%parallel_loop3A_1091, %parallel_loop3A_1092, %parallel_loop3A_1093] {strides = array<i32>} : memref<2x16x768xf32, #tpu.memory_space<vmem>>, vector<16xf32>,
        tpu.vector_store %arg14[%parallel_loop3A_1091, %parallel_loop3A_1092, %parallel_loop3A_1093], %parallel_loop3A_1089 {strides = array<i32>} : memref<2x16x768xf32, #tpu.memory_space<vmem>>, vector<16xf32>,
      } {sc.loop_unroll_factor = 1 : i64, sc.parallel_access}
      %mul3A_445 = arith.constant 16 : i32
      %mul3A_446 = arith.muli %add3A_422, %mul3A_445 : i32
      %add3A_447 = arith.addi %mul3A_2, %mul3A_446 : i32
      %dma_start3A_448 = arith.constant 0 : i32
      %dma_start3A_449 = arith.constant 0 : i32
      %dma_start3A_450 = arith.constant 0 : i32
      %dma_start3A_451 = tpu.memref_slice %arg14[%dma_start3A_448, %dma_start3A_449, %dma_start3A_450] : memref<2x16x768xf32, #tpu.memory_space<vmem>> -> memref<1x16x768xf32, #tpu.memory_space<vmem>>
      %dma_start3A_452 = tpu.memref_squeeze %dma_start3A_451 : memref<1x16x768xf32, #tpu.memory_space<vmem>> -> memref<16x768xf32, #tpu.memory_space<vmem>>
      %dma_start3A_453 = arith.constant 0 : i32
      %dma_start3A_454 = tpu.memref_slice %arg7[%add3A_447, %dma_start3A_453] : memref<25088x768xf32, #tpu.memory_space<hbm>> -> memref<16x768xf32, #tpu.memory_space<hbm>>
      %dma_start3A_455 = arith.constant 0 : i32
      %dma_start3A_456 = tpu.memref_slice %arg7[%add3A_447, %dma_start3A_455] : memref<25088x768xf32, #tpu.memory_space<hbm>> -> memref<16x768xf32, #tpu.memory_space<hbm>>
      %dma_start3A_457 = arith.constant 0 : i32
      %dma_start3A_458 = arith.constant 0 : i32
      %dma_start3A_459 = tpu.memref_slice %arg14[%dma_start3A_448, %dma_start3A_457, %dma_start3A_458] : memref<2x16x768xf32, #tpu.memory_space<vmem>> -> memref<1x16x768xf32, #tpu.memory_space<vmem>>
      %dma_start3A_460 = tpu.memref_squeeze %dma_start3A_459 : memref<1x16x768xf32, #tpu.memory_space<vmem>> -> memref<16x768xf32, #tpu.memory_space<vmem>>
      tpu.enqueue_dma source(%dma_start3A_460 : memref<16x768xf32, #tpu.memory_space<vmem>>) target(%dma_start3A_456 : memref<16x768xf32, #tpu.memory_space<hbm>>) target_semaphore(%arg17 : memref<!tpu.dma_semaphore, #tpu.memory_space<semaphore_mem>>)
      %add3A_461 = arith.constant 2 : i32
      %add3A_462 = arith.addi %add3A_422, %add3A_461 : i32
      %lt3A = arith.constant 49 : i32
      %lt3A_463 = arith.cmpi slt, %add3A_462, %lt3A : i32
      %convert_element_type3A_464 = arith.extui %lt3A_463 : i1 to i32
      %cond3A_465 = arith.constant 0 : i32
      %cond3A_466 = arith.cmpi ne, %convert_element_type3A_464, %cond3A_465 : i32
      scf.if %cond3A_466 {
        %add3A_518 = arith.constant 2 : i32
        %add3A_519 = arith.addi %add3A_422, %add3A_518 : i32
        %mul3A_520 = arith.constant 16 : i32
        %mul3A_521 = arith.muli %add3A_519, %mul3A_520 : i32
        %add3A_522 = arith.addi %mul3A_2, %mul3A_521 : i32
        %dma_start3A_523 = arith.constant 0 : i32
        %dma_start3A_524 = arith.constant 0 : i32
        %dma_start3A_525 = arith.constant 0 : i32
        %dma_start3A_526 = tpu.memref_slice %arg13[%dma_start3A_523, %dma_start3A_524, %dma_start3A_525] : memref<2x16x768xf32, #tpu.memory_space<vmem>> -> memref<1x16x768xf32, #tpu.memory_space<vmem>>
        %dma_start3A_527 = tpu.memref_squeeze %dma_start3A_526 : memref<1x16x768xf32, #tpu.memory_space<vmem>> -> memref<16x768xf32, #tpu.memory_space<vmem>>
        %dma_start3A_528 = arith.constant 0 : i32
        %dma_start3A_529 = tpu.memref_slice %arg2[%add3A_522, %dma_start3A_528] : memref<25088x768xf32, #tpu.memory_space<hbm>> -> memref<16x768xf32, #tpu.memory_space<hbm>>
        %dma_start3A_530 = arith.constant 0 : i32
        %dma_start3A_531 = arith.constant 0 : i32
        %dma_start3A_532 = tpu.memref_slice %arg13[%dma_start3A_523, %dma_start3A_530, %dma_start3A_531] : memref<2x16x768xf32, #tpu.memory_space<vmem>> -> memref<1x16x768xf32, #tpu.memory_space<vmem>>
        %dma_start3A_533 = tpu.memref_squeeze %dma_start3A_532 : memref<1x16x768xf32, #tpu.memory_space<vmem>> -> memref<16x768xf32, #tpu.memory_space<vmem>>
        %dma_start3A_534 = arith.constant 0 : i32
        %dma_start3A_535 = tpu.memref_slice %arg2[%add3A_522, %dma_start3A_534] : memref<25088x768xf32, #tpu.memory_space<hbm>> -> memref<16x768xf32, #tpu.memory_space<hbm>>
        tpu.enqueue_dma source(%dma_start3A_535 : memref<16x768xf32, #tpu.memory_space<hbm>>) target(%dma_start3A_533 : memref<16x768xf32, #tpu.memory_space<vmem>>) target_semaphore(%arg15 : memref<!tpu.dma_semaphore, #tpu.memory_space<semaphore_mem>>)
      } else {
      }
      %mul3A_467 = arith.constant 2 : i32
      %mul3A_468 = arith.muli %scan3A_418, %mul3A_467 : i32
      %add3A_469 = arith.constant 1 : i32
      %add3A_470 = arith.addi %mul3A_468, %add3A_469 : i32
      %mul3A_471 = arith.constant 16 : i32
      %mul3A_472 = arith.muli %add3A_470, %mul3A_471 : i32
      %add3A_473 = arith.addi %mul3A_2, %mul3A_472 : i32
      %dma_wait3A_474 = arith.constant 1 : i32
      %dma_wait3A_475 = arith.constant 0 : i32
      %dma_wait3A_476 = arith.constant 0 : i32
      %dma_wait3A_477 = tpu.memref_slice %arg13[%dma_wait3A_474, %dma_wait3A_475, %dma_wait3A_476] : memref<2x16x768xf32, #tpu.memory_space<vmem>> -> memref<1x16x768xf32, #tpu.memory_space<vmem>>
      %dma_wait3A_478 = tpu.memref_squeeze %dma_wait3A_477 : memref<1x16x768xf32, #tpu.memory_space<vmem>> -> memref<16x768xf32, #tpu.memory_space<vmem>>
      %dma_wait3A_479 = arith.constant 0 : i32
      %dma_wait3A_480 = tpu.memref_slice %arg2[%add3A_473, %dma_wait3A_479] : memref<25088x768xf32, #tpu.memory_space<hbm>> -> memref<16x768xf32, #tpu.memory_space<hbm>>
      %dma_wait3A_481 = arith.constant 0 : i32
      %dma_wait3A_482 = arith.constant 0 : i32
      %dma_wait3A_483 = tpu.memref_slice %arg13[%dma_wait3A_474, %dma_wait3A_481, %dma_wait3A_482] : memref<2x16x768xf32, #tpu.memory_space<vmem>> -> memref<1x16x768xf32, #tpu.memory_space<vmem>>
      %dma_wait3A_484 = tpu.memref_squeeze %dma_wait3A_483 : memref<1x16x768xf32, #tpu.memory_space<vmem>> -> memref<16x768xf32, #tpu.memory_space<vmem>>
      %dma_wait3A_485 = arith.constant 0 : i32
      %dma_wait3A_486 = tpu.memref_slice %arg2[%add3A_473, %dma_wait3A_485] : memref<25088x768xf32, #tpu.memory_space<hbm>> -> memref<16x768xf32, #tpu.memory_space<hbm>>
      tpu.wait_dma2 semaphore(%arg16 : memref<!tpu.dma_semaphore, #tpu.memory_space<semaphore_mem>>) src(%dma_wait3A_486 : memref<16x768xf32, #tpu.memory_space<hbm>>) dst(%dma_wait3A_484 : memref<16x768xf32, #tpu.memory_space<vmem>>)
      %gt3A_487 = arith.constant 0 : i32
      %gt3A_488 = arith.cmpi sgt, %scan3A_418, %gt3A_487 : i32
      %convert_element_type3A_489 = arith.extui %gt3A_488 : i1 to i32
      %cond3A_490 = arith.constant 0 : i32
      %cond3A_491 = arith.cmpi ne, %convert_element_type3A_489, %cond3A_490 : i32
      scf.if %cond3A_491 {
        %sub3A = arith.constant 2 : i32
        %sub3A_518 = arith.subi %add3A_470, %sub3A : i32
        %mul3A_519 = arith.constant 16 : i32
        %mul3A_520 = arith.muli %sub3A_518, %mul3A_519 : i32
        %add3A_521 = arith.addi %mul3A_2, %mul3A_520 : i32
        %dma_wait3A_522 = arith.constant 1 : i32
        %dma_wait3A_523 = arith.constant 0 : i32
        %dma_wait3A_524 = arith.constant 0 : i32
        %dma_wait3A_525 = tpu.memref_slice %arg14[%dma_wait3A_522, %dma_wait3A_523, %dma_wait3A_524] : memref<2x16x768xf32, #tpu.memory_space<vmem>> -> memref<1x16x768xf32, #tpu.memory_space<vmem>>
        %dma_wait3A_526 = tpu.memref_squeeze %dma_wait3A_525 : memref<1x16x768xf32, #tpu.memory_space<vmem>> -> memref<16x768xf32, #tpu.memory_space<vmem>>
        %dma_wait3A_527 = arith.constant 0 : i32
        %dma_wait3A_528 = tpu.memref_slice %arg7[%add3A_521, %dma_wait3A_527] : memref<25088x768xf32, #tpu.memory_space<hbm>> -> memref<16x768xf32, #tpu.memory_space<hbm>>
        %dma_wait3A_529 = arith.constant 0 : i32
        %dma_wait3A_530 = tpu.memref_slice %arg7[%add3A_521, %dma_wait3A_529] : memref<25088x768xf32, #tpu.memory_space<hbm>> -> memref<16x768xf32, #tpu.memory_space<hbm>>
        %dma_wait3A_531 = arith.constant 0 : i32
        %dma_wait3A_532 = arith.constant 0 : i32
        %dma_wait3A_533 = tpu.memref_slice %arg14[%dma_wait3A_522, %dma_wait3A_531, %dma_wait3A_532] : memref<2x16x768xf32, #tpu.memory_space<vmem>> -> memref<1x16x768xf32, #tpu.memory_space<vmem>>
        %dma_wait3A_534 = tpu.memref_squeeze %dma_wait3A_533 : memref<1x16x768xf32, #tpu.memory_space<vmem>> -> memref<16x768xf32, #tpu.memory_space<vmem>>
        tpu.wait_dma2 semaphore(%arg18 : memref<!tpu.dma_semaphore, #tpu.memory_space<semaphore_mem>>) src(%dma_wait3A_534 : memref<16x768xf32, #tpu.memory_space<vmem>>) dst(%dma_wait3A_530 : memref<16x768xf32, #tpu.memory_space<hbm>>)
      } else {
      }
      %parallel_loop3A_492 = arith.constant 0 : i32
      %parallel_loop3A_493 = arith.constant 16 : i32
      %parallel_loop3A_494 = arith.constant 1 : i32
      scf.for %parallel_loop3A_518 = %parallel_loop3A_492 to %parallel_loop3A_493 step %parallel_loop3A_494  : i32 {
        %parallel_loop3A_519 = arith.constant 1 : i32
        %parallel_loop3A_520 = arith.index_cast %parallel_loop3A_519 : i32 to index
        %parallel_loop3A_521 = arith.index_cast %parallel_loop3A_518 : i32 to index
        %parallel_loop3A_522 = arith.constant 0 : index
        %parallel_loop3A_523 = tpu.vector_load %arg13[%parallel_loop3A_520, %parallel_loop3A_521, %parallel_loop3A_522] {strides = array<i32>} : memref<2x16x768xf32, #tpu.memory_space<vmem>>, vector<16xf32>,
        %parallel_loop3A_524 = arith.fptosi %parallel_loop3A_523 : vector<16xf32> to vector<16xi32>
        %parallel_loop3A_525 = tpu.vector_load_idx %arg12[%parallel_loop3A_524] : memref<256xf32, #tpu.memory_space<vmem>>[vector<16xi32>], vector<16xf32>,
        %parallel_loop3A_526 = arith.constant 1 : i32
        %parallel_loop3A_527 = arith.index_cast %parallel_loop3A_526 : i32 to index
        %parallel_loop3A_528 = arith.index_cast %parallel_loop3A_518 : i32 to index
        %parallel_loop3A_529 = arith.constant 0 : index
        %parallel_loop3A_530 = tpu.vector_load %arg14[%parallel_loop3A_527, %parallel_loop3A_528, %parallel_loop3A_529] {strides = array<i32>} : memref<2x16x768xf32, #tpu.memory_space<vmem>>, vector<16xf32>,
        tpu.vector_store %arg14[%parallel_loop3A_527, %parallel_loop3A_528, %parallel_loop3A_529], %parallel_loop3A_525 {strides = array<i32>} : memref<2x16x768xf32, #tpu.memory_space<vmem>>, vector<16xf32>,
        %parallel_loop3A_531 = arith.constant 1 : i32
        %parallel_loop3A_532 = arith.index_cast %parallel_loop3A_531 : i32 to index
        %parallel_loop3A_533 = arith.index_cast %parallel_loop3A_518 : i32 to index
        %parallel_loop3A_534 = arith.constant 16 : index
        %parallel_loop3A_535 = tpu.vector_load %arg13[%parallel_loop3A_532, %parallel_loop3A_533, %parallel_loop3A_534] {strides = array<i32>} : memref<2x16x768xf32, #tpu.memory_space<vmem>>, vector<16xf32>,
        %parallel_loop3A_536 = arith.fptosi %parallel_loop3A_535 : vector<16xf32> to vector<16xi32>
        %parallel_loop3A_537 = tpu.vector_load_idx %arg12[%parallel_loop3A_536] : memref<256xf32, #tpu.memory_space<vmem>>[vector<16xi32>], vector<16xf32>,
        %parallel_loop3A_538 = arith.constant 1 : i32
        %parallel_loop3A_539 = arith.index_cast %parallel_loop3A_538 : i32 to index
        %parallel_loop3A_540 = arith.index_cast %parallel_loop3A_518 : i32 to index
        %parallel_loop3A_541 = arith.constant 16 : index
        %parallel_loop3A_542 = tpu.vector_load %arg14[%parallel_loop3A_539, %parallel_loop3A_540, %parallel_loop3A_541] {strides = array<i32>} : memref<2x16x768xf32, #tpu.memory_space<vmem>>, vector<16xf32>,
        tpu.vector_store %arg14[%parallel_loop3A_539, %parallel_loop3A_540, %parallel_loop3A_541], %parallel_loop3A_537 {strides = array<i32>} : memref<2x16x768xf32, #tpu.memory_space<vmem>>, vector<16xf32>,
        %parallel_loop3A_543 = arith.constant 1 : i32
        %parallel_loop3A_544 = arith.index_cast %parallel_loop3A_543 : i32 to index
        %parallel_loop3A_545 = arith.index_cast %parallel_loop3A_518 : i32 to index
        %parallel_loop3A_546 = arith.constant 32 : index
        %parallel_loop3A_547 = tpu.vector_load %arg13[%parallel_loop3A_544, %parallel_loop3A_545, %parallel_loop3A_546] {strides = array<i32>} : memref<2x16x768xf32, #tpu.memory_space<vmem>>, vector<16xf32>,
        %parallel_loop3A_548 = arith.fptosi %parallel_loop3A_547 : vector<16xf32> to vector<16xi32>
        %parallel_loop3A_549 = tpu.vector_load_idx %arg12[%parallel_loop3A_548] : memref<256xf32, #tpu.memory_space<vmem>>[vector<16xi32>], vector<16xf32>,
        %parallel_loop3A_550 = arith.constant 1 : i32
        %parallel_loop3A_551 = arith.index_cast %parallel_loop3A_550 : i32 to index
        %parallel_loop3A_552 = arith.index_cast %parallel_loop3A_518 : i32 to index
        %parallel_loop3A_553 = arith.constant 32 : index
        %parallel_loop3A_554 = tpu.vector_load %arg14[%parallel_loop3A_551, %parallel_loop3A_552, %parallel_loop3A_553] {strides = array<i32>} : memref<2x16x768xf32, #tpu.memory_space<vmem>>, vector<16xf32>,
        tpu.vector_store %arg14[%parallel_loop3A_551, %parallel_loop3A_552, %parallel_loop3A_553], %parallel_loop3A_549 {strides = array<i32>} : memref<2x16x768xf32, #tpu.memory_space<vmem>>, vector<16xf32>,
        %parallel_loop3A_555 = arith.constant 1 : i32
        %parallel_loop3A_556 = arith.index_cast %parallel_loop3A_555 : i32 to index
        %parallel_loop3A_557 = arith.index_cast %parallel_loop3A_518 : i32 to index
        %parallel_loop3A_558 = arith.constant 48 : index
        %parallel_loop3A_559 = tpu.vector_load %arg13[%parallel_loop3A_556, %parallel_loop3A_557, %parallel_loop3A_558] {strides = array<i32>} : memref<2x16x768xf32, #tpu.memory_space<vmem>>, vector<16xf32>,
        %parallel_loop3A_560 = arith.fptosi %parallel_loop3A_559 : vector<16xf32> to vector<16xi32>
        %parallel_loop3A_561 = tpu.vector_load_idx %arg12[%parallel_loop3A_560] : memref<256xf32, #tpu.memory_space<vmem>>[vector<16xi32>], vector<16xf32>,
        %parallel_loop3A_562 = arith.constant 1 : i32
        %parallel_loop3A_563 = arith.index_cast %parallel_loop3A_562 : i32 to index
        %parallel_loop3A_564 = arith.index_cast %parallel_loop3A_518 : i32 to index
        %parallel_loop3A_565 = arith.constant 48 : index
        %parallel_loop3A_566 = tpu.vector_load %arg14[%parallel_loop3A_563, %parallel_loop3A_564, %parallel_loop3A_565] {strides = array<i32>} : memref<2x16x768xf32, #tpu.memory_space<vmem>>, vector<16xf32>,
        tpu.vector_store %arg14[%parallel_loop3A_563, %parallel_loop3A_564, %parallel_loop3A_565], %parallel_loop3A_561 {strides = array<i32>} : memref<2x16x768xf32, #tpu.memory_space<vmem>>, vector<16xf32>,
        %parallel_loop3A_567 = arith.constant 1 : i32
        %parallel_loop3A_568 = arith.index_cast %parallel_loop3A_567 : i32 to index
        %parallel_loop3A_569 = arith.index_cast %parallel_loop3A_518 : i32 to index
        %parallel_loop3A_570 = arith.constant 64 : index
        %parallel_loop3A_571 = tpu.vector_load %arg13[%parallel_loop3A_568, %parallel_loop3A_569, %parallel_loop3A_570] {strides = array<i32>} : memref<2x16x768xf32, #tpu.memory_space<vmem>>, vector<16xf32>,
        %parallel_loop3A_572 = arith.fptosi %parallel_loop3A_571 : vector<16xf32> to vector<16xi32>
        %parallel_loop3A_573 = tpu.vector_load_idx %arg12[%parallel_loop3A_572] : memref<256xf32, #tpu.memory_space<vmem>>[vector<16xi32>], vector<16xf32>,
        %parallel_loop3A_574 = arith.constant 1 : i32
        %parallel_loop3A_575 = arith.index_cast %parallel_loop3A_574 : i32 to index
        %parallel_loop3A_576 = arith.index_cast %parallel_loop3A_518 : i32 to index
        %parallel_loop3A_577 = arith.constant 64 : index
        %parallel_loop3A_578 = tpu.vector_load %arg14[%parallel_loop3A_575, %parallel_loop3A_576, %parallel_loop3A_577] {strides = array<i32>} : memref<2x16x768xf32, #tpu.memory_space<vmem>>, vector<16xf32>,
        tpu.vector_store %arg14[%parallel_loop3A_575, %parallel_loop3A_576, %parallel_loop3A_577], %parallel_loop3A_573 {strides = array<i32>} : memref<2x16x768xf32, #tpu.memory_space<vmem>>, vector<16xf32>,
        %parallel_loop3A_579 = arith.constant 1 : i32
        %parallel_loop3A_580 = arith.index_cast %parallel_loop3A_579 : i32 to index
        %parallel_loop3A_581 = arith.index_cast %parallel_loop3A_518 : i32 to index
        %parallel_loop3A_582 = arith.constant 80 : index
        %parallel_loop3A_583 = tpu.vector_load %arg13[%parallel_loop3A_580, %parallel_loop3A_581, %parallel_loop3A_582] {strides = array<i32>} : memref<2x16x768xf32, #tpu.memory_space<vmem>>, vector<16xf32>,
        %parallel_loop3A_584 = arith.fptosi %parallel_loop3A_583 : vector<16xf32> to vector<16xi32>
        %parallel_loop3A_585 = tpu.vector_load_idx %arg12[%parallel_loop3A_584] : memref<256xf32, #tpu.memory_space<vmem>>[vector<16xi32>], vector<16xf32>,
        %parallel_loop3A_586 = arith.constant 1 : i32
        %parallel_loop3A_587 = arith.index_cast %parallel_loop3A_586 : i32 to index
        %parallel_loop3A_588 = arith.index_cast %parallel_loop3A_518 : i32 to index
        %parallel_loop3A_589 = arith.constant 80 : index
        %parallel_loop3A_590 = tpu.vector_load %arg14[%parallel_loop3A_587, %parallel_loop3A_588, %parallel_loop3A_589] {strides = array<i32>} : memref<2x16x768xf32, #tpu.memory_space<vmem>>, vector<16xf32>,
        tpu.vector_store %arg14[%parallel_loop3A_587, %parallel_loop3A_588, %parallel_loop3A_589], %parallel_loop3A_585 {strides = array<i32>} : memref<2x16x768xf32, #tpu.memory_space<vmem>>, vector<16xf32>,
        %parallel_loop3A_591 = arith.constant 1 : i32
        %parallel_loop3A_592 = arith.index_cast %parallel_loop3A_591 : i32 to index
        %parallel_loop3A_593 = arith.index_cast %parallel_loop3A_518 : i32 to index
        %parallel_loop3A_594 = arith.constant 96 : index
        %parallel_loop3A_595 = tpu.vector_load %arg13[%parallel_loop3A_592, %parallel_loop3A_593, %parallel_loop3A_594] {strides = array<i32>} : memref<2x16x768xf32, #tpu.memory_space<vmem>>, vector<16xf32>,
        %parallel_loop3A_596 = arith.fptosi %parallel_loop3A_595 : vector<16xf32> to vector<16xi32>
        %parallel_loop3A_597 = tpu.vector_load_idx %arg12[%parallel_loop3A_596] : memref<256xf32, #tpu.memory_space<vmem>>[vector<16xi32>], vector<16xf32>,
        %parallel_loop3A_598 = arith.constant 1 : i32
        %parallel_loop3A_599 = arith.index_cast %parallel_loop3A_598 : i32 to index
        %parallel_loop3A_600 = arith.index_cast %parallel_loop3A_518 : i32 to index
        %parallel_loop3A_601 = arith.constant 96 : index
        %parallel_loop3A_602 = tpu.vector_load %arg14[%parallel_loop3A_599, %parallel_loop3A_600, %parallel_loop3A_601] {strides = array<i32>} : memref<2x16x768xf32, #tpu.memory_space<vmem>>, vector<16xf32>,
        tpu.vector_store %arg14[%parallel_loop3A_599, %parallel_loop3A_600, %parallel_loop3A_601], %parallel_loop3A_597 {strides = array<i32>} : memref<2x16x768xf32, #tpu.memory_space<vmem>>, vector<16xf32>,
        %parallel_loop3A_603 = arith.constant 1 : i32
        %parallel_loop3A_604 = arith.index_cast %parallel_loop3A_603 : i32 to index
        %parallel_loop3A_605 = arith.index_cast %parallel_loop3A_518 : i32 to index
        %parallel_loop3A_606 = arith.constant 112 : index
        %parallel_loop3A_607 = tpu.vector_load %arg13[%parallel_loop3A_604, %parallel_loop3A_605, %parallel_loop3A_606] {strides = array<i32>} : memref<2x16x768xf32, #tpu.memory_space<vmem>>, vector<16xf32>,
        %parallel_loop3A_608 = arith.fptosi %parallel_loop3A_607 : vector<16xf32> to vector<16xi32>
        %parallel_loop3A_609 = tpu.vector_load_idx %arg12[%parallel_loop3A_608] : memref<256xf32, #tpu.memory_space<vmem>>[vector<16xi32>], vector<16xf32>,
        %parallel_loop3A_610 = arith.constant 1 : i32
        %parallel_loop3A_611 = arith.index_cast %parallel_loop3A_610 : i32 to index
        %parallel_loop3A_612 = arith.index_cast %parallel_loop3A_518 : i32 to index
        %parallel_loop3A_613 = arith.constant 112 : index
        %parallel_loop3A_614 = tpu.vector_load %arg14[%parallel_loop3A_611, %parallel_loop3A_612, %parallel_loop3A_613] {strides = array<i32>} : memref<2x16x768xf32, #tpu.memory_space<vmem>>, vector<16xf32>,
        tpu.vector_store %arg14[%parallel_loop3A_611, %parallel_loop3A_612, %parallel_loop3A_613], %parallel_loop3A_609 {strides = array<i32>} : memref<2x16x768xf32, #tpu.memory_space<vmem>>, vector<16xf32>,
        %parallel_loop3A_615 = arith.constant 1 : i32
        %parallel_loop3A_616 = arith.index_cast %parallel_loop3A_615 : i32 to index
        %parallel_loop3A_617 = arith.index_cast %parallel_loop3A_518 : i32 to index
        %parallel_loop3A_618 = arith.constant 128 : index
        %parallel_loop3A_619 = tpu.vector_load %arg13[%parallel_loop3A_616, %parallel_loop3A_617, %parallel_loop3A_618] {strides = array<i32>} : memref<2x16x768xf32, #tpu.memory_space<vmem>>, vector<16xf32>,
        %parallel_loop3A_620 = arith.fptosi %parallel_loop3A_619 : vector<16xf32> to vector<16xi32>
        %parallel_loop3A_621 = tpu.vector_load_idx %arg12[%parallel_loop3A_620] : memref<256xf32, #tpu.memory_space<vmem>>[vector<16xi32>], vector<16xf32>,
        %parallel_loop3A_622 = arith.constant 1 : i32
        %parallel_loop3A_623 = arith.index_cast %parallel_loop3A_622 : i32 to index
        %parallel_loop3A_624 = arith.index_cast %parallel_loop3A_518 : i32 to index
        %parallel_loop3A_625 = arith.constant 128 : index
        %parallel_loop3A_626 = tpu.vector_load %arg14[%parallel_loop3A_623, %parallel_loop3A_624, %parallel_loop3A_625] {strides = array<i32>} : memref<2x16x768xf32, #tpu.memory_space<vmem>>, vector<16xf32>,
        tpu.vector_store %arg14[%parallel_loop3A_623, %parallel_loop3A_624, %parallel_loop3A_625], %parallel_loop3A_621 {strides = array<i32>} : memref<2x16x768xf32, #tpu.memory_space<vmem>>, vector<16xf32>,
        %parallel_loop3A_627 = arith.constant 1 : i32
        %parallel_loop3A_628 = arith.index_cast %parallel_loop3A_627 : i32 to index
        %parallel_loop3A_629 = arith.index_cast %parallel_loop3A_518 : i32 to index
        %parallel_loop3A_630 = arith.constant 144 : index
        %parallel_loop3A_631 = tpu.vector_load %arg13[%parallel_loop3A_628, %parallel_loop3A_629, %parallel_loop3A_630] {strides = array<i32>} : memref<2x16x768xf32, #tpu.memory_space<vmem>>, vector<16xf32>,
        %parallel_loop3A_632 = arith.fptosi %parallel_loop3A_631 : vector<16xf32> to vector<16xi32>
        %parallel_loop3A_633 = tpu.vector_load_idx %arg12[%parallel_loop3A_632] : memref<256xf32, #tpu.memory_space<vmem>>[vector<16xi32>], vector<16xf32>,
        %parallel_loop3A_634 = arith.constant 1 : i32
        %parallel_loop3A_635 = arith.index_cast %parallel_loop3A_634 : i32 to index
        %parallel_loop3A_636 = arith.index_cast %parallel_loop3A_518 : i32 to index
        %parallel_loop3A_637 = arith.constant 144 : index
        %parallel_loop3A_638 = tpu.vector_load %arg14[%parallel_loop3A_635, %parallel_loop3A_636, %parallel_loop3A_637] {strides = array<i32>} : memref<2x16x768xf32, #tpu.memory_space<vmem>>, vector<16xf32>,
        tpu.vector_store %arg14[%parallel_loop3A_635, %parallel_loop3A_636, %parallel_loop3A_637], %parallel_loop3A_633 {strides = array<i32>} : memref<2x16x768xf32, #tpu.memory_space<vmem>>, vector<16xf32>,
        %parallel_loop3A_639 = arith.constant 1 : i32
        %parallel_loop3A_640 = arith.index_cast %parallel_loop3A_639 : i32 to index
        %parallel_loop3A_641 = arith.index_cast %parallel_loop3A_518 : i32 to index
        %parallel_loop3A_642 = arith.constant 160 : index
        %parallel_loop3A_643 = tpu.vector_load %arg13[%parallel_loop3A_640, %parallel_loop3A_641, %parallel_loop3A_642] {strides = array<i32>} : memref<2x16x768xf32, #tpu.memory_space<vmem>>, vector<16xf32>,
        %parallel_loop3A_644 = arith.fptosi %parallel_loop3A_643 : vector<16xf32> to vector<16xi32>
        %parallel_loop3A_645 = tpu.vector_load_idx %arg12[%parallel_loop3A_644] : memref<256xf32, #tpu.memory_space<vmem>>[vector<16xi32>], vector<16xf32>,
        %parallel_loop3A_646 = arith.constant 1 : i32
        %parallel_loop3A_647 = arith.index_cast %parallel_loop3A_646 : i32 to index
        %parallel_loop3A_648 = arith.index_cast %parallel_loop3A_518 : i32 to index
        %parallel_loop3A_649 = arith.constant 160 : index
        %parallel_loop3A_650 = tpu.vector_load %arg14[%parallel_loop3A_647, %parallel_loop3A_648, %parallel_loop3A_649] {strides = array<i32>} : memref<2x16x768xf32, #tpu.memory_space<vmem>>, vector<16xf32>,
        tpu.vector_store %arg14[%parallel_loop3A_647, %parallel_loop3A_648, %parallel_loop3A_649], %parallel_loop3A_645 {strides = array<i32>} : memref<2x16x768xf32, #tpu.memory_space<vmem>>, vector<16xf32>,
        %parallel_loop3A_651 = arith.constant 1 : i32
        %parallel_loop3A_652 = arith.index_cast %parallel_loop3A_651 : i32 to index
        %parallel_loop3A_653 = arith.index_cast %parallel_loop3A_518 : i32 to index
        %parallel_loop3A_654 = arith.constant 176 : index
        %parallel_loop3A_655 = tpu.vector_load %arg13[%parallel_loop3A_652, %parallel_loop3A_653, %parallel_loop3A_654] {strides = array<i32>} : memref<2x16x768xf32, #tpu.memory_space<vmem>>, vector<16xf32>,
        %parallel_loop3A_656 = arith.fptosi %parallel_loop3A_655 : vector<16xf32> to vector<16xi32>
        %parallel_loop3A_657 = tpu.vector_load_idx %arg12[%parallel_loop3A_656] : memref<256xf32, #tpu.memory_space<vmem>>[vector<16xi32>], vector<16xf32>,
        %parallel_loop3A_658 = arith.constant 1 : i32
        %parallel_loop3A_659 = arith.index_cast %parallel_loop3A_658 : i32 to index
        %parallel_loop3A_660 = arith.index_cast %parallel_loop3A_518 : i32 to index
        %parallel_loop3A_661 = arith.constant 176 : index
        %parallel_loop3A_662 = tpu.vector_load %arg14[%parallel_loop3A_659, %parallel_loop3A_660, %parallel_loop3A_661] {strides = array<i32>} : memref<2x16x768xf32, #tpu.memory_space<vmem>>, vector<16xf32>,
        tpu.vector_store %arg14[%parallel_loop3A_659, %parallel_loop3A_660, %parallel_loop3A_661], %parallel_loop3A_657 {strides = array<i32>} : memref<2x16x768xf32, #tpu.memory_space<vmem>>, vector<16xf32>,
        %parallel_loop3A_663 = arith.constant 1 : i32
        %parallel_loop3A_664 = arith.index_cast %parallel_loop3A_663 : i32 to index
        %parallel_loop3A_665 = arith.index_cast %parallel_loop3A_518 : i32 to index
        %parallel_loop3A_666 = arith.constant 192 : index
        %parallel_loop3A_667 = tpu.vector_load %arg13[%parallel_loop3A_664, %parallel_loop3A_665, %parallel_loop3A_666] {strides = array<i32>} : memref<2x16x768xf32, #tpu.memory_space<vmem>>, vector<16xf32>,
        %parallel_loop3A_668 = arith.fptosi %parallel_loop3A_667 : vector<16xf32> to vector<16xi32>
        %parallel_loop3A_669 = tpu.vector_load_idx %arg12[%parallel_loop3A_668] : memref<256xf32, #tpu.memory_space<vmem>>[vector<16xi32>], vector<16xf32>,
        %parallel_loop3A_670 = arith.constant 1 : i32
        %parallel_loop3A_671 = arith.index_cast %parallel_loop3A_670 : i32 to index
        %parallel_loop3A_672 = arith.index_cast %parallel_loop3A_518 : i32 to index
        %parallel_loop3A_673 = arith.constant 192 : index
        %parallel_loop3A_674 = tpu.vector_load %arg14[%parallel_loop3A_671, %parallel_loop3A_672, %parallel_loop3A_673] {strides = array<i32>} : memref<2x16x768xf32, #tpu.memory_space<vmem>>, vector<16xf32>,
        tpu.vector_store %arg14[%parallel_loop3A_671, %parallel_loop3A_672, %parallel_loop3A_673], %parallel_loop3A_669 {strides = array<i32>} : memref<2x16x768xf32, #tpu.memory_space<vmem>>, vector<16xf32>,
        %parallel_loop3A_675 = arith.constant 1 : i32
        %parallel_loop3A_676 = arith.index_cast %parallel_loop3A_675 : i32 to index
        %parallel_loop3A_677 = arith.index_cast %parallel_loop3A_518 : i32 to index
        %parallel_loop3A_678 = arith.constant 208 : index
        %parallel_loop3A_679 = tpu.vector_load %arg13[%parallel_loop3A_676, %parallel_loop3A_677, %parallel_loop3A_678] {strides = array<i32>} : memref<2x16x768xf32, #tpu.memory_space<vmem>>, vector<16xf32>,
        %parallel_loop3A_680 = arith.fptosi %parallel_loop3A_679 : vector<16xf32> to vector<16xi32>
        %parallel_loop3A_681 = tpu.vector_load_idx %arg12[%parallel_loop3A_680] : memref<256xf32, #tpu.memory_space<vmem>>[vector<16xi32>], vector<16xf32>,
        %parallel_loop3A_682 = arith.constant 1 : i32
        %parallel_loop3A_683 = arith.index_cast %parallel_loop3A_682 : i32 to index
        %parallel_loop3A_684 = arith.index_cast %parallel_loop3A_518 : i32 to index
        %parallel_loop3A_685 = arith.constant 208 : index
        %parallel_loop3A_686 = tpu.vector_load %arg14[%parallel_loop3A_683, %parallel_loop3A_684, %parallel_loop3A_685] {strides = array<i32>} : memref<2x16x768xf32, #tpu.memory_space<vmem>>, vector<16xf32>,
        tpu.vector_store %arg14[%parallel_loop3A_683, %parallel_loop3A_684, %parallel_loop3A_685], %parallel_loop3A_681 {strides = array<i32>} : memref<2x16x768xf32, #tpu.memory_space<vmem>>, vector<16xf32>,
        %parallel_loop3A_687 = arith.constant 1 : i32
        %parallel_loop3A_688 = arith.index_cast %parallel_loop3A_687 : i32 to index
        %parallel_loop3A_689 = arith.index_cast %parallel_loop3A_518 : i32 to index
        %parallel_loop3A_690 = arith.constant 224 : index
        %parallel_loop3A_691 = tpu.vector_load %arg13[%parallel_loop3A_688, %parallel_loop3A_689, %parallel_loop3A_690] {strides = array<i32>} : memref<2x16x768xf32, #tpu.memory_space<vmem>>, vector<16xf32>,
        %parallel_loop3A_692 = arith.fptosi %parallel_loop3A_691 : vector<16xf32> to vector<16xi32>
        %parallel_loop3A_693 = tpu.vector_load_idx %arg12[%parallel_loop3A_692] : memref<256xf32, #tpu.memory_space<vmem>>[vector<16xi32>], vector<16xf32>,
        %parallel_loop3A_694 = arith.constant 1 : i32
        %parallel_loop3A_695 = arith.index_cast %parallel_loop3A_694 : i32 to index
        %parallel_loop3A_696 = arith.index_cast %parallel_loop3A_518 : i32 to index
        %parallel_loop3A_697 = arith.constant 224 : index
        %parallel_loop3A_698 = tpu.vector_load %arg14[%parallel_loop3A_695, %parallel_loop3A_696, %parallel_loop3A_697] {strides = array<i32>} : memref<2x16x768xf32, #tpu.memory_space<vmem>>, vector<16xf32>,
        tpu.vector_store %arg14[%parallel_loop3A_695, %parallel_loop3A_696, %parallel_loop3A_697], %parallel_loop3A_693 {strides = array<i32>} : memref<2x16x768xf32, #tpu.memory_space<vmem>>, vector<16xf32>,
        %parallel_loop3A_699 = arith.constant 1 : i32
        %parallel_loop3A_700 = arith.index_cast %parallel_loop3A_699 : i32 to index
        %parallel_loop3A_701 = arith.index_cast %parallel_loop3A_518 : i32 to index
        %parallel_loop3A_702 = arith.constant 240 : index
        %parallel_loop3A_703 = tpu.vector_load %arg13[%parallel_loop3A_700, %parallel_loop3A_701, %parallel_loop3A_702] {strides = array<i32>} : memref<2x16x768xf32, #tpu.memory_space<vmem>>, vector<16xf32>,
        %parallel_loop3A_704 = arith.fptosi %parallel_loop3A_703 : vector<16xf32> to vector<16xi32>
        %parallel_loop3A_705 = tpu.vector_load_idx %arg12[%parallel_loop3A_704] : memref<256xf32, #tpu.memory_space<vmem>>[vector<16xi32>], vector<16xf32>,
        %parallel_loop3A_706 = arith.constant 1 : i32
        %parallel_loop3A_707 = arith.index_cast %parallel_loop3A_706 : i32 to index
        %parallel_loop3A_708 = arith.index_cast %parallel_loop3A_518 : i32 to index
        %parallel_loop3A_709 = arith.constant 240 : index
        %parallel_loop3A_710 = tpu.vector_load %arg14[%parallel_loop3A_707, %parallel_loop3A_708, %parallel_loop3A_709] {strides = array<i32>} : memref<2x16x768xf32, #tpu.memory_space<vmem>>, vector<16xf32>,
        tpu.vector_store %arg14[%parallel_loop3A_707, %parallel_loop3A_708, %parallel_loop3A_709], %parallel_loop3A_705 {strides = array<i32>} : memref<2x16x768xf32, #tpu.memory_space<vmem>>, vector<16xf32>,
        %parallel_loop3A_711 = arith.constant 1 : i32
        %parallel_loop3A_712 = arith.index_cast %parallel_loop3A_711 : i32 to index
        %parallel_loop3A_713 = arith.index_cast %parallel_loop3A_518 : i32 to index
        %parallel_loop3A_714 = arith.constant 256 : index
        %parallel_loop3A_715 = tpu.vector_load %arg13[%parallel_loop3A_712, %parallel_loop3A_713, %parallel_loop3A_714] {strides = array<i32>} : memref<2x16x768xf32, #tpu.memory_space<vmem>>, vector<16xf32>,
        %parallel_loop3A_716 = arith.fptosi %parallel_loop3A_715 : vector<16xf32> to vector<16xi32>
        %parallel_loop3A_717 = tpu.vector_load_idx %arg12[%parallel_loop3A_716] : memref<256xf32, #tpu.memory_space<vmem>>[vector<16xi32>], vector<16xf32>,
        %parallel_loop3A_718 = arith.constant 1 : i32
        %parallel_loop3A_719 = arith.index_cast %parallel_loop3A_718 : i32 to index
        %parallel_loop3A_720 = arith.index_cast %parallel_loop3A_518 : i32 to index
        %parallel_loop3A_721 = arith.constant 256 : index
        %parallel_loop3A_722 = tpu.vector_load %arg14[%parallel_loop3A_719, %parallel_loop3A_720, %parallel_loop3A_721] {strides = array<i32>} : memref<2x16x768xf32, #tpu.memory_space<vmem>>, vector<16xf32>,
        tpu.vector_store %arg14[%parallel_loop3A_719, %parallel_loop3A_720, %parallel_loop3A_721], %parallel_loop3A_717 {strides = array<i32>} : memref<2x16x768xf32, #tpu.memory_space<vmem>>, vector<16xf32>,
        %parallel_loop3A_723 = arith.constant 1 : i32
        %parallel_loop3A_724 = arith.index_cast %parallel_loop3A_723 : i32 to index
        %parallel_loop3A_725 = arith.index_cast %parallel_loop3A_518 : i32 to index
        %parallel_loop3A_726 = arith.constant 272 : index
        %parallel_loop3A_727 = tpu.vector_load %arg13[%parallel_loop3A_724, %parallel_loop3A_725, %parallel_loop3A_726] {strides = array<i32>} : memref<2x16x768xf32, #tpu.memory_space<vmem>>, vector<16xf32>,
        %parallel_loop3A_728 = arith.fptosi %parallel_loop3A_727 : vector<16xf32> to vector<16xi32>
        %parallel_loop3A_729 = tpu.vector_load_idx %arg12[%parallel_loop3A_728] : memref<256xf32, #tpu.memory_space<vmem>>[vector<16xi32>], vector<16xf32>,
        %parallel_loop3A_730 = arith.constant 1 : i32
        %parallel_loop3A_731 = arith.index_cast %parallel_loop3A_730 : i32 to index
        %parallel_loop3A_732 = arith.index_cast %parallel_loop3A_518 : i32 to index
        %parallel_loop3A_733 = arith.constant 272 : index
        %parallel_loop3A_734 = tpu.vector_load %arg14[%parallel_loop3A_731, %parallel_loop3A_732, %parallel_loop3A_733] {strides = array<i32>} : memref<2x16x768xf32, #tpu.memory_space<vmem>>, vector<16xf32>,
        tpu.vector_store %arg14[%parallel_loop3A_731, %parallel_loop3A_732, %parallel_loop3A_733], %parallel_loop3A_729 {strides = array<i32>} : memref<2x16x768xf32, #tpu.memory_space<vmem>>, vector<16xf32>,
        %parallel_loop3A_735 = arith.constant 1 : i32
        %parallel_loop3A_736 = arith.index_cast %parallel_loop3A_735 : i32 to index
        %parallel_loop3A_737 = arith.index_cast %parallel_loop3A_518 : i32 to index
        %parallel_loop3A_738 = arith.constant 288 : index
        %parallel_loop3A_739 = tpu.vector_load %arg13[%parallel_loop3A_736, %parallel_loop3A_737, %parallel_loop3A_738] {strides = array<i32>} : memref<2x16x768xf32, #tpu.memory_space<vmem>>, vector<16xf32>,
        %parallel_loop3A_740 = arith.fptosi %parallel_loop3A_739 : vector<16xf32> to vector<16xi32>
        %parallel_loop3A_741 = tpu.vector_load_idx %arg12[%parallel_loop3A_740] : memref<256xf32, #tpu.memory_space<vmem>>[vector<16xi32>], vector<16xf32>,
        %parallel_loop3A_742 = arith.constant 1 : i32
        %parallel_loop3A_743 = arith.index_cast %parallel_loop3A_742 : i32 to index
        %parallel_loop3A_744 = arith.index_cast %parallel_loop3A_518 : i32 to index
        %parallel_loop3A_745 = arith.constant 288 : index
        %parallel_loop3A_746 = tpu.vector_load %arg14[%parallel_loop3A_743, %parallel_loop3A_744, %parallel_loop3A_745] {strides = array<i32>} : memref<2x16x768xf32, #tpu.memory_space<vmem>>, vector<16xf32>,
        tpu.vector_store %arg14[%parallel_loop3A_743, %parallel_loop3A_744, %parallel_loop3A_745], %parallel_loop3A_741 {strides = array<i32>} : memref<2x16x768xf32, #tpu.memory_space<vmem>>, vector<16xf32>,
        %parallel_loop3A_747 = arith.constant 1 : i32
        %parallel_loop3A_748 = arith.index_cast %parallel_loop3A_747 : i32 to index
        %parallel_loop3A_749 = arith.index_cast %parallel_loop3A_518 : i32 to index
        %parallel_loop3A_750 = arith.constant 304 : index
        %parallel_loop3A_751 = tpu.vector_load %arg13[%parallel_loop3A_748, %parallel_loop3A_749, %parallel_loop3A_750] {strides = array<i32>} : memref<2x16x768xf32, #tpu.memory_space<vmem>>, vector<16xf32>,
        %parallel_loop3A_752 = arith.fptosi %parallel_loop3A_751 : vector<16xf32> to vector<16xi32>
        %parallel_loop3A_753 = tpu.vector_load_idx %arg12[%parallel_loop3A_752] : memref<256xf32, #tpu.memory_space<vmem>>[vector<16xi32>], vector<16xf32>,
        %parallel_loop3A_754 = arith.constant 1 : i32
        %parallel_loop3A_755 = arith.index_cast %parallel_loop3A_754 : i32 to index
        %parallel_loop3A_756 = arith.index_cast %parallel_loop3A_518 : i32 to index
        %parallel_loop3A_757 = arith.constant 304 : index
        %parallel_loop3A_758 = tpu.vector_load %arg14[%parallel_loop3A_755, %parallel_loop3A_756, %parallel_loop3A_757] {strides = array<i32>} : memref<2x16x768xf32, #tpu.memory_space<vmem>>, vector<16xf32>,
        tpu.vector_store %arg14[%parallel_loop3A_755, %parallel_loop3A_756, %parallel_loop3A_757], %parallel_loop3A_753 {strides = array<i32>} : memref<2x16x768xf32, #tpu.memory_space<vmem>>, vector<16xf32>,
        %parallel_loop3A_759 = arith.constant 1 : i32
        %parallel_loop3A_760 = arith.index_cast %parallel_loop3A_759 : i32 to index
        %parallel_loop3A_761 = arith.index_cast %parallel_loop3A_518 : i32 to index
        %parallel_loop3A_762 = arith.constant 320 : index
        %parallel_loop3A_763 = tpu.vector_load %arg13[%parallel_loop3A_760, %parallel_loop3A_761, %parallel_loop3A_762] {strides = array<i32>} : memref<2x16x768xf32, #tpu.memory_space<vmem>>, vector<16xf32>,
        %parallel_loop3A_764 = arith.fptosi %parallel_loop3A_763 : vector<16xf32> to vector<16xi32>
        %parallel_loop3A_765 = tpu.vector_load_idx %arg12[%parallel_loop3A_764] : memref<256xf32, #tpu.memory_space<vmem>>[vector<16xi32>], vector<16xf32>,
        %parallel_loop3A_766 = arith.constant 1 : i32
        %parallel_loop3A_767 = arith.index_cast %parallel_loop3A_766 : i32 to index
        %parallel_loop3A_768 = arith.index_cast %parallel_loop3A_518 : i32 to index
        %parallel_loop3A_769 = arith.constant 320 : index
        %parallel_loop3A_770 = tpu.vector_load %arg14[%parallel_loop3A_767, %parallel_loop3A_768, %parallel_loop3A_769] {strides = array<i32>} : memref<2x16x768xf32, #tpu.memory_space<vmem>>, vector<16xf32>,
        tpu.vector_store %arg14[%parallel_loop3A_767, %parallel_loop3A_768, %parallel_loop3A_769], %parallel_loop3A_765 {strides = array<i32>} : memref<2x16x768xf32, #tpu.memory_space<vmem>>, vector<16xf32>,
        %parallel_loop3A_771 = arith.constant 1 : i32
        %parallel_loop3A_772 = arith.index_cast %parallel_loop3A_771 : i32 to index
        %parallel_loop3A_773 = arith.index_cast %parallel_loop3A_518 : i32 to index
        %parallel_loop3A_774 = arith.constant 336 : index
        %parallel_loop3A_775 = tpu.vector_load %arg13[%parallel_loop3A_772, %parallel_loop3A_773, %parallel_loop3A_774] {strides = array<i32>} : memref<2x16x768xf32, #tpu.memory_space<vmem>>, vector<16xf32>,
        %parallel_loop3A_776 = arith.fptosi %parallel_loop3A_775 : vector<16xf32> to vector<16xi32>
        %parallel_loop3A_777 = tpu.vector_load_idx %arg12[%parallel_loop3A_776] : memref<256xf32, #tpu.memory_space<vmem>>[vector<16xi32>], vector<16xf32>,
        %parallel_loop3A_778 = arith.constant 1 : i32
        %parallel_loop3A_779 = arith.index_cast %parallel_loop3A_778 : i32 to index
        %parallel_loop3A_780 = arith.index_cast %parallel_loop3A_518 : i32 to index
        %parallel_loop3A_781 = arith.constant 336 : index
        %parallel_loop3A_782 = tpu.vector_load %arg14[%parallel_loop3A_779, %parallel_loop3A_780, %parallel_loop3A_781] {strides = array<i32>} : memref<2x16x768xf32, #tpu.memory_space<vmem>>, vector<16xf32>,
        tpu.vector_store %arg14[%parallel_loop3A_779, %parallel_loop3A_780, %parallel_loop3A_781], %parallel_loop3A_777 {strides = array<i32>} : memref<2x16x768xf32, #tpu.memory_space<vmem>>, vector<16xf32>,
        %parallel_loop3A_783 = arith.constant 1 : i32
        %parallel_loop3A_784 = arith.index_cast %parallel_loop3A_783 : i32 to index
        %parallel_loop3A_785 = arith.index_cast %parallel_loop3A_518 : i32 to index
        %parallel_loop3A_786 = arith.constant 352 : index
        %parallel_loop3A_787 = tpu.vector_load %arg13[%parallel_loop3A_784, %parallel_loop3A_785, %parallel_loop3A_786] {strides = array<i32>} : memref<2x16x768xf32, #tpu.memory_space<vmem>>, vector<16xf32>,
        %parallel_loop3A_788 = arith.fptosi %parallel_loop3A_787 : vector<16xf32> to vector<16xi32>
        %parallel_loop3A_789 = tpu.vector_load_idx %arg12[%parallel_loop3A_788] : memref<256xf32, #tpu.memory_space<vmem>>[vector<16xi32>], vector<16xf32>,
        %parallel_loop3A_790 = arith.constant 1 : i32
        %parallel_loop3A_791 = arith.index_cast %parallel_loop3A_790 : i32 to index
        %parallel_loop3A_792 = arith.index_cast %parallel_loop3A_518 : i32 to index
        %parallel_loop3A_793 = arith.constant 352 : index
        %parallel_loop3A_794 = tpu.vector_load %arg14[%parallel_loop3A_791, %parallel_loop3A_792, %parallel_loop3A_793] {strides = array<i32>} : memref<2x16x768xf32, #tpu.memory_space<vmem>>, vector<16xf32>,
        tpu.vector_store %arg14[%parallel_loop3A_791, %parallel_loop3A_792, %parallel_loop3A_793], %parallel_loop3A_789 {strides = array<i32>} : memref<2x16x768xf32, #tpu.memory_space<vmem>>, vector<16xf32>,
        %parallel_loop3A_795 = arith.constant 1 : i32
        %parallel_loop3A_796 = arith.index_cast %parallel_loop3A_795 : i32 to index
        %parallel_loop3A_797 = arith.index_cast %parallel_loop3A_518 : i32 to index
        %parallel_loop3A_798 = arith.constant 368 : index
        %parallel_loop3A_799 = tpu.vector_load %arg13[%parallel_loop3A_796, %parallel_loop3A_797, %parallel_loop3A_798] {strides = array<i32>} : memref<2x16x768xf32, #tpu.memory_space<vmem>>, vector<16xf32>,
        %parallel_loop3A_800 = arith.fptosi %parallel_loop3A_799 : vector<16xf32> to vector<16xi32>
        %parallel_loop3A_801 = tpu.vector_load_idx %arg12[%parallel_loop3A_800] : memref<256xf32, #tpu.memory_space<vmem>>[vector<16xi32>], vector<16xf32>,
        %parallel_loop3A_802 = arith.constant 1 : i32
        %parallel_loop3A_803 = arith.index_cast %parallel_loop3A_802 : i32 to index
        %parallel_loop3A_804 = arith.index_cast %parallel_loop3A_518 : i32 to index
        %parallel_loop3A_805 = arith.constant 368 : index
        %parallel_loop3A_806 = tpu.vector_load %arg14[%parallel_loop3A_803, %parallel_loop3A_804, %parallel_loop3A_805] {strides = array<i32>} : memref<2x16x768xf32, #tpu.memory_space<vmem>>, vector<16xf32>,
        tpu.vector_store %arg14[%parallel_loop3A_803, %parallel_loop3A_804, %parallel_loop3A_805], %parallel_loop3A_801 {strides = array<i32>} : memref<2x16x768xf32, #tpu.memory_space<vmem>>, vector<16xf32>,
        %parallel_loop3A_807 = arith.constant 1 : i32
        %parallel_loop3A_808 = arith.index_cast %parallel_loop3A_807 : i32 to index
        %parallel_loop3A_809 = arith.index_cast %parallel_loop3A_518 : i32 to index
        %parallel_loop3A_810 = arith.constant 384 : index
        %parallel_loop3A_811 = tpu.vector_load %arg13[%parallel_loop3A_808, %parallel_loop3A_809, %parallel_loop3A_810] {strides = array<i32>} : memref<2x16x768xf32, #tpu.memory_space<vmem>>, vector<16xf32>,
        %parallel_loop3A_812 = arith.fptosi %parallel_loop3A_811 : vector<16xf32> to vector<16xi32>
        %parallel_loop3A_813 = tpu.vector_load_idx %arg12[%parallel_loop3A_812] : memref<256xf32, #tpu.memory_space<vmem>>[vector<16xi32>], vector<16xf32>,
        %parallel_loop3A_814 = arith.constant 1 : i32
        %parallel_loop3A_815 = arith.index_cast %parallel_loop3A_814 : i32 to index
        %parallel_loop3A_816 = arith.index_cast %parallel_loop3A_518 : i32 to index
        %parallel_loop3A_817 = arith.constant 384 : index
        %parallel_loop3A_818 = tpu.vector_load %arg14[%parallel_loop3A_815, %parallel_loop3A_816, %parallel_loop3A_817] {strides = array<i32>} : memref<2x16x768xf32, #tpu.memory_space<vmem>>, vector<16xf32>,
        tpu.vector_store %arg14[%parallel_loop3A_815, %parallel_loop3A_816, %parallel_loop3A_817], %parallel_loop3A_813 {strides = array<i32>} : memref<2x16x768xf32, #tpu.memory_space<vmem>>, vector<16xf32>,
        %parallel_loop3A_819 = arith.constant 1 : i32
        %parallel_loop3A_820 = arith.index_cast %parallel_loop3A_819 : i32 to index
        %parallel_loop3A_821 = arith.index_cast %parallel_loop3A_518 : i32 to index
        %parallel_loop3A_822 = arith.constant 400 : index
        %parallel_loop3A_823 = tpu.vector_load %arg13[%parallel_loop3A_820, %parallel_loop3A_821, %parallel_loop3A_822] {strides = array<i32>} : memref<2x16x768xf32, #tpu.memory_space<vmem>>, vector<16xf32>,
        %parallel_loop3A_824 = arith.fptosi %parallel_loop3A_823 : vector<16xf32> to vector<16xi32>
        %parallel_loop3A_825 = tpu.vector_load_idx %arg12[%parallel_loop3A_824] : memref<256xf32, #tpu.memory_space<vmem>>[vector<16xi32>], vector<16xf32>,
        %parallel_loop3A_826 = arith.constant 1 : i32
        %parallel_loop3A_827 = arith.index_cast %parallel_loop3A_826 : i32 to index
        %parallel_loop3A_828 = arith.index_cast %parallel_loop3A_518 : i32 to index
        %parallel_loop3A_829 = arith.constant 400 : index
        %parallel_loop3A_830 = tpu.vector_load %arg14[%parallel_loop3A_827, %parallel_loop3A_828, %parallel_loop3A_829] {strides = array<i32>} : memref<2x16x768xf32, #tpu.memory_space<vmem>>, vector<16xf32>,
        tpu.vector_store %arg14[%parallel_loop3A_827, %parallel_loop3A_828, %parallel_loop3A_829], %parallel_loop3A_825 {strides = array<i32>} : memref<2x16x768xf32, #tpu.memory_space<vmem>>, vector<16xf32>,
        %parallel_loop3A_831 = arith.constant 1 : i32
        %parallel_loop3A_832 = arith.index_cast %parallel_loop3A_831 : i32 to index
        %parallel_loop3A_833 = arith.index_cast %parallel_loop3A_518 : i32 to index
        %parallel_loop3A_834 = arith.constant 416 : index
        %parallel_loop3A_835 = tpu.vector_load %arg13[%parallel_loop3A_832, %parallel_loop3A_833, %parallel_loop3A_834] {strides = array<i32>} : memref<2x16x768xf32, #tpu.memory_space<vmem>>, vector<16xf32>,
        %parallel_loop3A_836 = arith.fptosi %parallel_loop3A_835 : vector<16xf32> to vector<16xi32>
        %parallel_loop3A_837 = tpu.vector_load_idx %arg12[%parallel_loop3A_836] : memref<256xf32, #tpu.memory_space<vmem>>[vector<16xi32>], vector<16xf32>,
        %parallel_loop3A_838 = arith.constant 1 : i32
        %parallel_loop3A_839 = arith.index_cast %parallel_loop3A_838 : i32 to index
        %parallel_loop3A_840 = arith.index_cast %parallel_loop3A_518 : i32 to index
        %parallel_loop3A_841 = arith.constant 416 : index
        %parallel_loop3A_842 = tpu.vector_load %arg14[%parallel_loop3A_839, %parallel_loop3A_840, %parallel_loop3A_841] {strides = array<i32>} : memref<2x16x768xf32, #tpu.memory_space<vmem>>, vector<16xf32>,
        tpu.vector_store %arg14[%parallel_loop3A_839, %parallel_loop3A_840, %parallel_loop3A_841], %parallel_loop3A_837 {strides = array<i32>} : memref<2x16x768xf32, #tpu.memory_space<vmem>>, vector<16xf32>,
        %parallel_loop3A_843 = arith.constant 1 : i32
        %parallel_loop3A_844 = arith.index_cast %parallel_loop3A_843 : i32 to index
        %parallel_loop3A_845 = arith.index_cast %parallel_loop3A_518 : i32 to index
        %parallel_loop3A_846 = arith.constant 432 : index
        %parallel_loop3A_847 = tpu.vector_load %arg13[%parallel_loop3A_844, %parallel_loop3A_845, %parallel_loop3A_846] {strides = array<i32>} : memref<2x16x768xf32, #tpu.memory_space<vmem>>, vector<16xf32>,
        %parallel_loop3A_848 = arith.fptosi %parallel_loop3A_847 : vector<16xf32> to vector<16xi32>
        %parallel_loop3A_849 = tpu.vector_load_idx %arg12[%parallel_loop3A_848] : memref<256xf32, #tpu.memory_space<vmem>>[vector<16xi32>], vector<16xf32>,
        %parallel_loop3A_850 = arith.constant 1 : i32
        %parallel_loop3A_851 = arith.index_cast %parallel_loop3A_850 : i32 to index
        %parallel_loop3A_852 = arith.index_cast %parallel_loop3A_518 : i32 to index
        %parallel_loop3A_853 = arith.constant 432 : index
        %parallel_loop3A_854 = tpu.vector_load %arg14[%parallel_loop3A_851, %parallel_loop3A_852, %parallel_loop3A_853] {strides = array<i32>} : memref<2x16x768xf32, #tpu.memory_space<vmem>>, vector<16xf32>,
        tpu.vector_store %arg14[%parallel_loop3A_851, %parallel_loop3A_852, %parallel_loop3A_853], %parallel_loop3A_849 {strides = array<i32>} : memref<2x16x768xf32, #tpu.memory_space<vmem>>, vector<16xf32>,
        %parallel_loop3A_855 = arith.constant 1 : i32
        %parallel_loop3A_856 = arith.index_cast %parallel_loop3A_855 : i32 to index
        %parallel_loop3A_857 = arith.index_cast %parallel_loop3A_518 : i32 to index
        %parallel_loop3A_858 = arith.constant 448 : index
        %parallel_loop3A_859 = tpu.vector_load %arg13[%parallel_loop3A_856, %parallel_loop3A_857, %parallel_loop3A_858] {strides = array<i32>} : memref<2x16x768xf32, #tpu.memory_space<vmem>>, vector<16xf32>,
        %parallel_loop3A_860 = arith.fptosi %parallel_loop3A_859 : vector<16xf32> to vector<16xi32>
        %parallel_loop3A_861 = tpu.vector_load_idx %arg12[%parallel_loop3A_860] : memref<256xf32, #tpu.memory_space<vmem>>[vector<16xi32>], vector<16xf32>,
        %parallel_loop3A_862 = arith.constant 1 : i32
        %parallel_loop3A_863 = arith.index_cast %parallel_loop3A_862 : i32 to index
        %parallel_loop3A_864 = arith.index_cast %parallel_loop3A_518 : i32 to index
        %parallel_loop3A_865 = arith.constant 448 : index
        %parallel_loop3A_866 = tpu.vector_load %arg14[%parallel_loop3A_863, %parallel_loop3A_864, %parallel_loop3A_865] {strides = array<i32>} : memref<2x16x768xf32, #tpu.memory_space<vmem>>, vector<16xf32>,
        tpu.vector_store %arg14[%parallel_loop3A_863, %parallel_loop3A_864, %parallel_loop3A_865], %parallel_loop3A_861 {strides = array<i32>} : memref<2x16x768xf32, #tpu.memory_space<vmem>>, vector<16xf32>,
        %parallel_loop3A_867 = arith.constant 1 : i32
        %parallel_loop3A_868 = arith.index_cast %parallel_loop3A_867 : i32 to index
        %parallel_loop3A_869 = arith.index_cast %parallel_loop3A_518 : i32 to index
        %parallel_loop3A_870 = arith.constant 464 : index
        %parallel_loop3A_871 = tpu.vector_load %arg13[%parallel_loop3A_868, %parallel_loop3A_869, %parallel_loop3A_870] {strides = array<i32>} : memref<2x16x768xf32, #tpu.memory_space<vmem>>, vector<16xf32>,
        %parallel_loop3A_872 = arith.fptosi %parallel_loop3A_871 : vector<16xf32> to vector<16xi32>
        %parallel_loop3A_873 = tpu.vector_load_idx %arg12[%parallel_loop3A_872] : memref<256xf32, #tpu.memory_space<vmem>>[vector<16xi32>], vector<16xf32>,
        %parallel_loop3A_874 = arith.constant 1 : i32
        %parallel_loop3A_875 = arith.index_cast %parallel_loop3A_874 : i32 to index
        %parallel_loop3A_876 = arith.index_cast %parallel_loop3A_518 : i32 to index
        %parallel_loop3A_877 = arith.constant 464 : index
        %parallel_loop3A_878 = tpu.vector_load %arg14[%parallel_loop3A_875, %parallel_loop3A_876, %parallel_loop3A_877] {strides = array<i32>} : memref<2x16x768xf32, #tpu.memory_space<vmem>>, vector<16xf32>,
        tpu.vector_store %arg14[%parallel_loop3A_875, %parallel_loop3A_876, %parallel_loop3A_877], %parallel_loop3A_873 {strides = array<i32>} : memref<2x16x768xf32, #tpu.memory_space<vmem>>, vector<16xf32>,
        %parallel_loop3A_879 = arith.constant 1 : i32
        %parallel_loop3A_880 = arith.index_cast %parallel_loop3A_879 : i32 to index
        %parallel_loop3A_881 = arith.index_cast %parallel_loop3A_518 : i32 to index
        %parallel_loop3A_882 = arith.constant 480 : index
        %parallel_loop3A_883 = tpu.vector_load %arg13[%parallel_loop3A_880, %parallel_loop3A_881, %parallel_loop3A_882] {strides = array<i32>} : memref<2x16x768xf32, #tpu.memory_space<vmem>>, vector<16xf32>,
        %parallel_loop3A_884 = arith.fptosi %parallel_loop3A_883 : vector<16xf32> to vector<16xi32>
        %parallel_loop3A_885 = tpu.vector_load_idx %arg12[%parallel_loop3A_884] : memref<256xf32, #tpu.memory_space<vmem>>[vector<16xi32>], vector<16xf32>,
        %parallel_loop3A_886 = arith.constant 1 : i32
        %parallel_loop3A_887 = arith.index_cast %parallel_loop3A_886 : i32 to index
        %parallel_loop3A_888 = arith.index_cast %parallel_loop3A_518 : i32 to index
        %parallel_loop3A_889 = arith.constant 480 : index
        %parallel_loop3A_890 = tpu.vector_load %arg14[%parallel_loop3A_887, %parallel_loop3A_888, %parallel_loop3A_889] {strides = array<i32>} : memref<2x16x768xf32, #tpu.memory_space<vmem>>, vector<16xf32>,
        tpu.vector_store %arg14[%parallel_loop3A_887, %parallel_loop3A_888, %parallel_loop3A_889], %parallel_loop3A_885 {strides = array<i32>} : memref<2x16x768xf32, #tpu.memory_space<vmem>>, vector<16xf32>,
        %parallel_loop3A_891 = arith.constant 1 : i32
        %parallel_loop3A_892 = arith.index_cast %parallel_loop3A_891 : i32 to index
        %parallel_loop3A_893 = arith.index_cast %parallel_loop3A_518 : i32 to index
        %parallel_loop3A_894 = arith.constant 496 : index
        %parallel_loop3A_895 = tpu.vector_load %arg13[%parallel_loop3A_892, %parallel_loop3A_893, %parallel_loop3A_894] {strides = array<i32>} : memref<2x16x768xf32, #tpu.memory_space<vmem>>, vector<16xf32>,
        %parallel_loop3A_896 = arith.fptosi %parallel_loop3A_895 : vector<16xf32> to vector<16xi32>
        %parallel_loop3A_897 = tpu.vector_load_idx %arg12[%parallel_loop3A_896] : memref<256xf32, #tpu.memory_space<vmem>>[vector<16xi32>], vector<16xf32>,
        %parallel_loop3A_898 = arith.constant 1 : i32
        %parallel_loop3A_899 = arith.index_cast %parallel_loop3A_898 : i32 to index
        %parallel_loop3A_900 = arith.index_cast %parallel_loop3A_518 : i32 to index
        %parallel_loop3A_901 = arith.constant 496 : index
        %parallel_loop3A_902 = tpu.vector_load %arg14[%parallel_loop3A_899, %parallel_loop3A_900, %parallel_loop3A_901] {strides = array<i32>} : memref<2x16x768xf32, #tpu.memory_space<vmem>>, vector<16xf32>,
        tpu.vector_store %arg14[%parallel_loop3A_899, %parallel_loop3A_900, %parallel_loop3A_901], %parallel_loop3A_897 {strides = array<i32>} : memref<2x16x768xf32, #tpu.memory_space<vmem>>, vector<16xf32>,
        %parallel_loop3A_903 = arith.constant 1 : i32
        %parallel_loop3A_904 = arith.index_cast %parallel_loop3A_903 : i32 to index
        %parallel_loop3A_905 = arith.index_cast %parallel_loop3A_518 : i32 to index
        %parallel_loop3A_906 = arith.constant 512 : index
        %parallel_loop3A_907 = tpu.vector_load %arg13[%parallel_loop3A_904, %parallel_loop3A_905, %parallel_loop3A_906] {strides = array<i32>} : memref<2x16x768xf32, #tpu.memory_space<vmem>>, vector<16xf32>,
        %parallel_loop3A_908 = arith.fptosi %parallel_loop3A_907 : vector<16xf32> to vector<16xi32>
        %parallel_loop3A_909 = tpu.vector_load_idx %arg12[%parallel_loop3A_908] : memref<256xf32, #tpu.memory_space<vmem>>[vector<16xi32>], vector<16xf32>,
        %parallel_loop3A_910 = arith.constant 1 : i32
        %parallel_loop3A_911 = arith.index_cast %parallel_loop3A_910 : i32 to index
        %parallel_loop3A_912 = arith.index_cast %parallel_loop3A_518 : i32 to index
        %parallel_loop3A_913 = arith.constant 512 : index
        %parallel_loop3A_914 = tpu.vector_load %arg14[%parallel_loop3A_911, %parallel_loop3A_912, %parallel_loop3A_913] {strides = array<i32>} : memref<2x16x768xf32, #tpu.memory_space<vmem>>, vector<16xf32>,
        tpu.vector_store %arg14[%parallel_loop3A_911, %parallel_loop3A_912, %parallel_loop3A_913], %parallel_loop3A_909 {strides = array<i32>} : memref<2x16x768xf32, #tpu.memory_space<vmem>>, vector<16xf32>,
        %parallel_loop3A_915 = arith.constant 1 : i32
        %parallel_loop3A_916 = arith.index_cast %parallel_loop3A_915 : i32 to index
        %parallel_loop3A_917 = arith.index_cast %parallel_loop3A_518 : i32 to index
        %parallel_loop3A_918 = arith.constant 528 : index
        %parallel_loop3A_919 = tpu.vector_load %arg13[%parallel_loop3A_916, %parallel_loop3A_917, %parallel_loop3A_918] {strides = array<i32>} : memref<2x16x768xf32, #tpu.memory_space<vmem>>, vector<16xf32>,
        %parallel_loop3A_920 = arith.fptosi %parallel_loop3A_919 : vector<16xf32> to vector<16xi32>
        %parallel_loop3A_921 = tpu.vector_load_idx %arg12[%parallel_loop3A_920] : memref<256xf32, #tpu.memory_space<vmem>>[vector<16xi32>], vector<16xf32>,
        %parallel_loop3A_922 = arith.constant 1 : i32
        %parallel_loop3A_923 = arith.index_cast %parallel_loop3A_922 : i32 to index
        %parallel_loop3A_924 = arith.index_cast %parallel_loop3A_518 : i32 to index
        %parallel_loop3A_925 = arith.constant 528 : index
        %parallel_loop3A_926 = tpu.vector_load %arg14[%parallel_loop3A_923, %parallel_loop3A_924, %parallel_loop3A_925] {strides = array<i32>} : memref<2x16x768xf32, #tpu.memory_space<vmem>>, vector<16xf32>,
        tpu.vector_store %arg14[%parallel_loop3A_923, %parallel_loop3A_924, %parallel_loop3A_925], %parallel_loop3A_921 {strides = array<i32>} : memref<2x16x768xf32, #tpu.memory_space<vmem>>, vector<16xf32>,
        %parallel_loop3A_927 = arith.constant 1 : i32
        %parallel_loop3A_928 = arith.index_cast %parallel_loop3A_927 : i32 to index
        %parallel_loop3A_929 = arith.index_cast %parallel_loop3A_518 : i32 to index
        %parallel_loop3A_930 = arith.constant 544 : index
        %parallel_loop3A_931 = tpu.vector_load %arg13[%parallel_loop3A_928, %parallel_loop3A_929, %parallel_loop3A_930] {strides = array<i32>} : memref<2x16x768xf32, #tpu.memory_space<vmem>>, vector<16xf32>,
        %parallel_loop3A_932 = arith.fptosi %parallel_loop3A_931 : vector<16xf32> to vector<16xi32>
        %parallel_loop3A_933 = tpu.vector_load_idx %arg12[%parallel_loop3A_932] : memref<256xf32, #tpu.memory_space<vmem>>[vector<16xi32>], vector<16xf32>,
        %parallel_loop3A_934 = arith.constant 1 : i32
        %parallel_loop3A_935 = arith.index_cast %parallel_loop3A_934 : i32 to index
        %parallel_loop3A_936 = arith.index_cast %parallel_loop3A_518 : i32 to index
        %parallel_loop3A_937 = arith.constant 544 : index
        %parallel_loop3A_938 = tpu.vector_load %arg14[%parallel_loop3A_935, %parallel_loop3A_936, %parallel_loop3A_937] {strides = array<i32>} : memref<2x16x768xf32, #tpu.memory_space<vmem>>, vector<16xf32>,
        tpu.vector_store %arg14[%parallel_loop3A_935, %parallel_loop3A_936, %parallel_loop3A_937], %parallel_loop3A_933 {strides = array<i32>} : memref<2x16x768xf32, #tpu.memory_space<vmem>>, vector<16xf32>,
        %parallel_loop3A_939 = arith.constant 1 : i32
        %parallel_loop3A_940 = arith.index_cast %parallel_loop3A_939 : i32 to index
        %parallel_loop3A_941 = arith.index_cast %parallel_loop3A_518 : i32 to index
        %parallel_loop3A_942 = arith.constant 560 : index
        %parallel_loop3A_943 = tpu.vector_load %arg13[%parallel_loop3A_940, %parallel_loop3A_941, %parallel_loop3A_942] {strides = array<i32>} : memref<2x16x768xf32, #tpu.memory_space<vmem>>, vector<16xf32>,
        %parallel_loop3A_944 = arith.fptosi %parallel_loop3A_943 : vector<16xf32> to vector<16xi32>
        %parallel_loop3A_945 = tpu.vector_load_idx %arg12[%parallel_loop3A_944] : memref<256xf32, #tpu.memory_space<vmem>>[vector<16xi32>], vector<16xf32>,
        %parallel_loop3A_946 = arith.constant 1 : i32
        %parallel_loop3A_947 = arith.index_cast %parallel_loop3A_946 : i32 to index
        %parallel_loop3A_948 = arith.index_cast %parallel_loop3A_518 : i32 to index
        %parallel_loop3A_949 = arith.constant 560 : index
        %parallel_loop3A_950 = tpu.vector_load %arg14[%parallel_loop3A_947, %parallel_loop3A_948, %parallel_loop3A_949] {strides = array<i32>} : memref<2x16x768xf32, #tpu.memory_space<vmem>>, vector<16xf32>,
        tpu.vector_store %arg14[%parallel_loop3A_947, %parallel_loop3A_948, %parallel_loop3A_949], %parallel_loop3A_945 {strides = array<i32>} : memref<2x16x768xf32, #tpu.memory_space<vmem>>, vector<16xf32>,
        %parallel_loop3A_951 = arith.constant 1 : i32
        %parallel_loop3A_952 = arith.index_cast %parallel_loop3A_951 : i32 to index
        %parallel_loop3A_953 = arith.index_cast %parallel_loop3A_518 : i32 to index
        %parallel_loop3A_954 = arith.constant 576 : index
        %parallel_loop3A_955 = tpu.vector_load %arg13[%parallel_loop3A_952, %parallel_loop3A_953, %parallel_loop3A_954] {strides = array<i32>} : memref<2x16x768xf32, #tpu.memory_space<vmem>>, vector<16xf32>,
        %parallel_loop3A_956 = arith.fptosi %parallel_loop3A_955 : vector<16xf32> to vector<16xi32>
        %parallel_loop3A_957 = tpu.vector_load_idx %arg12[%parallel_loop3A_956] : memref<256xf32, #tpu.memory_space<vmem>>[vector<16xi32>], vector<16xf32>,
        %parallel_loop3A_958 = arith.constant 1 : i32
        %parallel_loop3A_959 = arith.index_cast %parallel_loop3A_958 : i32 to index
        %parallel_loop3A_960 = arith.index_cast %parallel_loop3A_518 : i32 to index
        %parallel_loop3A_961 = arith.constant 576 : index
        %parallel_loop3A_962 = tpu.vector_load %arg14[%parallel_loop3A_959, %parallel_loop3A_960, %parallel_loop3A_961] {strides = array<i32>} : memref<2x16x768xf32, #tpu.memory_space<vmem>>, vector<16xf32>,
        tpu.vector_store %arg14[%parallel_loop3A_959, %parallel_loop3A_960, %parallel_loop3A_961], %parallel_loop3A_957 {strides = array<i32>} : memref<2x16x768xf32, #tpu.memory_space<vmem>>, vector<16xf32>,
        %parallel_loop3A_963 = arith.constant 1 : i32
        %parallel_loop3A_964 = arith.index_cast %parallel_loop3A_963 : i32 to index
        %parallel_loop3A_965 = arith.index_cast %parallel_loop3A_518 : i32 to index
        %parallel_loop3A_966 = arith.constant 592 : index
        %parallel_loop3A_967 = tpu.vector_load %arg13[%parallel_loop3A_964, %parallel_loop3A_965, %parallel_loop3A_966] {strides = array<i32>} : memref<2x16x768xf32, #tpu.memory_space<vmem>>, vector<16xf32>,
        %parallel_loop3A_968 = arith.fptosi %parallel_loop3A_967 : vector<16xf32> to vector<16xi32>
        %parallel_loop3A_969 = tpu.vector_load_idx %arg12[%parallel_loop3A_968] : memref<256xf32, #tpu.memory_space<vmem>>[vector<16xi32>], vector<16xf32>,
        %parallel_loop3A_970 = arith.constant 1 : i32
        %parallel_loop3A_971 = arith.index_cast %parallel_loop3A_970 : i32 to index
        %parallel_loop3A_972 = arith.index_cast %parallel_loop3A_518 : i32 to index
        %parallel_loop3A_973 = arith.constant 592 : index
        %parallel_loop3A_974 = tpu.vector_load %arg14[%parallel_loop3A_971, %parallel_loop3A_972, %parallel_loop3A_973] {strides = array<i32>} : memref<2x16x768xf32, #tpu.memory_space<vmem>>, vector<16xf32>,
        tpu.vector_store %arg14[%parallel_loop3A_971, %parallel_loop3A_972, %parallel_loop3A_973], %parallel_loop3A_969 {strides = array<i32>} : memref<2x16x768xf32, #tpu.memory_space<vmem>>, vector<16xf32>,
        %parallel_loop3A_975 = arith.constant 1 : i32
        %parallel_loop3A_976 = arith.index_cast %parallel_loop3A_975 : i32 to index
        %parallel_loop3A_977 = arith.index_cast %parallel_loop3A_518 : i32 to index
        %parallel_loop3A_978 = arith.constant 608 : index
        %parallel_loop3A_979 = tpu.vector_load %arg13[%parallel_loop3A_976, %parallel_loop3A_977, %parallel_loop3A_978] {strides = array<i32>} : memref<2x16x768xf32, #tpu.memory_space<vmem>>, vector<16xf32>,
        %parallel_loop3A_980 = arith.fptosi %parallel_loop3A_979 : vector<16xf32> to vector<16xi32>
        %parallel_loop3A_981 = tpu.vector_load_idx %arg12[%parallel_loop3A_980] : memref<256xf32, #tpu.memory_space<vmem>>[vector<16xi32>], vector<16xf32>,
        %parallel_loop3A_982 = arith.constant 1 : i32
        %parallel_loop3A_983 = arith.index_cast %parallel_loop3A_982 : i32 to index
        %parallel_loop3A_984 = arith.index_cast %parallel_loop3A_518 : i32 to index
        %parallel_loop3A_985 = arith.constant 608 : index
        %parallel_loop3A_986 = tpu.vector_load %arg14[%parallel_loop3A_983, %parallel_loop3A_984, %parallel_loop3A_985] {strides = array<i32>} : memref<2x16x768xf32, #tpu.memory_space<vmem>>, vector<16xf32>,
        tpu.vector_store %arg14[%parallel_loop3A_983, %parallel_loop3A_984, %parallel_loop3A_985], %parallel_loop3A_981 {strides = array<i32>} : memref<2x16x768xf32, #tpu.memory_space<vmem>>, vector<16xf32>,
        %parallel_loop3A_987 = arith.constant 1 : i32
        %parallel_loop3A_988 = arith.index_cast %parallel_loop3A_987 : i32 to index
        %parallel_loop3A_989 = arith.index_cast %parallel_loop3A_518 : i32 to index
        %parallel_loop3A_990 = arith.constant 624 : index
        %parallel_loop3A_991 = tpu.vector_load %arg13[%parallel_loop3A_988, %parallel_loop3A_989, %parallel_loop3A_990] {strides = array<i32>} : memref<2x16x768xf32, #tpu.memory_space<vmem>>, vector<16xf32>,
        %parallel_loop3A_992 = arith.fptosi %parallel_loop3A_991 : vector<16xf32> to vector<16xi32>
        %parallel_loop3A_993 = tpu.vector_load_idx %arg12[%parallel_loop3A_992] : memref<256xf32, #tpu.memory_space<vmem>>[vector<16xi32>], vector<16xf32>,
        %parallel_loop3A_994 = arith.constant 1 : i32
        %parallel_loop3A_995 = arith.index_cast %parallel_loop3A_994 : i32 to index
        %parallel_loop3A_996 = arith.index_cast %parallel_loop3A_518 : i32 to index
        %parallel_loop3A_997 = arith.constant 624 : index
        %parallel_loop3A_998 = tpu.vector_load %arg14[%parallel_loop3A_995, %parallel_loop3A_996, %parallel_loop3A_997] {strides = array<i32>} : memref<2x16x768xf32, #tpu.memory_space<vmem>>, vector<16xf32>,
        tpu.vector_store %arg14[%parallel_loop3A_995, %parallel_loop3A_996, %parallel_loop3A_997], %parallel_loop3A_993 {strides = array<i32>} : memref<2x16x768xf32, #tpu.memory_space<vmem>>, vector<16xf32>,
        %parallel_loop3A_999 = arith.constant 1 : i32
        %parallel_loop3A_1000 = arith.index_cast %parallel_loop3A_999 : i32 to index
        %parallel_loop3A_1001 = arith.index_cast %parallel_loop3A_518 : i32 to index
        %parallel_loop3A_1002 = arith.constant 640 : index
        %parallel_loop3A_1003 = tpu.vector_load %arg13[%parallel_loop3A_1000, %parallel_loop3A_1001, %parallel_loop3A_1002] {strides = array<i32>} : memref<2x16x768xf32, #tpu.memory_space<vmem>>, vector<16xf32>,
        %parallel_loop3A_1004 = arith.fptosi %parallel_loop3A_1003 : vector<16xf32> to vector<16xi32>
        %parallel_loop3A_1005 = tpu.vector_load_idx %arg12[%parallel_loop3A_1004] : memref<256xf32, #tpu.memory_space<vmem>>[vector<16xi32>], vector<16xf32>,
        %parallel_loop3A_1006 = arith.constant 1 : i32
        %parallel_loop3A_1007 = arith.index_cast %parallel_loop3A_1006 : i32 to index
        %parallel_loop3A_1008 = arith.index_cast %parallel_loop3A_518 : i32 to index
        %parallel_loop3A_1009 = arith.constant 640 : index
        %parallel_loop3A_1010 = tpu.vector_load %arg14[%parallel_loop3A_1007, %parallel_loop3A_1008, %parallel_loop3A_1009] {strides = array<i32>} : memref<2x16x768xf32, #tpu.memory_space<vmem>>, vector<16xf32>,
        tpu.vector_store %arg14[%parallel_loop3A_1007, %parallel_loop3A_1008, %parallel_loop3A_1009], %parallel_loop3A_1005 {strides = array<i32>} : memref<2x16x768xf32, #tpu.memory_space<vmem>>, vector<16xf32>,
        %parallel_loop3A_1011 = arith.constant 1 : i32
        %parallel_loop3A_1012 = arith.index_cast %parallel_loop3A_1011 : i32 to index
        %parallel_loop3A_1013 = arith.index_cast %parallel_loop3A_518 : i32 to index
        %parallel_loop3A_1014 = arith.constant 656 : index
        %parallel_loop3A_1015 = tpu.vector_load %arg13[%parallel_loop3A_1012, %parallel_loop3A_1013, %parallel_loop3A_1014] {strides = array<i32>} : memref<2x16x768xf32, #tpu.memory_space<vmem>>, vector<16xf32>,
        %parallel_loop3A_1016 = arith.fptosi %parallel_loop3A_1015 : vector<16xf32> to vector<16xi32>
        %parallel_loop3A_1017 = tpu.vector_load_idx %arg12[%parallel_loop3A_1016] : memref<256xf32, #tpu.memory_space<vmem>>[vector<16xi32>], vector<16xf32>,
        %parallel_loop3A_1018 = arith.constant 1 : i32
        %parallel_loop3A_1019 = arith.index_cast %parallel_loop3A_1018 : i32 to index
        %parallel_loop3A_1020 = arith.index_cast %parallel_loop3A_518 : i32 to index
        %parallel_loop3A_1021 = arith.constant 656 : index
        %parallel_loop3A_1022 = tpu.vector_load %arg14[%parallel_loop3A_1019, %parallel_loop3A_1020, %parallel_loop3A_1021] {strides = array<i32>} : memref<2x16x768xf32, #tpu.memory_space<vmem>>, vector<16xf32>,
        tpu.vector_store %arg14[%parallel_loop3A_1019, %parallel_loop3A_1020, %parallel_loop3A_1021], %parallel_loop3A_1017 {strides = array<i32>} : memref<2x16x768xf32, #tpu.memory_space<vmem>>, vector<16xf32>,
        %parallel_loop3A_1023 = arith.constant 1 : i32
        %parallel_loop3A_1024 = arith.index_cast %parallel_loop3A_1023 : i32 to index
        %parallel_loop3A_1025 = arith.index_cast %parallel_loop3A_518 : i32 to index
        %parallel_loop3A_1026 = arith.constant 672 : index
        %parallel_loop3A_1027 = tpu.vector_load %arg13[%parallel_loop3A_1024, %parallel_loop3A_1025, %parallel_loop3A_1026] {strides = array<i32>} : memref<2x16x768xf32, #tpu.memory_space<vmem>>, vector<16xf32>,
        %parallel_loop3A_1028 = arith.fptosi %parallel_loop3A_1027 : vector<16xf32> to vector<16xi32>
        %parallel_loop3A_1029 = tpu.vector_load_idx %arg12[%parallel_loop3A_1028] : memref<256xf32, #tpu.memory_space<vmem>>[vector<16xi32>], vector<16xf32>,
        %parallel_loop3A_1030 = arith.constant 1 : i32
        %parallel_loop3A_1031 = arith.index_cast %parallel_loop3A_1030 : i32 to index
        %parallel_loop3A_1032 = arith.index_cast %parallel_loop3A_518 : i32 to index
        %parallel_loop3A_1033 = arith.constant 672 : index
        %parallel_loop3A_1034 = tpu.vector_load %arg14[%parallel_loop3A_1031, %parallel_loop3A_1032, %parallel_loop3A_1033] {strides = array<i32>} : memref<2x16x768xf32, #tpu.memory_space<vmem>>, vector<16xf32>,
        tpu.vector_store %arg14[%parallel_loop3A_1031, %parallel_loop3A_1032, %parallel_loop3A_1033], %parallel_loop3A_1029 {strides = array<i32>} : memref<2x16x768xf32, #tpu.memory_space<vmem>>, vector<16xf32>,
        %parallel_loop3A_1035 = arith.constant 1 : i32
        %parallel_loop3A_1036 = arith.index_cast %parallel_loop3A_1035 : i32 to index
        %parallel_loop3A_1037 = arith.index_cast %parallel_loop3A_518 : i32 to index
        %parallel_loop3A_1038 = arith.constant 688 : index
        %parallel_loop3A_1039 = tpu.vector_load %arg13[%parallel_loop3A_1036, %parallel_loop3A_1037, %parallel_loop3A_1038] {strides = array<i32>} : memref<2x16x768xf32, #tpu.memory_space<vmem>>, vector<16xf32>,
        %parallel_loop3A_1040 = arith.fptosi %parallel_loop3A_1039 : vector<16xf32> to vector<16xi32>
        %parallel_loop3A_1041 = tpu.vector_load_idx %arg12[%parallel_loop3A_1040] : memref<256xf32, #tpu.memory_space<vmem>>[vector<16xi32>], vector<16xf32>,
        %parallel_loop3A_1042 = arith.constant 1 : i32
        %parallel_loop3A_1043 = arith.index_cast %parallel_loop3A_1042 : i32 to index
        %parallel_loop3A_1044 = arith.index_cast %parallel_loop3A_518 : i32 to index
        %parallel_loop3A_1045 = arith.constant 688 : index
        %parallel_loop3A_1046 = tpu.vector_load %arg14[%parallel_loop3A_1043, %parallel_loop3A_1044, %parallel_loop3A_1045] {strides = array<i32>} : memref<2x16x768xf32, #tpu.memory_space<vmem>>, vector<16xf32>,
        tpu.vector_store %arg14[%parallel_loop3A_1043, %parallel_loop3A_1044, %parallel_loop3A_1045], %parallel_loop3A_1041 {strides = array<i32>} : memref<2x16x768xf32, #tpu.memory_space<vmem>>, vector<16xf32>,
        %parallel_loop3A_1047 = arith.constant 1 : i32
        %parallel_loop3A_1048 = arith.index_cast %parallel_loop3A_1047 : i32 to index
        %parallel_loop3A_1049 = arith.index_cast %parallel_loop3A_518 : i32 to index
        %parallel_loop3A_1050 = arith.constant 704 : index
        %parallel_loop3A_1051 = tpu.vector_load %arg13[%parallel_loop3A_1048, %parallel_loop3A_1049, %parallel_loop3A_1050] {strides = array<i32>} : memref<2x16x768xf32, #tpu.memory_space<vmem>>, vector<16xf32>,
        %parallel_loop3A_1052 = arith.fptosi %parallel_loop3A_1051 : vector<16xf32> to vector<16xi32>
        %parallel_loop3A_1053 = tpu.vector_load_idx %arg12[%parallel_loop3A_1052] : memref<256xf32, #tpu.memory_space<vmem>>[vector<16xi32>], vector<16xf32>,
        %parallel_loop3A_1054 = arith.constant 1 : i32
        %parallel_loop3A_1055 = arith.index_cast %parallel_loop3A_1054 : i32 to index
        %parallel_loop3A_1056 = arith.index_cast %parallel_loop3A_518 : i32 to index
        %parallel_loop3A_1057 = arith.constant 704 : index
        %parallel_loop3A_1058 = tpu.vector_load %arg14[%parallel_loop3A_1055, %parallel_loop3A_1056, %parallel_loop3A_1057] {strides = array<i32>} : memref<2x16x768xf32, #tpu.memory_space<vmem>>, vector<16xf32>,
        tpu.vector_store %arg14[%parallel_loop3A_1055, %parallel_loop3A_1056, %parallel_loop3A_1057], %parallel_loop3A_1053 {strides = array<i32>} : memref<2x16x768xf32, #tpu.memory_space<vmem>>, vector<16xf32>,
        %parallel_loop3A_1059 = arith.constant 1 : i32
        %parallel_loop3A_1060 = arith.index_cast %parallel_loop3A_1059 : i32 to index
        %parallel_loop3A_1061 = arith.index_cast %parallel_loop3A_518 : i32 to index
        %parallel_loop3A_1062 = arith.constant 720 : index
        %parallel_loop3A_1063 = tpu.vector_load %arg13[%parallel_loop3A_1060, %parallel_loop3A_1061, %parallel_loop3A_1062] {strides = array<i32>} : memref<2x16x768xf32, #tpu.memory_space<vmem>>, vector<16xf32>,
        %parallel_loop3A_1064 = arith.fptosi %parallel_loop3A_1063 : vector<16xf32> to vector<16xi32>
        %parallel_loop3A_1065 = tpu.vector_load_idx %arg12[%parallel_loop3A_1064] : memref<256xf32, #tpu.memory_space<vmem>>[vector<16xi32>], vector<16xf32>,
        %parallel_loop3A_1066 = arith.constant 1 : i32
        %parallel_loop3A_1067 = arith.index_cast %parallel_loop3A_1066 : i32 to index
        %parallel_loop3A_1068 = arith.index_cast %parallel_loop3A_518 : i32 to index
        %parallel_loop3A_1069 = arith.constant 720 : index
        %parallel_loop3A_1070 = tpu.vector_load %arg14[%parallel_loop3A_1067, %parallel_loop3A_1068, %parallel_loop3A_1069] {strides = array<i32>} : memref<2x16x768xf32, #tpu.memory_space<vmem>>, vector<16xf32>,
        tpu.vector_store %arg14[%parallel_loop3A_1067, %parallel_loop3A_1068, %parallel_loop3A_1069], %parallel_loop3A_1065 {strides = array<i32>} : memref<2x16x768xf32, #tpu.memory_space<vmem>>, vector<16xf32>,
        %parallel_loop3A_1071 = arith.constant 1 : i32
        %parallel_loop3A_1072 = arith.index_cast %parallel_loop3A_1071 : i32 to index
        %parallel_loop3A_1073 = arith.index_cast %parallel_loop3A_518 : i32 to index
        %parallel_loop3A_1074 = arith.constant 736 : index
        %parallel_loop3A_1075 = tpu.vector_load %arg13[%parallel_loop3A_1072, %parallel_loop3A_1073, %parallel_loop3A_1074] {strides = array<i32>} : memref<2x16x768xf32, #tpu.memory_space<vmem>>, vector<16xf32>,
        %parallel_loop3A_1076 = arith.fptosi %parallel_loop3A_1075 : vector<16xf32> to vector<16xi32>
        %parallel_loop3A_1077 = tpu.vector_load_idx %arg12[%parallel_loop3A_1076] : memref<256xf32, #tpu.memory_space<vmem>>[vector<16xi32>], vector<16xf32>,
        %parallel_loop3A_1078 = arith.constant 1 : i32
        %parallel_loop3A_1079 = arith.index_cast %parallel_loop3A_1078 : i32 to index
        %parallel_loop3A_1080 = arith.index_cast %parallel_loop3A_518 : i32 to index
        %parallel_loop3A_1081 = arith.constant 736 : index
        %parallel_loop3A_1082 = tpu.vector_load %arg14[%parallel_loop3A_1079, %parallel_loop3A_1080, %parallel_loop3A_1081] {strides = array<i32>} : memref<2x16x768xf32, #tpu.memory_space<vmem>>, vector<16xf32>,
        tpu.vector_store %arg14[%parallel_loop3A_1079, %parallel_loop3A_1080, %parallel_loop3A_1081], %parallel_loop3A_1077 {strides = array<i32>} : memref<2x16x768xf32, #tpu.memory_space<vmem>>, vector<16xf32>,
        %parallel_loop3A_1083 = arith.constant 1 : i32
        %parallel_loop3A_1084 = arith.index_cast %parallel_loop3A_1083 : i32 to index
        %parallel_loop3A_1085 = arith.index_cast %parallel_loop3A_518 : i32 to index
        %parallel_loop3A_1086 = arith.constant 752 : index
        %parallel_loop3A_1087 = tpu.vector_load %arg13[%parallel_loop3A_1084, %parallel_loop3A_1085, %parallel_loop3A_1086] {strides = array<i32>} : memref<2x16x768xf32, #tpu.memory_space<vmem>>, vector<16xf32>,
        %parallel_loop3A_1088 = arith.fptosi %parallel_loop3A_1087 : vector<16xf32> to vector<16xi32>
        %parallel_loop3A_1089 = tpu.vector_load_idx %arg12[%parallel_loop3A_1088] : memref<256xf32, #tpu.memory_space<vmem>>[vector<16xi32>], vector<16xf32>,
        %parallel_loop3A_1090 = arith.constant 1 : i32
        %parallel_loop3A_1091 = arith.index_cast %parallel_loop3A_1090 : i32 to index
        %parallel_loop3A_1092 = arith.index_cast %parallel_loop3A_518 : i32 to index
        %parallel_loop3A_1093 = arith.constant 752 : index
        %parallel_loop3A_1094 = tpu.vector_load %arg14[%parallel_loop3A_1091, %parallel_loop3A_1092, %parallel_loop3A_1093] {strides = array<i32>} : memref<2x16x768xf32, #tpu.memory_space<vmem>>, vector<16xf32>,
        tpu.vector_store %arg14[%parallel_loop3A_1091, %parallel_loop3A_1092, %parallel_loop3A_1093], %parallel_loop3A_1089 {strides = array<i32>} : memref<2x16x768xf32, #tpu.memory_space<vmem>>, vector<16xf32>,
      } {sc.loop_unroll_factor = 1 : i64, sc.parallel_access}
      %mul3A_495 = arith.constant 16 : i32
      %mul3A_496 = arith.muli %add3A_470, %mul3A_495 : i32
      %add3A_497 = arith.addi %mul3A_2, %mul3A_496 : i32
      %dma_start3A_498 = arith.constant 1 : i32
      %dma_start3A_499 = arith.constant 0 : i32
      %dma_start3A_500 = arith.constant 0 : i32
      %dma_start3A_501 = tpu.memref_slice %arg14[%dma_start3A_498, %dma_start3A_499, %dma_start3A_500] : memref<2x16x768xf32, #tpu.memory_space<vmem>> -> memref<1x16x768xf32, #tpu.memory_space<vmem>>
      %dma_start3A_502 = tpu.memref_squeeze %dma_start3A_501 : memref<1x16x768xf32, #tpu.memory_space<vmem>> -> memref<16x768xf32, #tpu.memory_space<vmem>>
      %dma_start3A_503 = arith.constant 0 : i32
      %dma_start3A_504 = tpu.memref_slice %arg7[%add3A_497, %dma_start3A_503] : memref<25088x768xf32, #tpu.memory_space<hbm>> -> memref<16x768xf32, #tpu.memory_space<hbm>>
      %dma_start3A_505 = arith.constant 0 : i32
      %dma_start3A_506 = tpu.memref_slice %arg7[%add3A_497, %dma_start3A_505] : memref<25088x768xf32, #tpu.memory_space<hbm>> -> memref<16x768xf32, #tpu.memory_space<hbm>>
      %dma_start3A_507 = arith.constant 0 : i32
      %dma_start3A_508 = arith.constant 0 : i32
      %dma_start3A_509 = tpu.memref_slice %arg14[%dma_start3A_498, %dma_start3A_507, %dma_start3A_508] : memref<2x16x768xf32, #tpu.memory_space<vmem>> -> memref<1x16x768xf32, #tpu.memory_space<vmem>>
      %dma_start3A_510 = tpu.memref_squeeze %dma_start3A_509 : memref<1x16x768xf32, #tpu.memory_space<vmem>> -> memref<16x768xf32, #tpu.memory_space<vmem>>
      tpu.enqueue_dma source(%dma_start3A_510 : memref<16x768xf32, #tpu.memory_space<vmem>>) target(%dma_start3A_506 : memref<16x768xf32, #tpu.memory_space<hbm>>) target_semaphore(%arg18 : memref<!tpu.dma_semaphore, #tpu.memory_space<semaphore_mem>>)
      %add3A_511 = arith.constant 2 : i32
      %add3A_512 = arith.addi %add3A_470, %add3A_511 : i32
      %lt3A_513 = arith.constant 49 : i32
      %lt3A_514 = arith.cmpi slt, %add3A_512, %lt3A_513 : i32
      %convert_element_type3A_515 = arith.extui %lt3A_514 : i1 to i32
      %cond3A_516 = arith.constant 0 : i32
      %cond3A_517 = arith.cmpi ne, %convert_element_type3A_515, %cond3A_516 : i32
      scf.if %cond3A_517 {
        %add3A_518 = arith.constant 2 : i32
        %add3A_519 = arith.addi %add3A_470, %add3A_518 : i32
        %mul3A_520 = arith.constant 16 : i32
        %mul3A_521 = arith.muli %add3A_519, %mul3A_520 : i32
        %add3A_522 = arith.addi %mul3A_2, %mul3A_521 : i32
        %dma_start3A_523 = arith.constant 1 : i32
        %dma_start3A_524 = arith.constant 0 : i32
        %dma_start3A_525 = arith.constant 0 : i32
        %dma_start3A_526 = tpu.memref_slice %arg13[%dma_start3A_523, %dma_start3A_524, %dma_start3A_525] : memref<2x16x768xf32, #tpu.memory_space<vmem>> -> memref<1x16x768xf32, #tpu.memory_space<vmem>>
        %dma_start3A_527 = tpu.memref_squeeze %dma_start3A_526 : memref<1x16x768xf32, #tpu.memory_space<vmem>> -> memref<16x768xf32, #tpu.memory_space<vmem>>
        %dma_start3A_528 = arith.constant 0 : i32
        %dma_start3A_529 = tpu.memref_slice %arg2[%add3A_522, %dma_start3A_528] : memref<25088x768xf32, #tpu.memory_space<hbm>> -> memref<16x768xf32, #tpu.memory_space<hbm>>
        %dma_start3A_530 = arith.constant 0 : i32
        %dma_start3A_531 = arith.constant 0 : i32
        %dma_start3A_532 = tpu.memref_slice %arg13[%dma_start3A_523, %dma_start3A_530, %dma_start3A_531] : memref<2x16x768xf32, #tpu.memory_space<vmem>> -> memref<1x16x768xf32, #tpu.memory_space<vmem>>
        %dma_start3A_533 = tpu.memref_squeeze %dma_start3A_532 : memref<1x16x768xf32, #tpu.memory_space<vmem>> -> memref<16x768xf32, #tpu.memory_space<vmem>>
        %dma_start3A_534 = arith.constant 0 : i32
        %dma_start3A_535 = tpu.memref_slice %arg2[%add3A_522, %dma_start3A_534] : memref<25088x768xf32, #tpu.memory_space<hbm>> -> memref<16x768xf32, #tpu.memory_space<hbm>>
        tpu.enqueue_dma source(%dma_start3A_535 : memref<16x768xf32, #tpu.memory_space<hbm>>) target(%dma_start3A_533 : memref<16x768xf32, #tpu.memory_space<vmem>>) target_semaphore(%arg16 : memref<!tpu.dma_semaphore, #tpu.memory_space<semaphore_mem>>)
      } else {
      }
    }
    %scan3A_341 = arith.constant 24 : i32
    %add3A_342 = arith.constant 768 : i32
    %add3A_343 = arith.addi %mul3A_2, %add3A_342 : i32
    %dma_wait3A = arith.constant 0 : i32
    %dma_wait3A_344 = arith.constant 0 : i32
    %dma_wait3A_345 = arith.constant 0 : i32
    %dma_wait3A_346 = tpu.memref_slice %arg13[%dma_wait3A, %dma_wait3A_344, %dma_wait3A_345] : memref<2x16x768xf32, #tpu.memory_space<vmem>> -> memref<1x16x768xf32, #tpu.memory_space<vmem>>
    %dma_wait3A_347 = tpu.memref_squeeze %dma_wait3A_346 : memref<1x16x768xf32, #tpu.memory_space<vmem>> -> memref<16x768xf32, #tpu.memory_space<vmem>>
    %dma_wait3A_348 = arith.constant 0 : i32
    %dma_wait3A_349 = tpu.memref_slice %arg2[%add3A_343, %dma_wait3A_348] : memref<25088x768xf32, #tpu.memory_space<hbm>> -> memref<16x768xf32, #tpu.memory_space<hbm>>
    %dma_wait3A_350 = arith.constant 0 : i32
    %dma_wait3A_351 = arith.constant 0 : i32
    %dma_wait3A_352 = tpu.memref_slice %arg13[%dma_wait3A, %dma_wait3A_350, %dma_wait3A_351] : memref<2x16x768xf32, #tpu.memory_space<vmem>> -> memref<1x16x768xf32, #tpu.memory_space<vmem>>
    %dma_wait3A_353 = tpu.memref_squeeze %dma_wait3A_352 : memref<1x16x768xf32, #tpu.memory_space<vmem>> -> memref<16x768xf32, #tpu.memory_space<vmem>>
    %dma_wait3A_354 = arith.constant 0 : i32
    %dma_wait3A_355 = tpu.memref_slice %arg2[%add3A_343, %dma_wait3A_354] : memref<25088x768xf32, #tpu.memory_space<hbm>> -> memref<16x768xf32, #tpu.memory_space<hbm>>
    tpu.wait_dma2 semaphore(%arg15 : memref<!tpu.dma_semaphore, #tpu.memory_space<semaphore_mem>>) src(%dma_wait3A_355 : memref<16x768xf32, #tpu.memory_space<hbm>>) dst(%dma_wait3A_353 : memref<16x768xf32, #tpu.memory_space<vmem>>)
    %add3A_356 = arith.constant 736 : i32
    %add3A_357 = arith.addi %mul3A_2, %add3A_356 : i32
    %dma_wait3A_358 = arith.constant 0 : i32
    %dma_wait3A_359 = arith.constant 0 : i32
    %dma_wait3A_360 = arith.constant 0 : i32
    %dma_wait3A_361 = tpu.memref_slice %arg14[%dma_wait3A_358, %dma_wait3A_359, %dma_wait3A_360] : memref<2x16x768xf32, #tpu.memory_space<vmem>> -> memref<1x16x768xf32, #tpu.memory_space<vmem>>
    %dma_wait3A_362 = tpu.memref_squeeze %dma_wait3A_361 : memref<1x16x768xf32, #tpu.memory_space<vmem>> -> memref<16x768xf32, #tpu.memory_space<vmem>>
    %dma_wait3A_363 = arith.constant 0 : i32
    %dma_wait3A_364 = tpu.memref_slice %arg7[%add3A_357, %dma_wait3A_363] : memref<25088x768xf32, #tpu.memory_space<hbm>> -> memref<16x768xf32, #tpu.memory_space<hbm>>
    %dma_wait3A_365 = arith.constant 0 : i32
    %dma_wait3A_366 = tpu.memref_slice %arg7[%add3A_357, %dma_wait3A_365] : memref<25088x768xf32, #tpu.memory_space<hbm>> -> memref<16x768xf32, #tpu.memory_space<hbm>>
    %dma_wait3A_367 = arith.constant 0 : i32
    %dma_wait3A_368 = arith.constant 0 : i32
    %dma_wait3A_369 = tpu.memref_slice %arg14[%dma_wait3A_358, %dma_wait3A_367, %dma_wait3A_368] : memref<2x16x768xf32, #tpu.memory_space<vmem>> -> memref<1x16x768xf32, #tpu.memory_space<vmem>>
    %dma_wait3A_370 = tpu.memref_squeeze %dma_wait3A_369 : memref<1x16x768xf32, #tpu.memory_space<vmem>> -> memref<16x768xf32, #tpu.memory_space<vmem>>
    tpu.wait_dma2 semaphore(%arg17 : memref<!tpu.dma_semaphore, #tpu.memory_space<semaphore_mem>>) src(%dma_wait3A_370 : memref<16x768xf32, #tpu.memory_space<vmem>>) dst(%dma_wait3A_366 : memref<16x768xf32, #tpu.memory_space<hbm>>)
    %parallel_loop3A = arith.constant 0 : i32
    %parallel_loop3A_371 = arith.constant 16 : i32
    %parallel_loop3A_372 = arith.constant 1 : i32
    scf.for %parallel_loop3A_418 = %parallel_loop3A to %parallel_loop3A_371 step %parallel_loop3A_372  : i32 {
      %parallel_loop3A_419 = arith.constant 0 : i32
      %parallel_loop3A_420 = arith.index_cast %parallel_loop3A_419 : i32 to index
      %parallel_loop3A_421 = arith.index_cast %parallel_loop3A_418 : i32 to index
      %parallel_loop3A_422 = arith.constant 0 : index
      %parallel_loop3A_423 = tpu.vector_load %arg13[%parallel_loop3A_420, %parallel_loop3A_421, %parallel_loop3A_422] {strides = array<i32>} : memref<2x16x768xf32, #tpu.memory_space<vmem>>, vector<16xf32>,
      %parallel_loop3A_424 = arith.fptosi %parallel_loop3A_423 : vector<16xf32> to vector<16xi32>
      %parallel_loop3A_425 = tpu.vector_load_idx %arg12[%parallel_loop3A_424] : memref<256xf32, #tpu.memory_space<vmem>>[vector<16xi32>], vector<16xf32>,
      %parallel_loop3A_426 = arith.constant 0 : i32
      %parallel_loop3A_427 = arith.index_cast %parallel_loop3A_426 : i32 to index
      %parallel_loop3A_428 = arith.index_cast %parallel_loop3A_418 : i32 to index
      %parallel_loop3A_429 = arith.constant 0 : index
      %parallel_loop3A_430 = tpu.vector_load %arg14[%parallel_loop3A_427, %parallel_loop3A_428, %parallel_loop3A_429] {strides = array<i32>} : memref<2x16x768xf32, #tpu.memory_space<vmem>>, vector<16xf32>,
      tpu.vector_store %arg14[%parallel_loop3A_427, %parallel_loop3A_428, %parallel_loop3A_429], %parallel_loop3A_425 {strides = array<i32>} : memref<2x16x768xf32, #tpu.memory_space<vmem>>, vector<16xf32>,
      %parallel_loop3A_431 = arith.constant 0 : i32
      %parallel_loop3A_432 = arith.index_cast %parallel_loop3A_431 : i32 to index
      %parallel_loop3A_433 = arith.index_cast %parallel_loop3A_418 : i32 to index
      %parallel_loop3A_434 = arith.constant 16 : index
      %parallel_loop3A_435 = tpu.vector_load %arg13[%parallel_loop3A_432, %parallel_loop3A_433, %parallel_loop3A_434] {strides = array<i32>} : memref<2x16x768xf32, #tpu.memory_space<vmem>>, vector<16xf32>,
      %parallel_loop3A_436 = arith.fptosi %parallel_loop3A_435 : vector<16xf32> to vector<16xi32>
      %parallel_loop3A_437 = tpu.vector_load_idx %arg12[%parallel_loop3A_436] : memref<256xf32, #tpu.memory_space<vmem>>[vector<16xi32>], vector<16xf32>,
      %parallel_loop3A_438 = arith.constant 0 : i32
      %parallel_loop3A_439 = arith.index_cast %parallel_loop3A_438 : i32 to index
      %parallel_loop3A_440 = arith.index_cast %parallel_loop3A_418 : i32 to index
      %parallel_loop3A_441 = arith.constant 16 : index
      %parallel_loop3A_442 = tpu.vector_load %arg14[%parallel_loop3A_439, %parallel_loop3A_440, %parallel_loop3A_441] {strides = array<i32>} : memref<2x16x768xf32, #tpu.memory_space<vmem>>, vector<16xf32>,
      tpu.vector_store %arg14[%parallel_loop3A_439, %parallel_loop3A_440, %parallel_loop3A_441], %parallel_loop3A_437 {strides = array<i32>} : memref<2x16x768xf32, #tpu.memory_space<vmem>>, vector<16xf32>,
      %parallel_loop3A_443 = arith.constant 0 : i32
      %parallel_loop3A_444 = arith.index_cast %parallel_loop3A_443 : i32 to index
      %parallel_loop3A_445 = arith.index_cast %parallel_loop3A_418 : i32 to index
      %parallel_loop3A_446 = arith.constant 32 : index
      %parallel_loop3A_447 = tpu.vector_load %arg13[%parallel_loop3A_444, %parallel_loop3A_445, %parallel_loop3A_446] {strides = array<i32>} : memref<2x16x768xf32, #tpu.memory_space<vmem>>, vector<16xf32>,
      %parallel_loop3A_448 = arith.fptosi %parallel_loop3A_447 : vector<16xf32> to vector<16xi32>
      %parallel_loop3A_449 = tpu.vector_load_idx %arg12[%parallel_loop3A_448] : memref<256xf32, #tpu.memory_space<vmem>>[vector<16xi32>], vector<16xf32>,
      %parallel_loop3A_450 = arith.constant 0 : i32
      %parallel_loop3A_451 = arith.index_cast %parallel_loop3A_450 : i32 to index
      %parallel_loop3A_452 = arith.index_cast %parallel_loop3A_418 : i32 to index
      %parallel_loop3A_453 = arith.constant 32 : index
      %parallel_loop3A_454 = tpu.vector_load %arg14[%parallel_loop3A_451, %parallel_loop3A_452, %parallel_loop3A_453] {strides = array<i32>} : memref<2x16x768xf32, #tpu.memory_space<vmem>>, vector<16xf32>,
      tpu.vector_store %arg14[%parallel_loop3A_451, %parallel_loop3A_452, %parallel_loop3A_453], %parallel_loop3A_449 {strides = array<i32>} : memref<2x16x768xf32, #tpu.memory_space<vmem>>, vector<16xf32>,
      %parallel_loop3A_455 = arith.constant 0 : i32
      %parallel_loop3A_456 = arith.index_cast %parallel_loop3A_455 : i32 to index
      %parallel_loop3A_457 = arith.index_cast %parallel_loop3A_418 : i32 to index
      %parallel_loop3A_458 = arith.constant 48 : index
      %parallel_loop3A_459 = tpu.vector_load %arg13[%parallel_loop3A_456, %parallel_loop3A_457, %parallel_loop3A_458] {strides = array<i32>} : memref<2x16x768xf32, #tpu.memory_space<vmem>>, vector<16xf32>,
      %parallel_loop3A_460 = arith.fptosi %parallel_loop3A_459 : vector<16xf32> to vector<16xi32>
      %parallel_loop3A_461 = tpu.vector_load_idx %arg12[%parallel_loop3A_460] : memref<256xf32, #tpu.memory_space<vmem>>[vector<16xi32>], vector<16xf32>,
      %parallel_loop3A_462 = arith.constant 0 : i32
      %parallel_loop3A_463 = arith.index_cast %parallel_loop3A_462 : i32 to index
      %parallel_loop3A_464 = arith.index_cast %parallel_loop3A_418 : i32 to index
      %parallel_loop3A_465 = arith.constant 48 : index
      %parallel_loop3A_466 = tpu.vector_load %arg14[%parallel_loop3A_463, %parallel_loop3A_464, %parallel_loop3A_465] {strides = array<i32>} : memref<2x16x768xf32, #tpu.memory_space<vmem>>, vector<16xf32>,
      tpu.vector_store %arg14[%parallel_loop3A_463, %parallel_loop3A_464, %parallel_loop3A_465], %parallel_loop3A_461 {strides = array<i32>} : memref<2x16x768xf32, #tpu.memory_space<vmem>>, vector<16xf32>,
      %parallel_loop3A_467 = arith.constant 0 : i32
      %parallel_loop3A_468 = arith.index_cast %parallel_loop3A_467 : i32 to index
      %parallel_loop3A_469 = arith.index_cast %parallel_loop3A_418 : i32 to index
      %parallel_loop3A_470 = arith.constant 64 : index
      %parallel_loop3A_471 = tpu.vector_load %arg13[%parallel_loop3A_468, %parallel_loop3A_469, %parallel_loop3A_470] {strides = array<i32>} : memref<2x16x768xf32, #tpu.memory_space<vmem>>, vector<16xf32>,
      %parallel_loop3A_472 = arith.fptosi %parallel_loop3A_471 : vector<16xf32> to vector<16xi32>
      %parallel_loop3A_473 = tpu.vector_load_idx %arg12[%parallel_loop3A_472] : memref<256xf32, #tpu.memory_space<vmem>>[vector<16xi32>], vector<16xf32>,
      %parallel_loop3A_474 = arith.constant 0 : i32
      %parallel_loop3A_475 = arith.index_cast %parallel_loop3A_474 : i32 to index
      %parallel_loop3A_476 = arith.index_cast %parallel_loop3A_418 : i32 to index
      %parallel_loop3A_477 = arith.constant 64 : index
      %parallel_loop3A_478 = tpu.vector_load %arg14[%parallel_loop3A_475, %parallel_loop3A_476, %parallel_loop3A_477] {strides = array<i32>} : memref<2x16x768xf32, #tpu.memory_space<vmem>>, vector<16xf32>,
      tpu.vector_store %arg14[%parallel_loop3A_475, %parallel_loop3A_476, %parallel_loop3A_477], %parallel_loop3A_473 {strides = array<i32>} : memref<2x16x768xf32, #tpu.memory_space<vmem>>, vector<16xf32>,
      %parallel_loop3A_479 = arith.constant 0 : i32
      %parallel_loop3A_480 = arith.index_cast %parallel_loop3A_479 : i32 to index
      %parallel_loop3A_481 = arith.index_cast %parallel_loop3A_418 : i32 to index
      %parallel_loop3A_482 = arith.constant 80 : index
      %parallel_loop3A_483 = tpu.vector_load %arg13[%parallel_loop3A_480, %parallel_loop3A_481, %parallel_loop3A_482] {strides = array<i32>} : memref<2x16x768xf32, #tpu.memory_space<vmem>>, vector<16xf32>,
      %parallel_loop3A_484 = arith.fptosi %parallel_loop3A_483 : vector<16xf32> to vector<16xi32>
      %parallel_loop3A_485 = tpu.vector_load_idx %arg12[%parallel_loop3A_484] : memref<256xf32, #tpu.memory_space<vmem>>[vector<16xi32>], vector<16xf32>,
      %parallel_loop3A_486 = arith.constant 0 : i32
      %parallel_loop3A_487 = arith.index_cast %parallel_loop3A_486 : i32 to index
      %parallel_loop3A_488 = arith.index_cast %parallel_loop3A_418 : i32 to index
      %parallel_loop3A_489 = arith.constant 80 : index
      %parallel_loop3A_490 = tpu.vector_load %arg14[%parallel_loop3A_487, %parallel_loop3A_488, %parallel_loop3A_489] {strides = array<i32>} : memref<2x16x768xf32, #tpu.memory_space<vmem>>, vector<16xf32>,
      tpu.vector_store %arg14[%parallel_loop3A_487, %parallel_loop3A_488, %parallel_loop3A_489], %parallel_loop3A_485 {strides = array<i32>} : memref<2x16x768xf32, #tpu.memory_space<vmem>>, vector<16xf32>,
      %parallel_loop3A_491 = arith.constant 0 : i32
      %parallel_loop3A_492 = arith.index_cast %parallel_loop3A_491 : i32 to index
      %parallel_loop3A_493 = arith.index_cast %parallel_loop3A_418 : i32 to index
      %parallel_loop3A_494 = arith.constant 96 : index
      %parallel_loop3A_495 = tpu.vector_load %arg13[%parallel_loop3A_492, %parallel_loop3A_493, %parallel_loop3A_494] {strides = array<i32>} : memref<2x16x768xf32, #tpu.memory_space<vmem>>, vector<16xf32>,
      %parallel_loop3A_496 = arith.fptosi %parallel_loop3A_495 : vector<16xf32> to vector<16xi32>
      %parallel_loop3A_497 = tpu.vector_load_idx %arg12[%parallel_loop3A_496] : memref<256xf32, #tpu.memory_space<vmem>>[vector<16xi32>], vector<16xf32>,
      %parallel_loop3A_498 = arith.constant 0 : i32
      %parallel_loop3A_499 = arith.index_cast %parallel_loop3A_498 : i32 to index
      %parallel_loop3A_500 = arith.index_cast %parallel_loop3A_418 : i32 to index
      %parallel_loop3A_501 = arith.constant 96 : index
      %parallel_loop3A_502 = tpu.vector_load %arg14[%parallel_loop3A_499, %parallel_loop3A_500, %parallel_loop3A_501] {strides = array<i32>} : memref<2x16x768xf32, #tpu.memory_space<vmem>>, vector<16xf32>,
      tpu.vector_store %arg14[%parallel_loop3A_499, %parallel_loop3A_500, %parallel_loop3A_501], %parallel_loop3A_497 {strides = array<i32>} : memref<2x16x768xf32, #tpu.memory_space<vmem>>, vector<16xf32>,
      %parallel_loop3A_503 = arith.constant 0 : i32
      %parallel_loop3A_504 = arith.index_cast %parallel_loop3A_503 : i32 to index
      %parallel_loop3A_505 = arith.index_cast %parallel_loop3A_418 : i32 to index
      %parallel_loop3A_506 = arith.constant 112 : index
      %parallel_loop3A_507 = tpu.vector_load %arg13[%parallel_loop3A_504, %parallel_loop3A_505, %parallel_loop3A_506] {strides = array<i32>} : memref<2x16x768xf32, #tpu.memory_space<vmem>>, vector<16xf32>,
      %parallel_loop3A_508 = arith.fptosi %parallel_loop3A_507 : vector<16xf32> to vector<16xi32>
      %parallel_loop3A_509 = tpu.vector_load_idx %arg12[%parallel_loop3A_508] : memref<256xf32, #tpu.memory_space<vmem>>[vector<16xi32>], vector<16xf32>,
      %parallel_loop3A_510 = arith.constant 0 : i32
      %parallel_loop3A_511 = arith.index_cast %parallel_loop3A_510 : i32 to index
      %parallel_loop3A_512 = arith.index_cast %parallel_loop3A_418 : i32 to index
      %parallel_loop3A_513 = arith.constant 112 : index
      %parallel_loop3A_514 = tpu.vector_load %arg14[%parallel_loop3A_511, %parallel_loop3A_512, %parallel_loop3A_513] {strides = array<i32>} : memref<2x16x768xf32, #tpu.memory_space<vmem>>, vector<16xf32>,
      tpu.vector_store %arg14[%parallel_loop3A_511, %parallel_loop3A_512, %parallel_loop3A_513], %parallel_loop3A_509 {strides = array<i32>} : memref<2x16x768xf32, #tpu.memory_space<vmem>>, vector<16xf32>,
      %parallel_loop3A_515 = arith.constant 0 : i32
      %parallel_loop3A_516 = arith.index_cast %parallel_loop3A_515 : i32 to index
      %parallel_loop3A_517 = arith.index_cast %parallel_loop3A_418 : i32 to index
      %parallel_loop3A_518 = arith.constant 128 : index
      %parallel_loop3A_519 = tpu.vector_load %arg13[%parallel_loop3A_516, %parallel_loop3A_517, %parallel_loop3A_518] {strides = array<i32>} : memref<2x16x768xf32, #tpu.memory_space<vmem>>, vector<16xf32>,
      %parallel_loop3A_520 = arith.fptosi %parallel_loop3A_519 : vector<16xf32> to vector<16xi32>
      %parallel_loop3A_521 = tpu.vector_load_idx %arg12[%parallel_loop3A_520] : memref<256xf32, #tpu.memory_space<vmem>>[vector<16xi32>], vector<16xf32>,
      %parallel_loop3A_522 = arith.constant 0 : i32
      %parallel_loop3A_523 = arith.index_cast %parallel_loop3A_522 : i32 to index
      %parallel_loop3A_524 = arith.index_cast %parallel_loop3A_418 : i32 to index
      %parallel_loop3A_525 = arith.constant 128 : index
      %parallel_loop3A_526 = tpu.vector_load %arg14[%parallel_loop3A_523, %parallel_loop3A_524, %parallel_loop3A_525] {strides = array<i32>} : memref<2x16x768xf32, #tpu.memory_space<vmem>>, vector<16xf32>,
      tpu.vector_store %arg14[%parallel_loop3A_523, %parallel_loop3A_524, %parallel_loop3A_525], %parallel_loop3A_521 {strides = array<i32>} : memref<2x16x768xf32, #tpu.memory_space<vmem>>, vector<16xf32>,
      %parallel_loop3A_527 = arith.constant 0 : i32
      %parallel_loop3A_528 = arith.index_cast %parallel_loop3A_527 : i32 to index
      %parallel_loop3A_529 = arith.index_cast %parallel_loop3A_418 : i32 to index
      %parallel_loop3A_530 = arith.constant 144 : index
      %parallel_loop3A_531 = tpu.vector_load %arg13[%parallel_loop3A_528, %parallel_loop3A_529, %parallel_loop3A_530] {strides = array<i32>} : memref<2x16x768xf32, #tpu.memory_space<vmem>>, vector<16xf32>,
      %parallel_loop3A_532 = arith.fptosi %parallel_loop3A_531 : vector<16xf32> to vector<16xi32>
      %parallel_loop3A_533 = tpu.vector_load_idx %arg12[%parallel_loop3A_532] : memref<256xf32, #tpu.memory_space<vmem>>[vector<16xi32>], vector<16xf32>,
      %parallel_loop3A_534 = arith.constant 0 : i32
      %parallel_loop3A_535 = arith.index_cast %parallel_loop3A_534 : i32 to index
      %parallel_loop3A_536 = arith.index_cast %parallel_loop3A_418 : i32 to index
      %parallel_loop3A_537 = arith.constant 144 : index
      %parallel_loop3A_538 = tpu.vector_load %arg14[%parallel_loop3A_535, %parallel_loop3A_536, %parallel_loop3A_537] {strides = array<i32>} : memref<2x16x768xf32, #tpu.memory_space<vmem>>, vector<16xf32>,
      tpu.vector_store %arg14[%parallel_loop3A_535, %parallel_loop3A_536, %parallel_loop3A_537], %parallel_loop3A_533 {strides = array<i32>} : memref<2x16x768xf32, #tpu.memory_space<vmem>>, vector<16xf32>,
      %parallel_loop3A_539 = arith.constant 0 : i32
      %parallel_loop3A_540 = arith.index_cast %parallel_loop3A_539 : i32 to index
      %parallel_loop3A_541 = arith.index_cast %parallel_loop3A_418 : i32 to index
      %parallel_loop3A_542 = arith.constant 160 : index
      %parallel_loop3A_543 = tpu.vector_load %arg13[%parallel_loop3A_540, %parallel_loop3A_541, %parallel_loop3A_542] {strides = array<i32>} : memref<2x16x768xf32, #tpu.memory_space<vmem>>, vector<16xf32>,
      %parallel_loop3A_544 = arith.fptosi %parallel_loop3A_543 : vector<16xf32> to vector<16xi32>
      %parallel_loop3A_545 = tpu.vector_load_idx %arg12[%parallel_loop3A_544] : memref<256xf32, #tpu.memory_space<vmem>>[vector<16xi32>], vector<16xf32>,
      %parallel_loop3A_546 = arith.constant 0 : i32
      %parallel_loop3A_547 = arith.index_cast %parallel_loop3A_546 : i32 to index
      %parallel_loop3A_548 = arith.index_cast %parallel_loop3A_418 : i32 to index
      %parallel_loop3A_549 = arith.constant 160 : index
      %parallel_loop3A_550 = tpu.vector_load %arg14[%parallel_loop3A_547, %parallel_loop3A_548, %parallel_loop3A_549] {strides = array<i32>} : memref<2x16x768xf32, #tpu.memory_space<vmem>>, vector<16xf32>,
      tpu.vector_store %arg14[%parallel_loop3A_547, %parallel_loop3A_548, %parallel_loop3A_549], %parallel_loop3A_545 {strides = array<i32>} : memref<2x16x768xf32, #tpu.memory_space<vmem>>, vector<16xf32>,
      %parallel_loop3A_551 = arith.constant 0 : i32
      %parallel_loop3A_552 = arith.index_cast %parallel_loop3A_551 : i32 to index
      %parallel_loop3A_553 = arith.index_cast %parallel_loop3A_418 : i32 to index
      %parallel_loop3A_554 = arith.constant 176 : index
      %parallel_loop3A_555 = tpu.vector_load %arg13[%parallel_loop3A_552, %parallel_loop3A_553, %parallel_loop3A_554] {strides = array<i32>} : memref<2x16x768xf32, #tpu.memory_space<vmem>>, vector<16xf32>,
      %parallel_loop3A_556 = arith.fptosi %parallel_loop3A_555 : vector<16xf32> to vector<16xi32>
      %parallel_loop3A_557 = tpu.vector_load_idx %arg12[%parallel_loop3A_556] : memref<256xf32, #tpu.memory_space<vmem>>[vector<16xi32>], vector<16xf32>,
      %parallel_loop3A_558 = arith.constant 0 : i32
      %parallel_loop3A_559 = arith.index_cast %parallel_loop3A_558 : i32 to index
      %parallel_loop3A_560 = arith.index_cast %parallel_loop3A_418 : i32 to index
      %parallel_loop3A_561 = arith.constant 176 : index
      %parallel_loop3A_562 = tpu.vector_load %arg14[%parallel_loop3A_559, %parallel_loop3A_560, %parallel_loop3A_561] {strides = array<i32>} : memref<2x16x768xf32, #tpu.memory_space<vmem>>, vector<16xf32>,
      tpu.vector_store %arg14[%parallel_loop3A_559, %parallel_loop3A_560, %parallel_loop3A_561], %parallel_loop3A_557 {strides = array<i32>} : memref<2x16x768xf32, #tpu.memory_space<vmem>>, vector<16xf32>,
      %parallel_loop3A_563 = arith.constant 0 : i32
      %parallel_loop3A_564 = arith.index_cast %parallel_loop3A_563 : i32 to index
      %parallel_loop3A_565 = arith.index_cast %parallel_loop3A_418 : i32 to index
      %parallel_loop3A_566 = arith.constant 192 : index
      %parallel_loop3A_567 = tpu.vector_load %arg13[%parallel_loop3A_564, %parallel_loop3A_565, %parallel_loop3A_566] {strides = array<i32>} : memref<2x16x768xf32, #tpu.memory_space<vmem>>, vector<16xf32>,
      %parallel_loop3A_568 = arith.fptosi %parallel_loop3A_567 : vector<16xf32> to vector<16xi32>
      %parallel_loop3A_569 = tpu.vector_load_idx %arg12[%parallel_loop3A_568] : memref<256xf32, #tpu.memory_space<vmem>>[vector<16xi32>], vector<16xf32>,
      %parallel_loop3A_570 = arith.constant 0 : i32
      %parallel_loop3A_571 = arith.index_cast %parallel_loop3A_570 : i32 to index
      %parallel_loop3A_572 = arith.index_cast %parallel_loop3A_418 : i32 to index
      %parallel_loop3A_573 = arith.constant 192 : index
      %parallel_loop3A_574 = tpu.vector_load %arg14[%parallel_loop3A_571, %parallel_loop3A_572, %parallel_loop3A_573] {strides = array<i32>} : memref<2x16x768xf32, #tpu.memory_space<vmem>>, vector<16xf32>,
      tpu.vector_store %arg14[%parallel_loop3A_571, %parallel_loop3A_572, %parallel_loop3A_573], %parallel_loop3A_569 {strides = array<i32>} : memref<2x16x768xf32, #tpu.memory_space<vmem>>, vector<16xf32>,
      %parallel_loop3A_575 = arith.constant 0 : i32
      %parallel_loop3A_576 = arith.index_cast %parallel_loop3A_575 : i32 to index
      %parallel_loop3A_577 = arith.index_cast %parallel_loop3A_418 : i32 to index
      %parallel_loop3A_578 = arith.constant 208 : index
      %parallel_loop3A_579 = tpu.vector_load %arg13[%parallel_loop3A_576, %parallel_loop3A_577, %parallel_loop3A_578] {strides = array<i32>} : memref<2x16x768xf32, #tpu.memory_space<vmem>>, vector<16xf32>,
      %parallel_loop3A_580 = arith.fptosi %parallel_loop3A_579 : vector<16xf32> to vector<16xi32>
      %parallel_loop3A_581 = tpu.vector_load_idx %arg12[%parallel_loop3A_580] : memref<256xf32, #tpu.memory_space<vmem>>[vector<16xi32>], vector<16xf32>,
      %parallel_loop3A_582 = arith.constant 0 : i32
      %parallel_loop3A_583 = arith.index_cast %parallel_loop3A_582 : i32 to index
      %parallel_loop3A_584 = arith.index_cast %parallel_loop3A_418 : i32 to index
      %parallel_loop3A_585 = arith.constant 208 : index
      %parallel_loop3A_586 = tpu.vector_load %arg14[%parallel_loop3A_583, %parallel_loop3A_584, %parallel_loop3A_585] {strides = array<i32>} : memref<2x16x768xf32, #tpu.memory_space<vmem>>, vector<16xf32>,
      tpu.vector_store %arg14[%parallel_loop3A_583, %parallel_loop3A_584, %parallel_loop3A_585], %parallel_loop3A_581 {strides = array<i32>} : memref<2x16x768xf32, #tpu.memory_space<vmem>>, vector<16xf32>,
      %parallel_loop3A_587 = arith.constant 0 : i32
      %parallel_loop3A_588 = arith.index_cast %parallel_loop3A_587 : i32 to index
      %parallel_loop3A_589 = arith.index_cast %parallel_loop3A_418 : i32 to index
      %parallel_loop3A_590 = arith.constant 224 : index
      %parallel_loop3A_591 = tpu.vector_load %arg13[%parallel_loop3A_588, %parallel_loop3A_589, %parallel_loop3A_590] {strides = array<i32>} : memref<2x16x768xf32, #tpu.memory_space<vmem>>, vector<16xf32>,
      %parallel_loop3A_592 = arith.fptosi %parallel_loop3A_591 : vector<16xf32> to vector<16xi32>
      %parallel_loop3A_593 = tpu.vector_load_idx %arg12[%parallel_loop3A_592] : memref<256xf32, #tpu.memory_space<vmem>>[vector<16xi32>], vector<16xf32>,
      %parallel_loop3A_594 = arith.constant 0 : i32
      %parallel_loop3A_595 = arith.index_cast %parallel_loop3A_594 : i32 to index
      %parallel_loop3A_596 = arith.index_cast %parallel_loop3A_418 : i32 to index
      %parallel_loop3A_597 = arith.constant 224 : index
      %parallel_loop3A_598 = tpu.vector_load %arg14[%parallel_loop3A_595, %parallel_loop3A_596, %parallel_loop3A_597] {strides = array<i32>} : memref<2x16x768xf32, #tpu.memory_space<vmem>>, vector<16xf32>,
      tpu.vector_store %arg14[%parallel_loop3A_595, %parallel_loop3A_596, %parallel_loop3A_597], %parallel_loop3A_593 {strides = array<i32>} : memref<2x16x768xf32, #tpu.memory_space<vmem>>, vector<16xf32>,
      %parallel_loop3A_599 = arith.constant 0 : i32
      %parallel_loop3A_600 = arith.index_cast %parallel_loop3A_599 : i32 to index
      %parallel_loop3A_601 = arith.index_cast %parallel_loop3A_418 : i32 to index
      %parallel_loop3A_602 = arith.constant 240 : index
      %parallel_loop3A_603 = tpu.vector_load %arg13[%parallel_loop3A_600, %parallel_loop3A_601, %parallel_loop3A_602] {strides = array<i32>} : memref<2x16x768xf32, #tpu.memory_space<vmem>>, vector<16xf32>,
      %parallel_loop3A_604 = arith.fptosi %parallel_loop3A_603 : vector<16xf32> to vector<16xi32>
      %parallel_loop3A_605 = tpu.vector_load_idx %arg12[%parallel_loop3A_604] : memref<256xf32, #tpu.memory_space<vmem>>[vector<16xi32>], vector<16xf32>,
      %parallel_loop3A_606 = arith.constant 0 : i32
      %parallel_loop3A_607 = arith.index_cast %parallel_loop3A_606 : i32 to index
      %parallel_loop3A_608 = arith.index_cast %parallel_loop3A_418 : i32 to index
      %parallel_loop3A_609 = arith.constant 240 : index
      %parallel_loop3A_610 = tpu.vector_load %arg14[%parallel_loop3A_607, %parallel_loop3A_608, %parallel_loop3A_609] {strides = array<i32>} : memref<2x16x768xf32, #tpu.memory_space<vmem>>, vector<16xf32>,
      tpu.vector_store %arg14[%parallel_loop3A_607, %parallel_loop3A_608, %parallel_loop3A_609], %parallel_loop3A_605 {strides = array<i32>} : memref<2x16x768xf32, #tpu.memory_space<vmem>>, vector<16xf32>,
      %parallel_loop3A_611 = arith.constant 0 : i32
      %parallel_loop3A_612 = arith.index_cast %parallel_loop3A_611 : i32 to index
      %parallel_loop3A_613 = arith.index_cast %parallel_loop3A_418 : i32 to index
      %parallel_loop3A_614 = arith.constant 256 : index
      %parallel_loop3A_615 = tpu.vector_load %arg13[%parallel_loop3A_612, %parallel_loop3A_613, %parallel_loop3A_614] {strides = array<i32>} : memref<2x16x768xf32, #tpu.memory_space<vmem>>, vector<16xf32>,
      %parallel_loop3A_616 = arith.fptosi %parallel_loop3A_615 : vector<16xf32> to vector<16xi32>
      %parallel_loop3A_617 = tpu.vector_load_idx %arg12[%parallel_loop3A_616] : memref<256xf32, #tpu.memory_space<vmem>>[vector<16xi32>], vector<16xf32>,
      %parallel_loop3A_618 = arith.constant 0 : i32
      %parallel_loop3A_619 = arith.index_cast %parallel_loop3A_618 : i32 to index
      %parallel_loop3A_620 = arith.index_cast %parallel_loop3A_418 : i32 to index
      %parallel_loop3A_621 = arith.constant 256 : index
      %parallel_loop3A_622 = tpu.vector_load %arg14[%parallel_loop3A_619, %parallel_loop3A_620, %parallel_loop3A_621] {strides = array<i32>} : memref<2x16x768xf32, #tpu.memory_space<vmem>>, vector<16xf32>,
      tpu.vector_store %arg14[%parallel_loop3A_619, %parallel_loop3A_620, %parallel_loop3A_621], %parallel_loop3A_617 {strides = array<i32>} : memref<2x16x768xf32, #tpu.memory_space<vmem>>, vector<16xf32>,
      %parallel_loop3A_623 = arith.constant 0 : i32
      %parallel_loop3A_624 = arith.index_cast %parallel_loop3A_623 : i32 to index
      %parallel_loop3A_625 = arith.index_cast %parallel_loop3A_418 : i32 to index
      %parallel_loop3A_626 = arith.constant 272 : index
      %parallel_loop3A_627 = tpu.vector_load %arg13[%parallel_loop3A_624, %parallel_loop3A_625, %parallel_loop3A_626] {strides = array<i32>} : memref<2x16x768xf32, #tpu.memory_space<vmem>>, vector<16xf32>,
      %parallel_loop3A_628 = arith.fptosi %parallel_loop3A_627 : vector<16xf32> to vector<16xi32>
      %parallel_loop3A_629 = tpu.vector_load_idx %arg12[%parallel_loop3A_628] : memref<256xf32, #tpu.memory_space<vmem>>[vector<16xi32>], vector<16xf32>,
      %parallel_loop3A_630 = arith.constant 0 : i32
      %parallel_loop3A_631 = arith.index_cast %parallel_loop3A_630 : i32 to index
      %parallel_loop3A_632 = arith.index_cast %parallel_loop3A_418 : i32 to index
      %parallel_loop3A_633 = arith.constant 272 : index
      %parallel_loop3A_634 = tpu.vector_load %arg14[%parallel_loop3A_631, %parallel_loop3A_632, %parallel_loop3A_633] {strides = array<i32>} : memref<2x16x768xf32, #tpu.memory_space<vmem>>, vector<16xf32>,
      tpu.vector_store %arg14[%parallel_loop3A_631, %parallel_loop3A_632, %parallel_loop3A_633], %parallel_loop3A_629 {strides = array<i32>} : memref<2x16x768xf32, #tpu.memory_space<vmem>>, vector<16xf32>,
      %parallel_loop3A_635 = arith.constant 0 : i32
      %parallel_loop3A_636 = arith.index_cast %parallel_loop3A_635 : i32 to index
      %parallel_loop3A_637 = arith.index_cast %parallel_loop3A_418 : i32 to index
      %parallel_loop3A_638 = arith.constant 288 : index
      %parallel_loop3A_639 = tpu.vector_load %arg13[%parallel_loop3A_636, %parallel_loop3A_637, %parallel_loop3A_638] {strides = array<i32>} : memref<2x16x768xf32, #tpu.memory_space<vmem>>, vector<16xf32>,
      %parallel_loop3A_640 = arith.fptosi %parallel_loop3A_639 : vector<16xf32> to vector<16xi32>
      %parallel_loop3A_641 = tpu.vector_load_idx %arg12[%parallel_loop3A_640] : memref<256xf32, #tpu.memory_space<vmem>>[vector<16xi32>], vector<16xf32>,
      %parallel_loop3A_642 = arith.constant 0 : i32
      %parallel_loop3A_643 = arith.index_cast %parallel_loop3A_642 : i32 to index
      %parallel_loop3A_644 = arith.index_cast %parallel_loop3A_418 : i32 to index
      %parallel_loop3A_645 = arith.constant 288 : index
      %parallel_loop3A_646 = tpu.vector_load %arg14[%parallel_loop3A_643, %parallel_loop3A_644, %parallel_loop3A_645] {strides = array<i32>} : memref<2x16x768xf32, #tpu.memory_space<vmem>>, vector<16xf32>,
      tpu.vector_store %arg14[%parallel_loop3A_643, %parallel_loop3A_644, %parallel_loop3A_645], %parallel_loop3A_641 {strides = array<i32>} : memref<2x16x768xf32, #tpu.memory_space<vmem>>, vector<16xf32>,
      %parallel_loop3A_647 = arith.constant 0 : i32
      %parallel_loop3A_648 = arith.index_cast %parallel_loop3A_647 : i32 to index
      %parallel_loop3A_649 = arith.index_cast %parallel_loop3A_418 : i32 to index
      %parallel_loop3A_650 = arith.constant 304 : index
      %parallel_loop3A_651 = tpu.vector_load %arg13[%parallel_loop3A_648, %parallel_loop3A_649, %parallel_loop3A_650] {strides = array<i32>} : memref<2x16x768xf32, #tpu.memory_space<vmem>>, vector<16xf32>,
      %parallel_loop3A_652 = arith.fptosi %parallel_loop3A_651 : vector<16xf32> to vector<16xi32>
      %parallel_loop3A_653 = tpu.vector_load_idx %arg12[%parallel_loop3A_652] : memref<256xf32, #tpu.memory_space<vmem>>[vector<16xi32>], vector<16xf32>,
      %parallel_loop3A_654 = arith.constant 0 : i32
      %parallel_loop3A_655 = arith.index_cast %parallel_loop3A_654 : i32 to index
      %parallel_loop3A_656 = arith.index_cast %parallel_loop3A_418 : i32 to index
      %parallel_loop3A_657 = arith.constant 304 : index
      %parallel_loop3A_658 = tpu.vector_load %arg14[%parallel_loop3A_655, %parallel_loop3A_656, %parallel_loop3A_657] {strides = array<i32>} : memref<2x16x768xf32, #tpu.memory_space<vmem>>, vector<16xf32>,
      tpu.vector_store %arg14[%parallel_loop3A_655, %parallel_loop3A_656, %parallel_loop3A_657], %parallel_loop3A_653 {strides = array<i32>} : memref<2x16x768xf32, #tpu.memory_space<vmem>>, vector<16xf32>,
      %parallel_loop3A_659 = arith.constant 0 : i32
      %parallel_loop3A_660 = arith.index_cast %parallel_loop3A_659 : i32 to index
      %parallel_loop3A_661 = arith.index_cast %parallel_loop3A_418 : i32 to index
      %parallel_loop3A_662 = arith.constant 320 : index
      %parallel_loop3A_663 = tpu.vector_load %arg13[%parallel_loop3A_660, %parallel_loop3A_661, %parallel_loop3A_662] {strides = array<i32>} : memref<2x16x768xf32, #tpu.memory_space<vmem>>, vector<16xf32>,
      %parallel_loop3A_664 = arith.fptosi %parallel_loop3A_663 : vector<16xf32> to vector<16xi32>
      %parallel_loop3A_665 = tpu.vector_load_idx %arg12[%parallel_loop3A_664] : memref<256xf32, #tpu.memory_space<vmem>>[vector<16xi32>], vector<16xf32>,
      %parallel_loop3A_666 = arith.constant 0 : i32
      %parallel_loop3A_667 = arith.index_cast %parallel_loop3A_666 : i32 to index
      %parallel_loop3A_668 = arith.index_cast %parallel_loop3A_418 : i32 to index
      %parallel_loop3A_669 = arith.constant 320 : index
      %parallel_loop3A_670 = tpu.vector_load %arg14[%parallel_loop3A_667, %parallel_loop3A_668, %parallel_loop3A_669] {strides = array<i32>} : memref<2x16x768xf32, #tpu.memory_space<vmem>>, vector<16xf32>,
      tpu.vector_store %arg14[%parallel_loop3A_667, %parallel_loop3A_668, %parallel_loop3A_669], %parallel_loop3A_665 {strides = array<i32>} : memref<2x16x768xf32, #tpu.memory_space<vmem>>, vector<16xf32>,
      %parallel_loop3A_671 = arith.constant 0 : i32
      %parallel_loop3A_672 = arith.index_cast %parallel_loop3A_671 : i32 to index
      %parallel_loop3A_673 = arith.index_cast %parallel_loop3A_418 : i32 to index
      %parallel_loop3A_674 = arith.constant 336 : index
      %parallel_loop3A_675 = tpu.vector_load %arg13[%parallel_loop3A_672, %parallel_loop3A_673, %parallel_loop3A_674] {strides = array<i32>} : memref<2x16x768xf32, #tpu.memory_space<vmem>>, vector<16xf32>,
      %parallel_loop3A_676 = arith.fptosi %parallel_loop3A_675 : vector<16xf32> to vector<16xi32>
      %parallel_loop3A_677 = tpu.vector_load_idx %arg12[%parallel_loop3A_676] : memref<256xf32, #tpu.memory_space<vmem>>[vector<16xi32>], vector<16xf32>,
      %parallel_loop3A_678 = arith.constant 0 : i32
      %parallel_loop3A_679 = arith.index_cast %parallel_loop3A_678 : i32 to index
      %parallel_loop3A_680 = arith.index_cast %parallel_loop3A_418 : i32 to index
      %parallel_loop3A_681 = arith.constant 336 : index
      %parallel_loop3A_682 = tpu.vector_load %arg14[%parallel_loop3A_679, %parallel_loop3A_680, %parallel_loop3A_681] {strides = array<i32>} : memref<2x16x768xf32, #tpu.memory_space<vmem>>, vector<16xf32>,
      tpu.vector_store %arg14[%parallel_loop3A_679, %parallel_loop3A_680, %parallel_loop3A_681], %parallel_loop3A_677 {strides = array<i32>} : memref<2x16x768xf32, #tpu.memory_space<vmem>>, vector<16xf32>,
      %parallel_loop3A_683 = arith.constant 0 : i32
      %parallel_loop3A_684 = arith.index_cast %parallel_loop3A_683 : i32 to index
      %parallel_loop3A_685 = arith.index_cast %parallel_loop3A_418 : i32 to index
      %parallel_loop3A_686 = arith.constant 352 : index
      %parallel_loop3A_687 = tpu.vector_load %arg13[%parallel_loop3A_684, %parallel_loop3A_685, %parallel_loop3A_686] {strides = array<i32>} : memref<2x16x768xf32, #tpu.memory_space<vmem>>, vector<16xf32>,
      %parallel_loop3A_688 = arith.fptosi %parallel_loop3A_687 : vector<16xf32> to vector<16xi32>
      %parallel_loop3A_689 = tpu.vector_load_idx %arg12[%parallel_loop3A_688] : memref<256xf32, #tpu.memory_space<vmem>>[vector<16xi32>], vector<16xf32>,
      %parallel_loop3A_690 = arith.constant 0 : i32
      %parallel_loop3A_691 = arith.index_cast %parallel_loop3A_690 : i32 to index
      %parallel_loop3A_692 = arith.index_cast %parallel_loop3A_418 : i32 to index
      %parallel_loop3A_693 = arith.constant 352 : index
      %parallel_loop3A_694 = tpu.vector_load %arg14[%parallel_loop3A_691, %parallel_loop3A_692, %parallel_loop3A_693] {strides = array<i32>} : memref<2x16x768xf32, #tpu.memory_space<vmem>>, vector<16xf32>,
      tpu.vector_store %arg14[%parallel_loop3A_691, %parallel_loop3A_692, %parallel_loop3A_693], %parallel_loop3A_689 {strides = array<i32>} : memref<2x16x768xf32, #tpu.memory_space<vmem>>, vector<16xf32>,
      %parallel_loop3A_695 = arith.constant 0 : i32
      %parallel_loop3A_696 = arith.index_cast %parallel_loop3A_695 : i32 to index
      %parallel_loop3A_697 = arith.index_cast %parallel_loop3A_418 : i32 to index
      %parallel_loop3A_698 = arith.constant 368 : index
      %parallel_loop3A_699 = tpu.vector_load %arg13[%parallel_loop3A_696, %parallel_loop3A_697, %parallel_loop3A_698] {strides = array<i32>} : memref<2x16x768xf32, #tpu.memory_space<vmem>>, vector<16xf32>,
      %parallel_loop3A_700 = arith.fptosi %parallel_loop3A_699 : vector<16xf32> to vector<16xi32>
      %parallel_loop3A_701 = tpu.vector_load_idx %arg12[%parallel_loop3A_700] : memref<256xf32, #tpu.memory_space<vmem>>[vector<16xi32>], vector<16xf32>,
      %parallel_loop3A_702 = arith.constant 0 : i32
      %parallel_loop3A_703 = arith.index_cast %parallel_loop3A_702 : i32 to index
      %parallel_loop3A_704 = arith.index_cast %parallel_loop3A_418 : i32 to index
      %parallel_loop3A_705 = arith.constant 368 : index
      %parallel_loop3A_706 = tpu.vector_load %arg14[%parallel_loop3A_703, %parallel_loop3A_704, %parallel_loop3A_705] {strides = array<i32>} : memref<2x16x768xf32, #tpu.memory_space<vmem>>, vector<16xf32>,
      tpu.vector_store %arg14[%parallel_loop3A_703, %parallel_loop3A_704, %parallel_loop3A_705], %parallel_loop3A_701 {strides = array<i32>} : memref<2x16x768xf32, #tpu.memory_space<vmem>>, vector<16xf32>,
      %parallel_loop3A_707 = arith.constant 0 : i32
      %parallel_loop3A_708 = arith.index_cast %parallel_loop3A_707 : i32 to index
      %parallel_loop3A_709 = arith.index_cast %parallel_loop3A_418 : i32 to index
      %parallel_loop3A_710 = arith.constant 384 : index
      %parallel_loop3A_711 = tpu.vector_load %arg13[%parallel_loop3A_708, %parallel_loop3A_709, %parallel_loop3A_710] {strides = array<i32>} : memref<2x16x768xf32, #tpu.memory_space<vmem>>, vector<16xf32>,
      %parallel_loop3A_712 = arith.fptosi %parallel_loop3A_711 : vector<16xf32> to vector<16xi32>
      %parallel_loop3A_713 = tpu.vector_load_idx %arg12[%parallel_loop3A_712] : memref<256xf32, #tpu.memory_space<vmem>>[vector<16xi32>], vector<16xf32>,
      %parallel_loop3A_714 = arith.constant 0 : i32
      %parallel_loop3A_715 = arith.index_cast %parallel_loop3A_714 : i32 to index
      %parallel_loop3A_716 = arith.index_cast %parallel_loop3A_418 : i32 to index
      %parallel_loop3A_717 = arith.constant 384 : index
      %parallel_loop3A_718 = tpu.vector_load %arg14[%parallel_loop3A_715, %parallel_loop3A_716, %parallel_loop3A_717] {strides = array<i32>} : memref<2x16x768xf32, #tpu.memory_space<vmem>>, vector<16xf32>,
      tpu.vector_store %arg14[%parallel_loop3A_715, %parallel_loop3A_716, %parallel_loop3A_717], %parallel_loop3A_713 {strides = array<i32>} : memref<2x16x768xf32, #tpu.memory_space<vmem>>, vector<16xf32>,
      %parallel_loop3A_719 = arith.constant 0 : i32
      %parallel_loop3A_720 = arith.index_cast %parallel_loop3A_719 : i32 to index
      %parallel_loop3A_721 = arith.index_cast %parallel_loop3A_418 : i32 to index
      %parallel_loop3A_722 = arith.constant 400 : index
      %parallel_loop3A_723 = tpu.vector_load %arg13[%parallel_loop3A_720, %parallel_loop3A_721, %parallel_loop3A_722] {strides = array<i32>} : memref<2x16x768xf32, #tpu.memory_space<vmem>>, vector<16xf32>,
      %parallel_loop3A_724 = arith.fptosi %parallel_loop3A_723 : vector<16xf32> to vector<16xi32>
      %parallel_loop3A_725 = tpu.vector_load_idx %arg12[%parallel_loop3A_724] : memref<256xf32, #tpu.memory_space<vmem>>[vector<16xi32>], vector<16xf32>,
      %parallel_loop3A_726 = arith.constant 0 : i32
      %parallel_loop3A_727 = arith.index_cast %parallel_loop3A_726 : i32 to index
      %parallel_loop3A_728 = arith.index_cast %parallel_loop3A_418 : i32 to index
      %parallel_loop3A_729 = arith.constant 400 : index
      %parallel_loop3A_730 = tpu.vector_load %arg14[%parallel_loop3A_727, %parallel_loop3A_728, %parallel_loop3A_729] {strides = array<i32>} : memref<2x16x768xf32, #tpu.memory_space<vmem>>, vector<16xf32>,
      tpu.vector_store %arg14[%parallel_loop3A_727, %parallel_loop3A_728, %parallel_loop3A_729], %parallel_loop3A_725 {strides = array<i32>} : memref<2x16x768xf32, #tpu.memory_space<vmem>>, vector<16xf32>,
      %parallel_loop3A_731 = arith.constant 0 : i32
      %parallel_loop3A_732 = arith.index_cast %parallel_loop3A_731 : i32 to index
      %parallel_loop3A_733 = arith.index_cast %parallel_loop3A_418 : i32 to index
      %parallel_loop3A_734 = arith.constant 416 : index
      %parallel_loop3A_735 = tpu.vector_load %arg13[%parallel_loop3A_732, %parallel_loop3A_733, %parallel_loop3A_734] {strides = array<i32>} : memref<2x16x768xf32, #tpu.memory_space<vmem>>, vector<16xf32>,
      %parallel_loop3A_736 = arith.fptosi %parallel_loop3A_735 : vector<16xf32> to vector<16xi32>
      %parallel_loop3A_737 = tpu.vector_load_idx %arg12[%parallel_loop3A_736] : memref<256xf32, #tpu.memory_space<vmem>>[vector<16xi32>], vector<16xf32>,
      %parallel_loop3A_738 = arith.constant 0 : i32
      %parallel_loop3A_739 = arith.index_cast %parallel_loop3A_738 : i32 to index
      %parallel_loop3A_740 = arith.index_cast %parallel_loop3A_418 : i32 to index
      %parallel_loop3A_741 = arith.constant 416 : index
      %parallel_loop3A_742 = tpu.vector_load %arg14[%parallel_loop3A_739, %parallel_loop3A_740, %parallel_loop3A_741] {strides = array<i32>} : memref<2x16x768xf32, #tpu.memory_space<vmem>>, vector<16xf32>,
      tpu.vector_store %arg14[%parallel_loop3A_739, %parallel_loop3A_740, %parallel_loop3A_741], %parallel_loop3A_737 {strides = array<i32>} : memref<2x16x768xf32, #tpu.memory_space<vmem>>, vector<16xf32>,
      %parallel_loop3A_743 = arith.constant 0 : i32
      %parallel_loop3A_744 = arith.index_cast %parallel_loop3A_743 : i32 to index
      %parallel_loop3A_745 = arith.index_cast %parallel_loop3A_418 : i32 to index
      %parallel_loop3A_746 = arith.constant 432 : index
      %parallel_loop3A_747 = tpu.vector_load %arg13[%parallel_loop3A_744, %parallel_loop3A_745, %parallel_loop3A_746] {strides = array<i32>} : memref<2x16x768xf32, #tpu.memory_space<vmem>>, vector<16xf32>,
      %parallel_loop3A_748 = arith.fptosi %parallel_loop3A_747 : vector<16xf32> to vector<16xi32>
      %parallel_loop3A_749 = tpu.vector_load_idx %arg12[%parallel_loop3A_748] : memref<256xf32, #tpu.memory_space<vmem>>[vector<16xi32>], vector<16xf32>,
      %parallel_loop3A_750 = arith.constant 0 : i32
      %parallel_loop3A_751 = arith.index_cast %parallel_loop3A_750 : i32 to index
      %parallel_loop3A_752 = arith.index_cast %parallel_loop3A_418 : i32 to index
      %parallel_loop3A_753 = arith.constant 432 : index
      %parallel_loop3A_754 = tpu.vector_load %arg14[%parallel_loop3A_751, %parallel_loop3A_752, %parallel_loop3A_753] {strides = array<i32>} : memref<2x16x768xf32, #tpu.memory_space<vmem>>, vector<16xf32>,
      tpu.vector_store %arg14[%parallel_loop3A_751, %parallel_loop3A_752, %parallel_loop3A_753], %parallel_loop3A_749 {strides = array<i32>} : memref<2x16x768xf32, #tpu.memory_space<vmem>>, vector<16xf32>,
      %parallel_loop3A_755 = arith.constant 0 : i32
      %parallel_loop3A_756 = arith.index_cast %parallel_loop3A_755 : i32 to index
      %parallel_loop3A_757 = arith.index_cast %parallel_loop3A_418 : i32 to index
      %parallel_loop3A_758 = arith.constant 448 : index
      %parallel_loop3A_759 = tpu.vector_load %arg13[%parallel_loop3A_756, %parallel_loop3A_757, %parallel_loop3A_758] {strides = array<i32>} : memref<2x16x768xf32, #tpu.memory_space<vmem>>, vector<16xf32>,
      %parallel_loop3A_760 = arith.fptosi %parallel_loop3A_759 : vector<16xf32> to vector<16xi32>
      %parallel_loop3A_761 = tpu.vector_load_idx %arg12[%parallel_loop3A_760] : memref<256xf32, #tpu.memory_space<vmem>>[vector<16xi32>], vector<16xf32>,
      %parallel_loop3A_762 = arith.constant 0 : i32
      %parallel_loop3A_763 = arith.index_cast %parallel_loop3A_762 : i32 to index
      %parallel_loop3A_764 = arith.index_cast %parallel_loop3A_418 : i32 to index
      %parallel_loop3A_765 = arith.constant 448 : index
      %parallel_loop3A_766 = tpu.vector_load %arg14[%parallel_loop3A_763, %parallel_loop3A_764, %parallel_loop3A_765] {strides = array<i32>} : memref<2x16x768xf32, #tpu.memory_space<vmem>>, vector<16xf32>,
      tpu.vector_store %arg14[%parallel_loop3A_763, %parallel_loop3A_764, %parallel_loop3A_765], %parallel_loop3A_761 {strides = array<i32>} : memref<2x16x768xf32, #tpu.memory_space<vmem>>, vector<16xf32>,
      %parallel_loop3A_767 = arith.constant 0 : i32
      %parallel_loop3A_768 = arith.index_cast %parallel_loop3A_767 : i32 to index
      %parallel_loop3A_769 = arith.index_cast %parallel_loop3A_418 : i32 to index
      %parallel_loop3A_770 = arith.constant 464 : index
      %parallel_loop3A_771 = tpu.vector_load %arg13[%parallel_loop3A_768, %parallel_loop3A_769, %parallel_loop3A_770] {strides = array<i32>} : memref<2x16x768xf32, #tpu.memory_space<vmem>>, vector<16xf32>,
      %parallel_loop3A_772 = arith.fptosi %parallel_loop3A_771 : vector<16xf32> to vector<16xi32>
      %parallel_loop3A_773 = tpu.vector_load_idx %arg12[%parallel_loop3A_772] : memref<256xf32, #tpu.memory_space<vmem>>[vector<16xi32>], vector<16xf32>,
      %parallel_loop3A_774 = arith.constant 0 : i32
      %parallel_loop3A_775 = arith.index_cast %parallel_loop3A_774 : i32 to index
      %parallel_loop3A_776 = arith.index_cast %parallel_loop3A_418 : i32 to index
      %parallel_loop3A_777 = arith.constant 464 : index
      %parallel_loop3A_778 = tpu.vector_load %arg14[%parallel_loop3A_775, %parallel_loop3A_776, %parallel_loop3A_777] {strides = array<i32>} : memref<2x16x768xf32, #tpu.memory_space<vmem>>, vector<16xf32>,
      tpu.vector_store %arg14[%parallel_loop3A_775, %parallel_loop3A_776, %parallel_loop3A_777], %parallel_loop3A_773 {strides = array<i32>} : memref<2x16x768xf32, #tpu.memory_space<vmem>>, vector<16xf32>,
      %parallel_loop3A_779 = arith.constant 0 : i32
      %parallel_loop3A_780 = arith.index_cast %parallel_loop3A_779 : i32 to index
      %parallel_loop3A_781 = arith.index_cast %parallel_loop3A_418 : i32 to index
      %parallel_loop3A_782 = arith.constant 480 : index
      %parallel_loop3A_783 = tpu.vector_load %arg13[%parallel_loop3A_780, %parallel_loop3A_781, %parallel_loop3A_782] {strides = array<i32>} : memref<2x16x768xf32, #tpu.memory_space<vmem>>, vector<16xf32>,
      %parallel_loop3A_784 = arith.fptosi %parallel_loop3A_783 : vector<16xf32> to vector<16xi32>
      %parallel_loop3A_785 = tpu.vector_load_idx %arg12[%parallel_loop3A_784] : memref<256xf32, #tpu.memory_space<vmem>>[vector<16xi32>], vector<16xf32>,
      %parallel_loop3A_786 = arith.constant 0 : i32
      %parallel_loop3A_787 = arith.index_cast %parallel_loop3A_786 : i32 to index
      %parallel_loop3A_788 = arith.index_cast %parallel_loop3A_418 : i32 to index
      %parallel_loop3A_789 = arith.constant 480 : index
      %parallel_loop3A_790 = tpu.vector_load %arg14[%parallel_loop3A_787, %parallel_loop3A_788, %parallel_loop3A_789] {strides = array<i32>} : memref<2x16x768xf32, #tpu.memory_space<vmem>>, vector<16xf32>,
      tpu.vector_store %arg14[%parallel_loop3A_787, %parallel_loop3A_788, %parallel_loop3A_789], %parallel_loop3A_785 {strides = array<i32>} : memref<2x16x768xf32, #tpu.memory_space<vmem>>, vector<16xf32>,
      %parallel_loop3A_791 = arith.constant 0 : i32
      %parallel_loop3A_792 = arith.index_cast %parallel_loop3A_791 : i32 to index
      %parallel_loop3A_793 = arith.index_cast %parallel_loop3A_418 : i32 to index
      %parallel_loop3A_794 = arith.constant 496 : index
      %parallel_loop3A_795 = tpu.vector_load %arg13[%parallel_loop3A_792, %parallel_loop3A_793, %parallel_loop3A_794] {strides = array<i32>} : memref<2x16x768xf32, #tpu.memory_space<vmem>>, vector<16xf32>,
      %parallel_loop3A_796 = arith.fptosi %parallel_loop3A_795 : vector<16xf32> to vector<16xi32>
      %parallel_loop3A_797 = tpu.vector_load_idx %arg12[%parallel_loop3A_796] : memref<256xf32, #tpu.memory_space<vmem>>[vector<16xi32>], vector<16xf32>,
      %parallel_loop3A_798 = arith.constant 0 : i32
      %parallel_loop3A_799 = arith.index_cast %parallel_loop3A_798 : i32 to index
      %parallel_loop3A_800 = arith.index_cast %parallel_loop3A_418 : i32 to index
      %parallel_loop3A_801 = arith.constant 496 : index
      %parallel_loop3A_802 = tpu.vector_load %arg14[%parallel_loop3A_799, %parallel_loop3A_800, %parallel_loop3A_801] {strides = array<i32>} : memref<2x16x768xf32, #tpu.memory_space<vmem>>, vector<16xf32>,
      tpu.vector_store %arg14[%parallel_loop3A_799, %parallel_loop3A_800, %parallel_loop3A_801], %parallel_loop3A_797 {strides = array<i32>} : memref<2x16x768xf32, #tpu.memory_space<vmem>>, vector<16xf32>,
      %parallel_loop3A_803 = arith.constant 0 : i32
      %parallel_loop3A_804 = arith.index_cast %parallel_loop3A_803 : i32 to index
      %parallel_loop3A_805 = arith.index_cast %parallel_loop3A_418 : i32 to index
      %parallel_loop3A_806 = arith.constant 512 : index
      %parallel_loop3A_807 = tpu.vector_load %arg13[%parallel_loop3A_804, %parallel_loop3A_805, %parallel_loop3A_806] {strides = array<i32>} : memref<2x16x768xf32, #tpu.memory_space<vmem>>, vector<16xf32>,
      %parallel_loop3A_808 = arith.fptosi %parallel_loop3A_807 : vector<16xf32> to vector<16xi32>
      %parallel_loop3A_809 = tpu.vector_load_idx %arg12[%parallel_loop3A_808] : memref<256xf32, #tpu.memory_space<vmem>>[vector<16xi32>], vector<16xf32>,
      %parallel_loop3A_810 = arith.constant 0 : i32
      %parallel_loop3A_811 = arith.index_cast %parallel_loop3A_810 : i32 to index
      %parallel_loop3A_812 = arith.index_cast %parallel_loop3A_418 : i32 to index
      %parallel_loop3A_813 = arith.constant 512 : index
      %parallel_loop3A_814 = tpu.vector_load %arg14[%parallel_loop3A_811, %parallel_loop3A_812, %parallel_loop3A_813] {strides = array<i32>} : memref<2x16x768xf32, #tpu.memory_space<vmem>>, vector<16xf32>,
      tpu.vector_store %arg14[%parallel_loop3A_811, %parallel_loop3A_812, %parallel_loop3A_813], %parallel_loop3A_809 {strides = array<i32>} : memref<2x16x768xf32, #tpu.memory_space<vmem>>, vector<16xf32>,
      %parallel_loop3A_815 = arith.constant 0 : i32
      %parallel_loop3A_816 = arith.index_cast %parallel_loop3A_815 : i32 to index
      %parallel_loop3A_817 = arith.index_cast %parallel_loop3A_418 : i32 to index
      %parallel_loop3A_818 = arith.constant 528 : index
      %parallel_loop3A_819 = tpu.vector_load %arg13[%parallel_loop3A_816, %parallel_loop3A_817, %parallel_loop3A_818] {strides = array<i32>} : memref<2x16x768xf32, #tpu.memory_space<vmem>>, vector<16xf32>,
      %parallel_loop3A_820 = arith.fptosi %parallel_loop3A_819 : vector<16xf32> to vector<16xi32>
      %parallel_loop3A_821 = tpu.vector_load_idx %arg12[%parallel_loop3A_820] : memref<256xf32, #tpu.memory_space<vmem>>[vector<16xi32>], vector<16xf32>,
      %parallel_loop3A_822 = arith.constant 0 : i32
      %parallel_loop3A_823 = arith.index_cast %parallel_loop3A_822 : i32 to index
      %parallel_loop3A_824 = arith.index_cast %parallel_loop3A_418 : i32 to index
      %parallel_loop3A_825 = arith.constant 528 : index
      %parallel_loop3A_826 = tpu.vector_load %arg14[%parallel_loop3A_823, %parallel_loop3A_824, %parallel_loop3A_825] {strides = array<i32>} : memref<2x16x768xf32, #tpu.memory_space<vmem>>, vector<16xf32>,
      tpu.vector_store %arg14[%parallel_loop3A_823, %parallel_loop3A_824, %parallel_loop3A_825], %parallel_loop3A_821 {strides = array<i32>} : memref<2x16x768xf32, #tpu.memory_space<vmem>>, vector<16xf32>,
      %parallel_loop3A_827 = arith.constant 0 : i32
      %parallel_loop3A_828 = arith.index_cast %parallel_loop3A_827 : i32 to index
      %parallel_loop3A_829 = arith.index_cast %parallel_loop3A_418 : i32 to index
      %parallel_loop3A_830 = arith.constant 544 : index
      %parallel_loop3A_831 = tpu.vector_load %arg13[%parallel_loop3A_828, %parallel_loop3A_829, %parallel_loop3A_830] {strides = array<i32>} : memref<2x16x768xf32, #tpu.memory_space<vmem>>, vector<16xf32>,
      %parallel_loop3A_832 = arith.fptosi %parallel_loop3A_831 : vector<16xf32> to vector<16xi32>
      %parallel_loop3A_833 = tpu.vector_load_idx %arg12[%parallel_loop3A_832] : memref<256xf32, #tpu.memory_space<vmem>>[vector<16xi32>], vector<16xf32>,
      %parallel_loop3A_834 = arith.constant 0 : i32
      %parallel_loop3A_835 = arith.index_cast %parallel_loop3A_834 : i32 to index
      %parallel_loop3A_836 = arith.index_cast %parallel_loop3A_418 : i32 to index
      %parallel_loop3A_837 = arith.constant 544 : index
      %parallel_loop3A_838 = tpu.vector_load %arg14[%parallel_loop3A_835, %parallel_loop3A_836, %parallel_loop3A_837] {strides = array<i32>} : memref<2x16x768xf32, #tpu.memory_space<vmem>>, vector<16xf32>,
      tpu.vector_store %arg14[%parallel_loop3A_835, %parallel_loop3A_836, %parallel_loop3A_837], %parallel_loop3A_833 {strides = array<i32>} : memref<2x16x768xf32, #tpu.memory_space<vmem>>, vector<16xf32>,
      %parallel_loop3A_839 = arith.constant 0 : i32
      %parallel_loop3A_840 = arith.index_cast %parallel_loop3A_839 : i32 to index
      %parallel_loop3A_841 = arith.index_cast %parallel_loop3A_418 : i32 to index
      %parallel_loop3A_842 = arith.constant 560 : index
      %parallel_loop3A_843 = tpu.vector_load %arg13[%parallel_loop3A_840, %parallel_loop3A_841, %parallel_loop3A_842] {strides = array<i32>} : memref<2x16x768xf32, #tpu.memory_space<vmem>>, vector<16xf32>,
      %parallel_loop3A_844 = arith.fptosi %parallel_loop3A_843 : vector<16xf32> to vector<16xi32>
      %parallel_loop3A_845 = tpu.vector_load_idx %arg12[%parallel_loop3A_844] : memref<256xf32, #tpu.memory_space<vmem>>[vector<16xi32>], vector<16xf32>,
      %parallel_loop3A_846 = arith.constant 0 : i32
      %parallel_loop3A_847 = arith.index_cast %parallel_loop3A_846 : i32 to index
      %parallel_loop3A_848 = arith.index_cast %parallel_loop3A_418 : i32 to index
      %parallel_loop3A_849 = arith.constant 560 : index
      %parallel_loop3A_850 = tpu.vector_load %arg14[%parallel_loop3A_847, %parallel_loop3A_848, %parallel_loop3A_849] {strides = array<i32>} : memref<2x16x768xf32, #tpu.memory_space<vmem>>, vector<16xf32>,
      tpu.vector_store %arg14[%parallel_loop3A_847, %parallel_loop3A_848, %parallel_loop3A_849], %parallel_loop3A_845 {strides = array<i32>} : memref<2x16x768xf32, #tpu.memory_space<vmem>>, vector<16xf32>,
      %parallel_loop3A_851 = arith.constant 0 : i32
      %parallel_loop3A_852 = arith.index_cast %parallel_loop3A_851 : i32 to index
      %parallel_loop3A_853 = arith.index_cast %parallel_loop3A_418 : i32 to index
      %parallel_loop3A_854 = arith.constant 576 : index
      %parallel_loop3A_855 = tpu.vector_load %arg13[%parallel_loop3A_852, %parallel_loop3A_853, %parallel_loop3A_854] {strides = array<i32>} : memref<2x16x768xf32, #tpu.memory_space<vmem>>, vector<16xf32>,
      %parallel_loop3A_856 = arith.fptosi %parallel_loop3A_855 : vector<16xf32> to vector<16xi32>
      %parallel_loop3A_857 = tpu.vector_load_idx %arg12[%parallel_loop3A_856] : memref<256xf32, #tpu.memory_space<vmem>>[vector<16xi32>], vector<16xf32>,
      %parallel_loop3A_858 = arith.constant 0 : i32
      %parallel_loop3A_859 = arith.index_cast %parallel_loop3A_858 : i32 to index
      %parallel_loop3A_860 = arith.index_cast %parallel_loop3A_418 : i32 to index
      %parallel_loop3A_861 = arith.constant 576 : index
      %parallel_loop3A_862 = tpu.vector_load %arg14[%parallel_loop3A_859, %parallel_loop3A_860, %parallel_loop3A_861] {strides = array<i32>} : memref<2x16x768xf32, #tpu.memory_space<vmem>>, vector<16xf32>,
      tpu.vector_store %arg14[%parallel_loop3A_859, %parallel_loop3A_860, %parallel_loop3A_861], %parallel_loop3A_857 {strides = array<i32>} : memref<2x16x768xf32, #tpu.memory_space<vmem>>, vector<16xf32>,
      %parallel_loop3A_863 = arith.constant 0 : i32
      %parallel_loop3A_864 = arith.index_cast %parallel_loop3A_863 : i32 to index
      %parallel_loop3A_865 = arith.index_cast %parallel_loop3A_418 : i32 to index
      %parallel_loop3A_866 = arith.constant 592 : index
      %parallel_loop3A_867 = tpu.vector_load %arg13[%parallel_loop3A_864, %parallel_loop3A_865, %parallel_loop3A_866] {strides = array<i32>} : memref<2x16x768xf32, #tpu.memory_space<vmem>>, vector<16xf32>,
      %parallel_loop3A_868 = arith.fptosi %parallel_loop3A_867 : vector<16xf32> to vector<16xi32>
      %parallel_loop3A_869 = tpu.vector_load_idx %arg12[%parallel_loop3A_868] : memref<256xf32, #tpu.memory_space<vmem>>[vector<16xi32>], vector<16xf32>,
      %parallel_loop3A_870 = arith.constant 0 : i32
      %parallel_loop3A_871 = arith.index_cast %parallel_loop3A_870 : i32 to index
      %parallel_loop3A_872 = arith.index_cast %parallel_loop3A_418 : i32 to index
      %parallel_loop3A_873 = arith.constant 592 : index
      %parallel_loop3A_874 = tpu.vector_load %arg14[%parallel_loop3A_871, %parallel_loop3A_872, %parallel_loop3A_873] {strides = array<i32>} : memref<2x16x768xf32, #tpu.memory_space<vmem>>, vector<16xf32>,
      tpu.vector_store %arg14[%parallel_loop3A_871, %parallel_loop3A_872, %parallel_loop3A_873], %parallel_loop3A_869 {strides = array<i32>} : memref<2x16x768xf32, #tpu.memory_space<vmem>>, vector<16xf32>,
      %parallel_loop3A_875 = arith.constant 0 : i32
      %parallel_loop3A_876 = arith.index_cast %parallel_loop3A_875 : i32 to index
      %parallel_loop3A_877 = arith.index_cast %parallel_loop3A_418 : i32 to index
      %parallel_loop3A_878 = arith.constant 608 : index
      %parallel_loop3A_879 = tpu.vector_load %arg13[%parallel_loop3A_876, %parallel_loop3A_877, %parallel_loop3A_878] {strides = array<i32>} : memref<2x16x768xf32, #tpu.memory_space<vmem>>, vector<16xf32>,
      %parallel_loop3A_880 = arith.fptosi %parallel_loop3A_879 : vector<16xf32> to vector<16xi32>
      %parallel_loop3A_881 = tpu.vector_load_idx %arg12[%parallel_loop3A_880] : memref<256xf32, #tpu.memory_space<vmem>>[vector<16xi32>], vector<16xf32>,
      %parallel_loop3A_882 = arith.constant 0 : i32
      %parallel_loop3A_883 = arith.index_cast %parallel_loop3A_882 : i32 to index
      %parallel_loop3A_884 = arith.index_cast %parallel_loop3A_418 : i32 to index
      %parallel_loop3A_885 = arith.constant 608 : index
      %parallel_loop3A_886 = tpu.vector_load %arg14[%parallel_loop3A_883, %parallel_loop3A_884, %parallel_loop3A_885] {strides = array<i32>} : memref<2x16x768xf32, #tpu.memory_space<vmem>>, vector<16xf32>,
      tpu.vector_store %arg14[%parallel_loop3A_883, %parallel_loop3A_884, %parallel_loop3A_885], %parallel_loop3A_881 {strides = array<i32>} : memref<2x16x768xf32, #tpu.memory_space<vmem>>, vector<16xf32>,
      %parallel_loop3A_887 = arith.constant 0 : i32
      %parallel_loop3A_888 = arith.index_cast %parallel_loop3A_887 : i32 to index
      %parallel_loop3A_889 = arith.index_cast %parallel_loop3A_418 : i32 to index
      %parallel_loop3A_890 = arith.constant 624 : index
      %parallel_loop3A_891 = tpu.vector_load %arg13[%parallel_loop3A_888, %parallel_loop3A_889, %parallel_loop3A_890] {strides = array<i32>} : memref<2x16x768xf32, #tpu.memory_space<vmem>>, vector<16xf32>,
      %parallel_loop3A_892 = arith.fptosi %parallel_loop3A_891 : vector<16xf32> to vector<16xi32>
      %parallel_loop3A_893 = tpu.vector_load_idx %arg12[%parallel_loop3A_892] : memref<256xf32, #tpu.memory_space<vmem>>[vector<16xi32>], vector<16xf32>,
      %parallel_loop3A_894 = arith.constant 0 : i32
      %parallel_loop3A_895 = arith.index_cast %parallel_loop3A_894 : i32 to index
      %parallel_loop3A_896 = arith.index_cast %parallel_loop3A_418 : i32 to index
      %parallel_loop3A_897 = arith.constant 624 : index
      %parallel_loop3A_898 = tpu.vector_load %arg14[%parallel_loop3A_895, %parallel_loop3A_896, %parallel_loop3A_897] {strides = array<i32>} : memref<2x16x768xf32, #tpu.memory_space<vmem>>, vector<16xf32>,
      tpu.vector_store %arg14[%parallel_loop3A_895, %parallel_loop3A_896, %parallel_loop3A_897], %parallel_loop3A_893 {strides = array<i32>} : memref<2x16x768xf32, #tpu.memory_space<vmem>>, vector<16xf32>,
      %parallel_loop3A_899 = arith.constant 0 : i32
      %parallel_loop3A_900 = arith.index_cast %parallel_loop3A_899 : i32 to index
      %parallel_loop3A_901 = arith.index_cast %parallel_loop3A_418 : i32 to index
      %parallel_loop3A_902 = arith.constant 640 : index
      %parallel_loop3A_903 = tpu.vector_load %arg13[%parallel_loop3A_900, %parallel_loop3A_901, %parallel_loop3A_902] {strides = array<i32>} : memref<2x16x768xf32, #tpu.memory_space<vmem>>, vector<16xf32>,
      %parallel_loop3A_904 = arith.fptosi %parallel_loop3A_903 : vector<16xf32> to vector<16xi32>
      %parallel_loop3A_905 = tpu.vector_load_idx %arg12[%parallel_loop3A_904] : memref<256xf32, #tpu.memory_space<vmem>>[vector<16xi32>], vector<16xf32>,
      %parallel_loop3A_906 = arith.constant 0 : i32
      %parallel_loop3A_907 = arith.index_cast %parallel_loop3A_906 : i32 to index
      %parallel_loop3A_908 = arith.index_cast %parallel_loop3A_418 : i32 to index
      %parallel_loop3A_909 = arith.constant 640 : index
      %parallel_loop3A_910 = tpu.vector_load %arg14[%parallel_loop3A_907, %parallel_loop3A_908, %parallel_loop3A_909] {strides = array<i32>} : memref<2x16x768xf32, #tpu.memory_space<vmem>>, vector<16xf32>,
      tpu.vector_store %arg14[%parallel_loop3A_907, %parallel_loop3A_908, %parallel_loop3A_909], %parallel_loop3A_905 {strides = array<i32>} : memref<2x16x768xf32, #tpu.memory_space<vmem>>, vector<16xf32>,
      %parallel_loop3A_911 = arith.constant 0 : i32
      %parallel_loop3A_912 = arith.index_cast %parallel_loop3A_911 : i32 to index
      %parallel_loop3A_913 = arith.index_cast %parallel_loop3A_418 : i32 to index
      %parallel_loop3A_914 = arith.constant 656 : index
      %parallel_loop3A_915 = tpu.vector_load %arg13[%parallel_loop3A_912, %parallel_loop3A_913, %parallel_loop3A_914] {strides = array<i32>} : memref<2x16x768xf32, #tpu.memory_space<vmem>>, vector<16xf32>,
      %parallel_loop3A_916 = arith.fptosi %parallel_loop3A_915 : vector<16xf32> to vector<16xi32>
      %parallel_loop3A_917 = tpu.vector_load_idx %arg12[%parallel_loop3A_916] : memref<256xf32, #tpu.memory_space<vmem>>[vector<16xi32>], vector<16xf32>,
      %parallel_loop3A_918 = arith.constant 0 : i32
      %parallel_loop3A_919 = arith.index_cast %parallel_loop3A_918 : i32 to index
      %parallel_loop3A_920 = arith.index_cast %parallel_loop3A_418 : i32 to index
      %parallel_loop3A_921 = arith.constant 656 : index
      %parallel_loop3A_922 = tpu.vector_load %arg14[%parallel_loop3A_919, %parallel_loop3A_920, %parallel_loop3A_921] {strides = array<i32>} : memref<2x16x768xf32, #tpu.memory_space<vmem>>, vector<16xf32>,
      tpu.vector_store %arg14[%parallel_loop3A_919, %parallel_loop3A_920, %parallel_loop3A_921], %parallel_loop3A_917 {strides = array<i32>} : memref<2x16x768xf32, #tpu.memory_space<vmem>>, vector<16xf32>,
      %parallel_loop3A_923 = arith.constant 0 : i32
      %parallel_loop3A_924 = arith.index_cast %parallel_loop3A_923 : i32 to index
      %parallel_loop3A_925 = arith.index_cast %parallel_loop3A_418 : i32 to index
      %parallel_loop3A_926 = arith.constant 672 : index
      %parallel_loop3A_927 = tpu.vector_load %arg13[%parallel_loop3A_924, %parallel_loop3A_925, %parallel_loop3A_926] {strides = array<i32>} : memref<2x16x768xf32, #tpu.memory_space<vmem>>, vector<16xf32>,
      %parallel_loop3A_928 = arith.fptosi %parallel_loop3A_927 : vector<16xf32> to vector<16xi32>
      %parallel_loop3A_929 = tpu.vector_load_idx %arg12[%parallel_loop3A_928] : memref<256xf32, #tpu.memory_space<vmem>>[vector<16xi32>], vector<16xf32>,
      %parallel_loop3A_930 = arith.constant 0 : i32
      %parallel_loop3A_931 = arith.index_cast %parallel_loop3A_930 : i32 to index
      %parallel_loop3A_932 = arith.index_cast %parallel_loop3A_418 : i32 to index
      %parallel_loop3A_933 = arith.constant 672 : index
      %parallel_loop3A_934 = tpu.vector_load %arg14[%parallel_loop3A_931, %parallel_loop3A_932, %parallel_loop3A_933] {strides = array<i32>} : memref<2x16x768xf32, #tpu.memory_space<vmem>>, vector<16xf32>,
      tpu.vector_store %arg14[%parallel_loop3A_931, %parallel_loop3A_932, %parallel_loop3A_933], %parallel_loop3A_929 {strides = array<i32>} : memref<2x16x768xf32, #tpu.memory_space<vmem>>, vector<16xf32>,
      %parallel_loop3A_935 = arith.constant 0 : i32
      %parallel_loop3A_936 = arith.index_cast %parallel_loop3A_935 : i32 to index
      %parallel_loop3A_937 = arith.index_cast %parallel_loop3A_418 : i32 to index
      %parallel_loop3A_938 = arith.constant 688 : index
      %parallel_loop3A_939 = tpu.vector_load %arg13[%parallel_loop3A_936, %parallel_loop3A_937, %parallel_loop3A_938] {strides = array<i32>} : memref<2x16x768xf32, #tpu.memory_space<vmem>>, vector<16xf32>,
      %parallel_loop3A_940 = arith.fptosi %parallel_loop3A_939 : vector<16xf32> to vector<16xi32>
      %parallel_loop3A_941 = tpu.vector_load_idx %arg12[%parallel_loop3A_940] : memref<256xf32, #tpu.memory_space<vmem>>[vector<16xi32>], vector<16xf32>,
      %parallel_loop3A_942 = arith.constant 0 : i32
      %parallel_loop3A_943 = arith.index_cast %parallel_loop3A_942 : i32 to index
      %parallel_loop3A_944 = arith.index_cast %parallel_loop3A_418 : i32 to index
      %parallel_loop3A_945 = arith.constant 688 : index
      %parallel_loop3A_946 = tpu.vector_load %arg14[%parallel_loop3A_943, %parallel_loop3A_944, %parallel_loop3A_945] {strides = array<i32>} : memref<2x16x768xf32, #tpu.memory_space<vmem>>, vector<16xf32>,
      tpu.vector_store %arg14[%parallel_loop3A_943, %parallel_loop3A_944, %parallel_loop3A_945], %parallel_loop3A_941 {strides = array<i32>} : memref<2x16x768xf32, #tpu.memory_space<vmem>>, vector<16xf32>,
      %parallel_loop3A_947 = arith.constant 0 : i32
      %parallel_loop3A_948 = arith.index_cast %parallel_loop3A_947 : i32 to index
      %parallel_loop3A_949 = arith.index_cast %parallel_loop3A_418 : i32 to index
      %parallel_loop3A_950 = arith.constant 704 : index
      %parallel_loop3A_951 = tpu.vector_load %arg13[%parallel_loop3A_948, %parallel_loop3A_949, %parallel_loop3A_950] {strides = array<i32>} : memref<2x16x768xf32, #tpu.memory_space<vmem>>, vector<16xf32>,
      %parallel_loop3A_952 = arith.fptosi %parallel_loop3A_951 : vector<16xf32> to vector<16xi32>
      %parallel_loop3A_953 = tpu.vector_load_idx %arg12[%parallel_loop3A_952] : memref<256xf32, #tpu.memory_space<vmem>>[vector<16xi32>], vector<16xf32>,
      %parallel_loop3A_954 = arith.constant 0 : i32
      %parallel_loop3A_955 = arith.index_cast %parallel_loop3A_954 : i32 to index
      %parallel_loop3A_956 = arith.index_cast %parallel_loop3A_418 : i32 to index
      %parallel_loop3A_957 = arith.constant 704 : index
      %parallel_loop3A_958 = tpu.vector_load %arg14[%parallel_loop3A_955, %parallel_loop3A_956, %parallel_loop3A_957] {strides = array<i32>} : memref<2x16x768xf32, #tpu.memory_space<vmem>>, vector<16xf32>,
      tpu.vector_store %arg14[%parallel_loop3A_955, %parallel_loop3A_956, %parallel_loop3A_957], %parallel_loop3A_953 {strides = array<i32>} : memref<2x16x768xf32, #tpu.memory_space<vmem>>, vector<16xf32>,
      %parallel_loop3A_959 = arith.constant 0 : i32
      %parallel_loop3A_960 = arith.index_cast %parallel_loop3A_959 : i32 to index
      %parallel_loop3A_961 = arith.index_cast %parallel_loop3A_418 : i32 to index
      %parallel_loop3A_962 = arith.constant 720 : index
      %parallel_loop3A_963 = tpu.vector_load %arg13[%parallel_loop3A_960, %parallel_loop3A_961, %parallel_loop3A_962] {strides = array<i32>} : memref<2x16x768xf32, #tpu.memory_space<vmem>>, vector<16xf32>,
      %parallel_loop3A_964 = arith.fptosi %parallel_loop3A_963 : vector<16xf32> to vector<16xi32>
      %parallel_loop3A_965 = tpu.vector_load_idx %arg12[%parallel_loop3A_964] : memref<256xf32, #tpu.memory_space<vmem>>[vector<16xi32>], vector<16xf32>,
      %parallel_loop3A_966 = arith.constant 0 : i32
      %parallel_loop3A_967 = arith.index_cast %parallel_loop3A_966 : i32 to index
      %parallel_loop3A_968 = arith.index_cast %parallel_loop3A_418 : i32 to index
      %parallel_loop3A_969 = arith.constant 720 : index
      %parallel_loop3A_970 = tpu.vector_load %arg14[%parallel_loop3A_967, %parallel_loop3A_968, %parallel_loop3A_969] {strides = array<i32>} : memref<2x16x768xf32, #tpu.memory_space<vmem>>, vector<16xf32>,
      tpu.vector_store %arg14[%parallel_loop3A_967, %parallel_loop3A_968, %parallel_loop3A_969], %parallel_loop3A_965 {strides = array<i32>} : memref<2x16x768xf32, #tpu.memory_space<vmem>>, vector<16xf32>,
      %parallel_loop3A_971 = arith.constant 0 : i32
      %parallel_loop3A_972 = arith.index_cast %parallel_loop3A_971 : i32 to index
      %parallel_loop3A_973 = arith.index_cast %parallel_loop3A_418 : i32 to index
      %parallel_loop3A_974 = arith.constant 736 : index
      %parallel_loop3A_975 = tpu.vector_load %arg13[%parallel_loop3A_972, %parallel_loop3A_973, %parallel_loop3A_974] {strides = array<i32>} : memref<2x16x768xf32, #tpu.memory_space<vmem>>, vector<16xf32>,
      %parallel_loop3A_976 = arith.fptosi %parallel_loop3A_975 : vector<16xf32> to vector<16xi32>
      %parallel_loop3A_977 = tpu.vector_load_idx %arg12[%parallel_loop3A_976] : memref<256xf32, #tpu.memory_space<vmem>>[vector<16xi32>], vector<16xf32>,
      %parallel_loop3A_978 = arith.constant 0 : i32
      %parallel_loop3A_979 = arith.index_cast %parallel_loop3A_978 : i32 to index
      %parallel_loop3A_980 = arith.index_cast %parallel_loop3A_418 : i32 to index
      %parallel_loop3A_981 = arith.constant 736 : index
      %parallel_loop3A_982 = tpu.vector_load %arg14[%parallel_loop3A_979, %parallel_loop3A_980, %parallel_loop3A_981] {strides = array<i32>} : memref<2x16x768xf32, #tpu.memory_space<vmem>>, vector<16xf32>,
      tpu.vector_store %arg14[%parallel_loop3A_979, %parallel_loop3A_980, %parallel_loop3A_981], %parallel_loop3A_977 {strides = array<i32>} : memref<2x16x768xf32, #tpu.memory_space<vmem>>, vector<16xf32>,
      %parallel_loop3A_983 = arith.constant 0 : i32
      %parallel_loop3A_984 = arith.index_cast %parallel_loop3A_983 : i32 to index
      %parallel_loop3A_985 = arith.index_cast %parallel_loop3A_418 : i32 to index
      %parallel_loop3A_986 = arith.constant 752 : index
      %parallel_loop3A_987 = tpu.vector_load %arg13[%parallel_loop3A_984, %parallel_loop3A_985, %parallel_loop3A_986] {strides = array<i32>} : memref<2x16x768xf32, #tpu.memory_space<vmem>>, vector<16xf32>,
      %parallel_loop3A_988 = arith.fptosi %parallel_loop3A_987 : vector<16xf32> to vector<16xi32>
      %parallel_loop3A_989 = tpu.vector_load_idx %arg12[%parallel_loop3A_988] : memref<256xf32, #tpu.memory_space<vmem>>[vector<16xi32>], vector<16xf32>,
      %parallel_loop3A_990 = arith.constant 0 : i32
      %parallel_loop3A_991 = arith.index_cast %parallel_loop3A_990 : i32 to index
      %parallel_loop3A_992 = arith.index_cast %parallel_loop3A_418 : i32 to index
      %parallel_loop3A_993 = arith.constant 752 : index
      %parallel_loop3A_994 = tpu.vector_load %arg14[%parallel_loop3A_991, %parallel_loop3A_992, %parallel_loop3A_993] {strides = array<i32>} : memref<2x16x768xf32, #tpu.memory_space<vmem>>, vector<16xf32>,
      tpu.vector_store %arg14[%parallel_loop3A_991, %parallel_loop3A_992, %parallel_loop3A_993], %parallel_loop3A_989 {strides = array<i32>} : memref<2x16x768xf32, #tpu.memory_space<vmem>>, vector<16xf32>,
    } {sc.loop_unroll_factor = 1 : i64, sc.parallel_access}
    %add3A_373 = arith.constant 768 : i32
    %add3A_374 = arith.addi %mul3A_2, %add3A_373 : i32
    %dma_start3A_375 = arith.constant 0 : i32
    %dma_start3A_376 = arith.constant 0 : i32
    %dma_start3A_377 = arith.constant 0 : i32
    %dma_start3A_378 = tpu.memref_slice %arg14[%dma_start3A_375, %dma_start3A_376, %dma_start3A_377] : memref<2x16x768xf32, #tpu.memory_space<vmem>> -> memref<1x16x768xf32, #tpu.memory_space<vmem>>
    %dma_start3A_379 = tpu.memref_squeeze %dma_start3A_378 : memref<1x16x768xf32, #tpu.memory_space<vmem>> -> memref<16x768xf32, #tpu.memory_space<vmem>>
    %dma_start3A_380 = arith.constant 0 : i32
    %dma_start3A_381 = tpu.memref_slice %arg7[%add3A_374, %dma_start3A_380] : memref<25088x768xf32, #tpu.memory_space<hbm>> -> memref<16x768xf32, #tpu.memory_space<hbm>>
    %dma_start3A_382 = arith.constant 0 : i32
    %dma_start3A_383 = tpu.memref_slice %arg7[%add3A_374, %dma_start3A_382] : memref<25088x768xf32, #tpu.memory_space<hbm>> -> memref<16x768xf32, #tpu.memory_space<hbm>>
    %dma_start3A_384 = arith.constant 0 : i32
    %dma_start3A_385 = arith.constant 0 : i32
    %dma_start3A_386 = tpu.memref_slice %arg14[%dma_start3A_375, %dma_start3A_384, %dma_start3A_385] : memref<2x16x768xf32, #tpu.memory_space<vmem>> -> memref<1x16x768xf32, #tpu.memory_space<vmem>>
    %dma_start3A_387 = tpu.memref_squeeze %dma_start3A_386 : memref<1x16x768xf32, #tpu.memory_space<vmem>> -> memref<16x768xf32, #tpu.memory_space<vmem>>
    tpu.enqueue_dma source(%dma_start3A_387 : memref<16x768xf32, #tpu.memory_space<vmem>>) target(%dma_start3A_383 : memref<16x768xf32, #tpu.memory_space<hbm>>) target_semaphore(%arg17 : memref<!tpu.dma_semaphore, #tpu.memory_space<semaphore_mem>>)
    %add3A_388 = arith.constant 768 : i32
    %add3A_389 = arith.addi %mul3A_2, %add3A_388 : i32
    %dma_wait3A_390 = arith.constant 0 : i32
    %dma_wait3A_391 = arith.constant 0 : i32
    %dma_wait3A_392 = arith.constant 0 : i32
    %dma_wait3A_393 = tpu.memref_slice %arg14[%dma_wait3A_390, %dma_wait3A_391, %dma_wait3A_392] : memref<2x16x768xf32, #tpu.memory_space<vmem>> -> memref<1x16x768xf32, #tpu.memory_space<vmem>>
    %dma_wait3A_394 = tpu.memref_squeeze %dma_wait3A_393 : memref<1x16x768xf32, #tpu.memory_space<vmem>> -> memref<16x768xf32, #tpu.memory_space<vmem>>
    %dma_wait3A_395 = arith.constant 0 : i32
    %dma_wait3A_396 = tpu.memref_slice %arg7[%add3A_389, %dma_wait3A_395] : memref<25088x768xf32, #tpu.memory_space<hbm>> -> memref<16x768xf32, #tpu.memory_space<hbm>>
    %dma_wait3A_397 = arith.constant 0 : i32
    %dma_wait3A_398 = tpu.memref_slice %arg7[%add3A_389, %dma_wait3A_397] : memref<25088x768xf32, #tpu.memory_space<hbm>> -> memref<16x768xf32, #tpu.memory_space<hbm>>
    %dma_wait3A_399 = arith.constant 0 : i32
    %dma_wait3A_400 = arith.constant 0 : i32
    %dma_wait3A_401 = tpu.memref_slice %arg14[%dma_wait3A_390, %dma_wait3A_399, %dma_wait3A_400] : memref<2x16x768xf32, #tpu.memory_space<vmem>> -> memref<1x16x768xf32, #tpu.memory_space<vmem>>
    %dma_wait3A_402 = tpu.memref_squeeze %dma_wait3A_401 : memref<1x16x768xf32, #tpu.memory_space<vmem>> -> memref<16x768xf32, #tpu.memory_space<vmem>>
    tpu.wait_dma2 semaphore(%arg17 : memref<!tpu.dma_semaphore, #tpu.memory_space<semaphore_mem>>) src(%dma_wait3A_402 : memref<16x768xf32, #tpu.memory_space<vmem>>) dst(%dma_wait3A_398 : memref<16x768xf32, #tpu.memory_space<hbm>>)
    %add3A_403 = arith.constant 752 : i32
    %add3A_404 = arith.addi %mul3A_2, %add3A_403 : i32
    %dma_wait3A_405 = arith.constant 1 : i32
    %dma_wait3A_406 = arith.constant 0 : i32
    %dma_wait3A_407 = arith.constant 0 : i32
    %dma_wait3A_408 = tpu.memref_slice %arg14[%dma_wait3A_405, %dma_wait3A_406, %dma_wait3A_407] : memref<2x16x768xf32, #tpu.memory_space<vmem>> -> memref<1x16x768xf32, #tpu.memory_space<vmem>>
    %dma_wait3A_409 = tpu.memref_squeeze %dma_wait3A_408 : memref<1x16x768xf32, #tpu.memory_space<vmem>> -> memref<16x768xf32, #tpu.memory_space<vmem>>
    %dma_wait3A_410 = arith.constant 0 : i32
    %dma_wait3A_411 = tpu.memref_slice %arg7[%add3A_404, %dma_wait3A_410] : memref<25088x768xf32, #tpu.memory_space<hbm>> -> memref<16x768xf32, #tpu.memory_space<hbm>>
    %dma_wait3A_412 = arith.constant 0 : i32
    %dma_wait3A_413 = tpu.memref_slice %arg7[%add3A_404, %dma_wait3A_412] : memref<25088x768xf32, #tpu.memory_space<hbm>> -> memref<16x768xf32, #tpu.memory_space<hbm>>
    %dma_wait3A_414 = arith.constant 0 : i32
    %dma_wait3A_415 = arith.constant 0 : i32
    %dma_wait3A_416 = tpu.memref_slice %arg14[%dma_wait3A_405, %dma_wait3A_414, %dma_wait3A_415] : memref<2x16x768xf32, #tpu.memory_space<vmem>> -> memref<1x16x768xf32, #tpu.memory_space<vmem>>
    %dma_wait3A_417 = tpu.memref_squeeze %dma_wait3A_416 : memref<1x16x768xf32, #tpu.memory_space<vmem>> -> memref<16x768xf32, #tpu.memory_space<vmem>>
    tpu.wait_dma2 semaphore(%arg18 : memref<!tpu.dma_semaphore, #tpu.memory_space<semaphore_mem>>) src(%dma_wait3A_417 : memref<16x768xf32, #tpu.memory_space<vmem>>) dst(%dma_wait3A_413 : memref<16x768xf32, #tpu.memory_space<hbm>>)
    return
  }
}

</mosaic_0001>

<sc_bundles>
// kernel: kernel.3.cloned.1.call-start
scs
__scs_entry_jumppad:
0x0: {  	(pc) =	sbr.rel $0x88, $3  }
0x1: {  	(tag) =	ssettag $0x0;
	lr =	simm.s32 $0x1  }
0x2: {  	[smem:$0x3F9E] =	sst lr;
	_ =	strace $0xD0000000  }
0x3: {  	_ = 	snop  }
0x4: {  	_ = 	snop  }
0x5: {  	_ = 	snop  }
0x6: {  	_ = 	snop  }
0x7: {  	_ = 	snop  }
__scs_overlays_trampoline_lowered:
0x8: {  	[smem:$0x3FAD] =	sst s0  }
0x9: {  	[smem:$0x3FAE] =	sst s1  }
0xa: {  	[smem:$0x3FAF] =	sst s2  }
0xb: {  	[smem:$0x3FB0] =	sst s3  }
0xc: {  	[smem:$0x3FB1] =	sst s4  }
0xd: {  	[smem:$0x3FB2] =	sst s5  }
0xe: {  	[smem:$0x3FB3] =	sst s6  }
0xf: {  	[smem:$0x3FB4] =	sst s7  }
0x10: {  	[smem:$0x3FB5] =	sst s8  }
0x11: {  	[smem:$0x3FB6] =	sst s9;
	s0 =	simm.s32 @!p0 $0x0  }
0x12: {  	s1 =	sld [smem:$0x3F9C];
	s0 =	simm.s32 @p0 $0x1  }
0x13: {  	[smem:$0x3FB7] =	sst s0;
	s0 =	simm.s32 @!p1 $0x0  }
0x14: {  	s2 =	sld [smem:$0x3F9B];
	s0 =	simm.s32 @p1 $0x1  }
0x15: {  	[smem:$0x3FB8] =	sst s0;
	s0 =	simm.s32 @!p2 $0x0  }
0x16: {  	s3 =	sld [smem:$0x3FDB];
	s0 =	simm.s32 @p2 $0x1  }
0x17: {  	s4 =	simm.s32 $0x1BF5;
	[smem:$0x3FBA] =	sst s0  }
0x18: {  	s0 =	sld [smem:$0x3F9D];
	_ =	swait.ge [sflag:s4], $0x0  }
0x19: {  	s7 =	sld [smem:$0x3F9E]  }
0x1a: {  	s8 =	sadd.s32 $0xFFFFE003, lr  }
0x1b: {  	s9 =	sadd.s32 $0xFFFFFEF7, lr;
	s5 =	simm.s32 $0xFFFFFFFF;
	p2 =	slt.u32 s8, $0xFFFFF086  }
0x1c: {  	p1 =	slt.u32 s9, $0xF7A;
	s5 =	simm.s32 @!p2 $0x0  }
0x1d: {  	s5 =	simm.s32 @p1 $0x1;
	p0 =	seq.s32 s7, s2  }
0x1e: {  	s7 =	smul.u32 @!p0 $0xF7A, s2;
	p2 =	seq.s32 @!p0 s5, $0x0  }
0x1f: {  	s9 =	smul.u32 $0xF7A, s1;
	s8 =	simm.s32 @!p0 $0x1BF5;
	p2 =	por !p2, p0  }
0x20: {  	[sflag:s8] =	ssyncset.s32 @!p0 $0xFFFFF086;
	s6 =	sadd.s32 @!p0 s3, s7;
	s7 =	simm.s32 @!p0 $0x108  }
0x21: {  	s3 =	sadd.s32 s3, s9;
	s6 =	sadd.s32 @!p0 $0x88, s6;
	s7 =	simm.s32 @p2 $0x1082  }
0x22: {  	[simem:s7], [sflag:s8] =	dma.local @!p0 [hbm:s6], $0xF7A  }
0x23: {  	s9 =	sor.u32 $0xD0000000, s2;
	s6 =	simm.s32 $0x108;
	_ =	swait.ge @!p0 [sflag:s8], $0x0  }
0x24: {  	s3 =	sadd.s32 $0x88, s3;
	s6 =	simm.s32 @!p1 $0x1082;
	[sflag:s4] =	ssyncset.s32 $0xFFFFF086  }
0x25: {  	[simem:s6], [sflag:s4] =	dma.local [hbm:s3], $0xF7A  }
0x26: {  	[smem:$0x3F9E] =	sst s1;
	(tag) =	ssettag s2;
	_ =	strace s9  }
0x27: {  	s1 =	sld [smem:$0x3FAE]  }
0x28: {  	s2 =	sld [smem:$0x3FAF]  }
0x29: {  	s4 =	sld [smem:$0x3FB1]  }
0x2a: {  	p0 =	seq.s32 s5, $0x0;
	s5 =	sld [smem:$0x3FB2]  }
0x2b: {  	s6 =	sld [smem:$0x3FB3]  }
0x2c: {  	s7 =	sld [smem:$0x3FB4]  }
0x2d: {  	s3 =	simm.s32 $0x108;
	s8 =	sld [smem:$0x3FB5]  }
0x2e: {  	s3 =	simm.s32 @!p0 $0x1082;
	s9 =	sld [smem:$0x3FB6]  }
0x2f: {  	lr =	sadd.s32 s0, s3;
	s0 =	sld [smem:$0x3FAD]  }
0x30: {  	s3 =	sld [smem:$0x3FB0]  }
0x31: {  	[smem:$0x3FB9] =	sst s10  }
0x32: {  	s10 =	sld [smem:$0x3FB7];
	_ =	sdelay $0x3  }
0x33: {  	p0 =	seq.s32 s10, $0x1;
	s10 =	sld [smem:$0x3FB9];
	_ =	sdelay $0x3  }
0x34: {  	[smem:$0x3FB9] =	sst s10  }
0x35: {  	s10 =	sld [smem:$0x3FB8];
	_ =	sdelay $0x3  }
0x36: {  	p1 =	seq.s32 s10, $0x1;
	s10 =	sld [smem:$0x3FB9];
	_ =	sdelay $0x3  }
0x37: {  	[smem:$0x3FB9] =	sst s10  }
0x38: {  	s10 =	sld [smem:$0x3FBA]  }
0x39: {  	_ = 	snop;
	(pc) =	sbr.ind lr, $3  }
0x3a: {  	_ = 	snop  }
0x3b: {  	_ = 	snop  }
0x3c: {  	p2 =	seq.s32 s10, $0x1;
	s10 =	sld [smem:$0x3FB9]  }
0x3d: {  	_ =	shalt  }
0x3e: {  	_ =	shalt  }
0x3f: {  	_ =	shalt  }
0x40: {  	_ =	shalt  }
0x41: {  	_ =	shalt  }
0x42: {  	_ =	shalt  }
0x43: {  	_ =	shalt  }
0x44: {  	_ =	shalt  }
0x45: {  	_ =	shalt  }
0x46: {  	_ =	shalt  }
0x47: {  	_ =	shalt  }
0x48: {  	_ =	shalt  }
0x49: {  	_ =	shalt  }
0x4a: {  	_ =	shalt  }
0x4b: {  	_ =	shalt  }
0x4c: {  	_ =	shalt  }
0x4d: {  	_ =	shalt  }
0x4e: {  	_ =	shalt  }
0x4f: {  	_ =	shalt  }
0x50: {  	_ =	shalt  }
0x51: {  	_ =	shalt  }
0x52: {  	_ =	shalt  }
0x53: {  	_ =	shalt  }
0x54: {  	_ =	shalt  }
0x55: {  	_ =	shalt  }
0x56: {  	_ =	shalt  }
0x57: {  	_ =	shalt  }
0x58: {  	_ =	shalt  }
0x59: {  	_ =	shalt  }
0x5a: {  	_ =	shalt  }
0x5b: {  	_ =	shalt  }
0x5c: {  	_ =	shalt  }
0x5d: {  	_ =	shalt  }
0x5e: {  	_ =	shalt  }
0x5f: {  	_ =	shalt  }
0x60: {  	_ =	shalt  }
0x61: {  	_ =	shalt  }
0x62: {  	_ =	shalt  }
0x63: {  	_ =	shalt  }
0x64: {  	_ =	shalt  }
0x65: {  	_ =	shalt  }
0x66: {  	_ =	shalt  }
0x67: {  	_ =	shalt  }
0x68: {  	_ =	shalt  }
0x69: {  	_ =	shalt  }
0x6a: {  	_ =	shalt  }
0x6b: {  	_ =	shalt  }
0x6c: {  	_ =	shalt  }
0x6d: {  	_ =	shalt  }
0x6e: {  	_ =	shalt  }
0x6f: {  	_ =	shalt  }
0x70: {  	_ =	shalt  }
0x71: {  	_ =	shalt  }
0x72: {  	_ =	shalt  }
0x73: {  	_ =	shalt  }
0x74: {  	_ =	shalt  }
0x75: {  	_ =	shalt  }
0x76: {  	_ =	shalt  }
0x77: {  	_ =	shalt  }
0x78: {  	_ =	shalt  }
0x79: {  	_ =	shalt  }
0x7a: {  	_ =	shalt  }
0x7b: {  	_ =	shalt  }
0x7c: {  	_ =	shalt  }
0x7d: {  	_ =	shalt  }
0x7e: {  	_ =	shalt  }
0x7f: {  	_ =	shalt  }
0x80: {  	_ =	shalt  }
0x81: {  	_ =	shalt  }
0x82: {  	_ =	shalt  }
0x83: {  	_ =	shalt  }
0x84: {  	_ =	shalt  }
0x85: {  	_ =	shalt  }
0x86: {  	_ =	shalt  }
0x87: {  	_ =	shalt  }
.Lfunc_end0:
.L_simem_size_0:
called_computation_lowered:
.L_overlay_start_0:
0x88: {  	s2 =	sld [smem:$0x3FD9]  }
0x89: {  	s3 =	sld [smem:$0x3FFE];
	_ =	sdelay $0x1  }
0x8a: {  	s1 =	srdreg.scid  }
0x8b: {  	s0 =	sand.u32 $0x1, s1  }
0x8c: {  	s17 =	sshll.u32 s0, $0xA;
	s2 =	sadd.s32 s3, s2  }
0x8d: {  	s2 =	sadd.s32 s2, s17  }
0x8e: {  	[smem:$0x3FC5] =	sst s2  }
0x8f: {  	_ = 	snop  }
0x90: {  	s2 =	sld [smem:$0x3FC9]  }
0x91: {  	s18 =	sld [smem:$0x3FD0];
	(tm) =	ssettm $0x1  }
0x92: {  	s4 =	sld [smem:$0x3FFB];
	_ =	sdelay $0x3  }
0x93: {  	_ =	strace s4  }
0x94: {  	s4 =	sld [smem:$0x3FFC];
	_ =	sdelay $0x3  }
0x95: {  	_ =	strace s4  }
0x96: {  	s4 =	sld [smem:$0x3FFD];
	_ =	sdelay $0x3  }
0x97: {  	_ =	strace s4  }
0x98: {  	_ =	strace $0x8FFFFFFF  }
0x99: {  	s19 =	sld [smem:$0x3FDB];
	_ =	sdelay $0x1  }
0x9a: {  	s5 =	simm.s32 $_scs_section_size  }
0x9b: {  	s6 =	simm.s32 $_size__tile_overlayer_lowered;
	s7 =	simm.s32 $_tile_overlayer_lowered  }
0x9c: {  	s22 =	simm.s32 $0x1BFF;
	s21 =	sshll.u32 s7, $0x1;
	s4 =	sadd.s32 s5, s19  }
0x9d: {  	s8 =	simm.s32 $0x0;
	s20 =	sshll.u32 s6, $0x1;
	s6 =	sadd.s32 s21, s4  }
0x9e: {  	[timem:s8], [sflag:s22] =	dma.local [hbm:s6], s20  }
0x9f: {  	_ =	swait.ge [sflag:s22], s20  }
0xa0: {  	s5 =	ssub.s32 $0x0, s20;
	[sflag:s22] =	ssyncset.done $0x0  }
0xa1: {  	[sflag:s22] =	ssyncadd.s32 s5;
	_ =	sdelay $0x1  }
0xa2: {  	s23 =	simm.s32 $0x1B8B  }
0xa3: {  	_ =	swait.ge [sflag:s23], $0x1  }
0xa4: {  	[sflag:s23] =	ssyncset.done $0x0  }
0xa5: {  	s25 =	simm.s32 $0x1B8E;
	s24 =	sld [smem:$0x3FFE];
	[sflag:s23] =	ssyncadd.s32 $0xFFFFFFFF  }
0xa6: {  	s26 =	simm.s32 $execute0_lowered;
	[smem:$0x3FD2] =	sst s25  }
0xa7: {  	s6 =	sshll.u32 s26, $0x1;
	_ =	strace $0x80000046;
	[dreg:$0x1] =	wrdreg $0xFFFFFFFF  }
0xa8: {  	s28 =	simm.s32 $_size_execute0_lowered;
	s4 =	sadd.s32 s4, s6;
	[dreg:$0x0] =	wrdreg $0x0  }
0xa9: {  	s6 =	sshll.u32 s28, $0x1;
	[dreg:$0x2] =	wrdreg s4  }
0xaa: {  	[dreg:$0x3] =	wrdreg s6  }
0xab: {  	[dreg:$0x4] =	wrdreg $0xC0  }
0xac: {  	_ =	task [dreg:s8], $0x5FFFF  }
0xad: {  	[dreg:$0x1] =	wrdreg $0xFFFFFFFF  }
0xae: {  	[dreg:$0x0] =	wrdreg $0x60  }
0xaf: {  	[dreg:$0x2] =	wrdreg s2  }
0xb0: {  	[dreg:$0x3] =	wrdreg s24  }
0xb1: {  	[dreg:$0x4] =	wrdreg s18  }
0xb2: {  	[dreg:$0x5] =	wrdreg $0x9  }
0xb3: {  	_ =	task.clear_ibuf [dreg:s8], $0x6FFFF;
	_ =	strace $0x90000046  }
0xb4: {  	s29 =	simm.s32 $0x9;
	_ =	strace $0x80000048  }
0xb5: {  	_ =	swait.ge [sflag:s29], $0x1  }
0xb6: {  	[sflag:s29] =	ssyncadd.s32 $0xFFFFFFFF  }
0xb7: {  	_ =	strace $0x90000048  }
0xb8: {  	_ =	sfence  }
0xb9: {  	s30 =	sld [smem:$0x0];
	_ =	sdelay $0x2  }
0xba: {  	s31 =	sshll.u32 s1, $0xD;
	s1 =	sshrl.u32 s1, $0x2  }
0xbb: {  	s3 =	sand.u32 $0x4000, s31;
	s1 =	sadd.s32 s1, s30  }
0xbc: {  	s0 =	sor.u32 s3, s0;
	s1 =	sshll.u32 s1, $0x11  }
0xbd: {  	s0 =	sor.u32 s1, s0  }
0xbe: {  	s0 =	sadd.s32 $0x8F2B, s0  }
0xbf: {  	[sflag:s0] =	ssyncadd.remote.s32 $0x1  }
0xc0: {  	_ =	sfence.sel $0xFFFF  }
0xc1: {  	[dreg:$0x0] =	wrdreg $0xFFFFFFFF;
	(pc) =	sbr.abs _section_cstart, $3  }
0xc2: {  	[dreg:$0x1] =	wrdreg $0xFFFFFFFF  }
0xc3: {  	_ =	task.clear_ibuf [dreg:s8], $0x2FFFF;
	_ =	strace $0x9FFFFFFF  }
0xc4: {  	(tm) =	ssettm $0x7FFFFFFF  }
0xc5: {  	_ =	shalt  }
tec
execute0_lowered:
.L_overlay_start_1:
0x0: {  	(tag) =	ssettag $0x1  }
0x1: {  	s1 =	rddreg [dreg:$0x0];
	v0 =	vimm.f32 $1.500000000e+01;
	vm0 =	vcmask $0x300  }
0x2: {  	s0 =	rddreg [dreg:$0x1];
	s2 =	srdreg.scid;
	vm14 =	vcmask $0x704;
	v0 =	vsel vm0, $0x0, v0  }
0x3: {  	s4 =	stileid.u32;
	s3 =	rddreg [dreg:$0x2];
	vm15 =	vcmask $0xB08;
	v0 =	vsel vm14, $0x3F800000, v0  }
0x4: {  	vm4 =	vcmask $0xF0C;
	s23 =	simm.s32 $0x1;
	s24 =	simm.s32 $0x200;
	s2 =	sand.u32 $0x1, s2;
	v0 =	vsel vm15, $0x40000000, v0  }
0x5: {  	vm5 =	vcmask $0x1310;
	s5 =	sshll.u32 s4, $0x1;
	s4 =	simm.s32 $0x0;
	s6 =	sadd.s32 $0x800, s0;
	v0 =	vsel vm4, $0x40400000, v0  }
0x6: {  	vm6 =	vcmask $0x1714;
	s9 =	sadd.s32 $0x600, s0;
	s10 =	sadd.s32 $0xA00, s0;
	[smem:$0x7FF] =	sst s4;
	v0 =	vsel vm5, $0x40800000, v0  }
0x7: {  	vm7 =	vcmask $0x1B18;
	s5 =	sor.u32 s2, s5;
	_ =	strace $0x80000047;
	[dreg:$0x4] =	wrdreg s6;
	v0 =	vsel vm6, $0x40A00000, v0  }
0x8: {  	vm8 =	vcmask $0x1F1C;
	s2 =	ssub.s32 $0x2, s2;
	s5 =	smul.u32 $0x310, s5;
	[dreg:$0x5] =	wrdreg s9;
	v0 =	vsel vm7, $0x40C00000, v0  }
0x9: {  	vm9 =	vcmask $0x2320;
	s0 =	sadd.s32 $0xC00, s0;
	s26 =	sshrl.u32 s2, $0x1;
	[dreg:$0x6] =	wrdreg s10;
	v0 =	vsel vm8, $0x40E00000, v0  }
0xa: {  	vm10 =	vcmask $0x2724;
	[dreg:$0x7] =	wrdreg s0;
	s25 =	sshrl.u32 s5, $0x3;
	s7 =	sadd.s32 $0x10, s5;
	v0 =	vsel vm9, $0x41000000, v0  }
0xb: {  	vm11 =	vcmask $0x2B28;
	s28 =	ssub.s32 s2, s26;
	s6 =	smul.u32 $0x300, s25;
	s8 =	sshrl.u32 s7, $0x3;
	v0 =	vsel vm10, $0x41100000, v0  }
0xc: {  	vm12 =	vcmask $0x2F2C;
	s26 =	simm.s32 $0x2;
	s0 =	smax.u32 s28, $0x1;
	s8 =	smul.u32 $0x300, s8;
	v0 =	vsel vm11, $0x41200000, v0  }
0xd: {  	vm13 =	vcmask $0x3330;
	s13 =	sadd.s32 $0x20, s5;
	[dreg:$0xb] =	wrdreg s0;
	s29 =	sadd.s32 s1, s6;
	v0 =	vsel vm12, $0x41300000, v0  }
0xe: {  	vm14 =	vcmask $0x3734;
	s31 =	sadd.s32 s3, s6;
	[dreg:$0x8] =	wrdreg s29;
	s30 =	sadd.s32 s1, s8;
	v0 =	vsel vm13, $0x41400000, v0  }
0xf: {  	vm15 =	vcmask $0x3B38;
	s14 =	sadd.s32 $0x30, s5;
	s2 =	sadd.s32 $0x12000, s31;
	[dreg:$0x9] =	wrdreg s30;
	v0 =	vsel vm14, $0x41500000, v0  }
0x10: {  	s25 =	simm.s32 $0x6300;
	s6 =	simm.s32 $0x0;
	[dreg:$0xa] =	wrdreg s2;
	v0 =	vsel vm15, $0x41600000, v0  }
.LBB2_1:
0x11: {  	[dreg:$0xc] =	wrdreg s6  }
0x12: {  	s0 =	rddreg [dreg:$0x4];
	s2 =	simm.s32 $0x5  }
0x13: {  	[tilespmem:s4], [sflag:$0x5] =	stream.linear.gather [hbm4b:s0+s4], $0x80, $0x38;
	[tilespmem:$0xC300] =	vst v63  }
0x14: {  	_ =	swait.ge [sflag:s2], $0x80  }
0x15: {  	[sflag:s2] =	ssyncset.done $0x0  }
0x16: {  	s21 =	simm.s32 $0x80;
	s20 =	rddreg [dreg:$0x5];
	[sflag:s2] =	ssyncadd.s32 $0xFFFFFF80  }
0x17: {  	[tilespmem:s21], [sflag:$0x5] =	stream.linear.gather [hbm4b:s20+s4], $0x80, $0x38;
	[tilespmem:$0xC300] =	vst v63  }
0x18: {  	_ =	swait.ge [sflag:s2], $0x80  }
0x19: {  	[sflag:s2] =	ssyncset.done $0x0  }
0x1a: {  	s28 =	simm.s32 $0x100;
	s22 =	rddreg [dreg:$0x6];
	[sflag:s2] =	ssyncadd.s32 $0xFFFFFF80  }
0x1b: {  	[tilespmem:s28], [sflag:$0x5] =	stream.linear.gather [hbm4b:s22+s4], $0x80, $0x38;
	[tilespmem:$0xC300] =	vst v63  }
0x1c: {  	_ =	swait.ge [sflag:s2], $0x80  }
0x1d: {  	[sflag:s2] =	ssyncset.done $0x0  }
0x1e: {  	s30 =	simm.s32 $0x180;
	s29 =	rddreg [dreg:$0x7];
	[sflag:s2] =	ssyncadd.s32 $0xFFFFFF80  }
0x1f: {  	[tilespmem:s30], [sflag:$0x5] =	stream.linear.gather [hbm4b:s29+s4], $0x80, $0x38;
	[tilespmem:$0xC300] =	vst v63  }
0x20: {  	_ =	swait.ge [sflag:s2], $0x80  }
0x21: {  	[sflag:s2] =	ssyncset.done $0x0  }
0x22: {  	[sflag:s2] =	ssyncadd.s32 $0xFFFFFF80  }
0x23: {  	v3 =	vld [tilespmem:$0x80];
	_ =	sdelay $0x4  }
0x24: {  	(v2sf) =	vpush v3, $0x0;
	_ =	sdelay $0x1  }
0x25: {  	(v2sf) =	vpush v3, $0x1;
	_ =	sdelay $0x1  }
0x26: {  	(v2sf) =	vpush v3, $0x2  }
0x27: {  	v1 =	vld [tilespmem:$0x0];
	_ =	sdelay $0x1  }
0x28: {  	(v2sf) =	vpush v3, $0x3  }
0x29: {  	(v2sf) =	vpush v3, $0x4  }
0x2a: {  	(v2sf) =	vpush v3, $0x5  }
0x2b: {  	v2 =	vbroadcast v1, $0x0;
	v4 =	vbroadcast v1, $0x1;
	(v2sf) =	vpush v3, $0x6  }
0x2c: {  	v6 =	vbroadcast v1, $0x3;
	v7 =	vbroadcast v1, $0x4  }
0x2d: {  	v8 =	vbroadcast v1, $0x5;
	v10 =	vbroadcast v1, $0x6  }
0x2e: {  	v11 =	vbroadcast v1, $0x7;
	v12 =	vbroadcast v1, $0x8  }
0x2f: {  	v13 =	vbroadcast v1, $0x9;
	v14 =	vbroadcast v1, $0xA;
	(v2sf) =	vpush v3, $0x7  }
0x30: {  	v15 =	vbroadcast v1, $0xB;
	v51 =	vbroadcast v1, $0xC;
	s31 =	spop (v2sf);
	(v2sf) =	vpush v3, $0x8  }
0x31: {  	v16 =	vbroadcast v1, $0xD;
	v17 =	vbroadcast v1, $0xE;
	(v2sf) =	vpush v3, $0x9  }
0x32: {  	v2 =	vmul.f32 v0, v2;
	v4 =	vmul.f32 v0, v4;
	s2 =	spop (v2sf);
	(v2sf) =	vpush v3, $0xA  }
0x33: {  	v6 =	vmul.f32 v0, v6;
	v7 =	vmul.f32 v0, v7  }
0x34: {  	v8 =	vmul.f32 v0, v8;
	v10 =	vmul.f32 v0, v10;
	s0 =	smul.f32 $1.600000000e+01, s31;
	s6 =	spop (v2sf);
	(v2sf) =	vpush v3, $0xB  }
0x35: {  	v11 =	vmul.f32 v0, v11;
	v12 =	vmul.f32 v0, v12  }
0x36: {  	v13 =	vmul.f32 v0, v13;
	v14 =	vmul.f32 v0, v14;
	v2 =	vadd.f32 s0, v2;
	s0 =	smul.f32 $1.600000000e+01, s2  }
0x37: {  	v50 =	vmul.f32 v0, v15;
	v15 =	vmul.f32 v0, v51;
	s8 =	spop (v2sf);
	s2 =	smul.f32 $1.600000000e+01, s6  }
0x38: {  	v16 =	vmul.f32 v0, v16;
	v17 =	vmul.f32 v0, v17;
	s9 =	spop (v2sf);
	s6 =	smul.f32 $1.600000000e+01, s8;
	(v2sf) =	vpush v3, $0xC  }
0x39: {  	v5 =	vtrunc.f32 v2;
	v2 =	vbroadcast v1, $0x2;
	v4 =	vadd.f32 s0, v4;
	s0 =	smul.f32 $1.600000000e+01, s9;
	s10 =	spop (v2sf)  }
0x3a: {  	v1 =	vbroadcast v1, $0xF;
	v6 =	vadd.f32 s6, v6;
	s11 =	spop (v2sf);
	v5 =	vcvt.f32.s32 v5  }
0x3b: {  	v2 =	vmul.f32 v0, v2;
	v7 =	vadd.f32 s0, v7;
	v4 =	vtrunc.f32 v4;
	s0 =	smul.f32 $1.600000000e+01, s11  }
0x3c: {  	v1 =	vmul.f32 v0, v1;
	v4 =	vcvt.f32.s32 v4;
	v5 =	vshra.s32 v5, $0x4  }
0x3d: {  	v6 =	vtrunc.f32 v6;
	v9 =	vadd.f32 s2, v2;
	v2 =	vld [tilespmem:$0x100];
	s2 =	smul.f32 $1.600000000e+01, s10;
	v10 =	vadd.f32 s0, v10  }
0x3e: {  	s12 =	spop (v2sf);
	v6 =	vcvt.f32.s32 v6;
	v7 =	vtrunc.f32 v7;
	v4 =	vshra.s32 v4, $0x4  }
0x3f: {  	v7 =	vcvt.f32.s32 v7;
	v8 =	vadd.f32 s2, v8;
	s15 =	spop (v2sf);
	(v2sf) =	vpush v3, $0xD  }
0x40: {  	s2 =	smul.f32 $1.600000000e+01, s12;
	v9 =	vtrunc.f32 v9;
	v6 =	vshra.s32 v6, $0x4;
	v10 =	vtrunc.f32 v10;
	s16 =	spop (v2sf)  }
0x41: {  	v9 =	vcvt.f32.s32 v9;
	v10 =	vcvt.f32.s32 v10;
	s17 =	spop (v2sf);
	(v2sf) =	vpush v3, $0xE  }
0x42: {  	v11 =	vadd.f32 s2, v11;
	v8 =	vtrunc.f32 v8;
	vm0 =	vgt.s32 v5, v2  }
0x43: {  	v18 =	vld [tilespmem:$0x180];
	vm1 =	vgt.s32 v4, v2;
	v9 =	vshra.s32 v9, $0x4;
	s18 =	spop (v2sf);
	(v2sf) =	vpush v3, $0xF  }
0x44: {  	v8 =	vcvt.f32.s32 v8;
	vm11 =	vgt.s32 v6, v2;
	v10 =	vshra.s32 v10, $0x4  }
0x45: {  	v5 =	vsel vm0, v5, v2;
	v4 =	vsel vm1, v4, v2;
	vm10 =	vgt.s32 v9, v2;
	s0 =	smul.f32 $1.600000000e+01, s15  }
0x46: {  	v6 =	vsel vm11, v6, v2;
	v11 =	vtrunc.f32 v11;
	vm14 =	vgt.s32 v10, v2  }
0x47: {  	v9 =	vsel vm10, v9, v2;
	v8 =	vshra.s32 v8, $0x4;
	v12 =	vadd.f32 s0, v12;
	s0 =	smul.f32 $1.600000000e+01, s16  }
0x48: {  	v11 =	vcvt.f32.s32 v11;
	v10 =	vsel vm14, v10, v2;
	vm11 =	vlt.s32 v5, v18  }
0x49: {  	vm13 =	vgt.s32 v8, v2;
	v3 =	vshra.s32 v7, $0x4;
	v13 =	vadd.f32 s0, v13;
	s0 =	smul.f32 $1.600000000e+01, s17  }
0x4a: {  	v8 =	vsel vm13, v8, v2;
	v11 =	vshra.s32 v11, $0x4;
	vm13 =	vlt.s32 v4, v18  }
0x4b: {  	vm12 =	vgt.s32 v3, v2;
	v12 =	vtrunc.f32 v12;
	v14 =	vadd.f32 s0, v14;
	s0 =	smul.f32 $1.600000000e+01, s18  }
0x4c: {  	s19 =	spop (v2sf);
	vm15 =	vgt.s32 v11, v2;
	v4 =	vsel vm13, v4, v18;
	v12 =	vcvt.f32.s32 v12  }
0x4d: {  	v3 =	vsel vm12, v3, v2;
	v11 =	vsel vm15, v11, v2;
	v7 =	vadd.f32 s0, v50;
	s0 =	smul.f32 $1.600000000e+01, s19  }
0x4e: {  	v4 =	vcvt.s32.f32 v4;
	v13 =	vtrunc.f32 v13;
	v12 =	vshra.s32 v12, $0x4;
	s20 =	spop (v2sf)  }
0x4f: {  	v13 =	vcvt.f32.s32 v13;
	v14 =	vtrunc.f32 v14;
	v15 =	vadd.f32 s0, v15;
	s0 =	smul.f32 $1.600000000e+01, s20  }
0x50: {  	vm15 =	vlt.s32 v6, v18;
	vm4 =	vgt.s32 v12, v2;
	v14 =	vcvt.f32.s32 v14;
	s21 =	spop (v2sf)  }
0x51: {  	v13 =	vshra.s32 v13, $0x4;
	v7 =	vtrunc.f32 v7;
	v16 =	vadd.f32 s0, v16;
	s0 =	smul.f32 $1.600000000e+01, s21  }
0x52: {  	v12 =	vsel vm4, v12, v2;
	vm5 =	vgt.s32 v13, v2;
	v7 =	vcvt.f32.s32 v7;
	s22 =	spop (v2sf)  }
0x53: {  	v13 =	vsel vm5, v13, v2;
	v14 =	vshra.s32 v14, $0x4;
	v17 =	vadd.f32 s0, v17;
	s0 =	smul.f32 $1.600000000e+01, s22  }
0x54: {  	vm6 =	vgt.s32 v14, v2;
	v15 =	vtrunc.f32 v15;
	v7 =	vshra.s32 v7, $0x4  }
0x55: {  	v15 =	vcvt.f32.s32 v15;
	v16 =	vtrunc.f32 v16;
	v1 =	vadd.f32 s0, v1  }
0x56: {  	v14 =	vsel vm6, v14, v2;
	vm7 =	vgt.s32 v7, v2;
	v16 =	vcvt.f32.s32 v16  }
0x57: {  	v15 =	vshra.s32 v15, $0x4;
	v17 =	vtrunc.f32 v17;
	v1 =	vtrunc.f32 v1  }
0x58: {  	vm8 =	vgt.s32 v15, v2;
	v17 =	vcvt.f32.s32 v17;
	v1 =	vcvt.f32.s32 v1  }
0x59: {  	v7 =	vsel vm7, v7, v2;
	v15 =	vsel vm8, v15, v2;
	v16 =	vshra.s32 v16, $0x4  }
0x5a: {  	vm9 =	vgt.s32 v16, v2;
	v17 =	vshra.s32 v17, $0x4;
	v1 =	vshra.s32 v1, $0x4  }
0x5b: {  	v16 =	vsel vm9, v16, v2;
	vm10 =	vgt.s32 v17, v2;
	vm12 =	vgt.s32 v1, v2  }
0x5c: {  	v17 =	vsel vm10, v17, v2;
	v1 =	vsel vm12, v1, v2;
	v2 =	vsel vm11, v5, v18  }
0x5d: {  	vm14 =	vlt.s32 v9, v18;
	v53 =	vsel vm15, v6, v18;
	v2 =	vcvt.s32.f32 v2  }
0x5e: {  	v52 =	vsel vm14, v9, v18;
	[tilespmem:$0x210] =	vst v4;
	v54 =	vcvt.s32.f32 v53;
	vm15 =	vlt.s32 v1, v18  }
0x5f: {  	vm4 =	vlt.s32 v3, v18;
	v1 =	vsel vm15, v1, v18;
	[tilespmem:$0x200] =	vst v2;
	v2 =	vcvt.s32.f32 v52  }
0x60: {  	[tilespmem:$0x230] =	vst v54;
	v3 =	vsel vm4, v3, v18;
	vm5 =	vlt.s32 v8, v18;
	v1 =	vcvt.s32.f32 v1  }
0x61: {  	vm6 =	vlt.s32 v10, v18;
	[tilespmem:$0x220] =	vst v2;
	v2 =	vcvt.s32.f32 v3;
	v3 =	vsel vm5, v8, v18  }
0x62: {  	v55 =	vsel vm6, v10, v18;
	vm7 =	vlt.s32 v11, v18;
	[tilespmem:$0x2F0] =	vst v1;
	v3 =	vcvt.s32.f32 v3  }
0x63: {  	v56 =	vsel vm7, v11, v18;
	vm8 =	vlt.s32 v12, v18;
	[tilespmem:$0x240] =	vst v2;
	v2 =	vcvt.s32.f32 v55  }
0x64: {  	v57 =	vsel vm8, v12, v18;
	vm9 =	vlt.s32 v13, v18;
	[tilespmem:$0x250] =	vst v3;
	v3 =	vcvt.s32.f32 v56  }
0x65: {  	v58 =	vsel vm9, v13, v18;
	vm10 =	vlt.s32 v14, v18;
	[tilespmem:$0x260] =	vst v2;
	v2 =	vcvt.s32.f32 v57  }
0x66: {  	v59 =	vsel vm10, v14, v18;
	vm11 =	vlt.s32 v7, v18;
	[tilespmem:$0x270] =	vst v3;
	v3 =	vcvt.s32.f32 v58  }
0x67: {  	vm12 =	vlt.s32 v15, v18;
	v60 =	vsel vm11, v7, v18;
	[tilespmem:$0x280] =	vst v2;
	v2 =	vcvt.s32.f32 v59  }
0x68: {  	vm13 =	vlt.s32 v16, v18;
	v61 =	vsel vm12, v15, v18;
	[tilespmem:$0x290] =	vst v3;
	v3 =	vcvt.s32.f32 v60  }
0x69: {  	v62 =	vsel vm13, v16, v18;
	vm14 =	vlt.s32 v17, v18;
	[tilespmem:$0x2A0] =	vst v2;
	v2 =	vcvt.s32.f32 v61  }
0x6a: {  	v63 =	vsel vm14, v17, v18;
	[tilespmem:$0x2B0] =	vst v3;
	v3 =	vcvt.s32.f32 v62  }
0x6b: {  	[tilespmem:$0x2C0] =	vst v2;
	v2 =	vcvt.s32.f32 v63  }
0x6c: {  	[tilespmem:$0x2D0] =	vst v3  }
0x6d: {  	s29 =	simm.s32 $0x300;
	s28 =	rddreg [dreg:$0x8];
	[tilespmem:$0x2E0] =	vst v2  }
0x6e: {  	[tilespmem:s29], [sflag:$0x1] =	stream.linear.gather [hbm4b:s28+s4], $0x3000, $0x38;
	[tilespmem:$0xC300] =	vst v63  }
0x6f: {  	s30 =	rddreg [dreg:$0x9];
	s31 =	simm.s32 $0x3300;
	s2 =	simm.s32 $0x0  }
0x70: {  	[tilespmem:s31], [sflag:$0x2] =	stream.linear.gather [hbm4b:s30+s4], $0x3000, $0x38;
	[tilespmem:$0xC300] =	vst v63  }
.LBB2_2:
0x71: {  	_ =	swait.ge [sflag:s23], $0x3000  }
0x72: {  	p0 =	seq.s32 s2, $0x0;
	[sflag:s23] =	ssyncset.done $0x0  }
0x73: {  	s6 =	simm.s32 $0x0;
	s0 =	simm.s32 @!p0 $0x3;
	[sflag:s23] =	ssyncadd.s32 $0xFFFFD000  }
0x74: {  	s8 =	simm.s32 $0x0;
	s6 =	smul.u32 $0x1800, s6;
	_ =	swait.ge @!p0 [sflag:s0], $0x3000  }
0x75: {  	s8 =	sand.u32 $0x380, s8;
	[sflag:s0] =	ssyncset.done @!p0 $0x0  }
0x76: {  	s6 =	sor.u32 s8, s6;
	[sflag:s0] =	ssyncadd.s32 @!p0 $0xFFFFD000  }
0x77: {  	v1 =	vld [tilespmem:s6+$0x300];
	_ =	sdelay $0x4  }
0x78: {  	v1 =	vtrunc.f32 v1  }
0x79: {  	v2 =	vld [tilespmem:s6+$0x310];
	v1 =	vcvt.f32.s32 v1;
	_ =	sdelay $0x4  }
0x7a: {  	v3 =	vld [tilespmem:s6+$0x320];
	v2 =	vtrunc.f32 v2  }
0x7b: {  	v2 =	vcvt.f32.s32 v2;
	v1 =	vld.idx.msk [tilespmem:v1+s24+$0x0], $0xffff;
	_ =	sdelay $0x4  }
0x7c: {  	[tilespmem:s6+$0x6300] =	vst v1;
	v1 =	vtrunc.f32 v3;
	v3 =	vld [tilespmem:s6+$0x330]  }
0x7d: {  	v2 =	vld.idx.msk [tilespmem:v2+s24+$0x0], $0xffff;
	v1 =	vcvt.f32.s32 v1;
	_ =	sdelay $0x4  }
0x7e: {  	[tilespmem:s6+$0x6310] =	vst v2;
	v2 =	vtrunc.f32 v3;
	v3 =	vld [tilespmem:s6+$0x340]  }
0x7f: {  	v1 =	vld.idx.msk [tilespmem:v1+s24+$0x0], $0xffff;
	v2 =	vcvt.f32.s32 v2;
	_ =	sdelay $0x4  }
0x80: {  	[tilespmem:s6+$0x6320] =	vst v1;
	v1 =	vtrunc.f32 v3;
	v3 =	vld [tilespmem:s6+$0x350]  }
0x81: {  	v2 =	vld.idx.msk [tilespmem:v2+s24+$0x0], $0xffff;
	v1 =	vcvt.f32.s32 v1;
	_ =	sdelay $0x4  }
0x82: {  	[tilespmem:s6+$0x6330] =	vst v2;
	v2 =	vtrunc.f32 v3;
	v3 =	vld [tilespmem:s6+$0x360]  }
0x83: {  	v1 =	vld.idx.msk [tilespmem:v1+s24+$0x0], $0xffff;
	v2 =	vcvt.f32.s32 v2;
	_ =	sdelay $0x4  }
0x84: {  	[tilespmem:s6+$0x6340] =	vst v1;
	v1 =	vtrunc.f32 v3;
	v3 =	vld [tilespmem:s6+$0x370]  }
0x85: {  	v2 =	vld.idx.msk [tilespmem:v2+s24+$0x0], $0xffff;
	v1 =	vcvt.f32.s32 v1;
	_ =	sdelay $0x4  }
0x86: {  	[tilespmem:s6+$0x6350] =	vst v2;
	v2 =	vtrunc.f32 v3;
	v3 =	vld [tilespmem:s6+$0x700]  }
0x87: {  	v1 =	vld.idx.msk [tilespmem:v1+s24+$0x0], $0xffff;
	v2 =	vcvt.f32.s32 v2;
	_ =	sdelay $0x4  }
0x88: {  	[tilespmem:s6+$0x6360] =	vst v1;
	v1 =	vtrunc.f32 v3;
	v3 =	vld [tilespmem:s6+$0x710]  }
0x89: {  	v2 =	vld.idx.msk [tilespmem:v2+s24+$0x0], $0xffff;
	v1 =	vcvt.f32.s32 v1;
	_ =	sdelay $0x4  }
0x8a: {  	[tilespmem:s6+$0x6370] =	vst v2;
	v2 =	vtrunc.f32 v3;
	v3 =	vld [tilespmem:s6+$0x720]  }
0x8b: {  	v1 =	vld.idx.msk [tilespmem:v1+s24+$0x0], $0xffff;
	v2 =	vcvt.f32.s32 v2;
	_ =	sdelay $0x4  }
0x8c: {  	[tilespmem:s6+$0x6700] =	vst v1;
	v1 =	vtrunc.f32 v3;
	v3 =	vld [tilespmem:s6+$0x730]  }
0x8d: {  	v2 =	vld.idx.msk [tilespmem:v2+s24+$0x0], $0xffff;
	v1 =	vcvt.f32.s32 v1;
	_ =	sdelay $0x3  }
0x8e: {  	s28 =	simm.s32 $0x0  }
0x8f: {  	s29 =	simm.s32 $0x80;
	s0 =	smul.u32 $0x1800, s28;
	[tilespmem:s6+$0x6710] =	vst v2;
	v2 =	vtrunc.f32 v3;
	v3 =	vld [tilespmem:s6+$0x740]  }
0x90: {  	s8 =	sand.u32 $0x380, s29;
	v1 =	vld.idx.msk [tilespmem:v1+s24+$0x0], $0xffff;
	v2 =	vcvt.f32.s32 v2  }
0x91: {  	s18 =	sor.u32 s8, s0  }
0x92: {  	v4 =	vld [tilespmem:s18+$0x300];
	_ =	sdelay $0x2  }
0x93: {  	[tilespmem:s6+$0x6720] =	vst v1;
	v1 =	vtrunc.f32 v3;
	v3 =	vld [tilespmem:s6+$0x750]  }
0x94: {  	v2 =	vld.idx.msk [tilespmem:v2+s24+$0x0], $0xffff;
	v1 =	vcvt.f32.s32 v1  }
0x95: {  	v4 =	vtrunc.f32 v4  }
0x96: {  	v5 =	vld [tilespmem:s18+$0x310];
	v4 =	vcvt.f32.s32 v4;
	_ =	sdelay $0x2  }
0x97: {  	[tilespmem:s6+$0x6730] =	vst v2;
	v2 =	vtrunc.f32 v3;
	v3 =	vld [tilespmem:s6+$0x760]  }
0x98: {  	v1 =	vld.idx.msk [tilespmem:v1+s24+$0x0], $0xffff;
	v2 =	vcvt.f32.s32 v2  }
0x99: {  	v6 =	vld [tilespmem:s18+$0x320];
	v5 =	vtrunc.f32 v5  }
0x9a: {  	v5 =	vcvt.f32.s32 v5;
	v4 =	vld.idx.msk [tilespmem:v4+s24+$0x0], $0xffff;
	_ =	sdelay $0x2  }
0x9b: {  	[tilespmem:s6+$0x6740] =	vst v1;
	v1 =	vtrunc.f32 v3;
	v3 =	vld [tilespmem:s6+$0x770]  }
0x9c: {  	v2 =	vld.idx.msk [tilespmem:v2+s24+$0x0], $0xffff;
	v1 =	vcvt.f32.s32 v1  }
0x9d: {  	[tilespmem:s18+$0x6300] =	vst v4;
	v4 =	vtrunc.f32 v6;
	v6 =	vld [tilespmem:s18+$0x330]  }
0x9e: {  	v5 =	vld.idx.msk [tilespmem:v5+s24+$0x0], $0xffff;
	v4 =	vcvt.f32.s32 v4;
	_ =	sdelay $0x2  }
0x9f: {  	[tilespmem:s6+$0x6750] =	vst v2;
	v2 =	vtrunc.f32 v3;
	v3 =	vld [tilespmem:s6+$0xB00]  }
0xa0: {  	v1 =	vld.idx.msk [tilespmem:v1+s24+$0x0], $0xffff;
	v2 =	vcvt.f32.s32 v2  }
0xa1: {  	[tilespmem:s18+$0x6310] =	vst v5;
	v5 =	vtrunc.f32 v6;
	v6 =	vld [tilespmem:s18+$0x340]  }
0xa2: {  	v4 =	vld.idx.msk [tilespmem:v4+s24+$0x0], $0xffff;
	v5 =	vcvt.f32.s32 v5;
	_ =	sdelay $0x2  }
0xa3: {  	[tilespmem:s6+$0x6760] =	vst v1;
	v1 =	vtrunc.f32 v3;
	v3 =	vld [tilespmem:s6+$0xB10]  }
0xa4: {  	v2 =	vld.idx.msk [tilespmem:v2+s24+$0x0], $0xffff;
	v1 =	vcvt.f32.s32 v1  }
0xa5: {  	[tilespmem:s18+$0x6320] =	vst v4;
	v4 =	vtrunc.f32 v6;
	v6 =	vld [tilespmem:s18+$0x350]  }
0xa6: {  	v5 =	vld.idx.msk [tilespmem:v5+s24+$0x0], $0xffff;
	v4 =	vcvt.f32.s32 v4;
	_ =	sdelay $0x2  }
0xa7: {  	[tilespmem:s6+$0x6770] =	vst v2;
	v2 =	vtrunc.f32 v3;
	v3 =	vld [tilespmem:s6+$0xB20]  }
0xa8: {  	v1 =	vld.idx.msk [tilespmem:v1+s24+$0x0], $0xffff;
	v2 =	vcvt.f32.s32 v2  }
0xa9: {  	[tilespmem:s18+$0x6330] =	vst v5;
	v5 =	vtrunc.f32 v6;
	v6 =	vld [tilespmem:s18+$0x360]  }
0xaa: {  	v4 =	vld.idx.msk [tilespmem:v4+s24+$0x0], $0xffff;
	v5 =	vcvt.f32.s32 v5;
	_ =	sdelay $0x2  }
0xab: {  	[tilespmem:s6+$0x6B00] =	vst v1;
	v1 =	vtrunc.f32 v3;
	v3 =	vld [tilespmem:s6+$0xB30]  }
0xac: {  	v2 =	vld.idx.msk [tilespmem:v2+s24+$0x0], $0xffff;
	v1 =	vcvt.f32.s32 v1  }
0xad: {  	[tilespmem:s18+$0x6340] =	vst v4;
	v4 =	vtrunc.f32 v6;
	v6 =	vld [tilespmem:s18+$0x370]  }
0xae: {  	v5 =	vld.idx.msk [tilespmem:v5+s24+$0x0], $0xffff;
	v4 =	vcvt.f32.s32 v4;
	_ =	sdelay $0x2  }
0xaf: {  	[tilespmem:s6+$0x6B10] =	vst v2;
	v2 =	vtrunc.f32 v3;
	v3 =	vld [tilespmem:s6+$0xB40]  }
0xb0: {  	v1 =	vld.idx.msk [tilespmem:v1+s24+$0x0], $0xffff;
	v2 =	vcvt.f32.s32 v2  }
0xb1: {  	[tilespmem:s18+$0x6350] =	vst v5;
	v5 =	vtrunc.f32 v6;
	v6 =	vld [tilespmem:s18+$0x700]  }
0xb2: {  	v4 =	vld.idx.msk [tilespmem:v4+s24+$0x0], $0xffff;
	v5 =	vcvt.f32.s32 v5;
	_ =	sdelay $0x2  }
0xb3: {  	[tilespmem:s6+$0x6B20] =	vst v1;
	v1 =	vtrunc.f32 v3;
	v3 =	vld [tilespmem:s6+$0xB50]  }
0xb4: {  	v2 =	vld.idx.msk [tilespmem:v2+s24+$0x0], $0xffff;
	v1 =	vcvt.f32.s32 v1  }
0xb5: {  	[tilespmem:s18+$0x6360] =	vst v4;
	v4 =	vtrunc.f32 v6;
	v6 =	vld [tilespmem:s18+$0x710]  }
0xb6: {  	v5 =	vld.idx.msk [tilespmem:v5+s24+$0x0], $0xffff;
	v4 =	vcvt.f32.s32 v4;
	_ =	sdelay $0x2  }
0xb7: {  	[tilespmem:s6+$0x6B30] =	vst v2;
	v2 =	vtrunc.f32 v3;
	v3 =	vld [tilespmem:s6+$0xB60]  }
0xb8: {  	v1 =	vld.idx.msk [tilespmem:v1+s24+$0x0], $0xffff;
	v2 =	vcvt.f32.s32 v2  }
0xb9: {  	[tilespmem:s18+$0x6370] =	vst v5;
	v5 =	vtrunc.f32 v6;
	v6 =	vld [tilespmem:s18+$0x720]  }
0xba: {  	v4 =	vld.idx.msk [tilespmem:v4+s24+$0x0], $0xffff;
	v5 =	vcvt.f32.s32 v5;
	_ =	sdelay $0x2  }
0xbb: {  	[tilespmem:s6+$0x6B40] =	vst v1;
	v1 =	vtrunc.f32 v3;
	v3 =	vld [tilespmem:s6+$0xB70]  }
0xbc: {  	v2 =	vld.idx.msk [tilespmem:v2+s24+$0x0], $0xffff;
	v1 =	vcvt.f32.s32 v1  }
0xbd: {  	[tilespmem:s18+$0x6700] =	vst v4;
	v4 =	vtrunc.f32 v6;
	v6 =	vld [tilespmem:s18+$0x730]  }
0xbe: {  	v5 =	vld.idx.msk [tilespmem:v5+s24+$0x0], $0xffff;
	v4 =	vcvt.f32.s32 v4;
	_ =	sdelay $0x2  }
0xbf: {  	[tilespmem:s6+$0x6B50] =	vst v2;
	v2 =	vtrunc.f32 v3;
	v3 =	vld [tilespmem:s6+$0xF00]  }
0xc0: {  	v1 =	vld.idx.msk [tilespmem:v1+s24+$0x0], $0xffff;
	v2 =	vcvt.f32.s32 v2  }
0xc1: {  	[tilespmem:s18+$0x6710] =	vst v5;
	v5 =	vtrunc.f32 v6;
	v6 =	vld [tilespmem:s18+$0x740]  }
0xc2: {  	v4 =	vld.idx.msk [tilespmem:v4+s24+$0x0], $0xffff;
	v5 =	vcvt.f32.s32 v5;
	_ =	sdelay $0x2  }
0xc3: {  	[tilespmem:s6+$0x6B60] =	vst v1;
	v1 =	vtrunc.f32 v3;
	v3 =	vld [tilespmem:s6+$0xF10]  }
0xc4: {  	s30 =	simm.s32 $0x0;
	v2 =	vld.idx.msk [tilespmem:v2+s24+$0x0], $0xffff;
	v1 =	vcvt.f32.s32 v1  }
0xc5: {  	s31 =	simm.s32 $0x100;
	s0 =	smul.u32 $0x1800, s30;
	[tilespmem:s18+$0x6720] =	vst v4;
	v4 =	vtrunc.f32 v6;
	v6 =	vld [tilespmem:s18+$0x750]  }
0xc6: {  	s8 =	sand.u32 $0x380, s31;
	v5 =	vld.idx.msk [tilespmem:v5+s24+$0x0], $0xffff;
	v4 =	vcvt.f32.s32 v4  }
0xc7: {  	s8 =	sor.u32 s8, s0  }
0xc8: {  	v7 =	vld [tilespmem:s8+$0x300]  }
0xc9: {  	[tilespmem:s6+$0x6B70] =	vst v2;
	v2 =	vtrunc.f32 v3;
	v3 =	vld [tilespmem:s6+$0xF20]  }
0xca: {  	v1 =	vld.idx.msk [tilespmem:v1+s24+$0x0], $0xffff;
	v2 =	vcvt.f32.s32 v2  }
0xcb: {  	[tilespmem:s18+$0x6730] =	vst v5;
	v5 =	vtrunc.f32 v6;
	v6 =	vld [tilespmem:s18+$0x760]  }
0xcc: {  	v4 =	vld.idx.msk [tilespmem:v4+s24+$0x0], $0xffff;
	v5 =	vcvt.f32.s32 v5  }
0xcd: {  	v7 =	vtrunc.f32 v7  }
0xce: {  	v8 =	vld [tilespmem:s8+$0x310];
	v7 =	vcvt.f32.s32 v7  }
0xcf: {  	[tilespmem:s6+$0x6F00] =	vst v1;
	v1 =	vtrunc.f32 v3;
	v3 =	vld [tilespmem:s6+$0xF30]  }
0xd0: {  	v2 =	vld.idx.msk [tilespmem:v2+s24+$0x0], $0xffff;
	v1 =	vcvt.f32.s32 v1  }
0xd1: {  	[tilespmem:s18+$0x6740] =	vst v4;
	v4 =	vtrunc.f32 v6;
	v6 =	vld [tilespmem:s18+$0x770]  }
0xd2: {  	v5 =	vld.idx.msk [tilespmem:v5+s24+$0x0], $0xffff;
	v4 =	vcvt.f32.s32 v4  }
0xd3: {  	v9 =	vld [tilespmem:s8+$0x320];
	v8 =	vtrunc.f32 v8  }
0xd4: {  	v8 =	vcvt.f32.s32 v8;
	v7 =	vld.idx.msk [tilespmem:v7+s24+$0x0], $0xffff  }
0xd5: {  	[tilespmem:s6+$0x6F10] =	vst v2;
	v2 =	vtrunc.f32 v3;
	v3 =	vld [tilespmem:s6+$0xF40]  }
0xd6: {  	v1 =	vld.idx.msk [tilespmem:v1+s24+$0x0], $0xffff;
	v2 =	vcvt.f32.s32 v2  }
0xd7: {  	[tilespmem:s18+$0x6750] =	vst v5;
	v5 =	vtrunc.f32 v6;
	v6 =	vld [tilespmem:s18+$0xB00]  }
0xd8: {  	v4 =	vld.idx.msk [tilespmem:v4+s24+$0x0], $0xffff;
	v5 =	vcvt.f32.s32 v5  }
0xd9: {  	[tilespmem:s8+$0x6300] =	vst v7;
	v7 =	vtrunc.f32 v9;
	v9 =	vld [tilespmem:s8+$0x330]  }
0xda: {  	v8 =	vld.idx.msk [tilespmem:v8+s24+$0x0], $0xffff;
	v7 =	vcvt.f32.s32 v7  }
0xdb: {  	[tilespmem:s6+$0x6F20] =	vst v1;
	v1 =	vtrunc.f32 v3;
	v3 =	vld [tilespmem:s6+$0xF50]  }
0xdc: {  	v2 =	vld.idx.msk [tilespmem:v2+s24+$0x0], $0xffff;
	v1 =	vcvt.f32.s32 v1  }
0xdd: {  	[tilespmem:s18+$0x6760] =	vst v4;
	v4 =	vtrunc.f32 v6;
	v6 =	vld [tilespmem:s18+$0xB10]  }
0xde: {  	v5 =	vld.idx.msk [tilespmem:v5+s24+$0x0], $0xffff;
	v4 =	vcvt.f32.s32 v4  }
0xdf: {  	[tilespmem:s8+$0x6310] =	vst v8;
	v8 =	vtrunc.f32 v9;
	v9 =	vld [tilespmem:s8+$0x340]  }
0xe0: {  	v7 =	vld.idx.msk [tilespmem:v7+s24+$0x0], $0xffff;
	v8 =	vcvt.f32.s32 v8  }
0xe1: {  	[tilespmem:s6+$0x6F30] =	vst v2;
	v2 =	vtrunc.f32 v3;
	v3 =	vld [tilespmem:s6+$0xF60]  }
0xe2: {  	v1 =	vld.idx.msk [tilespmem:v1+s24+$0x0], $0xffff;
	v2 =	vcvt.f32.s32 v2  }
0xe3: {  	[tilespmem:s18+$0x6770] =	vst v5;
	v5 =	vtrunc.f32 v6;
	v6 =	vld [tilespmem:s18+$0xB20]  }
0xe4: {  	v4 =	vld.idx.msk [tilespmem:v4+s24+$0x0], $0xffff;
	v5 =	vcvt.f32.s32 v5  }
0xe5: {  	[tilespmem:s8+$0x6320] =	vst v7;
	v7 =	vtrunc.f32 v9;
	v9 =	vld [tilespmem:s8+$0x350]  }
0xe6: {  	v8 =	vld.idx.msk [tilespmem:v8+s24+$0x0], $0xffff;
	v7 =	vcvt.f32.s32 v7  }
0xe7: {  	[tilespmem:s6+$0x6F40] =	vst v1;
	v1 =	vtrunc.f32 v3;
	v3 =	vld [tilespmem:s6+$0xF70]  }
0xe8: {  	v2 =	vld.idx.msk [tilespmem:v2+s24+$0x0], $0xffff;
	v1 =	vcvt.f32.s32 v1  }
0xe9: {  	[tilespmem:s18+$0x6B00] =	vst v4;
	v4 =	vtrunc.f32 v6;
	v6 =	vld [tilespmem:s18+$0xB30]  }
0xea: {  	v5 =	vld.idx.msk [tilespmem:v5+s24+$0x0], $0xffff;
	v4 =	vcvt.f32.s32 v4  }
0xeb: {  	[tilespmem:s8+$0x6330] =	vst v8;
	v8 =	vtrunc.f32 v9;
	v9 =	vld [tilespmem:s8+$0x360]  }
0xec: {  	v7 =	vld.idx.msk [tilespmem:v7+s24+$0x0], $0xffff;
	v8 =	vcvt.f32.s32 v8  }
0xed: {  	[tilespmem:s6+$0x6F50] =	vst v2;
	v2 =	vtrunc.f32 v3;
	v3 =	vld [tilespmem:s6+$0x1300]  }
0xee: {  	v1 =	vld.idx.msk [tilespmem:v1+s24+$0x0], $0xffff;
	v2 =	vcvt.f32.s32 v2  }
0xef: {  	[tilespmem:s18+$0x6B10] =	vst v5;
	v5 =	vtrunc.f32 v6;
	v6 =	vld [tilespmem:s18+$0xB40]  }
0xf0: {  	v4 =	vld.idx.msk [tilespmem:v4+s24+$0x0], $0xffff;
	v5 =	vcvt.f32.s32 v5  }
0xf1: {  	[tilespmem:s8+$0x6340] =	vst v7;
	v7 =	vtrunc.f32 v9;
	v9 =	vld [tilespmem:s8+$0x370]  }
0xf2: {  	v8 =	vld.idx.msk [tilespmem:v8+s24+$0x0], $0xffff;
	v7 =	vcvt.f32.s32 v7  }
0xf3: {  	[tilespmem:s6+$0x6F60] =	vst v1;
	v1 =	vtrunc.f32 v3;
	v3 =	vld [tilespmem:s6+$0x1310]  }
0xf4: {  	v2 =	vld.idx.msk [tilespmem:v2+s24+$0x0], $0xffff;
	v1 =	vcvt.f32.s32 v1  }
0xf5: {  	[tilespmem:s18+$0x6B20] =	vst v4;
	v4 =	vtrunc.f32 v6;
	v6 =	vld [tilespmem:s18+$0xB50]  }
0xf6: {  	v5 =	vld.idx.msk [tilespmem:v5+s24+$0x0], $0xffff;
	v4 =	vcvt.f32.s32 v4  }
0xf7: {  	[tilespmem:s8+$0x6350] =	vst v8  }
0xf8: {  	v8 =	vtrunc.f32 v9;
	v7 =	vld.idx.msk [tilespmem:v7+s24+$0x0], $0xffff  }
0xf9: {  	v8 =	vcvt.f32.s32 v8;
	[tilespmem:s6+$0x6F70] =	vst v2;
	v2 =	vtrunc.f32 v3;
	v3 =	vld [tilespmem:s6+$0x1320]  }
0xfa: {  	v1 =	vld.idx.msk [tilespmem:v1+s24+$0x0], $0xffff;
	v2 =	vcvt.f32.s32 v2  }
0xfb: {  	v9 =	vld [tilespmem:s8+$0x700];
	[tilespmem:s18+$0x6B30] =	vst v5;
	v5 =	vtrunc.f32 v6  }
0xfc: {  	v4 =	vld.idx.msk [tilespmem:v4+s24+$0x0], $0xffff;
	v5 =	vcvt.f32.s32 v5  }
0xfd: {  	v6 =	vld [tilespmem:s18+$0xB60]  }
0xfe: {  	[tilespmem:s8+$0x6360] =	vst v7  }
0xff: {  	v8 =	vld.idx.msk [tilespmem:v8+s24+$0x0], $0xffff;
	[tilespmem:s6+$0x7300] =	vst v1;
	v1 =	vtrunc.f32 v3  }
0x100: {  	v2 =	vld.idx.msk [tilespmem:v2+s24+$0x0], $0xffff;
	v1 =	vcvt.f32.s32 v1  }
0x101: {  	v9 =	vtrunc.f32 v9;
	[tilespmem:s18+$0x6B40] =	vst v4;
	v3 =	vld [tilespmem:s6+$0x1330]  }
0x102: {  	v9 =	vcvt.f32.s32 v9;
	v4 =	vld.idx.msk [tilespmem:v5+s24+$0x0], $0xffff;
	v5 =	vtrunc.f32 v6  }
0x103: {  	v10 =	vld [tilespmem:s8+$0x710];
	v5 =	vcvt.f32.s32 v5  }
0x104: {  	v6 =	vld [tilespmem:s18+$0xB70]  }
0x105: {  	v11 =	vld [tilespmem:s8+$0x720];
	[tilespmem:s6+$0x7310] =	vst v2  }
0x106: {  	v2 =	vld.idx.msk [tilespmem:v1+s24+$0x0], $0xffff;
	v1 =	vtrunc.f32 v3  }
0x107: {  	[tilespmem:s8+$0x6370] =	vst v8;
	v7 =	vld [tilespmem:s6+$0x1340];
	v3 =	vcvt.f32.s32 v1  }
0x108: {  	v10 =	vtrunc.f32 v10;
	v9 =	vld.idx.msk [tilespmem:v9+s24+$0x0], $0xffff;
	[tilespmem:s18+$0x6B50] =	vst v4  }
0x109: {  	v10 =	vcvt.f32.s32 v10;
	v4 =	vld.idx.msk [tilespmem:v5+s24+$0x0], $0xffff;
	v5 =	vtrunc.f32 v6  }
0x10a: {  	v6 =	vld [tilespmem:s18+$0xF00];
	v5 =	vcvt.f32.s32 v5;
	_ =	sdelay $0x1  }
0x10b: {  	v8 =	vld [tilespmem:s6+$0x1350];
	[tilespmem:s6+$0x7320] =	vst v2;
	v2 =	vtrunc.f32 v7  }
0x10c: {  	v7 =	vcvt.f32.s32 v2;
	v3 =	vld.idx.msk [tilespmem:v3+s24+$0x0], $0xffff  }
0x10d: {  	v11 =	vtrunc.f32 v11;
	v13 =	vld [tilespmem:s18+$0xF10];
	[tilespmem:s8+$0x6700] =	vst v9  }
0x10e: {  	v11 =	vcvt.f32.s32 v11;
	v10 =	vld.idx.msk [tilespmem:v10+s24+$0x0], $0xffff;
	[tilespmem:s18+$0x6B60] =	vst v4;
	v4 =	vtrunc.f32 v6  }
0x10f: {  	v6 =	vcvt.f32.s32 v4;
	v5 =	vld.idx.msk [tilespmem:v5+s24+$0x0], $0xffff  }
0x110: {  	v12 =	vld [tilespmem:s8+$0x730]  }
0x111: {  	v9 =	vld [tilespmem:s6+$0x1360];
	[tilespmem:s6+$0x7330] =	vst v3;
	v3 =	vtrunc.f32 v8  }
0x112: {  	v7 =	vld.idx.msk [tilespmem:v7+s24+$0x0], $0xffff;
	v8 =	vcvt.f32.s32 v3  }
0x113: {  	v15 =	vld [tilespmem:s18+$0xF20];
	[tilespmem:s8+$0x6710] =	vst v10  }
0x114: {  	v10 =	vld.idx.msk [tilespmem:v11+s24+$0x0], $0xffff;
	[tilespmem:s18+$0x6B70] =	vst v5;
	v5 =	vtrunc.f32 v13  }
0x115: {  	v14 =	vld.idx.msk [tilespmem:v6+s24+$0x0], $0xffff;
	v13 =	vcvt.f32.s32 v5  }
0x116: {  	v11 =	vtrunc.f32 v12;
	v12 =	vld [tilespmem:s8+$0x740]  }
0x117: {  	v4 =	vtrunc.f32 v9;
	v9 =	vld [tilespmem:s6+$0x1370];
	[tilespmem:s6+$0x7340] =	vst v7  }
0x118: {  	v7 =	vld.idx.msk [tilespmem:v8+s24+$0x0], $0xffff;
	v8 =	vcvt.f32.s32 v4  }
0x119: {  	v5 =	vld [tilespmem:s6+$0x1730]  }
0x11a: {  	v11 =	vcvt.f32.s32 v11;
	v6 =	vld [tilespmem:s6+$0x1700];
	[tilespmem:s18+$0x6F00] =	vst v14  }
0x11b: {  	[tilespmem:s8+$0x6720] =	vst v10;
	v10 =	vld.idx.msk [tilespmem:v13+s24+$0x0], $0xffff  }
0x11c: {  	v13 =	vld [tilespmem:s18+$0xF30]  }
0x11d: {  	v1 =	vld [tilespmem:s6+$0x1770];
	[tilespmem:s6+$0x7350] =	vst v7;
	v7 =	vtrunc.f32 v9  }
0x11e: {  	v16 =	vld.idx.msk [tilespmem:v8+s24+$0x0], $0xffff;
	v7 =	vcvt.f32.s32 v7  }
0x11f: {  	v2 =	vld [tilespmem:s6+$0x1760]  }
0x120: {  	v8 =	vld.idx.msk [tilespmem:v11+s24+$0x0], $0xffff;
	v11 =	vtrunc.f32 v12  }
0x121: {  	v3 =	vld [tilespmem:s6+$0x1750];
	v11 =	vcvt.f32.s32 v11  }
0x122: {  	s10 =	simm.s32 $0x0;
	s11 =	simm.s32 $0x4;
	s0 =	sshll.u32 s2, $0x5;
	v9 =	vld [tilespmem:s8+$0x750];
	v12 =	vtrunc.f32 v15  }
0x123: {  	s12 =	smul.u32 $0x1800, s10;
	s10 =	simm.s32 $0x180;
	s9 =	sadd.s32 s5, s0;
	v4 =	vld [tilespmem:s6+$0x1740];
	v12 =	vcvt.f32.s32 v12;
	[tilespmem:s6+$0x7360] =	vst v16  }
.LBB2_3:
0x124: {  	p1 =	sne.s32 s11, $0xF;
	s15 =	sand.u32 $0x380, s10;
	v7 =	vld.idx.msk [tilespmem:v7+s24+$0x0], $0xffff;
	v6 =	vtrunc.f32 v6  }
0x125: {  	s12 =	sor.u32 s15, s12;
	v6 =	vcvt.f32.s32 v6;
	v14 =	vld [tilespmem:s6+$0x1710]  }
0x126: {  	v15 =	vld [tilespmem:s12+$0x300];
	[tilespmem:s8+$0x6730] =	vst v8  }
0x127: {  	v9 =	vtrunc.f32 v9;
	v8 =	vld.idx.msk [tilespmem:v11+s24+$0x0], $0xffff  }
0x128: {  	v9 =	vcvt.f32.s32 v9;
	v11 =	vld [tilespmem:s8+$0x760];
	[tilespmem:s18+$0x6F10] =	vst v10  }
0x129: {  	v10 =	vld.idx.msk [tilespmem:v12+s24+$0x0], $0xffff;
	v12 =	vtrunc.f32 v13  }
0x12a: {  	v12 =	vcvt.f32.s32 v12;
	v13 =	vld [tilespmem:s18+$0xF40];
	[tilespmem:s6+$0x7370] =	vst v7  }
0x12b: {  	v7 =	vtrunc.f32 v14;
	v6 =	vld.idx.msk [tilespmem:v6+s24+$0x0], $0xffff  }
0x12c: {  	v14 =	vtrunc.f32 v15;
	v7 =	vcvt.f32.s32 v7;
	v15 =	vld [tilespmem:s6+$0x1720]  }
0x12d: {  	v14 =	vcvt.f32.s32 v14;
	v16 =	vld [tilespmem:s12+$0x310];
	[tilespmem:s8+$0x6740] =	vst v8  }
0x12e: {  	v8 =	vld.idx.msk [tilespmem:v9+s24+$0x0], $0xffff;
	v9 =	vtrunc.f32 v11  }
0x12f: {  	v9 =	vcvt.f32.s32 v9;
	v11 =	vld [tilespmem:s8+$0x770];
	[tilespmem:s18+$0x6F20] =	vst v10  }
0x130: {  	v10 =	vld.idx.msk [tilespmem:v12+s24+$0x0], $0xffff;
	v12 =	vtrunc.f32 v13  }
0x131: {  	v12 =	vcvt.f32.s32 v12;
	v13 =	vld [tilespmem:s18+$0xF50];
	[tilespmem:s6+$0x7700] =	vst v6  }
0x132: {  	v6 =	vld.idx.msk [tilespmem:v7+s24+$0x0], $0xffff;
	v7 =	vtrunc.f32 v15  }
0x133: {  	v15 =	vtrunc.f32 v16;
	v14 =	vld.idx.msk [tilespmem:v14+s24+$0x0], $0xffff;
	v7 =	vcvt.f32.s32 v7  }
0x134: {  	v15 =	vcvt.f32.s32 v15;
	v16 =	vld [tilespmem:s12+$0x320];
	[tilespmem:s8+$0x6750] =	vst v8  }
0x135: {  	v8 =	vld.idx.msk [tilespmem:v9+s24+$0x0], $0xffff;
	v9 =	vtrunc.f32 v11  }
0x136: {  	v9 =	vcvt.f32.s32 v9;
	v11 =	vld [tilespmem:s8+$0xB00];
	[tilespmem:s18+$0x6F30] =	vst v10  }
0x137: {  	v10 =	vld.idx.msk [tilespmem:v12+s24+$0x0], $0xffff;
	v12 =	vtrunc.f32 v13  }
0x138: {  	v12 =	vcvt.f32.s32 v12;
	v13 =	vld [tilespmem:s18+$0xF60];
	[tilespmem:s6+$0x7710] =	vst v6  }
0x139: {  	v5 =	vtrunc.f32 v5;
	[tilespmem:s12+$0x6300] =	vst v14;
	v6 =	vld.idx.msk [tilespmem:v7+s24+$0x0], $0xffff  }
0x13a: {  	v5 =	vcvt.f32.s32 v5;
	v14 =	vtrunc.f32 v16;
	v7 =	vld.idx.msk [tilespmem:v15+s24+$0x0], $0xffff  }
0x13b: {  	v14 =	vcvt.f32.s32 v14;
	v15 =	vld [tilespmem:s12+$0x330];
	[tilespmem:s8+$0x6760] =	vst v8  }
0x13c: {  	v8 =	vld.idx.msk [tilespmem:v9+s24+$0x0], $0xffff;
	v9 =	vtrunc.f32 v11  }
0x13d: {  	v9 =	vcvt.f32.s32 v9;
	v11 =	vld [tilespmem:s8+$0xB10];
	[tilespmem:s18+$0x6F40] =	vst v10  }
0x13e: {  	v10 =	vld.idx.msk [tilespmem:v12+s24+$0x0], $0xffff;
	v12 =	vtrunc.f32 v13  }
0x13f: {  	v12 =	vcvt.f32.s32 v12;
	v13 =	vld [tilespmem:s18+$0xF70];
	[tilespmem:s6+$0x7720] =	vst v6  }
0x140: {  	v4 =	vtrunc.f32 v4;
	[tilespmem:s12+$0x6310] =	vst v7;
	v5 =	vld.idx.msk [tilespmem:v5+s24+$0x0], $0xffff  }
0x141: {  	v4 =	vcvt.f32.s32 v4;
	v7 =	vtrunc.f32 v15;
	v6 =	vld.idx.msk [tilespmem:v14+s24+$0x0], $0xffff  }
0x142: {  	v7 =	vcvt.f32.s32 v7;
	v14 =	vld [tilespmem:s12+$0x340];
	[tilespmem:s8+$0x6770] =	vst v8  }
0x143: {  	v8 =	vld.idx.msk [tilespmem:v9+s24+$0x0], $0xffff;
	v9 =	vtrunc.f32 v11  }
0x144: {  	v9 =	vcvt.f32.s32 v9;
	v11 =	vld [tilespmem:s8+$0xB20];
	[tilespmem:s18+$0x6F50] =	vst v10  }
0x145: {  	v10 =	vld.idx.msk [tilespmem:v12+s24+$0x0], $0xffff;
	v12 =	vtrunc.f32 v13  }
0x146: {  	v12 =	vcvt.f32.s32 v12;
	v13 =	vld [tilespmem:s18+$0x1300];
	[tilespmem:s6+$0x7730] =	vst v5  }
0x147: {  	v3 =	vtrunc.f32 v3;
	[tilespmem:s12+$0x6320] =	vst v6;
	v4 =	vld.idx.msk [tilespmem:v4+s24+$0x0], $0xffff  }
0x148: {  	v3 =	vcvt.f32.s32 v3;
	v6 =	vtrunc.f32 v14;
	v5 =	vld.idx.msk [tilespmem:v7+s24+$0x0], $0xffff  }
0x149: {  	v6 =	vcvt.f32.s32 v6;
	v7 =	vld [tilespmem:s12+$0x350];
	[tilespmem:s8+$0x6B00] =	vst v8  }
0x14a: {  	v8 =	vld.idx.msk [tilespmem:v9+s24+$0x0], $0xffff;
	v9 =	vtrunc.f32 v11  }
0x14b: {  	v9 =	vcvt.f32.s32 v9;
	v11 =	vld [tilespmem:s8+$0xB30];
	[tilespmem:s18+$0x6F60] =	vst v10  }
0x14c: {  	v10 =	vld.idx.msk [tilespmem:v12+s24+$0x0], $0xffff;
	v12 =	vtrunc.f32 v13  }
0x14d: {  	v12 =	vcvt.f32.s32 v12;
	v13 =	vld [tilespmem:s18+$0x1310];
	[tilespmem:s6+$0x7740] =	vst v4  }
0x14e: {  	v2 =	vtrunc.f32 v2;
	[tilespmem:s12+$0x6330] =	vst v5;
	v3 =	vld.idx.msk [tilespmem:v3+s24+$0x0], $0xffff  }
0x14f: {  	v2 =	vcvt.f32.s32 v2;
	v5 =	vtrunc.f32 v7;
	v4 =	vld.idx.msk [tilespmem:v6+s24+$0x0], $0xffff  }
0x150: {  	v5 =	vcvt.f32.s32 v5;
	v6 =	vld [tilespmem:s12+$0x360];
	[tilespmem:s8+$0x6B10] =	vst v8  }
0x151: {  	v8 =	vtrunc.f32 v11;
	v7 =	vld.idx.msk [tilespmem:v9+s24+$0x0], $0xffff  }
0x152: {  	v8 =	vcvt.f32.s32 v8;
	v9 =	vld [tilespmem:s8+$0xB40];
	[tilespmem:s18+$0x6F70] =	vst v10  }
0x153: {  	v11 =	vtrunc.f32 v13;
	v10 =	vld.idx.msk [tilespmem:v12+s24+$0x0], $0xffff  }
0x154: {  	v11 =	vcvt.f32.s32 v11;
	v12 =	vld [tilespmem:s18+$0x1320];
	[tilespmem:s6+$0x7750] =	vst v3  }
0x155: {  	v1 =	vtrunc.f32 v1;
	[tilespmem:s12+$0x6340] =	vst v4;
	v2 =	vld.idx.msk [tilespmem:v2+s24+$0x0], $0xffff  }
0x156: {  	v1 =	vcvt.f32.s32 v1;
	v4 =	vtrunc.f32 v6;
	v3 =	vld.idx.msk [tilespmem:v5+s24+$0x0], $0xffff  }
0x157: {  	v4 =	vcvt.f32.s32 v4;
	v5 =	vld [tilespmem:s12+$0x370];
	[tilespmem:s8+$0x6B20] =	vst v7  }
0x158: {  	v7 =	vtrunc.f32 v9;
	v6 =	vld.idx.msk [tilespmem:v8+s24+$0x0], $0xffff  }
0x159: {  	v7 =	vcvt.f32.s32 v7;
	v8 =	vld [tilespmem:s8+$0xB50];
	[tilespmem:s18+$0x7300] =	vst v10  }
0x15a: {  	v10 =	vtrunc.f32 v12;
	v9 =	vld.idx.msk [tilespmem:v11+s24+$0x0], $0xffff  }
0x15b: {  	v10 =	vcvt.f32.s32 v10;
	v11 =	vld [tilespmem:s18+$0x1330];
	[tilespmem:s6+$0x7760] =	vst v2  }
0x15c: {  	[tilespmem:s12+$0x6350] =	vst v3;
	v2 =	vld.idx.msk [tilespmem:v1+s24+$0x0], $0xffff  }
0x15d: {  	v1 =	vtrunc.f32 v5;
	v3 =	vld.idx.msk [tilespmem:v4+s24+$0x0], $0xffff  }
0x15e: {  	v4 =	vcvt.f32.s32 v1;
	v5 =	vld [tilespmem:s12+$0x700];
	[tilespmem:s8+$0x6B30] =	vst v6  }
0x15f: {  	v1 =	vtrunc.f32 v8;
	v6 =	vld.idx.msk [tilespmem:v7+s24+$0x0], $0xffff  }
0x160: {  	v7 =	vcvt.f32.s32 v1;
	v8 =	vld [tilespmem:s8+$0xB60];
	[tilespmem:s18+$0x7310] =	vst v9  }
0x161: {  	v1 =	vtrunc.f32 v11;
	v9 =	vld.idx.msk [tilespmem:v10+s24+$0x0], $0xffff  }
0x162: {  	v10 =	vcvt.f32.s32 v1;
	v1 =	vld [tilespmem:s18+$0x1770];
	[tilespmem:s6+$0x7770] =	vst v2;
	s6 =	smov.u32 s18;
	s18 =	smov.u32 s8;
	s8 =	smov.u32 s12  }
0x163: {  	[tilespmem:s8+$0x6360] =	vst v3;
	v2 =	vld [tilespmem:s6+$0x1340]  }
0x164: {  	v3 =	vld.idx.msk [tilespmem:v4+s24+$0x0], $0xffff;
	v4 =	vtrunc.f32 v5  }
0x165: {  	v4 =	vcvt.f32.s32 v4;
	v5 =	vld [tilespmem:s8+$0x710];
	[tilespmem:s18+$0x6B40] =	vst v6  }
0x166: {  	v6 =	vld.idx.msk [tilespmem:v7+s24+$0x0], $0xffff;
	v7 =	vtrunc.f32 v8  }
0x167: {  	v7 =	vcvt.f32.s32 v7;
	v8 =	vld [tilespmem:s18+$0xB70];
	[tilespmem:s6+$0x7320] =	vst v9  }
0x168: {  	v9 =	vld.idx.msk [tilespmem:v10+s24+$0x0], $0xffff;
	v2 =	vtrunc.f32 v2  }
0x169: {  	v10 =	vcvt.f32.s32 v2;
	v2 =	vld [tilespmem:s6+$0x1760]  }
0x16a: {  	[tilespmem:s8+$0x6370] =	vst v3;
	v3 =	vld [tilespmem:s6+$0x1350]  }
0x16b: {  	v5 =	vtrunc.f32 v5;
	v4 =	vld.idx.msk [tilespmem:v4+s24+$0x0], $0xffff  }
0x16c: {  	v5 =	vcvt.f32.s32 v5;
	v11 =	vld [tilespmem:s8+$0x720];
	[tilespmem:s18+$0x6B50] =	vst v6  }
0x16d: {  	v6 =	vld.idx.msk [tilespmem:v7+s24+$0x0], $0xffff;
	v7 =	vtrunc.f32 v8  }
0x16e: {  	v7 =	vcvt.f32.s32 v7;
	v8 =	vld [tilespmem:s18+$0xF00];
	[tilespmem:s6+$0x7330] =	vst v9  }
0x16f: {  	v9 =	vld.idx.msk [tilespmem:v10+s24+$0x0], $0xffff;
	v3 =	vtrunc.f32 v3  }
0x170: {  	v10 =	vcvt.f32.s32 v3;
	v3 =	vld [tilespmem:s6+$0x1750]  }
0x171: {  	[tilespmem:s8+$0x6700] =	vst v4;
	v4 =	vld [tilespmem:s6+$0x1360]  }
0x172: {  	v11 =	vtrunc.f32 v11;
	v5 =	vld.idx.msk [tilespmem:v5+s24+$0x0], $0xffff  }
0x173: {  	v11 =	vcvt.f32.s32 v11;
	v12 =	vld [tilespmem:s8+$0x730];
	[tilespmem:s18+$0x6B60] =	vst v6  }
0x174: {  	v6 =	vld.idx.msk [tilespmem:v7+s24+$0x0], $0xffff;
	v7 =	vtrunc.f32 v8  }
0x175: {  	v7 =	vcvt.f32.s32 v7;
	v8 =	vld [tilespmem:s18+$0xF10];
	[tilespmem:s6+$0x7340] =	vst v9  }
0x176: {  	v9 =	vld.idx.msk [tilespmem:v10+s24+$0x0], $0xffff;
	v4 =	vtrunc.f32 v4  }
0x177: {  	v10 =	vcvt.f32.s32 v4;
	v4 =	vld [tilespmem:s6+$0x1740]  }
0x178: {  	[tilespmem:s8+$0x6710] =	vst v5;
	v5 =	vld [tilespmem:s6+$0x1370]  }
0x179: {  	v12 =	vtrunc.f32 v12;
	v11 =	vld.idx.msk [tilespmem:v11+s24+$0x0], $0xffff  }
0x17a: {  	v12 =	vcvt.f32.s32 v12;
	v13 =	vld [tilespmem:s8+$0x740];
	[tilespmem:s18+$0x6B70] =	vst v6  }
0x17b: {  	v6 =	vtrunc.f32 v8;
	v14 =	vld.idx.msk [tilespmem:v7+s24+$0x0], $0xffff  }
0x17c: {  	v15 =	vcvt.f32.s32 v6;
	v16 =	vld [tilespmem:s18+$0xF20];
	[tilespmem:s6+$0x7350] =	vst v9  }
0x17d: {  	v17 =	vld.idx.msk [tilespmem:v10+s24+$0x0], $0xffff;
	v5 =	vtrunc.f32 v5  }
0x17e: {  	v7 =	vcvt.f32.s32 v5;
	v5 =	vld [tilespmem:s6+$0x1730]  }
.Ltmp0:
0x17f: {  	[tilespmem:s8+$0x6720] =	vst v11;
	v6 =	vld [tilespmem:s6+$0x1700];
	(pc) =	sbr.rel @p1 .LBB2_3-.Ltmp0, $4  }
0x180: {  	v9 =	vtrunc.f32 v13;
	v8 =	vld.idx.msk [tilespmem:v12+s24+$0x0], $0xffff  }
0x181: {  	v11 =	vcvt.f32.s32 v9;
	v9 =	vld [tilespmem:s8+$0x750];
	[tilespmem:s18+$0x6F00] =	vst v14  }
0x182: {  	s12 =	sshrl.u32 s11, $0x3;
	v12 =	vtrunc.f32 v16;
	v10 =	vld.idx.msk [tilespmem:v15+s24+$0x0], $0xffff  }
0x183: {  	s10 =	sadd.s32 $0x80, s10;
	s11 =	sadd.s32 $0x1, s11;
	s12 =	smul.u32 $0x1800, s12;
	v12 =	vcvt.f32.s32 v12;
	v13 =	vld [tilespmem:s18+$0xF30];
	[tilespmem:s6+$0x7360] =	vst v17  }
0x184: {  	_ =	sdelay $0x2  }
0x185: {  	v28 =	vld [tilespmem:s18+$0xF40]  }
0x186: {  	s10 =	sand.u32 $0x380, s10;
	v7 =	vld.idx.msk [tilespmem:v7+s24+$0x0], $0xffff  }
0x187: {  	v29 =	vld [tilespmem:s18+$0xF50];
	s10 =	sor.u32 s10, s12  }
0x188: {  	[tilespmem:s8+$0x6730] =	vst v8;
	v14 =	vld [tilespmem:s10+$0x300]  }
0x189: {  	v8 =	vld.idx.msk [tilespmem:v11+s24+$0x0], $0xffff;
	v9 =	vtrunc.f32 v9  }
0x18a: {  	v11 =	vld [tilespmem:s8+$0x760];
	v9 =	vcvt.f32.s32 v9  }
0x18b: {  	v17 =	vld [tilespmem:s8+$0xB00]  }
0x18c: {  	v31 =	vld [tilespmem:s18+$0xF60];
	[tilespmem:s18+$0x6F10] =	vst v10;
	v27 =	vtrunc.f32 v13  }
0x18d: {  	v10 =	vld.idx.msk [tilespmem:v12+s24+$0x0], $0xffff;
	v12 =	vcvt.f32.s32 v27  }
0x18e: {  	v34 =	vld [tilespmem:s8+$0xB10];
	v14 =	vtrunc.f32 v14  }
0x18f: {  	v15 =	vld [tilespmem:s10+$0x310];
	[tilespmem:s8+$0x6740] =	vst v8;
	v8 =	vtrunc.f32 v11;
	v14 =	vcvt.f32.s32 v14  }
0x190: {  	v8 =	vcvt.f32.s32 v8;
	v9 =	vld.idx.msk [tilespmem:v9+s24+$0x0], $0xffff  }
0x191: {  	v11 =	vld [tilespmem:s8+$0x770]  }
0x192: {  	v35 =	vld [tilespmem:s18+$0xF70];
	[tilespmem:s18+$0x6F20] =	vst v10;
	v10 =	vtrunc.f32 v28  }
0x193: {  	v10 =	vcvt.f32.s32 v10;
	v12 =	vld.idx.msk [tilespmem:v12+s24+$0x0], $0xffff  }
0x194: {  	v16 =	vld [tilespmem:s10+$0x320];
	v15 =	vtrunc.f32 v15  }
0x195: {  	v15 =	vcvt.f32.s32 v15;
	v14 =	vld.idx.msk [tilespmem:v14+s24+$0x0], $0xffff;
	[tilespmem:s8+$0x6750] =	vst v9  }
0x196: {  	v9 =	vld.idx.msk [tilespmem:v8+s24+$0x0], $0xffff;
	v8 =	vtrunc.f32 v11  }
0x197: {  	v18 =	vld [tilespmem:s8+$0xB20];
	v11 =	vcvt.f32.s32 v8  }
0x198: {  	v38 =	vld [tilespmem:s18+$0x1300];
	[tilespmem:s18+$0x6F30] =	vst v12;
	v8 =	vtrunc.f32 v29  }
0x199: {  	v10 =	vld.idx.msk [tilespmem:v10+s24+$0x0], $0xffff;
	v30 =	vcvt.f32.s32 v8  }
0x19a: {  	v33 =	vld [tilespmem:s10+$0x330];
	v32 =	vtrunc.f32 v16;
	[tilespmem:s10+$0x6300] =	vst v14  }
0x19b: {  	v14 =	vcvt.f32.s32 v32;
	v15 =	vld.idx.msk [tilespmem:v15+s24+$0x0], $0xffff  }
0x19c: {  	v42 =	vld [tilespmem:s8+$0xB30];
	[tilespmem:s8+$0x6760] =	vst v9;
	v9 =	vtrunc.f32 v17  }
0x19d: {  	v9 =	vcvt.f32.s32 v9;
	v11 =	vld.idx.msk [tilespmem:v11+s24+$0x0], $0xffff  }
0x19e: {  	v43 =	vld [tilespmem:s18+$0x1310];
	[tilespmem:s18+$0x6F40] =	vst v10;
	v10 =	vtrunc.f32 v31  }
0x19f: {  	v6 =	vtrunc.f32 v6;
	v12 =	vld.idx.msk [tilespmem:v30+s24+$0x0], $0xffff;
	v10 =	vcvt.f32.s32 v10  }
0x1a0: {  	v6 =	vcvt.f32.s32 v6;
	v37 =	vld [tilespmem:s10+$0x340];
	v36 =	vtrunc.f32 v33;
	[tilespmem:s10+$0x6310] =	vst v15  }
0x1a1: {  	v15 =	vcvt.f32.s32 v36;
	v14 =	vld.idx.msk [tilespmem:v14+s24+$0x0], $0xffff  }
0x1a2: {  	v46 =	vld [tilespmem:s8+$0xB40];
	[tilespmem:s8+$0x6770] =	vst v11  }
0x1a3: {  	v11 =	vld.idx.msk [tilespmem:v9+s24+$0x0], $0xffff;
	v9 =	vtrunc.f32 v34  }
0x1a4: {  	v40 =	vld [tilespmem:s10+$0x350];
	[tilespmem:s18+$0x6F50] =	vst v12;
	v17 =	vcvt.f32.s32 v9;
	v9 =	vtrunc.f32 v35  }
0x1a5: {  	[tilespmem:s6+$0x7370] =	vst v7;
	v10 =	vld.idx.msk [tilespmem:v10+s24+$0x0], $0xffff;
	v7 =	vcvt.f32.s32 v9  }
0x1a6: {  	v9 =	vld.idx.msk [tilespmem:v6+s24+$0x0], $0xffff;
	v6 =	vtrunc.f32 v37;
	[tilespmem:s10+$0x6320] =	vst v14  }
0x1a7: {  	v6 =	vcvt.f32.s32 v6;
	v39 =	vld.idx.msk [tilespmem:v15+s24+$0x0], $0xffff  }
0x1a8: {  	v47 =	vld [tilespmem:s18+$0x1320]  }
0x1a9: {  	v50 =	vld [tilespmem:s8+$0xB50];
	[tilespmem:s8+$0x6B00] =	vst v11;
	v11 =	vtrunc.f32 v18  }
0x1aa: {  	v11 =	vcvt.f32.s32 v11;
	[tilespmem:s18+$0x6F60] =	vst v10;
	v10 =	vtrunc.f32 v38;
	v41 =	vld.idx.msk [tilespmem:v17+s24+$0x0], $0xffff  }
0x1ab: {  	v10 =	vcvt.f32.s32 v10;
	v7 =	vld.idx.msk [tilespmem:v7+s24+$0x0], $0xffff  }
0x1ac: {  	v45 =	vld [tilespmem:s10+$0x360];
	v44 =	vtrunc.f32 v40;
	[tilespmem:s10+$0x6330] =	vst v39  }
0x1ad: {  	v13 =	vcvt.f32.s32 v44;
	v6 =	vld.idx.msk [tilespmem:v6+s24+$0x0], $0xffff  }
0x1ae: {  	v51 =	vld [tilespmem:s18+$0x1330]  }
0x1af: {  	v54 =	vld [tilespmem:s8+$0xB60];
	[tilespmem:s8+$0x6B10] =	vst v41  }
0x1b0: {  	v15 =	vld.idx.msk [tilespmem:v11+s24+$0x0], $0xffff;
	v11 =	vtrunc.f32 v42;
	[tilespmem:s18+$0x6F70] =	vst v7  }
0x1b1: {  	v16 =	vcvt.f32.s32 v11;
	v7 =	vld.idx.msk [tilespmem:v10+s24+$0x0], $0xffff;
	v10 =	vtrunc.f32 v43  }
0x1b2: {  	v55 =	vld [tilespmem:s18+$0x1340];
	v10 =	vcvt.f32.s32 v10;
	[tilespmem:s10+$0x6340] =	vst v6;
	v6 =	vtrunc.f32 v45  }
0x1b3: {  	v13 =	vld.idx.msk [tilespmem:v13+s24+$0x0], $0xffff;
	v6 =	vcvt.f32.s32 v6  }
0x1b4: {  	v48 =	vld [tilespmem:s10+$0x370]  }
0x1b5: {  	v59 =	vld [tilespmem:s8+$0xB70]  }
0x1b6: {  	v60 =	vld [tilespmem:s18+$0x1350];
	[tilespmem:s8+$0x6B20] =	vst v15  }
0x1b7: {  	v49 =	vtrunc.f32 v46;
	[tilespmem:s18+$0x7300] =	vst v7;
	v16 =	vld.idx.msk [tilespmem:v16+s24+$0x0], $0xffff  }
0x1b8: {  	v15 =	vcvt.f32.s32 v49;
	v7 =	vtrunc.f32 v47;
	v10 =	vld.idx.msk [tilespmem:v10+s24+$0x0], $0xffff;
	[tilespmem:s10+$0x6350] =	vst v13  }
0x1b9: {  	v7 =	vcvt.f32.s32 v7;
	v13 =	vld.idx.msk [tilespmem:v6+s24+$0x0], $0xffff;
	v6 =	vtrunc.f32 v48  }
0x1ba: {  	v52 =	vld [tilespmem:s10+$0x700];
	v14 =	vcvt.f32.s32 v6  }
0x1bb: {  	v62 =	vld [tilespmem:s8+$0xF00]  }
0x1bc: {  	v63 =	vld [tilespmem:s18+$0x1360]  }
0x1bd: {  	v57 =	vld [tilespmem:s10+$0x710];
	v6 =	vtrunc.f32 v50;
	[tilespmem:s8+$0x6B30] =	vst v16  }
0x1be: {  	v53 =	vcvt.f32.s32 v6;
	v6 =	vtrunc.f32 v51;
	v15 =	vld.idx.msk [tilespmem:v15+s24+$0x0], $0xffff;
	[tilespmem:s18+$0x7310] =	vst v10  }
0x1bf: {  	v56 =	vtrunc.f32 v52;
	v10 =	vcvt.f32.s32 v6;
	v7 =	vld.idx.msk [tilespmem:v7+s24+$0x0], $0xffff;
	[tilespmem:s10+$0x6360] =	vst v13  }
0x1c0: {  	v13 =	vcvt.f32.s32 v56;
	v14 =	vld.idx.msk [tilespmem:v14+s24+$0x0], $0xffff  }
0x1c1: {  	v24 =	vld [tilespmem:s8+$0xF10]  }
0x1c2: {  	v21 =	vld [tilespmem:s18+$0x1370]  }
0x1c3: {  	v19 =	vld [tilespmem:s10+$0x720];
	v58 =	vtrunc.f32 v54;
	[tilespmem:s8+$0x6B40] =	vst v15  }
0x1c4: {  	v16 =	vcvt.f32.s32 v58;
	v15 =	vld.idx.msk [tilespmem:v53+s24+$0x0], $0xffff;
	[tilespmem:s18+$0x7320] =	vst v7;
	v7 =	vtrunc.f32 v55  }
0x1c5: {  	v10 =	vld.idx.msk [tilespmem:v10+s24+$0x0], $0xffff;
	v12 =	vcvt.f32.s32 v7;
	v7 =	vtrunc.f32 v57;
	[tilespmem:s10+$0x6370] =	vst v14  }
0x1c6: {  	v18 =	vcvt.f32.s32 v7;
	v13 =	vld.idx.msk [tilespmem:v13+s24+$0x0], $0xffff  }
0x1c7: {  	v20 =	vld [tilespmem:s10+$0x730]  }
0x1c8: {  	v27 =	vld [tilespmem:s10+$0x740]  }
0x1c9: {  	v61 =	vtrunc.f32 v59;
	v54 =	vld [tilespmem:s10+$0xB20];
	[tilespmem:s8+$0x6B50] =	vst v15  }
0x1ca: {  	v15 =	vld.idx.msk [tilespmem:v16+s24+$0x0], $0xffff;
	v16 =	vcvt.f32.s32 v61;
	[tilespmem:s18+$0x7330] =	vst v10;
	v10 =	vtrunc.f32 v60  }
0x1cb: {  	v12 =	vld.idx.msk [tilespmem:v12+s24+$0x0], $0xffff;
	v14 =	vcvt.f32.s32 v10;
	v10 =	vtrunc.f32 v19;
	[tilespmem:s10+$0x6700] =	vst v13  }
0x1cc: {  	v19 =	vcvt.f32.s32 v10;
	v18 =	vld.idx.msk [tilespmem:v18+s24+$0x0], $0xffff  }
0x1cd: {  	v40 =	vld [tilespmem:s18+$0x1710]  }
0x1ce: {  	v28 =	vld [tilespmem:s18+$0x1740]  }
0x1cf: {  	v23 =	vtrunc.f32 v62;
	v8 =	vld [tilespmem:s6+$0x1710];
	[tilespmem:s8+$0x6B60] =	vst v15  }
0x1d0: {  	v13 =	vtrunc.f32 v63;
	v15 =	vld.idx.msk [tilespmem:v16+s24+$0x0], $0xffff;
	v16 =	vcvt.f32.s32 v23;
	[tilespmem:s18+$0x7340] =	vst v12  }
0x1d1: {  	v26 =	vtrunc.f32 v20;
	v13 =	vcvt.f32.s32 v13;
	v12 =	vld.idx.msk [tilespmem:v14+s24+$0x0], $0xffff;
	[tilespmem:s10+$0x6710] =	vst v18  }
0x1d2: {  	v18 =	vcvt.f32.s32 v26;
	v25 =	vld.idx.msk [tilespmem:v19+s24+$0x0], $0xffff  }
0x1d3: {  	v32 =	vld [tilespmem:s10+$0x750]  }
0x1d4: {  	v30 =	vld [tilespmem:s8+$0xF20]  }
0x1d5: {  	v29 =	vtrunc.f32 v24;
	v36 =	vld [tilespmem:s8+$0xF30];
	[tilespmem:s8+$0x6B70] =	vst v15  }
0x1d6: {  	v15 =	vld.idx.msk [tilespmem:v16+s24+$0x0], $0xffff;
	v16 =	vcvt.f32.s32 v29;
	[tilespmem:s18+$0x7350] =	vst v12  }
0x1d7: {  	v31 =	vtrunc.f32 v27;
	v12 =	vld.idx.msk [tilespmem:v13+s24+$0x0], $0xffff;
	[tilespmem:s10+$0x6720] =	vst v25  }
0x1d8: {  	v8 =	vtrunc.f32 v8;
	v13 =	vcvt.f32.s32 v31;
	v14 =	vld.idx.msk [tilespmem:v18+s24+$0x0], $0xffff  }
0x1d9: {  	v8 =	vcvt.f32.s32 v8;
	v34 =	vld [tilespmem:s18+$0x1730]  }
0x1da: {  	v33 =	vtrunc.f32 v21;
	v11 =	vld [tilespmem:s6+$0x1720]  }
0x1db: {  	v35 =	vld [tilespmem:s18+$0x1700];
	v17 =	vtrunc.f32 v30;
	v19 =	vcvt.f32.s32 v33;
	[tilespmem:s8+$0x6F00] =	vst v15  }
0x1dc: {  	v17 =	vcvt.f32.s32 v17;
	v16 =	vld.idx.msk [tilespmem:v16+s24+$0x0], $0xffff  }
0x1dd: {  	v37 =	vld [tilespmem:s10+$0x760];
	v18 =	vtrunc.f32 v32;
	[tilespmem:s10+$0x6730] =	vst v14  }
0x1de: {  	[tilespmem:s6+$0x7700] =	vst v9;
	v9 =	vcvt.f32.s32 v18;
	v13 =	vld.idx.msk [tilespmem:v13+s24+$0x0], $0xffff  }
0x1df: {  	v8 =	vld.idx.msk [tilespmem:v8+s24+$0x0], $0xffff;
	v11 =	vtrunc.f32 v11  }
0x1e0: {  	v38 =	vtrunc.f32 v35;
	v41 =	vld [tilespmem:s8+$0xF40];
	v11 =	vcvt.f32.s32 v11;
	[tilespmem:s18+$0x7360] =	vst v12  }
0x1e1: {  	v12 =	vcvt.f32.s32 v38;
	v39 =	vld.idx.msk [tilespmem:v19+s24+$0x0], $0xffff;
	v14 =	vtrunc.f32 v36;
	[tilespmem:s8+$0x6F10] =	vst v16  }
0x1e2: {  	v14 =	vcvt.f32.s32 v14;
	v16 =	vld.idx.msk [tilespmem:v17+s24+$0x0], $0xffff  }
0x1e3: {  	v42 =	vtrunc.f32 v37;
	v43 =	vld [tilespmem:s10+$0x770];
	[tilespmem:s10+$0x6740] =	vst v13  }
0x1e4: {  	v13 =	vcvt.f32.s32 v42;
	v9 =	vld.idx.msk [tilespmem:v9+s24+$0x0], $0xffff  }
0x1e5: {  	[tilespmem:s6+$0x7710] =	vst v8;
	v45 =	vld [tilespmem:s18+$0x1720]  }
0x1e6: {  	v44 =	vtrunc.f32 v40;
	v8 =	vld.idx.msk [tilespmem:v11+s24+$0x0], $0xffff;
	[tilespmem:s18+$0x7370] =	vst v39  }
0x1e7: {  	v46 =	vcvt.f32.s32 v44;
	v17 =	vtrunc.f32 v41;
	v12 =	vld.idx.msk [tilespmem:v12+s24+$0x0], $0xffff;
	[tilespmem:s8+$0x6F20] =	vst v16  }
0x1e8: {  	v17 =	vcvt.f32.s32 v17;
	v14 =	vld.idx.msk [tilespmem:v14+s24+$0x0], $0xffff  }
0x1e9: {  	v5 =	vtrunc.f32 v5;
	v47 =	vld [tilespmem:s8+$0xF50];
	[tilespmem:s10+$0x6750] =	vst v9  }
0x1ea: {  	v5 =	vcvt.f32.s32 v5;
	v48 =	vtrunc.f32 v43;
	v9 =	vld.idx.msk [tilespmem:v13+s24+$0x0], $0xffff  }
0x1eb: {  	v49 =	vld [tilespmem:s10+$0xB00];
	[tilespmem:s6+$0x7720] =	vst v8;
	v13 =	vcvt.f32.s32 v48  }
0x1ec: {  	v8 =	vld [tilespmem:s10+$0xB10];
	[tilespmem:s18+$0x7700] =	vst v12  }
0x1ed: {  	v11 =	vtrunc.f32 v45;
	v12 =	vld.idx.msk [tilespmem:v46+s24+$0x0], $0xffff;
	[tilespmem:s8+$0x6F30] =	vst v14  }
0x1ee: {  	v50 =	vtrunc.f32 v47;
	v11 =	vcvt.f32.s32 v11;
	v51 =	vld.idx.msk [tilespmem:v17+s24+$0x0], $0xffff  }
0x1ef: {  	v4 =	vtrunc.f32 v4;
	v14 =	vcvt.f32.s32 v50;
	[tilespmem:s10+$0x6760] =	vst v9;
	v9 =	vld [tilespmem:s8+$0xF60]  }
0x1f0: {  	v4 =	vcvt.f32.s32 v4;
	v5 =	vld.idx.msk [tilespmem:v5+s24+$0x0], $0xffff;
	v15 =	vtrunc.f32 v49  }
0x1f1: {  	v15 =	vcvt.f32.s32 v15;
	v13 =	vld.idx.msk [tilespmem:v13+s24+$0x0], $0xffff  }
0x1f2: {  	v59 =	vld [tilespmem:s10+$0xB40]  }
0x1f3: {  	v52 =	vtrunc.f32 v34;
	v53 =	vld [tilespmem:s8+$0xF70];
	[tilespmem:s18+$0x7710] =	vst v12  }
0x1f4: {  	v12 =	vcvt.f32.s32 v52;
	v11 =	vld.idx.msk [tilespmem:v11+s24+$0x0], $0xffff;
	[tilespmem:s8+$0x6F40] =	vst v51;
	v9 =	vtrunc.f32 v9  }
0x1f5: {  	[tilespmem:s6+$0x7730] =	vst v5;
	v14 =	vld.idx.msk [tilespmem:v14+s24+$0x0], $0xffff;
	v9 =	vcvt.f32.s32 v9  }
0x1f6: {  	v8 =	vtrunc.f32 v8;
	v4 =	vld.idx.msk [tilespmem:v4+s24+$0x0], $0xffff;
	[tilespmem:s10+$0x6770] =	vst v13  }
0x1f7: {  	v8 =	vcvt.f32.s32 v8;
	v13 =	vld.idx.msk [tilespmem:v15+s24+$0x0], $0xffff  }
0x1f8: {  	v3 =	vtrunc.f32 v3;
	v56 =	vld [tilespmem:s8+$0x1300]  }
0x1f9: {  	v3 =	vcvt.f32.s32 v3;
	v5 =	vtrunc.f32 v28;
	v10 =	vld [tilespmem:s18+$0x1750];
	[tilespmem:s18+$0x7720] =	vst v11  }
0x1fa: {  	v5 =	vcvt.f32.s32 v5;
	v11 =	vld.idx.msk [tilespmem:v12+s24+$0x0], $0xffff;
	[tilespmem:s8+$0x6F50] =	vst v14  }
0x1fb: {  	v55 =	vtrunc.f32 v53;
	[tilespmem:s6+$0x7740] =	vst v4;
	v9 =	vld.idx.msk [tilespmem:v9+s24+$0x0], $0xffff  }
0x1fc: {  	v57 =	vtrunc.f32 v54;
	v4 =	vld [tilespmem:s10+$0xB30];
	v12 =	vcvt.f32.s32 v55;
	[tilespmem:s10+$0x6B00] =	vst v13  }
0x1fd: {  	v13 =	vcvt.f32.s32 v57;
	v8 =	vld.idx.msk [tilespmem:v8+s24+$0x0], $0xffff  }
0x1fe: {  	v2 =	vtrunc.f32 v2;
	v58 =	vld [tilespmem:s8+$0x1310]  }
0x1ff: {  	v2 =	vcvt.f32.s32 v2;
	v3 =	vld.idx.msk [tilespmem:v3+s24+$0x0], $0xffff;
	v10 =	vtrunc.f32 v10;
	[tilespmem:s18+$0x7730] =	vst v11  }
0x200: {  	v5 =	vld.idx.msk [tilespmem:v5+s24+$0x0], $0xffff;
	[tilespmem:s8+$0x6F60] =	vst v9;
	v9 =	vcvt.f32.s32 v10  }
0x201: {  	v7 =	vld [tilespmem:s18+$0x1760];
	v11 =	vtrunc.f32 v56  }
0x202: {  	v4 =	vtrunc.f32 v4;
	v11 =	vcvt.f32.s32 v11;
	v10 =	vld.idx.msk [tilespmem:v12+s24+$0x0], $0xffff;
	[tilespmem:s10+$0x6B10] =	vst v8  }
0x203: {  	v4 =	vcvt.f32.s32 v4;
	v8 =	vld.idx.msk [tilespmem:v13+s24+$0x0], $0xffff  }
0x204: {  	v6 =	vld [tilespmem:s18+$0x1770];
	[tilespmem:s6+$0x7750] =	vst v3  }
0x205: {  	v1 =	vtrunc.f32 v1;
	v2 =	vld.idx.msk [tilespmem:v2+s24+$0x0], $0xffff;
	[tilespmem:s18+$0x7740] =	vst v5  }
0x206: {  	v1 =	vcvt.f32.s32 v1;
	v5 =	vtrunc.f32 v7;
	v3 =	vld.idx.msk [tilespmem:v9+s24+$0x0], $0xffff  }
0x207: {  	v5 =	vcvt.f32.s32 v5;
	[tilespmem:s8+$0x6F70] =	vst v10;
	v9 =	vtrunc.f32 v58;
	v10 =	vld [tilespmem:s8+$0x1320]  }
0x208: {  	v7 =	vld.idx.msk [tilespmem:v11+s24+$0x0], $0xffff;
	v9 =	vcvt.f32.s32 v9;
	[tilespmem:s10+$0x6B20] =	vst v8;
	v8 =	vtrunc.f32 v59  }
0x209: {  	v4 =	vld.idx.msk [tilespmem:v4+s24+$0x0], $0xffff;
	v8 =	vcvt.f32.s32 v8  }
0x20a: {  	v11 =	vld [tilespmem:s10+$0xB50]  }
0x20b: {  	[tilespmem:s6+$0x7760] =	vst v2  }
0x20c: {  	v2 =	vtrunc.f32 v6;
	v1 =	vld.idx.msk [tilespmem:v1+s24+$0x0], $0xffff;
	[tilespmem:s18+$0x7750] =	vst v3  }
0x20d: {  	v2 =	vcvt.f32.s32 v2;
	v3 =	vld.idx.msk [tilespmem:v5+s24+$0x0], $0xffff;
	[tilespmem:s8+$0x7300] =	vst v7;
	v5 =	vtrunc.f32 v10  }
0x20e: {  	v6 =	vld.idx.msk [tilespmem:v9+s24+$0x0], $0xffff;
	v5 =	vcvt.f32.s32 v5;
	[tilespmem:s10+$0x6B30] =	vst v4  }
0x20f: {  	v7 =	vtrunc.f32 v11;
	v4 =	vld.idx.msk [tilespmem:v8+s24+$0x0], $0xffff  }
0x210: {  	v7 =	vcvt.f32.s32 v7;
	v8 =	vld [tilespmem:s10+$0xB60]  }
0x211: {  	[tilespmem:s6+$0x7770] =	vst v1  }
0x212: {  	v9 =	vld [tilespmem:s8+$0x1330];
	[tilespmem:s18+$0x7760] =	vst v3  }
0x213: {  	v1 =	vld.idx.msk [tilespmem:v2+s24+$0x0], $0xffff;
	[tilespmem:s8+$0x7310] =	vst v6  }
0x214: {  	v2 =	vld.idx.msk [tilespmem:v5+s24+$0x0], $0xffff  }
0x215: {  	[tilespmem:s10+$0x6B40] =	vst v4;
	v3 =	vtrunc.f32 v8;
	v5 =	vld [tilespmem:s10+$0xB70]  }
0x216: {  	v4 =	vld.idx.msk [tilespmem:v7+s24+$0x0], $0xffff;
	v3 =	vcvt.f32.s32 v3;
	_ =	sdelay $0x4  }
0x217: {  	[tilespmem:s10+$0x6B50] =	vst v4;
	v4 =	vtrunc.f32 v5;
	v5 =	vld [tilespmem:s10+$0xF00]  }
0x218: {  	v3 =	vld.idx.msk [tilespmem:v3+s24+$0x0], $0xffff;
	v4 =	vcvt.f32.s32 v4;
	_ =	sdelay $0x4  }
0x219: {  	[tilespmem:s10+$0x6B60] =	vst v3;
	v3 =	vtrunc.f32 v5;
	v5 =	vld [tilespmem:s10+$0xF10]  }
0x21a: {  	v4 =	vld.idx.msk [tilespmem:v4+s24+$0x0], $0xffff;
	v3 =	vcvt.f32.s32 v3;
	_ =	sdelay $0x4  }
0x21b: {  	[tilespmem:s10+$0x6B70] =	vst v4;
	v4 =	vtrunc.f32 v5;
	v5 =	vld [tilespmem:s10+$0xF20]  }
0x21c: {  	v3 =	vld.idx.msk [tilespmem:v3+s24+$0x0], $0xffff;
	v4 =	vcvt.f32.s32 v4;
	_ =	sdelay $0x4  }
0x21d: {  	[tilespmem:s10+$0x6F00] =	vst v3;
	v3 =	vtrunc.f32 v5;
	v5 =	vld [tilespmem:s10+$0xF30]  }
0x21e: {  	v4 =	vld.idx.msk [tilespmem:v4+s24+$0x0], $0xffff;
	v3 =	vcvt.f32.s32 v3;
	_ =	sdelay $0x4  }
0x21f: {  	[tilespmem:s10+$0x6F10] =	vst v4;
	v4 =	vtrunc.f32 v5;
	v5 =	vld [tilespmem:s10+$0xF40]  }
0x220: {  	v3 =	vld.idx.msk [tilespmem:v3+s24+$0x0], $0xffff;
	v4 =	vcvt.f32.s32 v4;
	_ =	sdelay $0x4  }
0x221: {  	[tilespmem:s10+$0x6F20] =	vst v3;
	v3 =	vtrunc.f32 v5;
	v5 =	vld [tilespmem:s10+$0xF50]  }
0x222: {  	v4 =	vld.idx.msk [tilespmem:v4+s24+$0x0], $0xffff;
	v3 =	vcvt.f32.s32 v3;
	_ =	sdelay $0x4  }
0x223: {  	[tilespmem:s10+$0x6F30] =	vst v4;
	v4 =	vtrunc.f32 v5;
	v5 =	vld [tilespmem:s10+$0xF60]  }
0x224: {  	v3 =	vld.idx.msk [tilespmem:v3+s24+$0x0], $0xffff;
	v4 =	vcvt.f32.s32 v4;
	_ =	sdelay $0x4  }
0x225: {  	[tilespmem:s10+$0x6F40] =	vst v3;
	v3 =	vtrunc.f32 v5;
	v5 =	vld [tilespmem:s10+$0xF70]  }
0x226: {  	v4 =	vld.idx.msk [tilespmem:v4+s24+$0x0], $0xffff;
	v3 =	vcvt.f32.s32 v3;
	_ =	sdelay $0x4  }
0x227: {  	[tilespmem:s10+$0x6F50] =	vst v4;
	v4 =	vtrunc.f32 v5;
	v5 =	vld [tilespmem:s10+$0x1300]  }
0x228: {  	v3 =	vld.idx.msk [tilespmem:v3+s24+$0x0], $0xffff;
	v4 =	vcvt.f32.s32 v4;
	_ =	sdelay $0x4  }
0x229: {  	[tilespmem:s10+$0x6F60] =	vst v3;
	v3 =	vtrunc.f32 v5;
	v5 =	vld [tilespmem:s10+$0x1310]  }
0x22a: {  	v4 =	vld.idx.msk [tilespmem:v4+s24+$0x0], $0xffff;
	v3 =	vcvt.f32.s32 v3;
	_ =	sdelay $0x4  }
0x22b: {  	[tilespmem:s10+$0x6F70] =	vst v4;
	v4 =	vtrunc.f32 v5;
	v5 =	vld [tilespmem:s10+$0x1320]  }
0x22c: {  	v3 =	vld.idx.msk [tilespmem:v3+s24+$0x0], $0xffff;
	v4 =	vcvt.f32.s32 v4;
	_ =	sdelay $0x4  }
0x22d: {  	[tilespmem:s10+$0x7300] =	vst v3;
	v3 =	vtrunc.f32 v5;
	v5 =	vld [tilespmem:s10+$0x1330]  }
0x22e: {  	v4 =	vld.idx.msk [tilespmem:v4+s24+$0x0], $0xffff;
	v3 =	vcvt.f32.s32 v3;
	_ =	sdelay $0x1  }
0x22f: {  	v6 =	vtrunc.f32 v9  }
0x230: {  	v6 =	vcvt.f32.s32 v6  }
0x231: {  	v7 =	vld [tilespmem:s8+$0x1340]  }
0x232: {  	[tilespmem:s10+$0x7310] =	vst v4;
	v4 =	vtrunc.f32 v5;
	v5 =	vld [tilespmem:s10+$0x1340]  }
0x233: {  	v3 =	vld.idx.msk [tilespmem:v3+s24+$0x0], $0xffff;
	v4 =	vcvt.f32.s32 v4;
	_ =	sdelay $0x1  }
0x234: {  	[tilespmem:s8+$0x7320] =	vst v2  }
0x235: {  	v2 =	vtrunc.f32 v7;
	v6 =	vld.idx.msk [tilespmem:v6+s24+$0x0], $0xffff  }
0x236: {  	v7 =	vld [tilespmem:s8+$0x1350];
	v2 =	vcvt.f32.s32 v2  }
0x237: {  	[tilespmem:s10+$0x7320] =	vst v3;
	v3 =	vtrunc.f32 v5;
	v5 =	vld [tilespmem:s10+$0x1350]  }
0x238: {  	v4 =	vld.idx.msk [tilespmem:v4+s24+$0x0], $0xffff;
	v3 =	vcvt.f32.s32 v3;
	_ =	sdelay $0x2  }
0x239: {  	[tilespmem:s8+$0x7330] =	vst v6;
	v6 =	vtrunc.f32 v7;
	v7 =	vld [tilespmem:s8+$0x1360]  }
0x23a: {  	v6 =	vcvt.f32.s32 v6;
	v2 =	vld.idx.msk [tilespmem:v2+s24+$0x0], $0xffff  }
0x23b: {  	[tilespmem:s10+$0x7330] =	vst v4;
	v4 =	vtrunc.f32 v5;
	v5 =	vld [tilespmem:s10+$0x1360]  }
0x23c: {  	v3 =	vld.idx.msk [tilespmem:v3+s24+$0x0], $0xffff;
	v4 =	vcvt.f32.s32 v4;
	_ =	sdelay $0x2  }
0x23d: {  	[tilespmem:s8+$0x7340] =	vst v2;
	v2 =	vtrunc.f32 v7;
	v7 =	vld [tilespmem:s8+$0x1370]  }
0x23e: {  	v6 =	vld.idx.msk [tilespmem:v6+s24+$0x0], $0xffff;
	v2 =	vcvt.f32.s32 v2  }
0x23f: {  	[tilespmem:s10+$0x7340] =	vst v3;
	v3 =	vtrunc.f32 v5;
	v5 =	vld [tilespmem:s10+$0x1370]  }
0x240: {  	v4 =	vld.idx.msk [tilespmem:v4+s24+$0x0], $0xffff;
	v3 =	vcvt.f32.s32 v3;
	_ =	sdelay $0x2  }
0x241: {  	[tilespmem:s8+$0x7350] =	vst v6;
	v6 =	vtrunc.f32 v7;
	v7 =	vld [tilespmem:s8+$0x1700]  }
0x242: {  	v2 =	vld.idx.msk [tilespmem:v2+s24+$0x0], $0xffff;
	v6 =	vcvt.f32.s32 v6  }
0x243: {  	[tilespmem:s10+$0x7350] =	vst v4;
	v4 =	vtrunc.f32 v5;
	v5 =	vld [tilespmem:s10+$0x1700]  }
0x244: {  	v3 =	vld.idx.msk [tilespmem:v3+s24+$0x0], $0xffff;
	v4 =	vcvt.f32.s32 v4;
	_ =	sdelay $0x2  }
0x245: {  	[tilespmem:s8+$0x7360] =	vst v2;
	v2 =	vtrunc.f32 v7;
	v7 =	vld [tilespmem:s8+$0x1710]  }
0x246: {  	v6 =	vld.idx.msk [tilespmem:v6+s24+$0x0], $0xffff;
	v2 =	vcvt.f32.s32 v2  }
0x247: {  	[tilespmem:s10+$0x7360] =	vst v3;
	v3 =	vtrunc.f32 v5;
	v5 =	vld [tilespmem:s10+$0x1710]  }
0x248: {  	v4 =	vld.idx.msk [tilespmem:v4+s24+$0x0], $0xffff;
	v3 =	vcvt.f32.s32 v3;
	_ =	sdelay $0x2  }
0x249: {  	[tilespmem:s8+$0x7370] =	vst v6;
	v6 =	vtrunc.f32 v7;
	v7 =	vld [tilespmem:s8+$0x1720]  }
0x24a: {  	v2 =	vld.idx.msk [tilespmem:v2+s24+$0x0], $0xffff;
	v6 =	vcvt.f32.s32 v6  }
0x24b: {  	[tilespmem:s10+$0x7370] =	vst v4;
	v4 =	vtrunc.f32 v5;
	v5 =	vld [tilespmem:s10+$0x1720]  }
0x24c: {  	v3 =	vld.idx.msk [tilespmem:v3+s24+$0x0], $0xffff;
	v4 =	vcvt.f32.s32 v4;
	_ =	sdelay $0x2  }
0x24d: {  	v60 =	vld [tilespmem:s8+$0x1730];
	[tilespmem:s8+$0x7700] =	vst v2;
	v2 =	vtrunc.f32 v7  }
0x24e: {  	v6 =	vld.idx.msk [tilespmem:v6+s24+$0x0], $0xffff;
	v2 =	vcvt.f32.s32 v2  }
0x24f: {  	v7 =	vld [tilespmem:s10+$0x1730];
	[tilespmem:s10+$0x7700] =	vst v3;
	v3 =	vtrunc.f32 v5  }
0x250: {  	v4 =	vld.idx.msk [tilespmem:v4+s24+$0x0], $0xffff;
	v3 =	vcvt.f32.s32 v3;
	_ =	sdelay $0x2  }
0x251: {  	v11 =	vld [tilespmem:s8+$0x1740];
	[tilespmem:s8+$0x7710] =	vst v6;
	v5 =	vtrunc.f32 v60  }
0x252: {  	v2 =	vld.idx.msk [tilespmem:v2+s24+$0x0], $0xffff;
	v5 =	vcvt.f32.s32 v5  }
0x253: {  	v6 =	vld [tilespmem:s10+$0x1740];
	[tilespmem:s10+$0x7710] =	vst v4;
	v4 =	vtrunc.f32 v7  }
0x254: {  	v3 =	vld.idx.msk [tilespmem:v3+s24+$0x0], $0xffff;
	v4 =	vcvt.f32.s32 v4;
	_ =	sdelay $0x2  }
0x255: {  	v10 =	vld [tilespmem:s8+$0x1750];
	[tilespmem:s8+$0x7720] =	vst v2;
	v2 =	vtrunc.f32 v11  }
0x256: {  	v2 =	vcvt.f32.s32 v2;
	v5 =	vld.idx.msk [tilespmem:v5+s24+$0x0], $0xffff  }
0x257: {  	v7 =	vld [tilespmem:s10+$0x1750];
	[tilespmem:s10+$0x7720] =	vst v3;
	v3 =	vtrunc.f32 v6  }
0x258: {  	v4 =	vld.idx.msk [tilespmem:v4+s24+$0x0], $0xffff;
	v3 =	vcvt.f32.s32 v3;
	_ =	sdelay $0x2  }
0x259: {  	v9 =	vld [tilespmem:s8+$0x1760];
	[tilespmem:s8+$0x7730] =	vst v5;
	v5 =	vtrunc.f32 v10  }
0x25a: {  	v2 =	vld.idx.msk [tilespmem:v2+s24+$0x0], $0xffff;
	v5 =	vcvt.f32.s32 v5  }
0x25b: {  	v6 =	vld [tilespmem:s10+$0x1760];
	[tilespmem:s10+$0x7730] =	vst v4;
	v4 =	vtrunc.f32 v7  }
0x25c: {  	v3 =	vld.idx.msk [tilespmem:v3+s24+$0x0], $0xffff;
	v4 =	vcvt.f32.s32 v4;
	_ =	sdelay $0x2  }
0x25d: {  	v8 =	vld [tilespmem:s8+$0x1770];
	[tilespmem:s8+$0x7740] =	vst v2  }
0x25e: {  	v2 =	vld.idx.msk [tilespmem:v5+s24+$0x0], $0xffff;
	v5 =	vtrunc.f32 v9  }
0x25f: {  	v7 =	vld [tilespmem:s10+$0x1770];
	v5 =	vcvt.f32.s32 v5;
	[tilespmem:s10+$0x7740] =	vst v3;
	v3 =	vtrunc.f32 v6  }
0x260: {  	v4 =	vld.idx.msk [tilespmem:v4+s24+$0x0], $0xffff;
	v3 =	vcvt.f32.s32 v3;
	_ =	sdelay $0x3  }
0x261: {  	[tilespmem:s8+$0x7750] =	vst v2;
	v2 =	vtrunc.f32 v8  }
0x262: {  	v2 =	vcvt.f32.s32 v2;
	v5 =	vld.idx.msk [tilespmem:v5+s24+$0x0], $0xffff;
	[tilespmem:s10+$0x7750] =	vst v4;
	v4 =	vtrunc.f32 v7  }
0x263: {  	v3 =	vld.idx.msk [tilespmem:v3+s24+$0x0], $0xffff;
	v4 =	vcvt.f32.s32 v4;
	_ =	sdelay $0x3  }
0x264: {  	[tilespmem:s8+$0x7760] =	vst v5  }
0x265: {  	v2 =	vld.idx.msk [tilespmem:v2+s24+$0x0], $0xffff;
	[tilespmem:s10+$0x7760] =	vst v3  }
0x266: {  	v3 =	vld.idx.msk [tilespmem:v4+s24+$0x0], $0xffff;
	_ =	sdelay $0x1  }
0x267: {  	s16 =	sshrl.u32 s9, $0x3  }
0x268: {  	s17 =	sadd.s32 s0, s13;
	s6 =	smul.u32 $0x300, s16;
	[tilespmem:s18+$0x7770] =	vst v1  }
0x269: {  	s18 =	sshrl.u32 s17, $0x3;
	[tilespmem:s8+$0x7770] =	vst v2  }
0x26a: {  	s6 =	sadd.s32 s3, s6;
	s8 =	smul.u32 $0x300, s18;
	[tilespmem:s10+$0x7770] =	vst v3  }
0x26b: {  	[hbm4b:s6+s4] =	stream.linear.scatter [tilespmem:s25], [sflag:$0x3], $0x3000, $0x38;
	[tilespmem:$0xC300] =	vst v63  }
0x26c: {  	s20 =	simm.s32 $0x300;
	s19 =	sadd.s32 s1, s8  }
0x26d: {  	[tilespmem:s20], [sflag:$0x1] =	stream.linear.gather [hbm4b:s19+s4], $0x3000, $0x38;
	[tilespmem:$0xC300] =	vst v63  }
0x26e: {  	_ =	swait.ge [sflag:s26], $0x3000  }
0x26f: {  	[sflag:s26] =	ssyncset.done $0x0  }
0x270: {  	s21 =	simm.s32 $0x0;
	s6 =	simm.s32 @!p0 $0x4;
	[sflag:s26] =	ssyncadd.s32 $0xFFFFD000  }
0x271: {  	s22 =	simm.s32 $0x0;
	s28 =	smul.u32 $0x1800, s21;
	_ =	swait.ge @!p0 [sflag:s6], $0x3000  }
0x272: {  	s11 =	sand.u32 $0x380, s22;
	[sflag:s6] =	ssyncset.done @!p0 $0x0  }
0x273: {  	s16 =	sor.u32 s11, s28;
	[sflag:s6] =	ssyncadd.s32 @!p0 $0xFFFFD000  }
0x274: {  	v1 =	vld [tilespmem:s16+$0x3300];
	_ =	sdelay $0x4  }
0x275: {  	v1 =	vtrunc.f32 v1  }
0x276: {  	v2 =	vld [tilespmem:s16+$0x3310];
	v1 =	vcvt.f32.s32 v1;
	_ =	sdelay $0x4  }
0x277: {  	v3 =	vld [tilespmem:s16+$0x3320];
	v2 =	vtrunc.f32 v2  }
0x278: {  	v2 =	vcvt.f32.s32 v2;
	v1 =	vld.idx.msk [tilespmem:v1+s24+$0x0], $0xffff;
	_ =	sdelay $0x4  }
0x279: {  	[tilespmem:s16+$0x9300] =	vst v1;
	v1 =	vtrunc.f32 v3;
	v3 =	vld [tilespmem:s16+$0x3330]  }
0x27a: {  	v2 =	vld.idx.msk [tilespmem:v2+s24+$0x0], $0xffff;
	v1 =	vcvt.f32.s32 v1;
	_ =	sdelay $0x4  }
0x27b: {  	[tilespmem:s16+$0x9310] =	vst v2;
	v2 =	vtrunc.f32 v3;
	v3 =	vld [tilespmem:s16+$0x3340]  }
0x27c: {  	v1 =	vld.idx.msk [tilespmem:v1+s24+$0x0], $0xffff;
	v2 =	vcvt.f32.s32 v2;
	_ =	sdelay $0x4  }
0x27d: {  	[tilespmem:s16+$0x9320] =	vst v1;
	v1 =	vtrunc.f32 v3;
	v3 =	vld [tilespmem:s16+$0x3350]  }
0x27e: {  	v2 =	vld.idx.msk [tilespmem:v2+s24+$0x0], $0xffff;
	v1 =	vcvt.f32.s32 v1;
	_ =	sdelay $0x4  }
0x27f: {  	[tilespmem:s16+$0x9330] =	vst v2;
	v2 =	vtrunc.f32 v3;
	v3 =	vld [tilespmem:s16+$0x3360]  }
0x280: {  	v1 =	vld.idx.msk [tilespmem:v1+s24+$0x0], $0xffff;
	v2 =	vcvt.f32.s32 v2;
	_ =	sdelay $0x4  }
0x281: {  	[tilespmem:s16+$0x9340] =	vst v1;
	v1 =	vtrunc.f32 v3;
	v3 =	vld [tilespmem:s16+$0x3370]  }
0x282: {  	v2 =	vld.idx.msk [tilespmem:v2+s24+$0x0], $0xffff;
	v1 =	vcvt.f32.s32 v1;
	_ =	sdelay $0x4  }
0x283: {  	[tilespmem:s16+$0x9350] =	vst v2;
	v2 =	vtrunc.f32 v3;
	v3 =	vld [tilespmem:s16+$0x3700]  }
0x284: {  	v1 =	vld.idx.msk [tilespmem:v1+s24+$0x0], $0xffff;
	v2 =	vcvt.f32.s32 v2;
	_ =	sdelay $0x4  }
0x285: {  	[tilespmem:s16+$0x9360] =	vst v1;
	v1 =	vtrunc.f32 v3;
	v3 =	vld [tilespmem:s16+$0x3710]  }
0x286: {  	v2 =	vld.idx.msk [tilespmem:v2+s24+$0x0], $0xffff;
	v1 =	vcvt.f32.s32 v1;
	_ =	sdelay $0x4  }
0x287: {  	[tilespmem:s16+$0x9370] =	vst v2;
	v2 =	vtrunc.f32 v3;
	v3 =	vld [tilespmem:s16+$0x3720]  }
0x288: {  	v1 =	vld.idx.msk [tilespmem:v1+s24+$0x0], $0xffff;
	v2 =	vcvt.f32.s32 v2;
	_ =	sdelay $0x4  }
0x289: {  	[tilespmem:s16+$0x9700] =	vst v1;
	v1 =	vtrunc.f32 v3;
	v3 =	vld [tilespmem:s16+$0x3730]  }
0x28a: {  	v2 =	vld.idx.msk [tilespmem:v2+s24+$0x0], $0xffff;
	v1 =	vcvt.f32.s32 v1;
	_ =	sdelay $0x4  }
0x28b: {  	[tilespmem:s16+$0x9710] =	vst v2;
	v2 =	vtrunc.f32 v3;
	v3 =	vld [tilespmem:s16+$0x3740]  }
0x28c: {  	v1 =	vld.idx.msk [tilespmem:v1+s24+$0x0], $0xffff;
	v2 =	vcvt.f32.s32 v2;
	_ =	sdelay $0x2  }
0x28d: {  	s12 =	simm.s32 $0x0  }
0x28e: {  	s18 =	smul.u32 $0x1800, s12;
	s19 =	simm.s32 $0x80  }
0x28f: {  	s15 =	sand.u32 $0x380, s19;
	[tilespmem:s16+$0x9720] =	vst v1;
	v1 =	vtrunc.f32 v3;
	v3 =	vld [tilespmem:s16+$0x3750]  }
0x290: {  	s20 =	sor.u32 s15, s18;
	v2 =	vld.idx.msk [tilespmem:v2+s24+$0x0], $0xffff;
	v1 =	vcvt.f32.s32 v1  }
0x291: {  	v4 =	vld [tilespmem:s20+$0x3300];
	_ =	sdelay $0x3  }
0x292: {  	[tilespmem:s16+$0x9730] =	vst v2;
	v2 =	vtrunc.f32 v3  }
0x293: {  	v3 =	vtrunc.f32 v4;
	v1 =	vld.idx.msk [tilespmem:v1+s24+$0x0], $0xffff;
	v2 =	vcvt.f32.s32 v2  }
0x294: {  	v4 =	vld [tilespmem:s16+$0x3760];
	v3 =	vcvt.f32.s32 v3  }
0x295: {  	v5 =	vld [tilespmem:s20+$0x3310];
	_ =	sdelay $0x2  }
0x296: {  	[tilespmem:s16+$0x9740] =	vst v1;
	v1 =	vld [tilespmem:s16+$0x3770]  }
0x297: {  	v4 =	vtrunc.f32 v4;
	v2 =	vld.idx.msk [tilespmem:v2+s24+$0x0], $0xffff  }
0x298: {  	v5 =	vtrunc.f32 v5;
	v4 =	vcvt.f32.s32 v4;
	v3 =	vld.idx.msk [tilespmem:v3+s24+$0x0], $0xffff  }
0x299: {  	v5 =	vcvt.f32.s32 v5  }
0x29a: {  	v6 =	vld [tilespmem:s20+$0x3320];
	_ =	sdelay $0x1  }
0x29b: {  	[tilespmem:s16+$0x9750] =	vst v2  }
0x29c: {  	v1 =	vtrunc.f32 v1;
	[tilespmem:s20+$0x9300] =	vst v3;
	v3 =	vld [tilespmem:s16+$0x3B00]  }
0x29d: {  	v1 =	vcvt.f32.s32 v1;
	v2 =	vld.idx.msk [tilespmem:v4+s24+$0x0], $0xffff  }
0x29e: {  	v4 =	vtrunc.f32 v6;
	v5 =	vld.idx.msk [tilespmem:v5+s24+$0x0], $0xffff  }
0x29f: {  	v6 =	vld [tilespmem:s20+$0x3330];
	v4 =	vcvt.f32.s32 v4;
	_ =	sdelay $0x2  }
0x2a0: {  	[tilespmem:s16+$0x9760] =	vst v2;
	v2 =	vtrunc.f32 v3;
	v3 =	vld [tilespmem:s16+$0x3B10]  }
0x2a1: {  	v1 =	vld.idx.msk [tilespmem:v1+s24+$0x0], $0xffff;
	v2 =	vcvt.f32.s32 v2  }
0x2a2: {  	[tilespmem:s20+$0x9310] =	vst v5;
	v5 =	vtrunc.f32 v6;
	v6 =	vld [tilespmem:s20+$0x3340]  }
0x2a3: {  	v5 =	vcvt.f32.s32 v5;
	v4 =	vld.idx.msk [tilespmem:v4+s24+$0x0], $0xffff;
	_ =	sdelay $0x2  }
0x2a4: {  	[tilespmem:s16+$0x9770] =	vst v1;
	v1 =	vtrunc.f32 v3;
	v3 =	vld [tilespmem:s16+$0x3B20]  }
0x2a5: {  	v2 =	vld.idx.msk [tilespmem:v2+s24+$0x0], $0xffff;
	v1 =	vcvt.f32.s32 v1  }
0x2a6: {  	[tilespmem:s20+$0x9320] =	vst v4;
	v4 =	vtrunc.f32 v6;
	v6 =	vld [tilespmem:s20+$0x3350]  }
0x2a7: {  	v5 =	vld.idx.msk [tilespmem:v5+s24+$0x0], $0xffff;
	v4 =	vcvt.f32.s32 v4;
	_ =	sdelay $0x2  }
0x2a8: {  	[tilespmem:s16+$0x9B00] =	vst v2;
	v2 =	vtrunc.f32 v3;
	v3 =	vld [tilespmem:s16+$0x3B30]  }
0x2a9: {  	v1 =	vld.idx.msk [tilespmem:v1+s24+$0x0], $0xffff;
	v2 =	vcvt.f32.s32 v2  }
0x2aa: {  	[tilespmem:s20+$0x9330] =	vst v5;
	v5 =	vtrunc.f32 v6;
	v6 =	vld [tilespmem:s20+$0x3360]  }
0x2ab: {  	v4 =	vld.idx.msk [tilespmem:v4+s24+$0x0], $0xffff;
	v5 =	vcvt.f32.s32 v5;
	_ =	sdelay $0x2  }
0x2ac: {  	[tilespmem:s16+$0x9B10] =	vst v1;
	v1 =	vtrunc.f32 v3;
	v3 =	vld [tilespmem:s16+$0x3B40]  }
0x2ad: {  	v2 =	vld.idx.msk [tilespmem:v2+s24+$0x0], $0xffff;
	v1 =	vcvt.f32.s32 v1  }
0x2ae: {  	[tilespmem:s20+$0x9340] =	vst v4;
	v4 =	vtrunc.f32 v6;
	v6 =	vld [tilespmem:s20+$0x3370]  }
0x2af: {  	v5 =	vld.idx.msk [tilespmem:v5+s24+$0x0], $0xffff;
	v4 =	vcvt.f32.s32 v4;
	_ =	sdelay $0x2  }
0x2b0: {  	[tilespmem:s16+$0x9B20] =	vst v2;
	v2 =	vtrunc.f32 v3;
	v3 =	vld [tilespmem:s16+$0x3B50]  }
0x2b1: {  	v1 =	vld.idx.msk [tilespmem:v1+s24+$0x0], $0xffff;
	v2 =	vcvt.f32.s32 v2  }
0x2b2: {  	[tilespmem:s20+$0x9350] =	vst v5;
	v5 =	vtrunc.f32 v6;
	v6 =	vld [tilespmem:s20+$0x3700]  }
0x2b3: {  	v4 =	vld.idx.msk [tilespmem:v4+s24+$0x0], $0xffff;
	v5 =	vcvt.f32.s32 v5;
	_ =	sdelay $0x2  }
0x2b4: {  	[tilespmem:s16+$0x9B30] =	vst v1;
	v1 =	vtrunc.f32 v3;
	v3 =	vld [tilespmem:s16+$0x3B60]  }
0x2b5: {  	v2 =	vld.idx.msk [tilespmem:v2+s24+$0x0], $0xffff;
	v1 =	vcvt.f32.s32 v1  }
0x2b6: {  	[tilespmem:s20+$0x9360] =	vst v4;
	v4 =	vtrunc.f32 v6;
	v6 =	vld [tilespmem:s20+$0x3710]  }
0x2b7: {  	v5 =	vld.idx.msk [tilespmem:v5+s24+$0x0], $0xffff;
	v4 =	vcvt.f32.s32 v4;
	_ =	sdelay $0x2  }
0x2b8: {  	[tilespmem:s16+$0x9B40] =	vst v2;
	v2 =	vtrunc.f32 v3;
	v3 =	vld [tilespmem:s16+$0x3B70]  }
0x2b9: {  	v1 =	vld.idx.msk [tilespmem:v1+s24+$0x0], $0xffff;
	v2 =	vcvt.f32.s32 v2  }
0x2ba: {  	[tilespmem:s20+$0x9370] =	vst v5;
	v5 =	vtrunc.f32 v6;
	v6 =	vld [tilespmem:s20+$0x3720]  }
0x2bb: {  	v4 =	vld.idx.msk [tilespmem:v4+s24+$0x0], $0xffff;
	v5 =	vcvt.f32.s32 v5;
	_ =	sdelay $0x2  }
0x2bc: {  	[tilespmem:s16+$0x9B50] =	vst v1;
	v1 =	vtrunc.f32 v3;
	v3 =	vld [tilespmem:s16+$0x3F00]  }
0x2bd: {  	s17 =	simm.s32 $0x0;
	v2 =	vld.idx.msk [tilespmem:v2+s24+$0x0], $0xffff;
	v1 =	vcvt.f32.s32 v1  }
0x2be: {  	s9 =	smul.u32 $0x1800, s17;
	s6 =	simm.s32 $0x100;
	[tilespmem:s20+$0x9700] =	vst v4;
	v4 =	vtrunc.f32 v6;
	v6 =	vld [tilespmem:s20+$0x3730]  }
0x2bf: {  	s21 =	sand.u32 $0x380, s6;
	v5 =	vld.idx.msk [tilespmem:v5+s24+$0x0], $0xffff;
	v4 =	vcvt.f32.s32 v4  }
0x2c0: {  	s8 =	sor.u32 s21, s9  }
0x2c1: {  	v7 =	vld [tilespmem:s8+$0x3300]  }
0x2c2: {  	[tilespmem:s16+$0x9B60] =	vst v2;
	v2 =	vtrunc.f32 v3;
	v3 =	vld [tilespmem:s16+$0x3F10]  }
0x2c3: {  	v1 =	vld.idx.msk [tilespmem:v1+s24+$0x0], $0xffff;
	v2 =	vcvt.f32.s32 v2  }
0x2c4: {  	[tilespmem:s20+$0x9710] =	vst v5;
	v5 =	vtrunc.f32 v6;
	v6 =	vld [tilespmem:s20+$0x3740]  }
0x2c5: {  	v4 =	vld.idx.msk [tilespmem:v4+s24+$0x0], $0xffff;
	v5 =	vcvt.f32.s32 v5  }
0x2c6: {  	v7 =	vtrunc.f32 v7  }
0x2c7: {  	v8 =	vld [tilespmem:s8+$0x3310];
	v7 =	vcvt.f32.s32 v7  }
0x2c8: {  	[tilespmem:s16+$0x9B70] =	vst v1;
	v1 =	vtrunc.f32 v3;
	v3 =	vld [tilespmem:s16+$0x3F20]  }
0x2c9: {  	v2 =	vld.idx.msk [tilespmem:v2+s24+$0x0], $0xffff;
	v1 =	vcvt.f32.s32 v1  }
0x2ca: {  	[tilespmem:s20+$0x9720] =	vst v4;
	v4 =	vtrunc.f32 v6;
	v6 =	vld [tilespmem:s20+$0x3750]  }
0x2cb: {  	v5 =	vld.idx.msk [tilespmem:v5+s24+$0x0], $0xffff;
	v4 =	vcvt.f32.s32 v4  }
0x2cc: {  	v8 =	vtrunc.f32 v8  }
0x2cd: {  	v8 =	vcvt.f32.s32 v8;
	v7 =	vld.idx.msk [tilespmem:v7+s24+$0x0], $0xffff  }
0x2ce: {  	[tilespmem:s16+$0x9F00] =	vst v2;
	v2 =	vtrunc.f32 v3;
	v3 =	vld [tilespmem:s16+$0x3F30]  }
0x2cf: {  	v1 =	vld.idx.msk [tilespmem:v1+s24+$0x0], $0xffff;
	v2 =	vcvt.f32.s32 v2  }
0x2d0: {  	[tilespmem:s20+$0x9730] =	vst v5;
	v5 =	vtrunc.f32 v6;
	v6 =	vld [tilespmem:s20+$0x3760]  }
0x2d1: {  	v4 =	vld.idx.msk [tilespmem:v4+s24+$0x0], $0xffff;
	v5 =	vcvt.f32.s32 v5  }
0x2d2: {  	v9 =	vld [tilespmem:s8+$0x3320];
	[tilespmem:s8+$0x9300] =	vst v7  }
0x2d3: {  	v7 =	vld.idx.msk [tilespmem:v8+s24+$0x0], $0xffff  }
0x2d4: {  	[tilespmem:s16+$0x9F10] =	vst v1;
	v1 =	vtrunc.f32 v3;
	v3 =	vld [tilespmem:s16+$0x3F40]  }
0x2d5: {  	v2 =	vld.idx.msk [tilespmem:v2+s24+$0x0], $0xffff;
	v1 =	vcvt.f32.s32 v1  }
0x2d6: {  	[tilespmem:s20+$0x9740] =	vst v4;
	v4 =	vtrunc.f32 v6;
	v6 =	vld [tilespmem:s20+$0x3770]  }
0x2d7: {  	v8 =	vtrunc.f32 v9;
	v5 =	vld.idx.msk [tilespmem:v5+s24+$0x0], $0xffff  }
0x2d8: {  	v8 =	vcvt.f32.s32 v8;
	_ =	sdelay $0x1  }
0x2d9: {  	v4 =	vcvt.f32.s32 v4;
	[tilespmem:s16+$0x9F20] =	vst v2;
	v2 =	vtrunc.f32 v3;
	v3 =	vld [tilespmem:s16+$0x3F50]  }
0x2da: {  	v1 =	vld.idx.msk [tilespmem:v1+s24+$0x0], $0xffff  }
0x2db: {  	[tilespmem:s20+$0x9750] =	vst v5;
	v2 =	vcvt.f32.s32 v2;
	v5 =	vtrunc.f32 v6;
	v6 =	vld [tilespmem:s20+$0x3B00]  }
0x2dc: {  	v9 =	vld [tilespmem:s8+$0x3330];
	[tilespmem:s8+$0x9310] =	vst v7  }
0x2dd: {  	v7 =	vld.idx.msk [tilespmem:v8+s24+$0x0], $0xffff  }
0x2de: {  	v8 =	vld [tilespmem:s8+$0x3340]  }
0x2df: {  	v4 =	vld.idx.msk [tilespmem:v4+s24+$0x0], $0xffff;
	v5 =	vcvt.f32.s32 v5  }
0x2e0: {  	[tilespmem:s16+$0x9F30] =	vst v1;
	v1 =	vtrunc.f32 v3;
	v3 =	vtrunc.f32 v6  }
0x2e1: {  	v6 =	vtrunc.f32 v9;
	v2 =	vld.idx.msk [tilespmem:v2+s24+$0x0], $0xffff;
	v1 =	vcvt.f32.s32 v1  }
0x2e2: {  	v10 =	vld [tilespmem:s16+$0x3F60];
	v6 =	vcvt.f32.s32 v6  }
0x2e3: {  	[tilespmem:s8+$0x9320] =	vst v7  }
0x2e4: {  	v7 =	vtrunc.f32 v8;
	v8 =	vld [tilespmem:s8+$0x3350];
	[tilespmem:s20+$0x9760] =	vst v4  }
0x2e5: {  	v4 =	vld.idx.msk [tilespmem:v5+s24+$0x0], $0xffff  }
0x2e6: {  	v3 =	vcvt.f32.s32 v3;
	v5 =	vld [tilespmem:s20+$0x3B10];
	[tilespmem:s16+$0x9F40] =	vst v2  }
0x2e7: {  	v2 =	vtrunc.f32 v10;
	v1 =	vld.idx.msk [tilespmem:v1+s24+$0x0], $0xffff  }
0x2e8: {  	v2 =	vcvt.f32.s32 v2;
	v6 =	vld.idx.msk [tilespmem:v6+s24+$0x0], $0xffff  }
0x2e9: {  	v7 =	vcvt.f32.s32 v7;
	v9 =	vld [tilespmem:s16+$0x3F70];
	_ =	sdelay $0x1  }
0x2ea: {  	[tilespmem:s20+$0x9770] =	vst v4;
	v4 =	vtrunc.f32 v5;
	v5 =	vld [tilespmem:s20+$0x3B20]  }
0x2eb: {  	v3 =	vld.idx.msk [tilespmem:v3+s24+$0x0], $0xffff;
	[tilespmem:s16+$0x9F50] =	vst v1  }
0x2ec: {  	v4 =	vcvt.f32.s32 v4;
	[tilespmem:s8+$0x9330] =	vst v6;
	v6 =	vtrunc.f32 v8;
	v8 =	vld [tilespmem:s8+$0x3360]  }
0x2ed: {  	v9 =	vtrunc.f32 v9;
	v2 =	vld.idx.msk [tilespmem:v2+s24+$0x0], $0xffff  }
0x2ee: {  	v9 =	vcvt.f32.s32 v9;
	v7 =	vld.idx.msk [tilespmem:v7+s24+$0x0], $0xffff;
	_ =	sdelay $0x1  }
0x2ef: {  	v1 =	vld [tilespmem:s16+$0x4300];
	v6 =	vcvt.f32.s32 v6  }
0x2f0: {  	[tilespmem:s20+$0x9B00] =	vst v3;
	v3 =	vtrunc.f32 v5;
	v5 =	vld [tilespmem:s20+$0x3B30]  }
0x2f1: {  	v4 =	vld.idx.msk [tilespmem:v4+s24+$0x0], $0xffff;
	v3 =	vcvt.f32.s32 v3;
	[tilespmem:s16+$0x9F60] =	vst v2  }
0x2f2: {  	[tilespmem:s8+$0x9340] =	vst v7;
	v7 =	vtrunc.f32 v8;
	v8 =	vld [tilespmem:s8+$0x3370]  }
0x2f3: {  	v2 =	vld.idx.msk [tilespmem:v9+s24+$0x0], $0xffff  }
0x2f4: {  	v1 =	vtrunc.f32 v1;
	v9 =	vld [tilespmem:s16+$0x4310]  }
0x2f5: {  	v1 =	vcvt.f32.s32 v1;
	v6 =	vld.idx.msk [tilespmem:v6+s24+$0x0], $0xffff  }
0x2f6: {  	[tilespmem:s20+$0x9B10] =	vst v4;
	v4 =	vtrunc.f32 v5;
	v5 =	vld [tilespmem:s20+$0x3B40]  }
0x2f7: {  	v7 =	vcvt.f32.s32 v7;
	v3 =	vld.idx.msk [tilespmem:v3+s24+$0x0], $0xffff  }
0x2f8: {  	v4 =	vcvt.f32.s32 v4  }
0x2f9: {  	[tilespmem:s16+$0x9F70] =	vst v2;
	v2 =	vtrunc.f32 v9;
	v9 =	vld [tilespmem:s16+$0x4320]  }
0x2fa: {  	[tilespmem:s8+$0x9350] =	vst v6;
	v6 =	vtrunc.f32 v8;
	v8 =	vld [tilespmem:s8+$0x3700]  }
0x2fb: {  	v1 =	vld.idx.msk [tilespmem:v1+s24+$0x0], $0xffff  }
0x2fc: {  	v2 =	vcvt.f32.s32 v2;
	[tilespmem:s20+$0x9B20] =	vst v3;
	v3 =	vtrunc.f32 v5;
	v5 =	vld [tilespmem:s20+$0x3B50]  }
0x2fd: {  	v7 =	vld.idx.msk [tilespmem:v7+s24+$0x0], $0xffff  }
0x2fe: {  	v4 =	vld.idx.msk [tilespmem:v4+s24+$0x0], $0xffff;
	v3 =	vcvt.f32.s32 v3  }
0x2ff: {  	v6 =	vcvt.f32.s32 v6;
	_ =	sdelay $0x1  }
0x300: {  	[tilespmem:s16+$0xA300] =	vst v1;
	v1 =	vtrunc.f32 v9;
	v9 =	vld [tilespmem:s16+$0x4330]  }
0x301: {  	[tilespmem:s8+$0x9360] =	vst v7;
	v2 =	vld.idx.msk [tilespmem:v2+s24+$0x0], $0xffff;
	v1 =	vcvt.f32.s32 v1  }
0x302: {  	v7 =	vtrunc.f32 v8;
	v8 =	vld [tilespmem:s8+$0x3710];
	[tilespmem:s20+$0x9B30] =	vst v4;
	v4 =	vtrunc.f32 v5  }
0x303: {  	v3 =	vld.idx.msk [tilespmem:v3+s24+$0x0], $0xffff;
	v4 =	vcvt.f32.s32 v4  }
0x304: {  	v6 =	vld.idx.msk [tilespmem:v6+s24+$0x0], $0xffff;
	v7 =	vcvt.f32.s32 v7  }
0x305: {  	v5 =	vld [tilespmem:s20+$0x3B60]  }
0x306: {  	[tilespmem:s16+$0xA310] =	vst v2;
	v2 =	vtrunc.f32 v9  }
0x307: {  	v1 =	vld.idx.msk [tilespmem:v1+s24+$0x0], $0xffff;
	v2 =	vcvt.f32.s32 v2  }
0x308: {  	v9 =	vld [tilespmem:s16+$0x4340];
	[tilespmem:s20+$0x9B40] =	vst v3  }
0x309: {  	[tilespmem:s8+$0x9370] =	vst v6;
	v6 =	vtrunc.f32 v8;
	v4 =	vld.idx.msk [tilespmem:v4+s24+$0x0], $0xffff  }
0x30a: {  	v3 =	vtrunc.f32 v5;
	v7 =	vld.idx.msk [tilespmem:v7+s24+$0x0], $0xffff;
	v6 =	vcvt.f32.s32 v6  }
0x30b: {  	v5 =	vld [tilespmem:s20+$0x3B70];
	v3 =	vcvt.f32.s32 v3  }
0x30c: {  	v8 =	vld [tilespmem:s8+$0x3720];
	[tilespmem:s16+$0xA320] =	vst v1  }
0x30d: {  	v1 =	vtrunc.f32 v9;
	v2 =	vld.idx.msk [tilespmem:v2+s24+$0x0], $0xffff  }
0x30e: {  	v1 =	vcvt.f32.s32 v1;
	[tilespmem:s20+$0x9B50] =	vst v4;
	v4 =	vld [tilespmem:s16+$0x4350]  }
0x30f: {  	[tilespmem:s8+$0x9700] =	vst v7  }
0x310: {  	v5 =	vtrunc.f32 v5;
	v6 =	vld.idx.msk [tilespmem:v6+s24+$0x0], $0xffff  }
0x311: {  	v5 =	vcvt.f32.s32 v5;
	v3 =	vld.idx.msk [tilespmem:v3+s24+$0x0], $0xffff  }
0x312: {  	v8 =	vtrunc.f32 v8;
	v7 =	vld [tilespmem:s20+$0x3F00]  }
0x313: {  	[tilespmem:s16+$0xA330] =	vst v2;
	v2 =	vcvt.f32.s32 v8;
	v4 =	vtrunc.f32 v4;
	v8 =	vld [tilespmem:s16+$0x4360]  }
0x314: {  	v1 =	vld.idx.msk [tilespmem:v1+s24+$0x0], $0xffff;
	v4 =	vcvt.f32.s32 v4  }
0x315: {  	v9 =	vld [tilespmem:s8+$0x3730];
	[tilespmem:s8+$0x9710] =	vst v6  }
0x316: {  	v6 =	vld [tilespmem:s20+$0x3F10];
	[tilespmem:s20+$0x9B60] =	vst v3  }
0x317: {  	v3 =	vld.idx.msk [tilespmem:v5+s24+$0x0], $0xffff;
	v5 =	vtrunc.f32 v7  }
0x318: {  	v7 =	vld [tilespmem:s16+$0x4370];
	v5 =	vcvt.f32.s32 v5  }
0x319: {  	s11 =	simm.s32 $0x0;
	v2 =	vld.idx.msk [tilespmem:v2+s24+$0x0], $0xffff;
	[tilespmem:s16+$0xA340] =	vst v1;
	v1 =	vtrunc.f32 v8  }
0x31a: {  	s11 =	smul.u32 $0x1800, s11;
	s12 =	simm.s32 $0x180;
	v9 =	vtrunc.f32 v9;
	v4 =	vld.idx.msk [tilespmem:v4+s24+$0x0], $0xffff;
	v1 =	vcvt.f32.s32 v1  }
0x31b: {  	s15 =	sand.u32 $0x380, s12;
	v9 =	vcvt.f32.s32 v9;
	v8 =	vld [tilespmem:s8+$0x3740]  }
0x31c: {  	s15 =	sor.u32 s15, s11  }
0x31d: {  	v11 =	vld [tilespmem:s15+$0x3300];
	[tilespmem:s20+$0x9B70] =	vst v3  }
0x31e: {  	v6 =	vtrunc.f32 v6;
	v5 =	vld.idx.msk [tilespmem:v5+s24+$0x0], $0xffff;
	[tilespmem:s8+$0x9720] =	vst v2  }
0x31f: {  	v2 =	vcvt.f32.s32 v6;
	v6 =	vld [tilespmem:s20+$0x3F20];
	[tilespmem:s16+$0xA350] =	vst v4;
	v4 =	vtrunc.f32 v7  }
0x320: {  	v7 =	vtrunc.f32 v8;
	v1 =	vld.idx.msk [tilespmem:v1+s24+$0x0], $0xffff;
	v4 =	vcvt.f32.s32 v4  }
0x321: {  	v9 =	vld.idx.msk [tilespmem:v9+s24+$0x0], $0xffff;
	v7 =	vcvt.f32.s32 v7  }
0x322: {  	v8 =	vld [tilespmem:s8+$0x3750]  }
0x323: {  	v61 =	vld [tilespmem:s15+$0x3330]  }
0x324: {  	[tilespmem:s20+$0x9F00] =	vst v5;
	v5 =	vtrunc.f32 v6;
	v6 =	vld [tilespmem:s20+$0x3F30]  }
0x325: {  	v2 =	vld.idx.msk [tilespmem:v2+s24+$0x0], $0xffff;
	v5 =	vcvt.f32.s32 v5;
	[tilespmem:s16+$0xA360] =	vst v1  }
0x326: {  	[tilespmem:s8+$0x9730] =	vst v9;
	v1 =	vld.idx.msk [tilespmem:v4+s24+$0x0], $0xffff  }
0x327: {  	v4 =	vld.idx.msk [tilespmem:v7+s24+$0x0], $0xffff;
	v7 =	vtrunc.f32 v8  }
0x328: {  	v9 =	vld [tilespmem:s8+$0x3760];
	v7 =	vcvt.f32.s32 v7  }
0x329: {  	v10 =	vld [tilespmem:s20+$0x3F40];
	v8 =	vtrunc.f32 v11  }
0x32a: {  	v11 =	vld [tilespmem:s15+$0x3310];
	v8 =	vcvt.f32.s32 v8;
	[tilespmem:s20+$0x9F10] =	vst v2  }
0x32b: {  	s10 =	sadd.s32 $0x0, s28;
	v2 =	vtrunc.f32 v6;
	v5 =	vld.idx.msk [tilespmem:v5+s24+$0x0], $0xffff;
	[tilespmem:s16+$0xA370] =	vst v1  }
0x32c: {  	s22 =	sor.u32 $0x4400, s10;
	v2 =	vcvt.f32.s32 v2;
	[tilespmem:s8+$0x9740] =	vst v4;
	v4 =	vld [tilespmem:s8+$0x3770]  }
0x32d: {  	v6 =	vtrunc.f32 v9;
	v1 =	vld [tilespmem:s22+$0x300]  }
0x32e: {  	v6 =	vcvt.f32.s32 v6;
	v7 =	vld.idx.msk [tilespmem:v7+s24+$0x0], $0xffff  }
0x32f: {  	v9 =	vtrunc.f32 v11;
	v11 =	vld [tilespmem:s15+$0x3320]  }
0x330: {  	v9 =	vcvt.f32.s32 v9;
	v8 =	vld.idx.msk [tilespmem:v8+s24+$0x0], $0xffff  }
0x331: {  	v10 =	vtrunc.f32 v10;
	v3 =	vld [tilespmem:s20+$0x3F70];
	[tilespmem:s20+$0x9F20] =	vst v5  }
0x332: {  	v10 =	vcvt.f32.s32 v10;
	v2 =	vld.idx.msk [tilespmem:v2+s24+$0x0], $0xffff;
	v1 =	vtrunc.f32 v1  }
0x333: {  	v4 =	vtrunc.f32 v4;
	v1 =	vcvt.f32.s32 v1;
	[tilespmem:s8+$0x9750] =	vst v7;
	v7 =	vld [tilespmem:s20+$0x3F50]  }
0x334: {  	v4 =	vcvt.f32.s32 v4;
	v6 =	vld.idx.msk [tilespmem:v6+s24+$0x0], $0xffff  }
0x335: {  	v11 =	vtrunc.f32 v11;
	[tilespmem:s15+$0x9300] =	vst v8;
	v8 =	vld [tilespmem:s8+$0x3B00]  }
0x336: {  	v11 =	vcvt.f32.s32 v11;
	v9 =	vld.idx.msk [tilespmem:v9+s24+$0x0], $0xffff  }
0x337: {  	v5 =	vld [tilespmem:s20+$0x3F60];
	[tilespmem:s20+$0x9F30] =	vst v2  }
0x338: {  	v2 =	vtrunc.f32 v7;
	v7 =	vld.idx.msk [tilespmem:v10+s24+$0x0], $0xffff  }
0x339: {  	v1 =	vld.idx.msk [tilespmem:v1+s24+$0x0], $0xffff;
	[tilespmem:s8+$0x9760] =	vst v6  }
0x33a: {  	v2 =	vcvt.f32.s32 v2;
	v6 =	vtrunc.f32 v8;
	v4 =	vld.idx.msk [tilespmem:v4+s24+$0x0], $0xffff  }
0x33b: {  	[tilespmem:s15+$0x9310] =	vst v9;
	v8 =	vld [tilespmem:s8+$0x3B10];
	v9 =	vtrunc.f32 v61;
	v6 =	vcvt.f32.s32 v6  }
0x33c: {  	v10 =	vld.idx.msk [tilespmem:v11+s24+$0x0], $0xffff;
	v9 =	vcvt.f32.s32 v9  }
0x33d: {  	v11 =	vld [tilespmem:s15+$0x3340];
	[tilespmem:s20+$0x9F40] =	vst v7  }
0x33e: {  	s28 =	sor.u32 $0x4410, s10;
	v7 =	vld [tilespmem:s8+$0x3B20];
	[tilespmem:s22+$0x6300] =	vst v1  }
0x33f: {  	v1 =	vld [tilespmem:s28+$0x300];
	[tilespmem:s8+$0x9770] =	vst v4;
	v4 =	vtrunc.f32 v5  }
0x340: {  	v2 =	vld.idx.msk [tilespmem:v2+s24+$0x0], $0xffff;
	v4 =	vcvt.f32.s32 v4  }
0x341: {  	[tilespmem:s15+$0x9320] =	vst v10;
	v5 =	vld.idx.msk [tilespmem:v6+s24+$0x0], $0xffff;
	v6 =	vtrunc.f32 v8  }
0x342: {  	v8 =	vld.idx.msk [tilespmem:v9+s24+$0x0], $0xffff;
	v9 =	vtrunc.f32 v11;
	v6 =	vcvt.f32.s32 v6  }
0x343: {  	v10 =	vld [tilespmem:s20+$0x4310];
	v9 =	vcvt.f32.s32 v9  }
0x344: {  	v11 =	vld [tilespmem:s15+$0x3350];
	v1 =	vtrunc.f32 v1  }
0x345: {  	v3 =	vtrunc.f32 v3;
	[tilespmem:s20+$0x9F50] =	vst v2;
	v2 =	vld [tilespmem:s20+$0x4300];
	v1 =	vcvt.f32.s32 v1  }
0x346: {  	v3 =	vcvt.f32.s32 v3;
	v4 =	vld.idx.msk [tilespmem:v4+s24+$0x0], $0xffff  }
0x347: {  	[tilespmem:s8+$0x9B00] =	vst v5;
	v5 =	vtrunc.f32 v7;
	v7 =	vld [tilespmem:s8+$0x3B30]  }
0x348: {  	[tilespmem:s15+$0x9330] =	vst v8;
	v6 =	vld.idx.msk [tilespmem:v6+s24+$0x0], $0xffff  }
0x349: {  	v8 =	vtrunc.f32 v11;
	v5 =	vcvt.f32.s32 v5;
	v9 =	vld.idx.msk [tilespmem:v9+s24+$0x0], $0xffff  }
0x34a: {  	v11 =	vld [tilespmem:s15+$0x3360];
	v8 =	vcvt.f32.s32 v8  }
0x34b: {  	v1 =	vld.idx.msk [tilespmem:v1+s24+$0x0], $0xffff;
	[tilespmem:s20+$0x9F60] =	vst v4  }
0x34c: {  	v2 =	vtrunc.f32 v2;
	v3 =	vld.idx.msk [tilespmem:v3+s24+$0x0], $0xffff  }
0x34d: {  	v2 =	vcvt.f32.s32 v2;
	[tilespmem:s8+$0x9B10] =	vst v6;
	v6 =	vld [tilespmem:s8+$0x3B40]  }
0x34e: {  	[tilespmem:s15+$0x9340] =	vst v9;
	v9 =	vld [tilespmem:s15+$0x3370]  }
0x34f: {  	v4 =	vld.idx.msk [tilespmem:v5+s24+$0x0], $0xffff;
	v5 =	vtrunc.f32 v7  }
0x350: {  	v7 =	vld.idx.msk [tilespmem:v8+s24+$0x0], $0xffff;
	v8 =	vtrunc.f32 v11;
	v5 =	vcvt.f32.s32 v5  }
0x351: {  	s17 =	sor.u32 $0x4420, s10;
	v8 =	vcvt.f32.s32 v8;
	[tilespmem:s28+$0x6300] =	vst v1  }
0x352: {  	v1 =	vld [tilespmem:s17+$0x300];
	[tilespmem:s20+$0x9F70] =	vst v3  }
0x353: {  	v2 =	vld.idx.msk [tilespmem:v2+s24+$0x0], $0xffff  }
0x354: {  	v3 =	vtrunc.f32 v10;
	[tilespmem:s8+$0x9B20] =	vst v4;
	v4 =	vtrunc.f32 v6;
	v6 =	vld [tilespmem:s20+$0x4320]  }
0x355: {  	v3 =	vcvt.f32.s32 v3;
	[tilespmem:s15+$0x9350] =	vst v7;
	v7 =	vtrunc.f32 v9;
	v9 =	vld [tilespmem:s15+$0x3700]  }
0x356: {  	v5 =	vld.idx.msk [tilespmem:v5+s24+$0x0], $0xffff  }
0x357: {  	v4 =	vcvt.f32.s32 v4;
	v8 =	vld.idx.msk [tilespmem:v8+s24+$0x0], $0xffff  }
0x358: {  	v7 =	vcvt.f32.s32 v7  }
0x359: {  	v10 =	vld [tilespmem:s8+$0x3B50];
	v1 =	vtrunc.f32 v1  }
0x35a: {  	v11 =	vld [tilespmem:s20+$0x4330];
	v1 =	vcvt.f32.s32 v1;
	[tilespmem:s20+$0xA300] =	vst v2  }
0x35b: {  	v2 =	vtrunc.f32 v6;
	v3 =	vld.idx.msk [tilespmem:v3+s24+$0x0], $0xffff;
	[tilespmem:s8+$0x9B30] =	vst v5  }
0x35c: {  	v2 =	vcvt.f32.s32 v2;
	[tilespmem:s15+$0x9360] =	vst v8;
	v8 =	vtrunc.f32 v9;
	v9 =	vld [tilespmem:s15+$0x3710]  }
0x35d: {  	v4 =	vld.idx.msk [tilespmem:v4+s24+$0x0], $0xffff  }
0x35e: {  	v5 =	vtrunc.f32 v10;
	v7 =	vld.idx.msk [tilespmem:v7+s24+$0x0], $0xffff;
	v8 =	vcvt.f32.s32 v8  }
0x35f: {  	v6 =	vld [tilespmem:s8+$0x3B60];
	v5 =	vcvt.f32.s32 v5  }
0x360: {  	v1 =	vld.idx.msk [tilespmem:v1+s24+$0x0], $0xffff  }
0x361: {  	v10 =	vld [tilespmem:s15+$0x3720];
	[tilespmem:s20+$0xA310] =	vst v3  }
0x362: {  	v3 =	vtrunc.f32 v11;
	v2 =	vld.idx.msk [tilespmem:v2+s24+$0x0], $0xffff;
	[tilespmem:s8+$0x9B40] =	vst v4  }
0x363: {  	v3 =	vcvt.f32.s32 v3;
	v9 =	vtrunc.f32 v9;
	v4 =	vld [tilespmem:s20+$0x4340];
	[tilespmem:s15+$0x9370] =	vst v7  }
0x364: {  	v9 =	vcvt.f32.s32 v9;
	v8 =	vld.idx.msk [tilespmem:v8+s24+$0x0], $0xffff  }
0x365: {  	s21 =	sor.u32 $0x4430, s10;
	v5 =	vld.idx.msk [tilespmem:v5+s24+$0x0], $0xffff;
	[tilespmem:s17+$0x6300] =	vst v1  }
0x366: {  	v1 =	vtrunc.f32 v6;
	v6 =	vld [tilespmem:s21+$0x300];
	_ =	sdelay $0x1  }
0x367: {  	v7 =	vld [tilespmem:s8+$0x3B70];
	v1 =	vcvt.f32.s32 v1;
	[tilespmem:s20+$0xA320] =	vst v2  }
0x368: {  	v2 =	vld.idx.msk [tilespmem:v3+s24+$0x0], $0xffff;
	v3 =	vtrunc.f32 v4;
	[tilespmem:s15+$0x9700] =	vst v8  }
0x369: {  	v3 =	vcvt.f32.s32 v3;
	v8 =	vld.idx.msk [tilespmem:v9+s24+$0x0], $0xffff;
	v9 =	vtrunc.f32 v10  }
0x36a: {  	[tilespmem:s8+$0x9B50] =	vst v5;
	v5 =	vld [tilespmem:s20+$0x4350];
	v9 =	vcvt.f32.s32 v9;
	v4 =	vtrunc.f32 v6  }
0x36b: {  	v62 =	vld [tilespmem:s15+$0x3750];
	v4 =	vcvt.f32.s32 v4  }
0x36c: {  	v10 =	vld [tilespmem:s15+$0x3730];
	v6 =	vtrunc.f32 v7  }
0x36d: {  	v1 =	vld.idx.msk [tilespmem:v1+s24+$0x0], $0xffff;
	v6 =	vcvt.f32.s32 v6  }
0x36e: {  	v7 =	vld [tilespmem:s8+$0x3F00];
	[tilespmem:s20+$0xA330] =	vst v2  }
0x36f: {  	v2 =	vld.idx.msk [tilespmem:v3+s24+$0x0], $0xffff;
	v3 =	vtrunc.f32 v5;
	[tilespmem:s15+$0x9710] =	vst v8  }
0x370: {  	v3 =	vcvt.f32.s32 v3;
	v8 =	vld.idx.msk [tilespmem:v9+s24+$0x0], $0xffff  }
0x371: {  	v4 =	vld.idx.msk [tilespmem:v4+s24+$0x0], $0xffff  }
0x372: {  	v9 =	vtrunc.f32 v10;
	[tilespmem:s8+$0x9B60] =	vst v1;
	v1 =	vld [tilespmem:s20+$0x4360]  }
0x373: {  	v9 =	vcvt.f32.s32 v9;
	v5 =	vld.idx.msk [tilespmem:v6+s24+$0x0], $0xffff;
	v6 =	vtrunc.f32 v7  }
0x374: {  	v10 =	vld [tilespmem:s15+$0x3740];
	v6 =	vcvt.f32.s32 v6  }
0x375: {  	v7 =	vld [tilespmem:s8+$0x3F10];
	[tilespmem:s20+$0xA340] =	vst v2  }
0x376: {  	s29 =	sor.u32 $0x4440, s10;
	v3 =	vld.idx.msk [tilespmem:v3+s24+$0x0], $0xffff;
	[tilespmem:s21+$0x6300] =	vst v4  }
0x377: {  	v1 =	vtrunc.f32 v1;
	v4 =	vld [tilespmem:s29+$0x300]  }
0x378: {  	v11 =	vld [tilespmem:s20+$0x4370];
	[tilespmem:s15+$0x9720] =	vst v8;
	v1 =	vcvt.f32.s32 v1  }
0x379: {  	s22 =	simm.s32 $0x0;
	[tilespmem:s8+$0x9B70] =	vst v5;
	v8 =	vld.idx.msk [tilespmem:v9+s24+$0x0], $0xffff;
	v9 =	vtrunc.f32 v10  }
0x37a: {  	s30 =	simm.s32 $0x200;
	s17 =	smul.u32 $0x1800, s22;
	v9 =	vcvt.f32.s32 v9;
	v5 =	vld.idx.msk [tilespmem:v6+s24+$0x0], $0xffff;
	v6 =	vtrunc.f32 v7  }
0x37b: {  	s28 =	sand.u32 $0x380, s30;
	v7 =	vld [tilespmem:s8+$0x3F20];
	v6 =	vcvt.f32.s32 v6  }
0x37c: {  	s31 =	sor.u32 s28, s17;
	v2 =	vld [tilespmem:s8+$0x3F70];
	[tilespmem:s20+$0xA350] =	vst v3;
	v3 =	vtrunc.f32 v4  }
0x37d: {  	v10 =	vld [tilespmem:s31+$0x3300];
	v63 =	vcvt.f32.s32 v3;
	v3 =	vtrunc.f32 v11  }
0x37e: {  	v1 =	vld.idx.msk [tilespmem:v1+s24+$0x0], $0xffff;
	v3 =	vcvt.f32.s32 v3  }
0x37f: {  	[tilespmem:s15+$0x9730] =	vst v8;
	v4 =	vld [tilespmem:s8+$0x3F40]  }
0x380: {  	[tilespmem:s8+$0x9F00] =	vst v5;
	v7 =	vtrunc.f32 v7;
	v8 =	vld.idx.msk [tilespmem:v9+s24+$0x0], $0xffff  }
0x381: {  	v7 =	vcvt.f32.s32 v7;
	v5 =	vld.idx.msk [tilespmem:v6+s24+$0x0], $0xffff  }
0x382: {  	v9 =	vtrunc.f32 v62;
	v6 =	vld [tilespmem:s8+$0x3F30]  }
0x383: {  	s16 =	sadd.s32 s0, s7;
	s22 =	simm.s32 $0x5;
	v9 =	vcvt.f32.s32 v9;
	[tilespmem:s20+$0xA360] =	vst v1;
	v1 =	vld.idx.msk [tilespmem:v63+s24+$0x0], $0xffff  }
.LBB2_5:
0x384: {  	p0 =	sne.s32 s22, $0xF;
	v3 =	vld.idx.msk [tilespmem:v3+s24+$0x0], $0xffff  }
0x385: {  	v10 =	vtrunc.f32 v10;
	v11 =	vld [tilespmem:s15+$0x3760]  }
0x386: {  	v10 =	vcvt.f32.s32 v10;
	v12 =	vld [tilespmem:s31+$0x3310];
	[tilespmem:s8+$0x9F10] =	vst v5  }
0x387: {  	v6 =	vtrunc.f32 v6;
	v5 =	vld.idx.msk [tilespmem:v7+s24+$0x0], $0xffff  }
0x388: {  	v6 =	vcvt.f32.s32 v6;
	[tilespmem:s15+$0x9740] =	vst v8;
	v7 =	vld [tilespmem:s15+$0x3770]  }
0x389: {  	s28 =	sadd.s32 s18, s19;
	s18 =	smov.u32 s9;
	v8 =	vld.idx.msk [tilespmem:v9+s24+$0x0], $0xffff;
	[tilespmem:s29+$0x6300] =	vst v1;
	s29 =	sor.u32 $0x4450, s10  }
0x38a: {  	s9 =	smov.u32 s11;
	s11 =	smov.u32 s17;
	s21 =	sor.u32 $0x4400, s28;
	v1 =	vtrunc.f32 v11;
	[tilespmem:s20+$0xA370] =	vst v3;
	v3 =	vld [tilespmem:s29+$0x300]  }
0x38b: {  	s19 =	smov.u32 s6;
	s6 =	smov.u32 s12;
	s12 =	smov.u32 s30;
	v1 =	vcvt.f32.s32 v1;
	v9 =	vld [tilespmem:s21+$0x300]  }
0x38c: {  	s20 =	smov.u32 s8;
	s8 =	smov.u32 s15;
	s15 =	smov.u32 s31;
	v11 =	vtrunc.f32 v12;
	v10 =	vld.idx.msk [tilespmem:v10+s24+$0x0], $0xffff  }
0x38d: {  	v11 =	vcvt.f32.s32 v11;
	v12 =	vld [tilespmem:s15+$0x3320];
	[tilespmem:s20+$0x9F20] =	vst v5  }
0x38e: {  	v4 =	vtrunc.f32 v4;
	v5 =	vld.idx.msk [tilespmem:v6+s24+$0x0], $0xffff  }
0x38f: {  	v4 =	vcvt.f32.s32 v4;
	v6 =	vld [tilespmem:s20+$0x3F60];
	v3 =	vtrunc.f32 v3  }
0x390: {  	[tilespmem:s8+$0x9750] =	vst v8;
	v8 =	vld [tilespmem:s20+$0x3F50];
	v9 =	vtrunc.f32 v9;
	v3 =	vcvt.f32.s32 v3  }
0x391: {  	v7 =	vtrunc.f32 v7;
	v1 =	vld.idx.msk [tilespmem:v1+s24+$0x0], $0xffff;
	v9 =	vcvt.f32.s32 v9  }
0x392: {  	v7 =	vcvt.f32.s32 v7;
	[tilespmem:s15+$0x9300] =	vst v10;
	v10 =	vld [tilespmem:s8+$0x3B00]  }
0x393: {  	v12 =	vtrunc.f32 v12;
	v11 =	vld.idx.msk [tilespmem:v11+s24+$0x0], $0xffff  }
0x394: {  	v12 =	vcvt.f32.s32 v12;
	v13 =	vld [tilespmem:s15+$0x3330];
	[tilespmem:s20+$0x9F30] =	vst v5  }
0x395: {  	v4 =	vld.idx.msk [tilespmem:v4+s24+$0x0], $0xffff;
	v5 =	vtrunc.f32 v8  }
0x396: {  	v5 =	vcvt.f32.s32 v5;
	v3 =	vld.idx.msk [tilespmem:v3+s24+$0x0], $0xffff  }
0x397: {  	[tilespmem:s8+$0x9760] =	vst v1;
	v1 =	vld.idx.msk [tilespmem:v9+s24+$0x0], $0xffff  }
0x398: {  	v8 =	vtrunc.f32 v10;
	v7 =	vld.idx.msk [tilespmem:v7+s24+$0x0], $0xffff  }
0x399: {  	v8 =	vcvt.f32.s32 v8;
	[tilespmem:s15+$0x9310] =	vst v11;
	v9 =	vld [tilespmem:s8+$0x3B10]  }
0x39a: {  	v11 =	vtrunc.f32 v13;
	v10 =	vld.idx.msk [tilespmem:v12+s24+$0x0], $0xffff  }
0x39b: {  	v11 =	vcvt.f32.s32 v11;
	v12 =	vld [tilespmem:s15+$0x3340];
	[tilespmem:s20+$0x9F40] =	vst v4  }
0x39c: {  	v4 =	vld.idx.msk [tilespmem:v5+s24+$0x0], $0xffff;
	[tilespmem:s29+$0x6300] =	vst v3;
	s29 =	sor.u32 $0x4460, s10  }
0x39d: {  	s17 =	sor.u32 $0x4410, s28;
	[tilespmem:s21+$0x6300] =	vst v1;
	v1 =	vld [tilespmem:s29+$0x300]  }
0x39e: {  	v3 =	vtrunc.f32 v6;
	[tilespmem:s8+$0x9770] =	vst v7;
	v5 =	vld [tilespmem:s17+$0x300]  }
0x39f: {  	v3 =	vcvt.f32.s32 v3;
	v7 =	vtrunc.f32 v9;
	v6 =	vld.idx.msk [tilespmem:v8+s24+$0x0], $0xffff  }
0x3a0: {  	v7 =	vcvt.f32.s32 v7;
	[tilespmem:s15+$0x9320] =	vst v10;
	v8 =	vld [tilespmem:s8+$0x3B20]  }
0x3a1: {  	v10 =	vtrunc.f32 v12;
	v9 =	vld.idx.msk [tilespmem:v11+s24+$0x0], $0xffff  }
0x3a2: {  	v10 =	vcvt.f32.s32 v10;
	v11 =	vld [tilespmem:s20+$0x4310];
	v1 =	vtrunc.f32 v1  }
0x3a3: {  	v12 =	vld [tilespmem:s15+$0x3350];
	v5 =	vtrunc.f32 v5;
	v1 =	vcvt.f32.s32 v1  }
0x3a4: {  	[tilespmem:s20+$0x9F50] =	vst v4;
	v4 =	vld [tilespmem:s20+$0x4300];
	v5 =	vcvt.f32.s32 v5  }
0x3a5: {  	v2 =	vtrunc.f32 v2;
	[tilespmem:s8+$0x9B00] =	vst v6;
	v3 =	vld.idx.msk [tilespmem:v3+s24+$0x0], $0xffff  }
0x3a6: {  	v2 =	vcvt.f32.s32 v2;
	v6 =	vld.idx.msk [tilespmem:v7+s24+$0x0], $0xffff;
	v7 =	vtrunc.f32 v8  }
0x3a7: {  	[tilespmem:s15+$0x9330] =	vst v9;
	v7 =	vcvt.f32.s32 v7;
	v8 =	vld [tilespmem:s8+$0x3B30]  }
0x3a8: {  	v9 =	vld.idx.msk [tilespmem:v10+s24+$0x0], $0xffff;
	v10 =	vtrunc.f32 v12  }
0x3a9: {  	v10 =	vcvt.f32.s32 v10;
	v1 =	vld.idx.msk [tilespmem:v1+s24+$0x0], $0xffff  }
0x3aa: {  	v5 =	vld.idx.msk [tilespmem:v5+s24+$0x0], $0xffff  }
0x3ab: {  	v12 =	vld [tilespmem:s15+$0x3360];
	[tilespmem:s20+$0x9F60] =	vst v3  }
0x3ac: {  	v3 =	vtrunc.f32 v4;
	[tilespmem:s8+$0x9B10] =	vst v6;
	v2 =	vld.idx.msk [tilespmem:v2+s24+$0x0], $0xffff  }
0x3ad: {  	v6 =	vtrunc.f32 v8;
	v3 =	vcvt.f32.s32 v3;
	v4 =	vld.idx.msk [tilespmem:v7+s24+$0x0], $0xffff  }
0x3ae: {  	v6 =	vcvt.f32.s32 v6;
	[tilespmem:s15+$0x9340] =	vst v9;
	v7 =	vld [tilespmem:s8+$0x3B40]  }
0x3af: {  	s21 =	sor.u32 $0x4470, s10;
	s10 =	smov.u32 s28;
	v8 =	vld.idx.msk [tilespmem:v10+s24+$0x0], $0xffff;
	[tilespmem:s29+$0x6300] =	vst v1  }
0x3b0: {  	[tilespmem:s17+$0x6300] =	vst v5;
	s17 =	sor.u32 $0x4420, s10;
	v1 =	vld [tilespmem:s21+$0x300]  }
0x3b1: {  	v5 =	vtrunc.f32 v12;
	v9 =	vld [tilespmem:s17+$0x300]  }
0x3b2: {  	v5 =	vcvt.f32.s32 v5;
	v10 =	vld [tilespmem:s15+$0x3370];
	[tilespmem:s20+$0x9F70] =	vst v2  }
0x3b3: {  	[tilespmem:s8+$0x9B20] =	vst v4;
	v2 =	vld.idx.msk [tilespmem:v3+s24+$0x0], $0xffff;
	v3 =	vtrunc.f32 v11  }
0x3b4: {  	v4 =	vld.idx.msk [tilespmem:v6+s24+$0x0], $0xffff;
	v6 =	vtrunc.f32 v7;
	v3 =	vcvt.f32.s32 v3  }
0x3b5: {  	v6 =	vcvt.f32.s32 v6;
	v7 =	vld [tilespmem:s20+$0x4320];
	v1 =	vtrunc.f32 v1  }
0x3b6: {  	v11 =	vld [tilespmem:s20+$0x4330];
	v9 =	vtrunc.f32 v9;
	v1 =	vcvt.f32.s32 v1  }
0x3b7: {  	[tilespmem:s15+$0x9350] =	vst v8;
	v8 =	vld [tilespmem:s8+$0x3B50];
	v9 =	vcvt.f32.s32 v9  }
0x3b8: {  	v10 =	vtrunc.f32 v10;
	v5 =	vld.idx.msk [tilespmem:v5+s24+$0x0], $0xffff  }
0x3b9: {  	v10 =	vcvt.f32.s32 v10;
	v12 =	vld [tilespmem:s15+$0x3700];
	[tilespmem:s20+$0xA300] =	vst v2  }
0x3ba: {  	[tilespmem:s8+$0x9B30] =	vst v4;
	v2 =	vld.idx.msk [tilespmem:v3+s24+$0x0], $0xffff;
	v3 =	vtrunc.f32 v7  }
0x3bb: {  	v4 =	vld.idx.msk [tilespmem:v6+s24+$0x0], $0xffff;
	v3 =	vcvt.f32.s32 v3  }
0x3bc: {  	v6 =	vtrunc.f32 v8;
	v1 =	vld.idx.msk [tilespmem:v1+s24+$0x0], $0xffff  }
0x3bd: {  	v6 =	vcvt.f32.s32 v6;
	v7 =	vld.idx.msk [tilespmem:v9+s24+$0x0], $0xffff  }
0x3be: {  	[tilespmem:s15+$0x9360] =	vst v5;
	v5 =	vld [tilespmem:s8+$0x3B60]  }
0x3bf: {  	v9 =	vtrunc.f32 v12;
	v8 =	vld.idx.msk [tilespmem:v10+s24+$0x0], $0xffff  }
0x3c0: {  	v9 =	vcvt.f32.s32 v9;
	v10 =	vld [tilespmem:s15+$0x3710];
	[tilespmem:s20+$0xA310] =	vst v2  }
0x3c1: {  	[tilespmem:s8+$0x9B40] =	vst v4;
	v2 =	vld.idx.msk [tilespmem:v3+s24+$0x0], $0xffff;
	v3 =	vtrunc.f32 v11  }
0x3c2: {  	v3 =	vcvt.f32.s32 v3;
	v4 =	vld [tilespmem:s20+$0x4340];
	[tilespmem:s21+$0x6300] =	vst v1  }
0x3c3: {  	v1 =	vld.idx.msk [tilespmem:v6+s24+$0x0], $0xffff;
	[tilespmem:s17+$0x6300] =	vst v7;
	s17 =	sor.u32 $0x4430, s10  }
0x3c4: {  	v5 =	vtrunc.f32 v5;
	v6 =	vld [tilespmem:s17+$0x300]  }
0x3c5: {  	v5 =	vcvt.f32.s32 v5;
	[tilespmem:s15+$0x9370] =	vst v8;
	v7 =	vld [tilespmem:s8+$0x3B70]  }
0x3c6: {  	v8 =	vld.idx.msk [tilespmem:v9+s24+$0x0], $0xffff;
	v9 =	vtrunc.f32 v10  }
0x3c7: {  	v9 =	vcvt.f32.s32 v9;
	v10 =	vld [tilespmem:s15+$0x3720];
	[tilespmem:s20+$0xA320] =	vst v2  }
0x3c8: {  	v2 =	vld.idx.msk [tilespmem:v3+s24+$0x0], $0xffff;
	v3 =	vtrunc.f32 v4  }
0x3c9: {  	v3 =	vcvt.f32.s32 v3;
	v4 =	vld [tilespmem:s20+$0x4370];
	v6 =	vtrunc.f32 v6  }
0x3ca: {  	[tilespmem:s8+$0x9B50] =	vst v1;
	v1 =	vld [tilespmem:s20+$0x4350];
	v6 =	vcvt.f32.s32 v6  }
0x3cb: {  	v7 =	vtrunc.f32 v7;
	v5 =	vld.idx.msk [tilespmem:v5+s24+$0x0], $0xffff  }
0x3cc: {  	v7 =	vcvt.f32.s32 v7;
	[tilespmem:s15+$0x9700] =	vst v8;
	v8 =	vld [tilespmem:s8+$0x3F00]  }
0x3cd: {  	v10 =	vtrunc.f32 v10;
	v9 =	vld.idx.msk [tilespmem:v9+s24+$0x0], $0xffff  }
0x3ce: {  	v10 =	vcvt.f32.s32 v10;
	v11 =	vld [tilespmem:s15+$0x3730];
	[tilespmem:s20+$0xA330] =	vst v2  }
0x3cf: {  	v2 =	vld.idx.msk [tilespmem:v3+s24+$0x0], $0xffff;
	v1 =	vtrunc.f32 v1  }
0x3d0: {  	v1 =	vcvt.f32.s32 v1;
	v3 =	vld.idx.msk [tilespmem:v6+s24+$0x0], $0xffff  }
0x3d1: {  	[tilespmem:s8+$0x9B60] =	vst v5;
	v5 =	vld [tilespmem:s20+$0x4360]  }
0x3d2: {  	v6 =	vld.idx.msk [tilespmem:v7+s24+$0x0], $0xffff;
	v7 =	vtrunc.f32 v8  }
0x3d3: {  	[tilespmem:s15+$0x9710] =	vst v9;
	v7 =	vcvt.f32.s32 v7;
	v8 =	vld [tilespmem:s8+$0x3F10]  }
0x3d4: {  	v9 =	vld.idx.msk [tilespmem:v10+s24+$0x0], $0xffff;
	v10 =	vtrunc.f32 v11  }
0x3d5: {  	v10 =	vcvt.f32.s32 v10;
	v11 =	vld [tilespmem:s15+$0x3740];
	[tilespmem:s20+$0xA340] =	vst v2  }
0x3d6: {  	s29 =	sor.u32 $0x4440, s10;
	v1 =	vld.idx.msk [tilespmem:v1+s24+$0x0], $0xffff;
	v2 =	vtrunc.f32 v5;
	[tilespmem:s17+$0x6300] =	vst v3  }
0x3d7: {  	v3 =	vcvt.f32.s32 v2;
	v5 =	vld [tilespmem:s29+$0x300]  }
0x3d8: {  	[tilespmem:s8+$0x9B70] =	vst v6;
	v2 =	vld [tilespmem:s8+$0x3F70]  }
0x3d9: {  	v6 =	vld.idx.msk [tilespmem:v7+s24+$0x0], $0xffff;
	v7 =	vtrunc.f32 v8  }
0x3da: {  	[tilespmem:s15+$0x9720] =	vst v9;
	v7 =	vcvt.f32.s32 v7;
	v8 =	vld [tilespmem:s8+$0x3F20]  }
0x3db: {  	s17 =	sshrl.u32 s22, $0x3;
	v9 =	vld.idx.msk [tilespmem:v10+s24+$0x0], $0xffff;
	v10 =	vtrunc.f32 v11  }
0x3dc: {  	s30 =	sadd.s32 $0x80, s30;
	s17 =	smul.u32 $0x1800, s17;
	v11 =	vcvt.f32.s32 v10;
	v12 =	vld [tilespmem:s15+$0x3750];
	[tilespmem:s20+$0xA350] =	vst v1;
	v1 =	vtrunc.f32 v5  }
0x3dd: {  	s21 =	sand.u32 $0x380, s30;
	v13 =	vld.idx.msk [tilespmem:v3+s24+$0x0], $0xffff;
	v3 =	vtrunc.f32 v4;
	v1 =	vcvt.f32.s32 v1  }
0x3de: {  	s31 =	sor.u32 s21, s17;
	v4 =	vld [tilespmem:s8+$0x3F40];
	v3 =	vcvt.f32.s32 v3  }
.Ltmp1:
0x3df: {  	v10 =	vld [tilespmem:s31+$0x3300];
	[tilespmem:s8+$0x9F00] =	vst v6;
	(pc) =	sbr.rel @p0 .LBB2_5-.Ltmp1, $4  }
0x3e0: {  	v6 =	vtrunc.f32 v8;
	v5 =	vld.idx.msk [tilespmem:v7+s24+$0x0], $0xffff  }
0x3e1: {  	v7 =	vcvt.f32.s32 v6;
	[tilespmem:s15+$0x9730] =	vst v9;
	v6 =	vld [tilespmem:s8+$0x3F30]  }
0x3e2: {  	v9 =	vtrunc.f32 v12;
	v8 =	vld.idx.msk [tilespmem:v11+s24+$0x0], $0xffff  }
0x3e3: {  	s22 =	sadd.s32 $0x1, s22;
	v9 =	vcvt.f32.s32 v9;
	[tilespmem:s20+$0xA360] =	vst v13;
	v1 =	vld.idx.msk [tilespmem:v1+s24+$0x0], $0xffff  }
0x3e4: {  	v10 =	vtrunc.f32 v10  }
0x3e5: {  	v11 =	vld [tilespmem:s31+$0x3310];
	v10 =	vcvt.f32.s32 v10;
	_ =	sdelay $0x4  }
0x3e6: {  	v12 =	vld [tilespmem:s31+$0x3320];
	v11 =	vtrunc.f32 v11  }
0x3e7: {  	v11 =	vcvt.f32.s32 v11;
	v10 =	vld.idx.msk [tilespmem:v10+s24+$0x0], $0xffff;
	_ =	sdelay $0x4  }
0x3e8: {  	v63 =	vld [tilespmem:s31+$0x3330];
	v62 =	vtrunc.f32 v12;
	[tilespmem:s31+$0x9300] =	vst v10  }
0x3e9: {  	v10 =	vcvt.f32.s32 v62;
	v11 =	vld.idx.msk [tilespmem:v11+s24+$0x0], $0xffff;
	_ =	sdelay $0x4  }
0x3ea: {  	v17 =	vld [tilespmem:s31+$0x3340];
	v16 =	vtrunc.f32 v63;
	[tilespmem:s31+$0x9310] =	vst v11  }
0x3eb: {  	v11 =	vcvt.f32.s32 v16;
	v10 =	vld.idx.msk [tilespmem:v10+s24+$0x0], $0xffff;
	_ =	sdelay $0x4  }
0x3ec: {  	v19 =	vld [tilespmem:s31+$0x3350];
	v18 =	vtrunc.f32 v17;
	[tilespmem:s31+$0x9320] =	vst v10  }
0x3ed: {  	v10 =	vcvt.f32.s32 v18;
	v11 =	vld.idx.msk [tilespmem:v11+s24+$0x0], $0xffff;
	_ =	sdelay $0x4  }
0x3ee: {  	v21 =	vld [tilespmem:s31+$0x3360];
	v20 =	vtrunc.f32 v19;
	[tilespmem:s31+$0x9330] =	vst v11  }
0x3ef: {  	v11 =	vcvt.f32.s32 v20;
	v10 =	vld.idx.msk [tilespmem:v10+s24+$0x0], $0xffff;
	_ =	sdelay $0x4  }
0x3f0: {  	v23 =	vld [tilespmem:s31+$0x3370];
	v22 =	vtrunc.f32 v21;
	[tilespmem:s31+$0x9340] =	vst v10  }
0x3f1: {  	v10 =	vcvt.f32.s32 v22;
	v11 =	vld.idx.msk [tilespmem:v11+s24+$0x0], $0xffff;
	_ =	sdelay $0x4  }
0x3f2: {  	v25 =	vld [tilespmem:s31+$0x3700];
	v24 =	vtrunc.f32 v23;
	[tilespmem:s31+$0x9350] =	vst v11  }
0x3f3: {  	v11 =	vcvt.f32.s32 v24;
	v10 =	vld.idx.msk [tilespmem:v10+s24+$0x0], $0xffff;
	_ =	sdelay $0x4  }
0x3f4: {  	v27 =	vld [tilespmem:s31+$0x3710];
	v26 =	vtrunc.f32 v25;
	[tilespmem:s31+$0x9360] =	vst v10  }
0x3f5: {  	v10 =	vcvt.f32.s32 v26;
	v11 =	vld.idx.msk [tilespmem:v11+s24+$0x0], $0xffff;
	_ =	sdelay $0x4  }
0x3f6: {  	v29 =	vld [tilespmem:s31+$0x3720];
	v28 =	vtrunc.f32 v27;
	[tilespmem:s31+$0x9370] =	vst v11  }
0x3f7: {  	v11 =	vcvt.f32.s32 v28;
	v10 =	vld.idx.msk [tilespmem:v10+s24+$0x0], $0xffff;
	_ =	sdelay $0x4  }
0x3f8: {  	v31 =	vld [tilespmem:s31+$0x3730];
	v30 =	vtrunc.f32 v29;
	[tilespmem:s31+$0x9700] =	vst v10  }
0x3f9: {  	v10 =	vcvt.f32.s32 v30;
	v11 =	vld.idx.msk [tilespmem:v11+s24+$0x0], $0xffff;
	_ =	sdelay $0x4  }
0x3fa: {  	v33 =	vld [tilespmem:s31+$0x3740];
	v32 =	vtrunc.f32 v31;
	[tilespmem:s31+$0x9710] =	vst v11  }
0x3fb: {  	v11 =	vcvt.f32.s32 v32;
	v10 =	vld.idx.msk [tilespmem:v10+s24+$0x0], $0xffff;
	_ =	sdelay $0x3  }
0x3fc: {  	v13 =	vld [tilespmem:s15+$0x3760]  }
0x3fd: {  	v35 =	vld [tilespmem:s31+$0x3750];
	v34 =	vtrunc.f32 v33;
	[tilespmem:s31+$0x9720] =	vst v10  }
0x3fe: {  	v10 =	vcvt.f32.s32 v34;
	v11 =	vld.idx.msk [tilespmem:v11+s24+$0x0], $0xffff;
	_ =	sdelay $0x2  }
0x3ff: {  	v37 =	vld [tilespmem:s15+$0x3770];
	[tilespmem:s15+$0x9740] =	vst v8;
	v36 =	vtrunc.f32 v13  }
0x400: {  	v9 =	vld.idx.msk [tilespmem:v9+s24+$0x0], $0xffff;
	v8 =	vcvt.f32.s32 v36  }
0x401: {  	v39 =	vld [tilespmem:s31+$0x3760];
	v38 =	vtrunc.f32 v35;
	[tilespmem:s31+$0x9730] =	vst v11  }
0x402: {  	v11 =	vcvt.f32.s32 v38;
	v10 =	vld.idx.msk [tilespmem:v10+s24+$0x0], $0xffff;
	_ =	sdelay $0x2  }
0x403: {  	v41 =	vld [tilespmem:s15+$0x3B00];
	v40 =	vtrunc.f32 v37;
	[tilespmem:s15+$0x9750] =	vst v9  }
0x404: {  	v9 =	vcvt.f32.s32 v40;
	v8 =	vld.idx.msk [tilespmem:v8+s24+$0x0], $0xffff  }
0x405: {  	v42 =	vld [tilespmem:s31+$0x3770];
	v12 =	vtrunc.f32 v39;
	[tilespmem:s31+$0x9740] =	vst v10  }
0x406: {  	v12 =	vcvt.f32.s32 v12;
	v11 =	vld.idx.msk [tilespmem:v11+s24+$0x0], $0xffff;
	_ =	sdelay $0x2  }
0x407: {  	v44 =	vld [tilespmem:s15+$0x3B10];
	v43 =	vtrunc.f32 v41;
	[tilespmem:s15+$0x9760] =	vst v8  }
0x408: {  	v8 =	vcvt.f32.s32 v43;
	v9 =	vld.idx.msk [tilespmem:v9+s24+$0x0], $0xffff  }
0x409: {  	v45 =	vld [tilespmem:s31+$0x3B00];
	v10 =	vtrunc.f32 v42;
	[tilespmem:s31+$0x9750] =	vst v11  }
0x40a: {  	v10 =	vcvt.f32.s32 v10;
	v11 =	vld.idx.msk [tilespmem:v12+s24+$0x0], $0xffff;
	_ =	sdelay $0x2  }
0x40b: {  	v47 =	vld [tilespmem:s15+$0x3B20];
	v46 =	vtrunc.f32 v44;
	[tilespmem:s15+$0x9770] =	vst v9  }
0x40c: {  	v9 =	vcvt.f32.s32 v46;
	v8 =	vld.idx.msk [tilespmem:v8+s24+$0x0], $0xffff  }
0x40d: {  	v49 =	vld [tilespmem:s31+$0x3B10];
	v48 =	vtrunc.f32 v45;
	[tilespmem:s31+$0x9760] =	vst v11  }
0x40e: {  	v11 =	vcvt.f32.s32 v48;
	v10 =	vld.idx.msk [tilespmem:v10+s24+$0x0], $0xffff;
	_ =	sdelay $0x2  }
0x40f: {  	v51 =	vld [tilespmem:s15+$0x3B30];
	v50 =	vtrunc.f32 v47;
	[tilespmem:s15+$0x9B00] =	vst v8  }
0x410: {  	v8 =	vcvt.f32.s32 v50;
	v9 =	vld.idx.msk [tilespmem:v9+s24+$0x0], $0xffff  }
0x411: {  	v53 =	vld [tilespmem:s31+$0x3B20];
	v52 =	vtrunc.f32 v49;
	[tilespmem:s31+$0x9770] =	vst v10  }
0x412: {  	v10 =	vcvt.f32.s32 v52;
	v11 =	vld.idx.msk [tilespmem:v11+s24+$0x0], $0xffff;
	_ =	sdelay $0x2  }
0x413: {  	v55 =	vld [tilespmem:s15+$0x3B40];
	v54 =	vtrunc.f32 v51;
	[tilespmem:s15+$0x9B10] =	vst v9  }
0x414: {  	v9 =	vcvt.f32.s32 v54;
	v8 =	vld.idx.msk [tilespmem:v8+s24+$0x0], $0xffff  }
0x415: {  	v57 =	vld [tilespmem:s31+$0x3B30];
	v56 =	vtrunc.f32 v53;
	[tilespmem:s31+$0x9B00] =	vst v11  }
0x416: {  	v11 =	vcvt.f32.s32 v56;
	v10 =	vld.idx.msk [tilespmem:v10+s24+$0x0], $0xffff;
	_ =	sdelay $0x2  }
0x417: {  	v59 =	vld [tilespmem:s15+$0x3B50];
	v58 =	vtrunc.f32 v55;
	[tilespmem:s15+$0x9B20] =	vst v8  }
0x418: {  	v8 =	vcvt.f32.s32 v58;
	v9 =	vld.idx.msk [tilespmem:v9+s24+$0x0], $0xffff  }
0x419: {  	v61 =	vld [tilespmem:s31+$0x3B40];
	v60 =	vtrunc.f32 v57;
	[tilespmem:s31+$0x9B10] =	vst v10  }
0x41a: {  	v10 =	vcvt.f32.s32 v60;
	v11 =	vld.idx.msk [tilespmem:v11+s24+$0x0], $0xffff;
	_ =	sdelay $0x2  }
0x41b: {  	v63 =	vld [tilespmem:s15+$0x3B60];
	v62 =	vtrunc.f32 v59;
	[tilespmem:s15+$0x9B30] =	vst v9  }
0x41c: {  	v9 =	vcvt.f32.s32 v62;
	v8 =	vld.idx.msk [tilespmem:v8+s24+$0x0], $0xffff  }
0x41d: {  	v17 =	vld [tilespmem:s31+$0x3B50];
	v16 =	vtrunc.f32 v61;
	[tilespmem:s31+$0x9B20] =	vst v11  }
0x41e: {  	v11 =	vcvt.f32.s32 v16;
	v10 =	vld.idx.msk [tilespmem:v10+s24+$0x0], $0xffff;
	_ =	sdelay $0x2  }
0x41f: {  	v19 =	vld [tilespmem:s15+$0x3B70];
	v18 =	vtrunc.f32 v63;
	[tilespmem:s15+$0x9B40] =	vst v8  }
0x420: {  	v8 =	vcvt.f32.s32 v18;
	v9 =	vld.idx.msk [tilespmem:v9+s24+$0x0], $0xffff  }
0x421: {  	v21 =	vld [tilespmem:s31+$0x3B60];
	v20 =	vtrunc.f32 v17;
	[tilespmem:s31+$0x9B30] =	vst v10  }
0x422: {  	v10 =	vcvt.f32.s32 v20;
	v11 =	vld.idx.msk [tilespmem:v11+s24+$0x0], $0xffff;
	_ =	sdelay $0x2  }
0x423: {  	v23 =	vld [tilespmem:s15+$0x3F00];
	v22 =	vtrunc.f32 v19;
	[tilespmem:s15+$0x9B50] =	vst v9  }
0x424: {  	v9 =	vcvt.f32.s32 v22;
	v8 =	vld.idx.msk [tilespmem:v8+s24+$0x0], $0xffff  }
0x425: {  	v25 =	vld [tilespmem:s31+$0x3B70];
	v24 =	vtrunc.f32 v21;
	[tilespmem:s31+$0x9B40] =	vst v11  }
0x426: {  	v11 =	vcvt.f32.s32 v24;
	v10 =	vld.idx.msk [tilespmem:v10+s24+$0x0], $0xffff;
	_ =	sdelay $0x2  }
0x427: {  	v30 =	vld [tilespmem:s15+$0x3F10];
	[tilespmem:s15+$0x9B60] =	vst v8  }
0x428: {  	v29 =	vtrunc.f32 v23;
	v28 =	vld.idx.msk [tilespmem:v9+s24+$0x0], $0xffff  }
0x429: {  	v31 =	vtrunc.f32 v25;
	v8 =	vcvt.f32.s32 v29;
	v32 =	vld [tilespmem:s31+$0x3F00];
	[tilespmem:s31+$0x9B50] =	vst v10  }
0x42a: {  	v10 =	vcvt.f32.s32 v31;
	v11 =	vld.idx.msk [tilespmem:v11+s24+$0x0], $0xffff;
	_ =	sdelay $0x1  }
0x42b: {  	[tilespmem:s8+$0x9F10] =	vst v5  }
0x42c: {  	v27 =	vld.idx.msk [tilespmem:v7+s24+$0x0], $0xffff;
	v26 =	vtrunc.f32 v6  }
0x42d: {  	v37 =	vld [tilespmem:s31+$0x3F10];
	v5 =	vcvt.f32.s32 v26;
	[tilespmem:s15+$0x9B70] =	vst v28;
	v34 =	vtrunc.f32 v30  }
0x42e: {  	v36 =	vtrunc.f32 v32;
	v7 =	vld.idx.msk [tilespmem:v8+s24+$0x0], $0xffff;
	v8 =	vcvt.f32.s32 v34;
	[tilespmem:s31+$0x9B60] =	vst v11  }
0x42f: {  	v35 =	vld.idx.msk [tilespmem:v10+s24+$0x0], $0xffff;
	v10 =	vcvt.f32.s32 v36  }
0x430: {  	v15 =	vld [tilespmem:s8+$0x3F50]  }
0x431: {  	v39 =	vld [tilespmem:s15+$0x3F20]  }
0x432: {  	v41 =	vld [tilespmem:s31+$0x3F20];
	[tilespmem:s8+$0x9F20] =	vst v27  }
0x433: {  	v4 =	vtrunc.f32 v4;
	v5 =	vld.idx.msk [tilespmem:v5+s24+$0x0], $0xffff;
	[tilespmem:s15+$0x9F00] =	vst v7  }
0x434: {  	v4 =	vcvt.f32.s32 v4;
	v40 =	vtrunc.f32 v37;
	v7 =	vld.idx.msk [tilespmem:v8+s24+$0x0], $0xffff;
	[tilespmem:s31+$0x9B70] =	vst v35  }
0x435: {  	v8 =	vcvt.f32.s32 v40;
	v9 =	vld.idx.msk [tilespmem:v10+s24+$0x0], $0xffff;
	_ =	sdelay $0x2  }
0x436: {  	v47 =	vld [tilespmem:s31+$0x3F30];
	v42 =	vtrunc.f32 v39  }
0x437: {  	v44 =	vtrunc.f32 v15;
	v43 =	vld [tilespmem:s15+$0x3F30];
	[tilespmem:s8+$0x9F30] =	vst v5;
	v11 =	vcvt.f32.s32 v42  }
0x438: {  	v46 =	vtrunc.f32 v41;
	v5 =	vcvt.f32.s32 v44;
	v4 =	vld.idx.msk [tilespmem:v4+s24+$0x0], $0xffff;
	[tilespmem:s31+$0x9F00] =	vst v9  }
0x439: {  	v9 =	vcvt.f32.s32 v46;
	v8 =	vld.idx.msk [tilespmem:v8+s24+$0x0], $0xffff  }
0x43a: {  	v33 =	vld [tilespmem:s8+$0x3F60]  }
0x43b: {  	v14 =	vld [tilespmem:s15+$0x3F40]  }
0x43c: {  	v45 =	vld [tilespmem:s31+$0x3F40];
	[tilespmem:s15+$0x9F10] =	vst v7;
	v48 =	vtrunc.f32 v43  }
0x43d: {  	[tilespmem:s8+$0x9F40] =	vst v4;
	v7 =	vcvt.f32.s32 v48;
	v11 =	vld.idx.msk [tilespmem:v11+s24+$0x0], $0xffff  }
0x43e: {  	v49 =	vtrunc.f32 v47;
	v4 =	vld.idx.msk [tilespmem:v5+s24+$0x0], $0xffff;
	[tilespmem:s31+$0x9F10] =	vst v8  }
0x43f: {  	v6 =	vtrunc.f32 v33;
	v5 =	vcvt.f32.s32 v49;
	v8 =	vld.idx.msk [tilespmem:v9+s24+$0x0], $0xffff  }
0x440: {  	v6 =	vcvt.f32.s32 v6;
	_ =	sdelay $0x1  }
0x441: {  	v51 =	vtrunc.f32 v14;
	v53 =	vld [tilespmem:s15+$0x3F50];
	[tilespmem:s15+$0x9F20] =	vst v11  }
0x442: {  	v52 =	vcvt.f32.s32 v51;
	v7 =	vld.idx.msk [tilespmem:v7+s24+$0x0], $0xffff  }
0x443: {  	v57 =	vld [tilespmem:s31+$0x3F50];
	v56 =	vtrunc.f32 v45;
	[tilespmem:s31+$0x9F20] =	vst v8  }
0x444: {  	v2 =	vtrunc.f32 v2;
	[tilespmem:s8+$0x9F50] =	vst v4;
	v8 =	vcvt.f32.s32 v56;
	v5 =	vld.idx.msk [tilespmem:v5+s24+$0x0], $0xffff  }
0x445: {  	v2 =	vcvt.f32.s32 v2;
	v6 =	vld.idx.msk [tilespmem:v6+s24+$0x0], $0xffff  }
0x446: {  	v55 =	vld [tilespmem:s15+$0x3F60]  }
0x447: {  	v59 =	vld [tilespmem:s31+$0x3F60];
	v58 =	vtrunc.f32 v53;
	[tilespmem:s15+$0x9F30] =	vst v7  }
0x448: {  	v7 =	vcvt.f32.s32 v58;
	v4 =	vld.idx.msk [tilespmem:v52+s24+$0x0], $0xffff  }
0x449: {  	v54 =	vld [tilespmem:s8+$0x4300];
	v60 =	vtrunc.f32 v57;
	[tilespmem:s31+$0x9F30] =	vst v5  }
0x44a: {  	[tilespmem:s8+$0x9F60] =	vst v6;
	v5 =	vcvt.f32.s32 v60;
	v8 =	vld.idx.msk [tilespmem:v8+s24+$0x0], $0xffff  }
0x44b: {  	v2 =	vld.idx.msk [tilespmem:v2+s24+$0x0], $0xffff  }
0x44c: {  	v50 =	vld [tilespmem:s8+$0x4310]  }
0x44d: {  	v62 =	vtrunc.f32 v55;
	v38 =	vld [tilespmem:s15+$0x3F70];
	[tilespmem:s15+$0x9F40] =	vst v4  }
0x44e: {  	v61 =	vtrunc.f32 v54;
	v4 =	vld.idx.msk [tilespmem:v7+s24+$0x0], $0xffff;
	v7 =	vcvt.f32.s32 v62  }
0x44f: {  	v15 =	vtrunc.f32 v59;
	v6 =	vcvt.f32.s32 v61;
	v16 =	vld [tilespmem:s31+$0x3F70];
	[tilespmem:s31+$0x9F40] =	vst v8  }
0x450: {  	v17 =	vcvt.f32.s32 v15;
	[tilespmem:s8+$0x9F70] =	vst v2;
	v2 =	vld.idx.msk [tilespmem:v5+s24+$0x0], $0xffff;
	_ =	sdelay $0x1  }
0x451: {  	v18 =	vld [tilespmem:s15+$0x4300]  }
0x452: {  	v22 =	vld [tilespmem:s31+$0x4300];
	v19 =	vtrunc.f32 v38;
	[tilespmem:s15+$0x9F50] =	vst v4  }
0x453: {  	v9 =	vtrunc.f32 v50;
	v7 =	vld.idx.msk [tilespmem:v7+s24+$0x0], $0xffff;
	v8 =	vcvt.f32.s32 v19  }
0x454: {  	v6 =	vld.idx.msk [tilespmem:v6+s24+$0x0], $0xffff;
	v23 =	vtrunc.f32 v16;
	[tilespmem:s31+$0x9F50] =	vst v2;
	v2 =	vcvt.f32.s32 v9  }
0x455: {  	v13 =	vcvt.f32.s32 v23;
	v4 =	vld.idx.msk [tilespmem:v17+s24+$0x0], $0xffff  }
0x456: {  	v63 =	vld [tilespmem:s15+$0x4310]  }
0x457: {  	v21 =	vld [tilespmem:s8+$0x4320]  }
0x458: {  	v20 =	vld [tilespmem:s31+$0x4310];
	[tilespmem:s15+$0x9F60] =	vst v7  }
0x459: {  	[tilespmem:s8+$0xA300] =	vst v6;
	v5 =	vtrunc.f32 v18;
	v7 =	vld.idx.msk [tilespmem:v8+s24+$0x0], $0xffff  }
0x45a: {  	v26 =	vtrunc.f32 v22;
	v5 =	vcvt.f32.s32 v5;
	v2 =	vld.idx.msk [tilespmem:v2+s24+$0x0], $0xffff;
	[tilespmem:s31+$0x9F60] =	vst v4  }
0x45b: {  	v4 =	vcvt.f32.s32 v26;
	v27 =	vld.idx.msk [tilespmem:v13+s24+$0x0], $0xffff;
	_ =	sdelay $0x1  }
0x45c: {  	v29 =	vld [tilespmem:s15+$0x4320]  }
0x45d: {  	v25 =	vtrunc.f32 v21;
	v32 =	vld [tilespmem:s31+$0x4320];
	[tilespmem:s15+$0x9F70] =	vst v7  }
0x45e: {  	v28 =	vtrunc.f32 v63;
	v6 =	vcvt.f32.s32 v25;
	v24 =	vld [tilespmem:s8+$0x4330];
	[tilespmem:s8+$0xA310] =	vst v2  }
0x45f: {  	v30 =	vtrunc.f32 v20;
	v5 =	vld.idx.msk [tilespmem:v5+s24+$0x0], $0xffff;
	v2 =	vcvt.f32.s32 v28;
	[tilespmem:s31+$0x9F70] =	vst v27  }
0x460: {  	v8 =	vcvt.f32.s32 v30;
	v4 =	vld.idx.msk [tilespmem:v4+s24+$0x0], $0xffff;
	_ =	sdelay $0x1  }
0x461: {  	v33 =	vld [tilespmem:s15+$0x4330]  }
0x462: {  	v31 =	vtrunc.f32 v24;
	v36 =	vld [tilespmem:s31+$0x4330]  }
0x463: {  	v35 =	vtrunc.f32 v29;
	v9 =	vcvt.f32.s32 v31;
	[tilespmem:s15+$0xA300] =	vst v5;
	v6 =	vld.idx.msk [tilespmem:v6+s24+$0x0], $0xffff  }
0x464: {  	v37 =	vtrunc.f32 v32;
	v5 =	vcvt.f32.s32 v35;
	v2 =	vld.idx.msk [tilespmem:v2+s24+$0x0], $0xffff;
	[tilespmem:s31+$0xA300] =	vst v4  }
0x465: {  	v4 =	vcvt.f32.s32 v37;
	v38 =	vld.idx.msk [tilespmem:v8+s24+$0x0], $0xffff  }
0x466: {  	v34 =	vld [tilespmem:s8+$0x4340]  }
0x467: {  	v43 =	vld [tilespmem:s15+$0x4340]  }
0x468: {  	v46 =	vld [tilespmem:s31+$0x4340];
	[tilespmem:s8+$0xA320] =	vst v6  }
0x469: {  	v42 =	vtrunc.f32 v33;
	v39 =	vld.idx.msk [tilespmem:v9+s24+$0x0], $0xffff;
	[tilespmem:s15+$0xA310] =	vst v2  }
0x46a: {  	v45 =	vtrunc.f32 v36;
	v9 =	vcvt.f32.s32 v42;
	v5 =	vld.idx.msk [tilespmem:v5+s24+$0x0], $0xffff;
	[tilespmem:s31+$0xA310] =	vst v38  }
0x46b: {  	v6 =	vcvt.f32.s32 v45;
	v4 =	vld.idx.msk [tilespmem:v4+s24+$0x0], $0xffff;
	_ =	sdelay $0x1  }
0x46c: {  	v44 =	vld [tilespmem:s8+$0x4350]  }
0x46d: {  	v40 =	vtrunc.f32 v34;
	v52 =	vld [tilespmem:s31+$0x4350]  }
0x46e: {  	v47 =	vtrunc.f32 v43;
	v50 =	vld [tilespmem:s15+$0x4350];
	v2 =	vcvt.f32.s32 v40;
	[tilespmem:s15+$0xA320] =	vst v5  }
0x46f: {  	v51 =	vtrunc.f32 v46;
	v5 =	vcvt.f32.s32 v47;
	v48 =	vld.idx.msk [tilespmem:v9+s24+$0x0], $0xffff;
	[tilespmem:s31+$0xA320] =	vst v4  }
0x470: {  	v4 =	vcvt.f32.s32 v51;
	v6 =	vld.idx.msk [tilespmem:v6+s24+$0x0], $0xffff  }
0x471: {  	v53 =	vld [tilespmem:s8+$0x4360]  }
0x472: {  	v58 =	vld [tilespmem:s31+$0x4360]  }
0x473: {  	v54 =	vtrunc.f32 v44;
	v56 =	vld [tilespmem:s15+$0x4360];
	[tilespmem:s8+$0xA330] =	vst v39  }
0x474: {  	v11 =	vtrunc.f32 v50;
	v8 =	vcvt.f32.s32 v54;
	v2 =	vld.idx.msk [tilespmem:v2+s24+$0x0], $0xffff;
	[tilespmem:s15+$0xA330] =	vst v48  }
0x475: {  	v57 =	vcvt.f32.s32 v11;
	v7 =	vtrunc.f32 v52;
	v5 =	vld.idx.msk [tilespmem:v5+s24+$0x0], $0xffff;
	[tilespmem:s31+$0xA330] =	vst v6  }
0x476: {  	v7 =	vcvt.f32.s32 v7;
	v4 =	vld.idx.msk [tilespmem:v4+s24+$0x0], $0xffff  }
0x477: {  	v41 =	vld [tilespmem:s8+$0x4370]  }
0x478: {  	v49 =	vld [tilespmem:s15+$0x4370]  }
0x479: {  	v55 =	vld [tilespmem:s31+$0x4370];
	[tilespmem:s8+$0xA340] =	vst v2;
	v2 =	vtrunc.f32 v53  }
0x47a: {  	v59 =	vtrunc.f32 v56;
	v8 =	vld.idx.msk [tilespmem:v8+s24+$0x0], $0xffff;
	v2 =	vcvt.f32.s32 v2;
	[tilespmem:s15+$0xA340] =	vst v5  }
0x47b: {  	v60 =	vtrunc.f32 v58;
	v5 =	vcvt.f32.s32 v59;
	v6 =	vld.idx.msk [tilespmem:v57+s24+$0x0], $0xffff;
	[tilespmem:s31+$0xA340] =	vst v4  }
0x47c: {  	v4 =	vcvt.f32.s32 v60;
	v7 =	vld.idx.msk [tilespmem:v7+s24+$0x0], $0xffff;
	_ =	sdelay $0x2  }
0x47d: {  	v61 =	vtrunc.f32 v41;
	[tilespmem:s8+$0xA350] =	vst v8  }
0x47e: {  	v62 =	vtrunc.f32 v49;
	v8 =	vcvt.f32.s32 v61;
	v2 =	vld.idx.msk [tilespmem:v2+s24+$0x0], $0xffff;
	[tilespmem:s15+$0xA350] =	vst v6  }
0x47f: {  	v63 =	vtrunc.f32 v55;
	v6 =	vcvt.f32.s32 v62;
	v5 =	vld.idx.msk [tilespmem:v5+s24+$0x0], $0xffff;
	[tilespmem:s31+$0xA350] =	vst v7  }
0x480: {  	v7 =	vcvt.f32.s32 v63;
	v4 =	vld.idx.msk [tilespmem:v4+s24+$0x0], $0xffff;
	_ =	sdelay $0x2  }
0x481: {  	v3 =	vld.idx.msk [tilespmem:v3+s24+$0x0], $0xffff;
	[tilespmem:s8+$0xA360] =	vst v2  }
0x482: {  	v2 =	vld.idx.msk [tilespmem:v8+s24+$0x0], $0xffff;
	[tilespmem:s15+$0xA360] =	vst v5  }
0x483: {  	v5 =	vld.idx.msk [tilespmem:v6+s24+$0x0], $0xffff;
	[tilespmem:s31+$0xA360] =	vst v4  }
0x484: {  	v4 =	vld.idx.msk [tilespmem:v7+s24+$0x0], $0xffff  }
0x485: {  	s18 =	sadd.s32 s18, s19  }
0x486: {  	s6 =	sadd.s32 s9, s6;
	s19 =	sor.u32 $0x4400, s18;
	[tilespmem:s20+$0xA370] =	vst v3  }
0x487: {  	s21 =	sor.u32 $0x4400, s6;
	v3 =	vld [tilespmem:s19+$0x300];
	[tilespmem:s8+$0xA370] =	vst v2;
	s8 =	sadd.s32 s11, s12  }
0x488: {  	s9 =	sadd.s32 s17, s30;
	v2 =	vld [tilespmem:s21+$0x300];
	s11 =	sor.u32 $0x4400, s8;
	[tilespmem:s15+$0xA370] =	vst v5  }
0x489: {  	s22 =	sor.u32 $0x4400, s9;
	v5 =	vld [tilespmem:s11+$0x300];
	[tilespmem:s31+$0xA370] =	vst v4  }
0x48a: {  	v4 =	vld [tilespmem:s22+$0x300];
	_ =	sdelay $0x1  }
0x48b: {  	v3 =	vtrunc.f32 v3  }
0x48c: {  	v3 =	vcvt.f32.s32 v3;
	v2 =	vtrunc.f32 v2  }
0x48d: {  	v2 =	vcvt.f32.s32 v2;
	v5 =	vtrunc.f32 v5  }
0x48e: {  	v5 =	vcvt.f32.s32 v5;
	v4 =	vtrunc.f32 v4  }
0x48f: {  	v4 =	vcvt.f32.s32 v4;
	_ =	sdelay $0x2  }
0x490: {  	v3 =	vld.idx.msk [tilespmem:v3+s24+$0x0], $0xffff  }
0x491: {  	v2 =	vld.idx.msk [tilespmem:v2+s24+$0x0], $0xffff  }
0x492: {  	v5 =	vld.idx.msk [tilespmem:v5+s24+$0x0], $0xffff  }
0x493: {  	v4 =	vld.idx.msk [tilespmem:v4+s24+$0x0], $0xffff;
	_ =	sdelay $0x1  }
0x494: {  	s28 =	sor.u32 $0x4410, s18;
	[tilespmem:s19+$0x6300] =	vst v3  }
0x495: {  	s30 =	sor.u32 $0x4410, s6;
	v3 =	vld [tilespmem:s28+$0x300];
	[tilespmem:s21+$0x6300] =	vst v2  }
0x496: {  	s31 =	sor.u32 $0x4410, s8;
	v2 =	vld [tilespmem:s30+$0x300];
	[tilespmem:s11+$0x6300] =	vst v5  }
0x497: {  	s19 =	sor.u32 $0x4410, s9;
	v5 =	vld [tilespmem:s31+$0x300];
	[tilespmem:s22+$0x6300] =	vst v4  }
0x498: {  	v4 =	vld [tilespmem:s19+$0x300];
	_ =	sdelay $0x1  }
0x499: {  	v3 =	vtrunc.f32 v3  }
0x49a: {  	v3 =	vcvt.f32.s32 v3;
	v2 =	vtrunc.f32 v2  }
0x49b: {  	v2 =	vcvt.f32.s32 v2;
	v5 =	vtrunc.f32 v5  }
0x49c: {  	v5 =	vcvt.f32.s32 v5;
	v4 =	vtrunc.f32 v4  }
0x49d: {  	v4 =	vcvt.f32.s32 v4;
	_ =	sdelay $0x2  }
0x49e: {  	v3 =	vld.idx.msk [tilespmem:v3+s24+$0x0], $0xffff  }
0x49f: {  	v2 =	vld.idx.msk [tilespmem:v2+s24+$0x0], $0xffff  }
0x4a0: {  	v5 =	vld.idx.msk [tilespmem:v5+s24+$0x0], $0xffff  }
0x4a1: {  	v4 =	vld.idx.msk [tilespmem:v4+s24+$0x0], $0xffff;
	_ =	sdelay $0x1  }
0x4a2: {  	s20 =	sor.u32 $0x4420, s18;
	[tilespmem:s28+$0x6300] =	vst v3  }
0x4a3: {  	v3 =	vld [tilespmem:s20+$0x300];
	s21 =	sor.u32 $0x4420, s6;
	[tilespmem:s30+$0x6300] =	vst v2  }
0x4a4: {  	s22 =	sor.u32 $0x4420, s8;
	v2 =	vld [tilespmem:s21+$0x300];
	[tilespmem:s31+$0x6300] =	vst v5  }
0x4a5: {  	s28 =	sor.u32 $0x4420, s9;
	v5 =	vld [tilespmem:s22+$0x300];
	[tilespmem:s19+$0x6300] =	vst v4  }
0x4a6: {  	v4 =	vld [tilespmem:s28+$0x300];
	_ =	sdelay $0x1  }
0x4a7: {  	v3 =	vtrunc.f32 v3  }
0x4a8: {  	v3 =	vcvt.f32.s32 v3;
	v2 =	vtrunc.f32 v2  }
0x4a9: {  	v2 =	vcvt.f32.s32 v2;
	v5 =	vtrunc.f32 v5  }
0x4aa: {  	v5 =	vcvt.f32.s32 v5;
	v4 =	vtrunc.f32 v4  }
0x4ab: {  	v4 =	vcvt.f32.s32 v4;
	_ =	sdelay $0x2  }
0x4ac: {  	v3 =	vld.idx.msk [tilespmem:v3+s24+$0x0], $0xffff  }
0x4ad: {  	v2 =	vld.idx.msk [tilespmem:v2+s24+$0x0], $0xffff  }
0x4ae: {  	v5 =	vld.idx.msk [tilespmem:v5+s24+$0x0], $0xffff  }
0x4af: {  	v4 =	vld.idx.msk [tilespmem:v4+s24+$0x0], $0xffff;
	_ =	sdelay $0x1  }
0x4b0: {  	[tilespmem:s20+$0x6300] =	vst v3;
	s30 =	sor.u32 $0x4430, s18  }
0x4b1: {  	v3 =	vld [tilespmem:s30+$0x300];
	s31 =	sor.u32 $0x4430, s6;
	[tilespmem:s21+$0x6300] =	vst v2  }
0x4b2: {  	s19 =	sor.u32 $0x4430, s8;
	v2 =	vld [tilespmem:s31+$0x300];
	[tilespmem:s22+$0x6300] =	vst v5  }
0x4b3: {  	s20 =	sor.u32 $0x4430, s9;
	v5 =	vld [tilespmem:s19+$0x300];
	[tilespmem:s28+$0x6300] =	vst v4  }
0x4b4: {  	v4 =	vld [tilespmem:s20+$0x300];
	_ =	sdelay $0x1  }
0x4b5: {  	v3 =	vtrunc.f32 v3  }
0x4b6: {  	v3 =	vcvt.f32.s32 v3;
	v2 =	vtrunc.f32 v2  }
0x4b7: {  	v2 =	vcvt.f32.s32 v2;
	v5 =	vtrunc.f32 v5  }
0x4b8: {  	v5 =	vcvt.f32.s32 v5;
	v4 =	vtrunc.f32 v4  }
0x4b9: {  	v4 =	vcvt.f32.s32 v4;
	_ =	sdelay $0x2  }
0x4ba: {  	v3 =	vld.idx.msk [tilespmem:v3+s24+$0x0], $0xffff  }
0x4bb: {  	v2 =	vld.idx.msk [tilespmem:v2+s24+$0x0], $0xffff  }
0x4bc: {  	v5 =	vld.idx.msk [tilespmem:v5+s24+$0x0], $0xffff  }
0x4bd: {  	v4 =	vld.idx.msk [tilespmem:v4+s24+$0x0], $0xffff;
	_ =	sdelay $0x1  }
0x4be: {  	[tilespmem:s30+$0x6300] =	vst v3;
	s21 =	sor.u32 $0x4440, s18  }
0x4bf: {  	v3 =	vld [tilespmem:s21+$0x300];
	s22 =	sor.u32 $0x4440, s6;
	[tilespmem:s31+$0x6300] =	vst v2  }
0x4c0: {  	s28 =	sor.u32 $0x4440, s8;
	v2 =	vld [tilespmem:s22+$0x300];
	[tilespmem:s19+$0x6300] =	vst v5  }
0x4c1: {  	s30 =	sor.u32 $0x4440, s9;
	v5 =	vld [tilespmem:s28+$0x300];
	[tilespmem:s20+$0x6300] =	vst v4  }
0x4c2: {  	v4 =	vld [tilespmem:s30+$0x300];
	_ =	sdelay $0x1  }
0x4c3: {  	v3 =	vtrunc.f32 v3  }
0x4c4: {  	v3 =	vcvt.f32.s32 v3;
	v2 =	vtrunc.f32 v2  }
0x4c5: {  	v2 =	vcvt.f32.s32 v2;
	v5 =	vtrunc.f32 v5  }
0x4c6: {  	v5 =	vcvt.f32.s32 v5;
	v4 =	vtrunc.f32 v4  }
0x4c7: {  	v4 =	vcvt.f32.s32 v4;
	_ =	sdelay $0x2  }
0x4c8: {  	v3 =	vld.idx.msk [tilespmem:v3+s24+$0x0], $0xffff  }
0x4c9: {  	v2 =	vld.idx.msk [tilespmem:v2+s24+$0x0], $0xffff  }
0x4ca: {  	v5 =	vld.idx.msk [tilespmem:v5+s24+$0x0], $0xffff  }
0x4cb: {  	v4 =	vld.idx.msk [tilespmem:v4+s24+$0x0], $0xffff  }
0x4cc: {  	[tilespmem:s29+$0x6300] =	vst v1;
	s31 =	sor.u32 $0x4450, s10  }
0x4cd: {  	[tilespmem:s21+$0x6300] =	vst v3;
	v1 =	vld [tilespmem:s31+$0x300];
	s20 =	sor.u32 $0x4450, s18  }
0x4ce: {  	s21 =	sor.u32 $0x4450, s6;
	v3 =	vld [tilespmem:s20+$0x300];
	[tilespmem:s22+$0x6300] =	vst v2  }
0x4cf: {  	s22 =	sor.u32 $0x4450, s8;
	v2 =	vld [tilespmem:s21+$0x300];
	[tilespmem:s28+$0x6300] =	vst v5  }
0x4d0: {  	s28 =	sor.u32 $0x4450, s9;
	v5 =	vld [tilespmem:s22+$0x300];
	[tilespmem:s30+$0x6300] =	vst v4  }
0x4d1: {  	v4 =	vld [tilespmem:s28+$0x300]  }
0x4d2: {  	v1 =	vtrunc.f32 v1  }
0x4d3: {  	v1 =	vcvt.f32.s32 v1;
	v3 =	vtrunc.f32 v3  }
0x4d4: {  	v3 =	vcvt.f32.s32 v3;
	v2 =	vtrunc.f32 v2  }
0x4d5: {  	v2 =	vcvt.f32.s32 v2;
	v5 =	vtrunc.f32 v5  }
0x4d6: {  	v5 =	vcvt.f32.s32 v5;
	v4 =	vtrunc.f32 v4  }
0x4d7: {  	v4 =	vcvt.f32.s32 v4;
	_ =	sdelay $0x1  }
0x4d8: {  	v1 =	vld.idx.msk [tilespmem:v1+s24+$0x0], $0xffff  }
0x4d9: {  	v3 =	vld.idx.msk [tilespmem:v3+s24+$0x0], $0xffff  }
0x4da: {  	v2 =	vld.idx.msk [tilespmem:v2+s24+$0x0], $0xffff  }
0x4db: {  	v5 =	vld.idx.msk [tilespmem:v5+s24+$0x0], $0xffff  }
0x4dc: {  	v4 =	vld.idx.msk [tilespmem:v4+s24+$0x0], $0xffff  }
0x4dd: {  	s29 =	sor.u32 $0x4460, s10;
	[tilespmem:s31+$0x6300] =	vst v1  }
0x4de: {  	v1 =	vld [tilespmem:s29+$0x300];
	[tilespmem:s20+$0x6300] =	vst v3;
	s30 =	sor.u32 $0x4460, s18  }
0x4df: {  	s31 =	sor.u32 $0x4460, s6;
	v3 =	vld [tilespmem:s30+$0x300];
	[tilespmem:s21+$0x6300] =	vst v2  }
0x4e0: {  	s20 =	sor.u32 $0x4460, s8;
	v2 =	vld [tilespmem:s31+$0x300];
	[tilespmem:s22+$0x6300] =	vst v5  }
0x4e1: {  	s21 =	sor.u32 $0x4460, s9;
	v5 =	vld [tilespmem:s20+$0x300];
	[tilespmem:s28+$0x6300] =	vst v4  }
0x4e2: {  	v4 =	vld [tilespmem:s21+$0x300]  }
0x4e3: {  	v1 =	vtrunc.f32 v1  }
0x4e4: {  	v1 =	vcvt.f32.s32 v1;
	v3 =	vtrunc.f32 v3  }
0x4e5: {  	v3 =	vcvt.f32.s32 v3;
	v2 =	vtrunc.f32 v2  }
0x4e6: {  	v2 =	vcvt.f32.s32 v2;
	v5 =	vtrunc.f32 v5  }
0x4e7: {  	v5 =	vcvt.f32.s32 v5;
	v4 =	vtrunc.f32 v4  }
0x4e8: {  	v4 =	vcvt.f32.s32 v4;
	_ =	sdelay $0x1  }
0x4e9: {  	v1 =	vld.idx.msk [tilespmem:v1+s24+$0x0], $0xffff  }
0x4ea: {  	v3 =	vld.idx.msk [tilespmem:v3+s24+$0x0], $0xffff  }
0x4eb: {  	v2 =	vld.idx.msk [tilespmem:v2+s24+$0x0], $0xffff  }
0x4ec: {  	v5 =	vld.idx.msk [tilespmem:v5+s24+$0x0], $0xffff  }
0x4ed: {  	v4 =	vld.idx.msk [tilespmem:v4+s24+$0x0], $0xffff  }
0x4ee: {  	[tilespmem:s29+$0x6300] =	vst v1;
	s22 =	sor.u32 $0x4470, s10  }
0x4ef: {  	v1 =	vld [tilespmem:s22+$0x300];
	[tilespmem:s30+$0x6300] =	vst v3;
	s28 =	sor.u32 $0x4470, s18  }
0x4f0: {  	s6 =	sor.u32 $0x4470, s6;
	v3 =	vld [tilespmem:s28+$0x300];
	[tilespmem:s31+$0x6300] =	vst v2  }
0x4f1: {  	s8 =	sor.u32 $0x4470, s8;
	v2 =	vld [tilespmem:s6+$0x300];
	[tilespmem:s20+$0x6300] =	vst v5  }
0x4f2: {  	s9 =	sor.u32 $0x4470, s9;
	v5 =	vld [tilespmem:s8+$0x300];
	[tilespmem:s21+$0x6300] =	vst v4  }
0x4f3: {  	v4 =	vld [tilespmem:s9+$0x300]  }
0x4f4: {  	v1 =	vtrunc.f32 v1  }
0x4f5: {  	v1 =	vcvt.f32.s32 v1;
	v3 =	vtrunc.f32 v3  }
0x4f6: {  	v3 =	vcvt.f32.s32 v3;
	v2 =	vtrunc.f32 v2  }
0x4f7: {  	v2 =	vcvt.f32.s32 v2;
	v5 =	vtrunc.f32 v5  }
0x4f8: {  	v5 =	vcvt.f32.s32 v5;
	v4 =	vtrunc.f32 v4  }
0x4f9: {  	v4 =	vcvt.f32.s32 v4;
	_ =	sdelay $0x1  }
0x4fa: {  	v1 =	vld.idx.msk [tilespmem:v1+s24+$0x0], $0xffff  }
0x4fb: {  	v3 =	vld.idx.msk [tilespmem:v3+s24+$0x0], $0xffff  }
0x4fc: {  	v2 =	vld.idx.msk [tilespmem:v2+s24+$0x0], $0xffff  }
0x4fd: {  	v5 =	vld.idx.msk [tilespmem:v5+s24+$0x0], $0xffff  }
0x4fe: {  	v4 =	vld.idx.msk [tilespmem:v4+s24+$0x0], $0xffff  }
0x4ff: {  	p0 =	seq.s32 s2, $0x17;
	[tilespmem:s22+$0x6300] =	vst v1  }
.Ltmp2:
0x500: {  	s29 =	sshrl.u32 s16, $0x3;
	[tilespmem:s28+$0x6300] =	vst v3;
	(pc) =	sbr.rel @p0 .LBB2_8-.Ltmp2, $4  }
0x501: {  	s30 =	smul.u32 $0x300, s29;
	[tilespmem:s6+$0x6300] =	vst v2  }
0x502: {  	[tilespmem:s8+$0x6300] =	vst v5  }
0x503: {  	s31 =	simm.s32 $0x9300;
	s6 =	sadd.s32 s3, s30;
	[tilespmem:s9+$0x6300] =	vst v4  }
0x504: {  	[hbm4b:s6+s4] =	stream.linear.scatter [tilespmem:s31], [sflag:$0x4], $0x3000, $0x38;
	[tilespmem:$0xC300] =	vst v63  }
0x505: {  	s0 =	sadd.s32 s0, s14  }
.Ltmp3:
0x506: {  	s0 =	sshrl.u32 s0, $0x3;
	(pc) =	sbr.rel .LBB2_2-.Ltmp3, $3  }
0x507: {  	s0 =	smul.u32 $0x300, s0;
	_ =	sdelay $0x1  }
0x508: {  	s6 =	simm.s32 $0x3300;
	s2 =	sadd.s32 $0x1, s2;
	s0 =	sadd.s32 s1, s0  }
0x509: {  	[tilespmem:s6], [sflag:$0x2] =	stream.linear.gather [hbm4b:s0+s4], $0x3000, $0x38;
	[tilespmem:$0xC300] =	vst v63  }
.LBB2_8:
0x50a: {  	_ =	swait.ge [sflag:s23], $0x3000  }
0x50b: {  	[sflag:s23] =	ssyncset.done $0x0  }
0x50c: {  	s0 =	simm.s32 $0x0;
	s12 =	simm.s32 $0x3;
	[sflag:s23] =	ssyncadd.s32 $0xFFFFD000  }
0x50d: {  	s2 =	simm.s32 $0x0;
	s0 =	smul.u32 $0x1800, s0;
	_ =	swait.ge [sflag:s12], $0x3000  }
0x50e: {  	s2 =	sand.u32 $0x380, s2;
	[sflag:s12] =	ssyncset.done $0x0  }
0x50f: {  	s0 =	sor.u32 s2, s0;
	[sflag:s12] =	ssyncadd.s32 $0xFFFFD000  }
0x510: {  	v1 =	vld [tilespmem:s0+$0x300];
	_ =	sdelay $0x4  }
0x511: {  	v1 =	vtrunc.f32 v1  }
0x512: {  	v2 =	vld [tilespmem:s0+$0x310];
	v1 =	vcvt.f32.s32 v1;
	_ =	sdelay $0x4  }
0x513: {  	v3 =	vld [tilespmem:s0+$0x320];
	v2 =	vtrunc.f32 v2  }
0x514: {  	v2 =	vcvt.f32.s32 v2;
	v1 =	vld.idx.msk [tilespmem:v1+s24+$0x0], $0xffff;
	_ =	sdelay $0x4  }
0x515: {  	[tilespmem:s0+$0x6300] =	vst v1;
	v1 =	vtrunc.f32 v3;
	v3 =	vld [tilespmem:s0+$0x330]  }
0x516: {  	v2 =	vld.idx.msk [tilespmem:v2+s24+$0x0], $0xffff;
	v1 =	vcvt.f32.s32 v1;
	_ =	sdelay $0x4  }
0x517: {  	[tilespmem:s0+$0x6310] =	vst v2;
	v2 =	vtrunc.f32 v3;
	v3 =	vld [tilespmem:s0+$0x340]  }
0x518: {  	v1 =	vld.idx.msk [tilespmem:v1+s24+$0x0], $0xffff;
	v2 =	vcvt.f32.s32 v2;
	_ =	sdelay $0x4  }
0x519: {  	[tilespmem:s0+$0x6320] =	vst v1;
	v1 =	vtrunc.f32 v3;
	v3 =	vld [tilespmem:s0+$0x350]  }
0x51a: {  	v2 =	vld.idx.msk [tilespmem:v2+s24+$0x0], $0xffff;
	v1 =	vcvt.f32.s32 v1;
	_ =	sdelay $0x4  }
0x51b: {  	[tilespmem:s0+$0x6330] =	vst v2;
	v2 =	vtrunc.f32 v3;
	v3 =	vld [tilespmem:s0+$0x360]  }
0x51c: {  	v1 =	vld.idx.msk [tilespmem:v1+s24+$0x0], $0xffff;
	v2 =	vcvt.f32.s32 v2;
	_ =	sdelay $0x4  }
0x51d: {  	[tilespmem:s0+$0x6340] =	vst v1;
	v1 =	vtrunc.f32 v3;
	v3 =	vld [tilespmem:s0+$0x370]  }
0x51e: {  	v2 =	vld.idx.msk [tilespmem:v2+s24+$0x0], $0xffff;
	v1 =	vcvt.f32.s32 v1;
	_ =	sdelay $0x4  }
0x51f: {  	[tilespmem:s0+$0x6350] =	vst v2;
	v2 =	vtrunc.f32 v3;
	v3 =	vld [tilespmem:s0+$0x700]  }
0x520: {  	v1 =	vld.idx.msk [tilespmem:v1+s24+$0x0], $0xffff;
	v2 =	vcvt.f32.s32 v2;
	_ =	sdelay $0x4  }
0x521: {  	[tilespmem:s0+$0x6360] =	vst v1;
	v1 =	vtrunc.f32 v3;
	v3 =	vld [tilespmem:s0+$0x710]  }
0x522: {  	v2 =	vld.idx.msk [tilespmem:v2+s24+$0x0], $0xffff;
	v1 =	vcvt.f32.s32 v1;
	_ =	sdelay $0x4  }
0x523: {  	[tilespmem:s0+$0x6370] =	vst v2;
	v2 =	vtrunc.f32 v3;
	v3 =	vld [tilespmem:s0+$0x720]  }
0x524: {  	v1 =	vld.idx.msk [tilespmem:v1+s24+$0x0], $0xffff;
	v2 =	vcvt.f32.s32 v2;
	_ =	sdelay $0x4  }
0x525: {  	[tilespmem:s0+$0x6700] =	vst v1;
	v1 =	vtrunc.f32 v3;
	v3 =	vld [tilespmem:s0+$0x730]  }
0x526: {  	v2 =	vld.idx.msk [tilespmem:v2+s24+$0x0], $0xffff;
	v1 =	vcvt.f32.s32 v1;
	_ =	sdelay $0x4  }
0x527: {  	[tilespmem:s0+$0x6710] =	vst v2;
	v2 =	vtrunc.f32 v3;
	v3 =	vld [tilespmem:s0+$0x740]  }
0x528: {  	s29 =	simm.s32 $0x0;
	v1 =	vld.idx.msk [tilespmem:v1+s24+$0x0], $0xffff;
	v2 =	vcvt.f32.s32 v2  }
0x529: {  	s6 =	simm.s32 $0x80;
	s2 =	smul.u32 $0x1800, s29  }
0x52a: {  	s6 =	sand.u32 $0x380, s6  }
0x52b: {  	s2 =	sor.u32 s6, s2  }
0x52c: {  	v4 =	vld [tilespmem:s2+$0x300]  }
0x52d: {  	[tilespmem:s0+$0x6720] =	vst v1;
	v1 =	vtrunc.f32 v3;
	v3 =	vld [tilespmem:s0+$0x750]  }
0x52e: {  	v2 =	vld.idx.msk [tilespmem:v2+s24+$0x0], $0xffff;
	v1 =	vcvt.f32.s32 v1;
	_ =	sdelay $0x2  }
0x52f: {  	v4 =	vtrunc.f32 v4  }
0x530: {  	v5 =	vld [tilespmem:s2+$0x310];
	v4 =	vcvt.f32.s32 v4  }
0x531: {  	[tilespmem:s0+$0x6730] =	vst v2;
	v2 =	vtrunc.f32 v3;
	v3 =	vld [tilespmem:s0+$0x760]  }
0x532: {  	v1 =	vld.idx.msk [tilespmem:v1+s24+$0x0], $0xffff;
	v2 =	vcvt.f32.s32 v2;
	_ =	sdelay $0x2  }
0x533: {  	v6 =	vld [tilespmem:s2+$0x320];
	v5 =	vtrunc.f32 v5  }
0x534: {  	v5 =	vcvt.f32.s32 v5;
	v4 =	vld.idx.msk [tilespmem:v4+s24+$0x0], $0xffff  }
0x535: {  	[tilespmem:s0+$0x6740] =	vst v1;
	v1 =	vtrunc.f32 v3;
	v3 =	vld [tilespmem:s0+$0x770]  }
0x536: {  	v2 =	vld.idx.msk [tilespmem:v2+s24+$0x0], $0xffff;
	v1 =	vcvt.f32.s32 v1;
	_ =	sdelay $0x2  }
0x537: {  	[tilespmem:s2+$0x6300] =	vst v4;
	v4 =	vtrunc.f32 v6;
	v6 =	vld [tilespmem:s2+$0x330]  }
0x538: {  	v5 =	vld.idx.msk [tilespmem:v5+s24+$0x0], $0xffff;
	v4 =	vcvt.f32.s32 v4  }
0x539: {  	[tilespmem:s0+$0x6750] =	vst v2;
	v2 =	vtrunc.f32 v3;
	v3 =	vld [tilespmem:s0+$0xB00]  }
0x53a: {  	v1 =	vld.idx.msk [tilespmem:v1+s24+$0x0], $0xffff;
	v2 =	vcvt.f32.s32 v2;
	_ =	sdelay $0x2  }
0x53b: {  	[tilespmem:s2+$0x6310] =	vst v5;
	v5 =	vtrunc.f32 v6;
	v6 =	vld [tilespmem:s2+$0x340]  }
0x53c: {  	v4 =	vld.idx.msk [tilespmem:v4+s24+$0x0], $0xffff;
	v5 =	vcvt.f32.s32 v5  }
0x53d: {  	[tilespmem:s0+$0x6760] =	vst v1;
	v1 =	vtrunc.f32 v3;
	v3 =	vld [tilespmem:s0+$0xB10]  }
0x53e: {  	v2 =	vld.idx.msk [tilespmem:v2+s24+$0x0], $0xffff;
	v1 =	vcvt.f32.s32 v1;
	_ =	sdelay $0x2  }
0x53f: {  	[tilespmem:s2+$0x6320] =	vst v4;
	v4 =	vtrunc.f32 v6;
	v6 =	vld [tilespmem:s2+$0x350]  }
0x540: {  	v5 =	vld.idx.msk [tilespmem:v5+s24+$0x0], $0xffff;
	v4 =	vcvt.f32.s32 v4  }
0x541: {  	[tilespmem:s0+$0x6770] =	vst v2;
	v2 =	vtrunc.f32 v3;
	v3 =	vld [tilespmem:s0+$0xB20]  }
0x542: {  	v1 =	vld.idx.msk [tilespmem:v1+s24+$0x0], $0xffff;
	v2 =	vcvt.f32.s32 v2;
	_ =	sdelay $0x2  }
0x543: {  	[tilespmem:s2+$0x6330] =	vst v5;
	v5 =	vtrunc.f32 v6;
	v6 =	vld [tilespmem:s2+$0x360]  }
0x544: {  	v4 =	vld.idx.msk [tilespmem:v4+s24+$0x0], $0xffff;
	v5 =	vcvt.f32.s32 v5  }
0x545: {  	[tilespmem:s0+$0x6B00] =	vst v1;
	v1 =	vtrunc.f32 v3;
	v3 =	vld [tilespmem:s0+$0xB30]  }
0x546: {  	v2 =	vld.idx.msk [tilespmem:v2+s24+$0x0], $0xffff;
	v1 =	vcvt.f32.s32 v1;
	_ =	sdelay $0x2  }
0x547: {  	[tilespmem:s2+$0x6340] =	vst v4;
	v4 =	vtrunc.f32 v6;
	v6 =	vld [tilespmem:s2+$0x370]  }
0x548: {  	v5 =	vld.idx.msk [tilespmem:v5+s24+$0x0], $0xffff;
	v4 =	vcvt.f32.s32 v4  }
0x549: {  	[tilespmem:s0+$0x6B10] =	vst v2;
	v2 =	vtrunc.f32 v3;
	v3 =	vld [tilespmem:s0+$0xB40]  }
0x54a: {  	v1 =	vld.idx.msk [tilespmem:v1+s24+$0x0], $0xffff;
	v2 =	vcvt.f32.s32 v2;
	_ =	sdelay $0x2  }
0x54b: {  	[tilespmem:s2+$0x6350] =	vst v5;
	v5 =	vtrunc.f32 v6;
	v6 =	vld [tilespmem:s2+$0x700]  }
0x54c: {  	v4 =	vld.idx.msk [tilespmem:v4+s24+$0x0], $0xffff;
	v5 =	vcvt.f32.s32 v5  }
0x54d: {  	[tilespmem:s0+$0x6B20] =	vst v1;
	v1 =	vtrunc.f32 v3;
	v3 =	vld [tilespmem:s0+$0xB50]  }
0x54e: {  	v2 =	vld.idx.msk [tilespmem:v2+s24+$0x0], $0xffff;
	v1 =	vcvt.f32.s32 v1;
	_ =	sdelay $0x2  }
0x54f: {  	[tilespmem:s2+$0x6360] =	vst v4;
	v4 =	vtrunc.f32 v6;
	v6 =	vld [tilespmem:s2+$0x710]  }
0x550: {  	v5 =	vld.idx.msk [tilespmem:v5+s24+$0x0], $0xffff;
	v4 =	vcvt.f32.s32 v4  }
0x551: {  	[tilespmem:s0+$0x6B30] =	vst v2;
	v2 =	vtrunc.f32 v3;
	v3 =	vld [tilespmem:s0+$0xB60]  }
0x552: {  	v1 =	vld.idx.msk [tilespmem:v1+s24+$0x0], $0xffff;
	v2 =	vcvt.f32.s32 v2;
	_ =	sdelay $0x2  }
0x553: {  	[tilespmem:s2+$0x6370] =	vst v5;
	v5 =	vtrunc.f32 v6;
	v6 =	vld [tilespmem:s2+$0x720]  }
0x554: {  	v4 =	vld.idx.msk [tilespmem:v4+s24+$0x0], $0xffff;
	v5 =	vcvt.f32.s32 v5  }
0x555: {  	[tilespmem:s0+$0x6B40] =	vst v1;
	v1 =	vtrunc.f32 v3;
	v3 =	vld [tilespmem:s0+$0xB70]  }
0x556: {  	v2 =	vld.idx.msk [tilespmem:v2+s24+$0x0], $0xffff;
	v1 =	vcvt.f32.s32 v1;
	_ =	sdelay $0x2  }
0x557: {  	[tilespmem:s2+$0x6700] =	vst v4;
	v4 =	vtrunc.f32 v6;
	v6 =	vld [tilespmem:s2+$0x730]  }
0x558: {  	v5 =	vld.idx.msk [tilespmem:v5+s24+$0x0], $0xffff;
	v4 =	vcvt.f32.s32 v4  }
0x559: {  	[tilespmem:s0+$0x6B50] =	vst v2;
	v2 =	vtrunc.f32 v3;
	v3 =	vld [tilespmem:s0+$0xF00]  }
0x55a: {  	v1 =	vld.idx.msk [tilespmem:v1+s24+$0x0], $0xffff;
	v2 =	vcvt.f32.s32 v2;
	_ =	sdelay $0x2  }
0x55b: {  	[tilespmem:s2+$0x6710] =	vst v5;
	v5 =	vtrunc.f32 v6;
	v6 =	vld [tilespmem:s2+$0x740]  }
0x55c: {  	s30 =	simm.s32 $0x0;
	v4 =	vld.idx.msk [tilespmem:v4+s24+$0x0], $0xffff;
	v5 =	vcvt.f32.s32 v5  }
0x55d: {  	s8 =	simm.s32 $0x100;
	s6 =	smul.u32 $0x1800, s30;
	[tilespmem:s0+$0x6B60] =	vst v1;
	v1 =	vtrunc.f32 v3;
	v3 =	vld [tilespmem:s0+$0xF10]  }
0x55e: {  	s8 =	sand.u32 $0x380, s8;
	v2 =	vld.idx.msk [tilespmem:v2+s24+$0x0], $0xffff;
	v1 =	vcvt.f32.s32 v1  }
0x55f: {  	s6 =	sor.u32 s8, s6  }
0x560: {  	v7 =	vld [tilespmem:s6+$0x300]  }
0x561: {  	[tilespmem:s2+$0x6720] =	vst v4;
	v4 =	vtrunc.f32 v6;
	v6 =	vld [tilespmem:s2+$0x750]  }
0x562: {  	v5 =	vld.idx.msk [tilespmem:v5+s24+$0x0], $0xffff;
	v4 =	vcvt.f32.s32 v4  }
0x563: {  	[tilespmem:s0+$0x6B70] =	vst v2;
	v2 =	vtrunc.f32 v3;
	v3 =	vld [tilespmem:s0+$0xF20]  }
0x564: {  	v1 =	vld.idx.msk [tilespmem:v1+s24+$0x0], $0xffff;
	v2 =	vcvt.f32.s32 v2  }
0x565: {  	v7 =	vtrunc.f32 v7  }
0x566: {  	v8 =	vld [tilespmem:s6+$0x310];
	v7 =	vcvt.f32.s32 v7  }
0x567: {  	[tilespmem:s2+$0x6730] =	vst v5;
	v5 =	vtrunc.f32 v6;
	v6 =	vld [tilespmem:s2+$0x760]  }
0x568: {  	v4 =	vld.idx.msk [tilespmem:v4+s24+$0x0], $0xffff;
	v5 =	vcvt.f32.s32 v5  }
0x569: {  	[tilespmem:s0+$0x6F00] =	vst v1;
	v1 =	vtrunc.f32 v3;
	v3 =	vld [tilespmem:s0+$0xF30]  }
0x56a: {  	v2 =	vld.idx.msk [tilespmem:v2+s24+$0x0], $0xffff;
	v1 =	vcvt.f32.s32 v1  }
0x56b: {  	v9 =	vld [tilespmem:s6+$0x320];
	v8 =	vtrunc.f32 v8  }
0x56c: {  	v8 =	vcvt.f32.s32 v8;
	v7 =	vld.idx.msk [tilespmem:v7+s24+$0x0], $0xffff  }
0x56d: {  	[tilespmem:s2+$0x6740] =	vst v4;
	v4 =	vtrunc.f32 v6;
	v6 =	vld [tilespmem:s2+$0x770]  }
0x56e: {  	v5 =	vld.idx.msk [tilespmem:v5+s24+$0x0], $0xffff;
	v4 =	vcvt.f32.s32 v4  }
0x56f: {  	[tilespmem:s0+$0x6F10] =	vst v2;
	v2 =	vtrunc.f32 v3;
	v3 =	vld [tilespmem:s0+$0xF40]  }
0x570: {  	v1 =	vld.idx.msk [tilespmem:v1+s24+$0x0], $0xffff;
	v2 =	vcvt.f32.s32 v2  }
0x571: {  	[tilespmem:s6+$0x6300] =	vst v7;
	v7 =	vtrunc.f32 v9;
	v9 =	vld [tilespmem:s6+$0x330]  }
0x572: {  	v8 =	vld.idx.msk [tilespmem:v8+s24+$0x0], $0xffff;
	v7 =	vcvt.f32.s32 v7  }
0x573: {  	[tilespmem:s2+$0x6750] =	vst v5;
	v5 =	vtrunc.f32 v6;
	v6 =	vld [tilespmem:s2+$0xB00]  }
0x574: {  	v4 =	vld.idx.msk [tilespmem:v4+s24+$0x0], $0xffff;
	v5 =	vcvt.f32.s32 v5  }
0x575: {  	[tilespmem:s0+$0x6F20] =	vst v1;
	v1 =	vtrunc.f32 v3;
	v3 =	vld [tilespmem:s0+$0xF50]  }
0x576: {  	v2 =	vld.idx.msk [tilespmem:v2+s24+$0x0], $0xffff;
	v1 =	vcvt.f32.s32 v1  }
0x577: {  	[tilespmem:s6+$0x6310] =	vst v8;
	v8 =	vtrunc.f32 v9;
	v9 =	vld [tilespmem:s6+$0x340]  }
0x578: {  	v7 =	vld.idx.msk [tilespmem:v7+s24+$0x0], $0xffff;
	v8 =	vcvt.f32.s32 v8  }
0x579: {  	[tilespmem:s2+$0x6760] =	vst v4;
	v4 =	vtrunc.f32 v6;
	v6 =	vld [tilespmem:s2+$0xB10]  }
0x57a: {  	v5 =	vld.idx.msk [tilespmem:v5+s24+$0x0], $0xffff;
	v4 =	vcvt.f32.s32 v4  }
0x57b: {  	[tilespmem:s0+$0x6F30] =	vst v2;
	v2 =	vtrunc.f32 v3;
	v3 =	vld [tilespmem:s0+$0xF60]  }
0x57c: {  	v1 =	vld.idx.msk [tilespmem:v1+s24+$0x0], $0xffff;
	v2 =	vcvt.f32.s32 v2  }
0x57d: {  	[tilespmem:s6+$0x6320] =	vst v7;
	v7 =	vtrunc.f32 v9;
	v9 =	vld [tilespmem:s6+$0x350]  }
0x57e: {  	v8 =	vld.idx.msk [tilespmem:v8+s24+$0x0], $0xffff;
	v7 =	vcvt.f32.s32 v7  }
0x57f: {  	[tilespmem:s2+$0x6770] =	vst v5;
	v5 =	vtrunc.f32 v6;
	v6 =	vld [tilespmem:s2+$0xB20]  }
0x580: {  	v4 =	vld.idx.msk [tilespmem:v4+s24+$0x0], $0xffff;
	v5 =	vcvt.f32.s32 v5  }
0x581: {  	[tilespmem:s0+$0x6F40] =	vst v1;
	v1 =	vtrunc.f32 v3;
	v3 =	vld [tilespmem:s0+$0xF70]  }
0x582: {  	v2 =	vld.idx.msk [tilespmem:v2+s24+$0x0], $0xffff;
	v1 =	vcvt.f32.s32 v1  }
0x583: {  	[tilespmem:s6+$0x6330] =	vst v8;
	v8 =	vtrunc.f32 v9;
	v9 =	vld [tilespmem:s6+$0x360]  }
0x584: {  	v7 =	vld.idx.msk [tilespmem:v7+s24+$0x0], $0xffff;
	v8 =	vcvt.f32.s32 v8  }
0x585: {  	[tilespmem:s2+$0x6B00] =	vst v4;
	v4 =	vtrunc.f32 v6;
	v6 =	vld [tilespmem:s2+$0xB30]  }
0x586: {  	v5 =	vld.idx.msk [tilespmem:v5+s24+$0x0], $0xffff;
	v4 =	vcvt.f32.s32 v4  }
0x587: {  	[tilespmem:s0+$0x6F50] =	vst v2;
	v2 =	vtrunc.f32 v3;
	v3 =	vld [tilespmem:s0+$0x1300]  }
0x588: {  	v1 =	vld.idx.msk [tilespmem:v1+s24+$0x0], $0xffff;
	v2 =	vcvt.f32.s32 v2  }
0x589: {  	[tilespmem:s6+$0x6340] =	vst v7;
	v7 =	vtrunc.f32 v9;
	v9 =	vld [tilespmem:s6+$0x370]  }
0x58a: {  	v8 =	vld.idx.msk [tilespmem:v8+s24+$0x0], $0xffff  }
0x58b: {  	v7 =	vcvt.f32.s32 v7;
	[tilespmem:s2+$0x6B10] =	vst v5;
	v5 =	vtrunc.f32 v6;
	v6 =	vld [tilespmem:s2+$0xB40]  }
0x58c: {  	v4 =	vld.idx.msk [tilespmem:v4+s24+$0x0], $0xffff;
	v5 =	vcvt.f32.s32 v5  }
0x58d: {  	[tilespmem:s0+$0x6F60] =	vst v1;
	v1 =	vtrunc.f32 v3;
	v3 =	vld [tilespmem:s0+$0x1310]  }
0x58e: {  	v2 =	vld.idx.msk [tilespmem:v2+s24+$0x0], $0xffff;
	v1 =	vcvt.f32.s32 v1;
	_ =	sdelay $0x1  }
0x58f: {  	[tilespmem:s6+$0x6350] =	vst v8;
	v8 =	vtrunc.f32 v9;
	v9 =	vld [tilespmem:s6+$0x700]  }
0x590: {  	v7 =	vld.idx.msk [tilespmem:v7+s24+$0x0], $0xffff;
	[tilespmem:s2+$0x6B20] =	vst v4  }
0x591: {  	v8 =	vcvt.f32.s32 v8;
	v4 =	vtrunc.f32 v6;
	v5 =	vld.idx.msk [tilespmem:v5+s24+$0x0], $0xffff  }
0x592: {  	v4 =	vcvt.f32.s32 v4;
	[tilespmem:s0+$0x6F70] =	vst v2;
	v2 =	vtrunc.f32 v3;
	v3 =	vld [tilespmem:s0+$0x1320]  }
0x593: {  	v1 =	vld.idx.msk [tilespmem:v1+s24+$0x0], $0xffff;
	v2 =	vcvt.f32.s32 v2  }
0x594: {  	v6 =	vld [tilespmem:s2+$0xB50];
	_ =	sdelay $0x1  }
0x595: {  	v10 =	vld [tilespmem:s6+$0x710];
	v9 =	vtrunc.f32 v9;
	[tilespmem:s6+$0x6360] =	vst v7  }
0x596: {  	v9 =	vcvt.f32.s32 v9;
	v8 =	vld.idx.msk [tilespmem:v8+s24+$0x0], $0xffff;
	[tilespmem:s2+$0x6B30] =	vst v5  }
0x597: {  	v4 =	vld.idx.msk [tilespmem:v4+s24+$0x0], $0xffff;
	[tilespmem:s0+$0x7300] =	vst v1;
	v1 =	vtrunc.f32 v3  }
0x598: {  	v5 =	vtrunc.f32 v6;
	v2 =	vld.idx.msk [tilespmem:v2+s24+$0x0], $0xffff;
	v1 =	vcvt.f32.s32 v1  }
0x599: {  	v5 =	vcvt.f32.s32 v5;
	v3 =	vld [tilespmem:s0+$0x1330]  }
0x59a: {  	v6 =	vld [tilespmem:s2+$0xB60]  }
0x59b: {  	v11 =	vld [tilespmem:s6+$0x720];
	[tilespmem:s6+$0x6370] =	vst v8  }
0x59c: {  	v10 =	vtrunc.f32 v10;
	v9 =	vld.idx.msk [tilespmem:v9+s24+$0x0], $0xffff  }
0x59d: {  	v10 =	vcvt.f32.s32 v10;
	v7 =	vld [tilespmem:s0+$0x1340];
	[tilespmem:s0+$0x7310] =	vst v2  }
0x59e: {  	[tilespmem:s2+$0x6B40] =	vst v4;
	v2 =	vld.idx.msk [tilespmem:v1+s24+$0x0], $0xffff;
	v1 =	vtrunc.f32 v3  }
0x59f: {  	v4 =	vld.idx.msk [tilespmem:v5+s24+$0x0], $0xffff;
	v5 =	vtrunc.f32 v6;
	v3 =	vcvt.f32.s32 v1  }
0x5a0: {  	v5 =	vcvt.f32.s32 v5  }
0x5a1: {  	v6 =	vld [tilespmem:s2+$0xB70]  }
0x5a2: {  	v12 =	vld [tilespmem:s6+$0x730];
	v11 =	vtrunc.f32 v11;
	[tilespmem:s6+$0x6700] =	vst v9  }
0x5a3: {  	v11 =	vcvt.f32.s32 v11;
	v10 =	vld.idx.msk [tilespmem:v10+s24+$0x0], $0xffff  }
0x5a4: {  	v8 =	vld [tilespmem:s0+$0x1350];
	[tilespmem:s0+$0x7320] =	vst v2;
	v2 =	vtrunc.f32 v7  }
0x5a5: {  	[tilespmem:s2+$0x6B50] =	vst v4;
	v7 =	vcvt.f32.s32 v2;
	v3 =	vld.idx.msk [tilespmem:v3+s24+$0x0], $0xffff  }
0x5a6: {  	v4 =	vld.idx.msk [tilespmem:v5+s24+$0x0], $0xffff;
	v5 =	vtrunc.f32 v6  }
0x5a7: {  	v6 =	vld [tilespmem:s2+$0xF00];
	v5 =	vcvt.f32.s32 v5  }
0x5a8: {  	v14 =	vld [tilespmem:s6+$0x740];
	[tilespmem:s6+$0x6710] =	vst v10  }
0x5a9: {  	v10 =	vld.idx.msk [tilespmem:v11+s24+$0x0], $0xffff  }
0x5aa: {  	v9 =	vld [tilespmem:s0+$0x1360];
	[tilespmem:s0+$0x7330] =	vst v3;
	v3 =	vtrunc.f32 v8  }
0x5ab: {  	v11 =	vtrunc.f32 v12;
	v7 =	vld.idx.msk [tilespmem:v7+s24+$0x0], $0xffff;
	v8 =	vcvt.f32.s32 v3  }
0x5ac: {  	v13 =	vld [tilespmem:s2+$0xF10];
	v11 =	vcvt.f32.s32 v11;
	[tilespmem:s2+$0x6B60] =	vst v4;
	v4 =	vtrunc.f32 v6  }
0x5ad: {  	v6 =	vcvt.f32.s32 v4;
	v5 =	vld.idx.msk [tilespmem:v5+s24+$0x0], $0xffff  }
0x5ae: {  	v16 =	vld [tilespmem:s2+$0xF20]  }
0x5af: {  	v12 =	vld [tilespmem:s6+$0x750]  }
0x5b0: {  	v4 =	vtrunc.f32 v9;
	v9 =	vld [tilespmem:s0+$0x1370];
	[tilespmem:s0+$0x7340] =	vst v7  }
0x5b1: {  	[tilespmem:s6+$0x6720] =	vst v10;
	v7 =	vld.idx.msk [tilespmem:v8+s24+$0x0], $0xffff;
	v8 =	vcvt.f32.s32 v4  }
0x5b2: {  	v11 =	vld.idx.msk [tilespmem:v11+s24+$0x0], $0xffff;
	[tilespmem:s2+$0x6B70] =	vst v5  }
0x5b3: {  	v5 =	vtrunc.f32 v13;
	v15 =	vld.idx.msk [tilespmem:v6+s24+$0x0], $0xffff  }
0x5b4: {  	v13 =	vcvt.f32.s32 v5;
	v5 =	vld [tilespmem:s0+$0x1730]  }
0x5b5: {  	v6 =	vld [tilespmem:s0+$0x1700]  }
0x5b6: {  	v1 =	vld [tilespmem:s0+$0x1770];
	[tilespmem:s0+$0x7350] =	vst v7;
	v7 =	vtrunc.f32 v9  }
0x5b7: {  	v17 =	vld.idx.msk [tilespmem:v8+s24+$0x0], $0xffff;
	v7 =	vcvt.f32.s32 v7  }
0x5b8: {  	v2 =	vld [tilespmem:s0+$0x1760]  }
0x5b9: {  	[tilespmem:s2+$0x6F00] =	vst v15;
	v3 =	vld [tilespmem:s0+$0x1750];
	v9 =	vtrunc.f32 v14  }
0x5ba: {  	v8 =	vld.idx.msk [tilespmem:v13+s24+$0x0], $0xffff;
	v13 =	vcvt.f32.s32 v9  }
0x5bb: {  	s31 =	simm.s32 $0x0;
	v10 =	vtrunc.f32 v16;
	v4 =	vld [tilespmem:s0+$0x1740]  }
0x5bc: {  	s9 =	simm.s32 $0x4;
	s10 =	smul.u32 $0x1800, s31;
	s8 =	simm.s32 $0x180;
	v9 =	vcvt.f32.s32 v10;
	v10 =	vld [tilespmem:s2+$0xF30];
	[tilespmem:s0+$0x7360] =	vst v17  }
.LBB2_9:
0x5bd: {  	p0 =	sne.s32 s9, $0xF;
	s11 =	sand.u32 $0x380, s8;
	v7 =	vld.idx.msk [tilespmem:v7+s24+$0x0], $0xffff;
	v6 =	vtrunc.f32 v6  }
0x5be: {  	s10 =	sor.u32 s11, s10;
	v6 =	vcvt.f32.s32 v6;
	v14 =	vld [tilespmem:s0+$0x1710]  }
0x5bf: {  	v15 =	vld [tilespmem:s10+$0x300];
	[tilespmem:s6+$0x6730] =	vst v11  }
0x5c0: {  	v12 =	vtrunc.f32 v12;
	v11 =	vld.idx.msk [tilespmem:v13+s24+$0x0], $0xffff  }
0x5c1: {  	v12 =	vcvt.f32.s32 v12;
	v13 =	vld [tilespmem:s6+$0x760];
	[tilespmem:s2+$0x6F10] =	vst v8  }
0x5c2: {  	v8 =	vld.idx.msk [tilespmem:v9+s24+$0x0], $0xffff;
	v9 =	vtrunc.f32 v10  }
0x5c3: {  	v9 =	vcvt.f32.s32 v9;
	v10 =	vld [tilespmem:s2+$0xF40];
	[tilespmem:s0+$0x7370] =	vst v7  }
0x5c4: {  	v7 =	vtrunc.f32 v14;
	v6 =	vld.idx.msk [tilespmem:v6+s24+$0x0], $0xffff  }
0x5c5: {  	v14 =	vtrunc.f32 v15;
	v7 =	vcvt.f32.s32 v7;
	v15 =	vld [tilespmem:s0+$0x1720]  }
0x5c6: {  	v14 =	vcvt.f32.s32 v14;
	v16 =	vld [tilespmem:s10+$0x310];
	[tilespmem:s6+$0x6740] =	vst v11  }
0x5c7: {  	v11 =	vld.idx.msk [tilespmem:v12+s24+$0x0], $0xffff;
	v12 =	vtrunc.f32 v13  }
0x5c8: {  	v12 =	vcvt.f32.s32 v12;
	v13 =	vld [tilespmem:s6+$0x770];
	[tilespmem:s2+$0x6F20] =	vst v8  }
0x5c9: {  	v8 =	vld.idx.msk [tilespmem:v9+s24+$0x0], $0xffff;
	v9 =	vtrunc.f32 v10  }
0x5ca: {  	v9 =	vcvt.f32.s32 v9;
	v10 =	vld [tilespmem:s2+$0xF50];
	[tilespmem:s0+$0x7700] =	vst v6  }
0x5cb: {  	v6 =	vld.idx.msk [tilespmem:v7+s24+$0x0], $0xffff;
	v7 =	vtrunc.f32 v15  }
0x5cc: {  	v15 =	vtrunc.f32 v16;
	v14 =	vld.idx.msk [tilespmem:v14+s24+$0x0], $0xffff;
	v7 =	vcvt.f32.s32 v7  }
0x5cd: {  	v15 =	vcvt.f32.s32 v15;
	v16 =	vld [tilespmem:s10+$0x320];
	[tilespmem:s6+$0x6750] =	vst v11  }
0x5ce: {  	v11 =	vld.idx.msk [tilespmem:v12+s24+$0x0], $0xffff;
	v12 =	vtrunc.f32 v13  }
0x5cf: {  	v12 =	vcvt.f32.s32 v12;
	v13 =	vld [tilespmem:s6+$0xB00];
	[tilespmem:s2+$0x6F30] =	vst v8  }
0x5d0: {  	v8 =	vld.idx.msk [tilespmem:v9+s24+$0x0], $0xffff;
	v9 =	vtrunc.f32 v10  }
0x5d1: {  	v9 =	vcvt.f32.s32 v9;
	v10 =	vld [tilespmem:s2+$0xF60];
	[tilespmem:s0+$0x7710] =	vst v6  }
0x5d2: {  	v5 =	vtrunc.f32 v5;
	[tilespmem:s10+$0x6300] =	vst v14;
	v6 =	vld.idx.msk [tilespmem:v7+s24+$0x0], $0xffff  }
0x5d3: {  	v5 =	vcvt.f32.s32 v5;
	v14 =	vtrunc.f32 v16;
	v7 =	vld.idx.msk [tilespmem:v15+s24+$0x0], $0xffff  }
0x5d4: {  	v14 =	vcvt.f32.s32 v14;
	v15 =	vld [tilespmem:s10+$0x330];
	[tilespmem:s6+$0x6760] =	vst v11  }
0x5d5: {  	v11 =	vld.idx.msk [tilespmem:v12+s24+$0x0], $0xffff;
	v12 =	vtrunc.f32 v13  }
0x5d6: {  	v12 =	vcvt.f32.s32 v12;
	v13 =	vld [tilespmem:s6+$0xB10];
	[tilespmem:s2+$0x6F40] =	vst v8  }
0x5d7: {  	v8 =	vld.idx.msk [tilespmem:v9+s24+$0x0], $0xffff;
	v9 =	vtrunc.f32 v10  }
0x5d8: {  	v9 =	vcvt.f32.s32 v9;
	v10 =	vld [tilespmem:s2+$0xF70];
	[tilespmem:s0+$0x7720] =	vst v6  }
0x5d9: {  	v4 =	vtrunc.f32 v4;
	[tilespmem:s10+$0x6310] =	vst v7;
	v5 =	vld.idx.msk [tilespmem:v5+s24+$0x0], $0xffff  }
0x5da: {  	v4 =	vcvt.f32.s32 v4;
	v7 =	vtrunc.f32 v15;
	v6 =	vld.idx.msk [tilespmem:v14+s24+$0x0], $0xffff  }
0x5db: {  	v7 =	vcvt.f32.s32 v7;
	v14 =	vld [tilespmem:s10+$0x340];
	[tilespmem:s6+$0x6770] =	vst v11  }
0x5dc: {  	v11 =	vld.idx.msk [tilespmem:v12+s24+$0x0], $0xffff;
	v12 =	vtrunc.f32 v13  }
0x5dd: {  	v12 =	vcvt.f32.s32 v12;
	v13 =	vld [tilespmem:s6+$0xB20];
	[tilespmem:s2+$0x6F50] =	vst v8  }
0x5de: {  	v8 =	vld.idx.msk [tilespmem:v9+s24+$0x0], $0xffff;
	v9 =	vtrunc.f32 v10  }
0x5df: {  	v9 =	vcvt.f32.s32 v9;
	v10 =	vld [tilespmem:s2+$0x1300];
	[tilespmem:s0+$0x7730] =	vst v5  }
0x5e0: {  	v3 =	vtrunc.f32 v3;
	[tilespmem:s10+$0x6320] =	vst v6;
	v4 =	vld.idx.msk [tilespmem:v4+s24+$0x0], $0xffff  }
0x5e1: {  	v3 =	vcvt.f32.s32 v3;
	v6 =	vtrunc.f32 v14;
	v5 =	vld.idx.msk [tilespmem:v7+s24+$0x0], $0xffff  }
0x5e2: {  	v6 =	vcvt.f32.s32 v6;
	v7 =	vld [tilespmem:s10+$0x350];
	[tilespmem:s6+$0x6B00] =	vst v11  }
0x5e3: {  	v11 =	vld.idx.msk [tilespmem:v12+s24+$0x0], $0xffff;
	v12 =	vtrunc.f32 v13  }
0x5e4: {  	v12 =	vcvt.f32.s32 v12;
	v13 =	vld [tilespmem:s6+$0xB30];
	[tilespmem:s2+$0x6F60] =	vst v8  }
0x5e5: {  	v8 =	vld.idx.msk [tilespmem:v9+s24+$0x0], $0xffff;
	v9 =	vtrunc.f32 v10  }
0x5e6: {  	v9 =	vcvt.f32.s32 v9;
	v10 =	vld [tilespmem:s2+$0x1310];
	[tilespmem:s0+$0x7740] =	vst v4  }
0x5e7: {  	v2 =	vtrunc.f32 v2;
	[tilespmem:s10+$0x6330] =	vst v5;
	v3 =	vld.idx.msk [tilespmem:v3+s24+$0x0], $0xffff  }
0x5e8: {  	v2 =	vcvt.f32.s32 v2;
	v5 =	vtrunc.f32 v7;
	v4 =	vld.idx.msk [tilespmem:v6+s24+$0x0], $0xffff  }
0x5e9: {  	v5 =	vcvt.f32.s32 v5;
	v6 =	vld [tilespmem:s10+$0x360];
	[tilespmem:s6+$0x6B10] =	vst v11  }
0x5ea: {  	v11 =	vtrunc.f32 v13;
	v7 =	vld.idx.msk [tilespmem:v12+s24+$0x0], $0xffff  }
0x5eb: {  	v11 =	vcvt.f32.s32 v11;
	v12 =	vld [tilespmem:s6+$0xB40];
	[tilespmem:s2+$0x6F70] =	vst v8  }
0x5ec: {  	v8 =	vld.idx.msk [tilespmem:v9+s24+$0x0], $0xffff;
	v9 =	vtrunc.f32 v10  }
0x5ed: {  	v9 =	vcvt.f32.s32 v9;
	v10 =	vld [tilespmem:s2+$0x1320];
	[tilespmem:s0+$0x7750] =	vst v3  }
0x5ee: {  	v1 =	vtrunc.f32 v1;
	[tilespmem:s10+$0x6340] =	vst v4;
	v2 =	vld.idx.msk [tilespmem:v2+s24+$0x0], $0xffff  }
0x5ef: {  	v1 =	vcvt.f32.s32 v1;
	v4 =	vtrunc.f32 v6;
	v3 =	vld.idx.msk [tilespmem:v5+s24+$0x0], $0xffff  }
0x5f0: {  	v4 =	vcvt.f32.s32 v4;
	v5 =	vld [tilespmem:s10+$0x370];
	[tilespmem:s6+$0x6B20] =	vst v7  }
0x5f1: {  	v7 =	vtrunc.f32 v12;
	v6 =	vld.idx.msk [tilespmem:v11+s24+$0x0], $0xffff  }
0x5f2: {  	v7 =	vcvt.f32.s32 v7;
	v11 =	vld [tilespmem:s6+$0xB50];
	[tilespmem:s2+$0x7300] =	vst v8  }
0x5f3: {  	v8 =	vld.idx.msk [tilespmem:v9+s24+$0x0], $0xffff;
	v9 =	vtrunc.f32 v10  }
0x5f4: {  	v9 =	vcvt.f32.s32 v9;
	v10 =	vld [tilespmem:s2+$0x1330];
	[tilespmem:s0+$0x7760] =	vst v2  }
0x5f5: {  	[tilespmem:s10+$0x6350] =	vst v3;
	v2 =	vld.idx.msk [tilespmem:v1+s24+$0x0], $0xffff  }
0x5f6: {  	v1 =	vtrunc.f32 v5;
	v3 =	vld.idx.msk [tilespmem:v4+s24+$0x0], $0xffff  }
0x5f7: {  	v4 =	vcvt.f32.s32 v1;
	v5 =	vld [tilespmem:s10+$0x700];
	[tilespmem:s6+$0x6B30] =	vst v6  }
0x5f8: {  	v1 =	vtrunc.f32 v11;
	v6 =	vld.idx.msk [tilespmem:v7+s24+$0x0], $0xffff  }
0x5f9: {  	v7 =	vcvt.f32.s32 v1;
	v11 =	vld [tilespmem:s6+$0xB60];
	[tilespmem:s2+$0x7310] =	vst v8  }
0x5fa: {  	v1 =	vtrunc.f32 v10;
	v8 =	vld.idx.msk [tilespmem:v9+s24+$0x0], $0xffff  }
0x5fb: {  	v9 =	vcvt.f32.s32 v1;
	v1 =	vld [tilespmem:s2+$0x1770];
	[tilespmem:s0+$0x7770] =	vst v2;
	s0 =	smov.u32 s2;
	s2 =	smov.u32 s6;
	s6 =	smov.u32 s10  }
0x5fc: {  	[tilespmem:s6+$0x6360] =	vst v3;
	v2 =	vld [tilespmem:s0+$0x1340]  }
0x5fd: {  	v3 =	vld.idx.msk [tilespmem:v4+s24+$0x0], $0xffff;
	v4 =	vtrunc.f32 v5  }
0x5fe: {  	v4 =	vcvt.f32.s32 v4;
	v5 =	vld [tilespmem:s6+$0x710];
	[tilespmem:s2+$0x6B40] =	vst v6  }
0x5ff: {  	v6 =	vld.idx.msk [tilespmem:v7+s24+$0x0], $0xffff;
	v7 =	vtrunc.f32 v11  }
0x600: {  	v7 =	vcvt.f32.s32 v7;
	v10 =	vld [tilespmem:s2+$0xB70];
	[tilespmem:s0+$0x7320] =	vst v8  }
0x601: {  	v8 =	vld.idx.msk [tilespmem:v9+s24+$0x0], $0xffff;
	v2 =	vtrunc.f32 v2  }
0x602: {  	v9 =	vcvt.f32.s32 v2;
	v2 =	vld [tilespmem:s0+$0x1760]  }
0x603: {  	[tilespmem:s6+$0x6370] =	vst v3;
	v3 =	vld [tilespmem:s0+$0x1350]  }
0x604: {  	v5 =	vtrunc.f32 v5;
	v4 =	vld.idx.msk [tilespmem:v4+s24+$0x0], $0xffff  }
0x605: {  	v5 =	vcvt.f32.s32 v5;
	v11 =	vld [tilespmem:s6+$0x720];
	[tilespmem:s2+$0x6B50] =	vst v6  }
0x606: {  	v6 =	vld.idx.msk [tilespmem:v7+s24+$0x0], $0xffff;
	v7 =	vtrunc.f32 v10  }
0x607: {  	v7 =	vcvt.f32.s32 v7;
	v10 =	vld [tilespmem:s2+$0xF00];
	[tilespmem:s0+$0x7330] =	vst v8  }
0x608: {  	v8 =	vld.idx.msk [tilespmem:v9+s24+$0x0], $0xffff;
	v3 =	vtrunc.f32 v3  }
0x609: {  	v9 =	vcvt.f32.s32 v3;
	v3 =	vld [tilespmem:s0+$0x1750]  }
0x60a: {  	[tilespmem:s6+$0x6700] =	vst v4;
	v4 =	vld [tilespmem:s0+$0x1360]  }
0x60b: {  	v11 =	vtrunc.f32 v11;
	v5 =	vld.idx.msk [tilespmem:v5+s24+$0x0], $0xffff  }
0x60c: {  	v11 =	vcvt.f32.s32 v11;
	v12 =	vld [tilespmem:s6+$0x730];
	[tilespmem:s2+$0x6B60] =	vst v6  }
0x60d: {  	v6 =	vld.idx.msk [tilespmem:v7+s24+$0x0], $0xffff;
	v7 =	vtrunc.f32 v10  }
0x60e: {  	v7 =	vcvt.f32.s32 v7;
	v10 =	vld [tilespmem:s2+$0xF10];
	[tilespmem:s0+$0x7340] =	vst v8  }
0x60f: {  	v8 =	vld.idx.msk [tilespmem:v9+s24+$0x0], $0xffff;
	v4 =	vtrunc.f32 v4  }
0x610: {  	v9 =	vcvt.f32.s32 v4;
	v4 =	vld [tilespmem:s0+$0x1740]  }
0x611: {  	[tilespmem:s6+$0x6710] =	vst v5;
	v5 =	vld [tilespmem:s0+$0x1370]  }
0x612: {  	v12 =	vtrunc.f32 v12;
	v11 =	vld.idx.msk [tilespmem:v11+s24+$0x0], $0xffff  }
0x613: {  	v12 =	vcvt.f32.s32 v12;
	v13 =	vld [tilespmem:s6+$0x740];
	[tilespmem:s2+$0x6B70] =	vst v6  }
0x614: {  	v6 =	vtrunc.f32 v10;
	v14 =	vld.idx.msk [tilespmem:v7+s24+$0x0], $0xffff  }
0x615: {  	v10 =	vcvt.f32.s32 v6;
	v15 =	vld [tilespmem:s2+$0xF20];
	[tilespmem:s0+$0x7350] =	vst v8  }
0x616: {  	v16 =	vld.idx.msk [tilespmem:v9+s24+$0x0], $0xffff;
	v5 =	vtrunc.f32 v5  }
0x617: {  	v7 =	vcvt.f32.s32 v5;
	v5 =	vld [tilespmem:s0+$0x1730]  }
.Ltmp4:
0x618: {  	[tilespmem:s6+$0x6720] =	vst v11;
	v6 =	vld [tilespmem:s0+$0x1700];
	(pc) =	sbr.rel @p0 .LBB2_9-.Ltmp4, $4  }
0x619: {  	v8 =	vtrunc.f32 v13;
	v11 =	vld.idx.msk [tilespmem:v12+s24+$0x0], $0xffff  }
0x61a: {  	v13 =	vcvt.f32.s32 v8;
	v12 =	vld [tilespmem:s6+$0x750];
	[tilespmem:s2+$0x6F00] =	vst v14  }
0x61b: {  	s10 =	sshrl.u32 s9, $0x3;
	v9 =	vtrunc.f32 v15;
	v8 =	vld.idx.msk [tilespmem:v10+s24+$0x0], $0xffff  }
0x61c: {  	s8 =	sadd.s32 $0x80, s8;
	s9 =	sadd.s32 $0x1, s9;
	s10 =	smul.u32 $0x1800, s10;
	v9 =	vcvt.f32.s32 v9;
	v10 =	vld [tilespmem:s2+$0xF30];
	[tilespmem:s0+$0x7360] =	vst v16  }
0x61d: {  	s8 =	sand.u32 $0x380, s8  }
0x61e: {  	s8 =	sor.u32 s8, s10  }
0x61f: {  	v14 =	vld [tilespmem:s8+$0x300];
	_ =	sdelay $0x4  }
0x620: {  	v14 =	vtrunc.f32 v14  }
0x621: {  	v15 =	vld [tilespmem:s8+$0x310];
	v14 =	vcvt.f32.s32 v14;
	_ =	sdelay $0x4  }
0x622: {  	v16 =	vld [tilespmem:s8+$0x320];
	v15 =	vtrunc.f32 v15  }
0x623: {  	v15 =	vcvt.f32.s32 v15;
	v14 =	vld.idx.msk [tilespmem:v14+s24+$0x0], $0xffff;
	_ =	sdelay $0x4  }
0x624: {  	v30 =	vld [tilespmem:s8+$0x330];
	v29 =	vtrunc.f32 v16;
	[tilespmem:s8+$0x6300] =	vst v14  }
0x625: {  	v14 =	vcvt.f32.s32 v29;
	v15 =	vld.idx.msk [tilespmem:v15+s24+$0x0], $0xffff;
	_ =	sdelay $0x4  }
0x626: {  	v32 =	vld [tilespmem:s8+$0x340];
	v31 =	vtrunc.f32 v30;
	[tilespmem:s8+$0x6310] =	vst v15  }
0x627: {  	v15 =	vcvt.f32.s32 v31;
	v14 =	vld.idx.msk [tilespmem:v14+s24+$0x0], $0xffff;
	_ =	sdelay $0x4  }
0x628: {  	v34 =	vld [tilespmem:s8+$0x350];
	v33 =	vtrunc.f32 v32;
	[tilespmem:s8+$0x6320] =	vst v14  }
0x629: {  	v14 =	vcvt.f32.s32 v33;
	v15 =	vld.idx.msk [tilespmem:v15+s24+$0x0], $0xffff;
	_ =	sdelay $0x4  }
0x62a: {  	v36 =	vld [tilespmem:s8+$0x360];
	v35 =	vtrunc.f32 v34;
	[tilespmem:s8+$0x6330] =	vst v15  }
0x62b: {  	v15 =	vcvt.f32.s32 v35;
	v14 =	vld.idx.msk [tilespmem:v14+s24+$0x0], $0xffff;
	_ =	sdelay $0x4  }
0x62c: {  	v38 =	vld [tilespmem:s8+$0x370];
	v37 =	vtrunc.f32 v36;
	[tilespmem:s8+$0x6340] =	vst v14  }
0x62d: {  	v14 =	vcvt.f32.s32 v37;
	v15 =	vld.idx.msk [tilespmem:v15+s24+$0x0], $0xffff;
	_ =	sdelay $0x4  }
0x62e: {  	v40 =	vld [tilespmem:s8+$0x700];
	v39 =	vtrunc.f32 v38;
	[tilespmem:s8+$0x6350] =	vst v15  }
0x62f: {  	v15 =	vcvt.f32.s32 v39;
	v14 =	vld.idx.msk [tilespmem:v14+s24+$0x0], $0xffff;
	_ =	sdelay $0x4  }
0x630: {  	v42 =	vld [tilespmem:s8+$0x710];
	v41 =	vtrunc.f32 v40;
	[tilespmem:s8+$0x6360] =	vst v14  }
0x631: {  	v14 =	vcvt.f32.s32 v41;
	v15 =	vld.idx.msk [tilespmem:v15+s24+$0x0], $0xffff;
	_ =	sdelay $0x4  }
0x632: {  	v44 =	vld [tilespmem:s8+$0x720];
	v43 =	vtrunc.f32 v42;
	[tilespmem:s8+$0x6370] =	vst v15  }
0x633: {  	v15 =	vcvt.f32.s32 v43;
	v14 =	vld.idx.msk [tilespmem:v14+s24+$0x0], $0xffff;
	_ =	sdelay $0x4  }
0x634: {  	v46 =	vld [tilespmem:s8+$0x730];
	v45 =	vtrunc.f32 v44;
	[tilespmem:s8+$0x6700] =	vst v14  }
0x635: {  	v14 =	vcvt.f32.s32 v45;
	v15 =	vld.idx.msk [tilespmem:v15+s24+$0x0], $0xffff;
	_ =	sdelay $0x4  }
0x636: {  	v48 =	vld [tilespmem:s8+$0x740];
	v47 =	vtrunc.f32 v46;
	[tilespmem:s8+$0x6710] =	vst v15  }
0x637: {  	v15 =	vcvt.f32.s32 v47;
	v14 =	vld.idx.msk [tilespmem:v14+s24+$0x0], $0xffff;
	_ =	sdelay $0x1  }
0x638: {  	v51 =	vld [tilespmem:s6+$0x760];
	[tilespmem:s6+$0x6730] =	vst v11;
	v12 =	vtrunc.f32 v12  }
0x639: {  	v11 =	vld.idx.msk [tilespmem:v13+s24+$0x0], $0xffff;
	v12 =	vcvt.f32.s32 v12;
	_ =	sdelay $0x1  }
0x63a: {  	v50 =	vld [tilespmem:s8+$0x750];
	v49 =	vtrunc.f32 v48;
	[tilespmem:s8+$0x6720] =	vst v14  }
0x63b: {  	v14 =	vcvt.f32.s32 v49;
	v15 =	vld.idx.msk [tilespmem:v15+s24+$0x0], $0xffff;
	_ =	sdelay $0x1  }
0x63c: {  	v55 =	vld [tilespmem:s6+$0x770];
	v54 =	vtrunc.f32 v51;
	[tilespmem:s6+$0x6740] =	vst v11  }
0x63d: {  	v11 =	vcvt.f32.s32 v54;
	v12 =	vld.idx.msk [tilespmem:v12+s24+$0x0], $0xffff;
	_ =	sdelay $0x1  }
0x63e: {  	v53 =	vld [tilespmem:s8+$0x760];
	v52 =	vtrunc.f32 v50;
	[tilespmem:s8+$0x6730] =	vst v15  }
0x63f: {  	v15 =	vcvt.f32.s32 v52;
	v14 =	vld.idx.msk [tilespmem:v14+s24+$0x0], $0xffff;
	_ =	sdelay $0x1  }
0x640: {  	v59 =	vld [tilespmem:s6+$0xB00];
	v58 =	vtrunc.f32 v55;
	[tilespmem:s6+$0x6750] =	vst v12  }
0x641: {  	v12 =	vcvt.f32.s32 v58;
	v11 =	vld.idx.msk [tilespmem:v11+s24+$0x0], $0xffff;
	_ =	sdelay $0x1  }
0x642: {  	v57 =	vld [tilespmem:s8+$0x770];
	v56 =	vtrunc.f32 v53;
	[tilespmem:s8+$0x6740] =	vst v14  }
0x643: {  	v14 =	vcvt.f32.s32 v56;
	v15 =	vld.idx.msk [tilespmem:v15+s24+$0x0], $0xffff;
	_ =	sdelay $0x1  }
0x644: {  	v63 =	vld [tilespmem:s6+$0xB10];
	v62 =	vtrunc.f32 v59;
	[tilespmem:s6+$0x6760] =	vst v11  }
0x645: {  	v11 =	vcvt.f32.s32 v62;
	v12 =	vld.idx.msk [tilespmem:v12+s24+$0x0], $0xffff;
	_ =	sdelay $0x1  }
0x646: {  	v61 =	vld [tilespmem:s8+$0xB00];
	v60 =	vtrunc.f32 v57;
	[tilespmem:s8+$0x6750] =	vst v15  }
0x647: {  	v15 =	vcvt.f32.s32 v60;
	v14 =	vld.idx.msk [tilespmem:v14+s24+$0x0], $0xffff;
	_ =	sdelay $0x1  }
0x648: {  	v22 =	vld [tilespmem:s6+$0xB20];
	v21 =	vtrunc.f32 v63;
	[tilespmem:s6+$0x6770] =	vst v12  }
0x649: {  	v12 =	vcvt.f32.s32 v21;
	v11 =	vld.idx.msk [tilespmem:v11+s24+$0x0], $0xffff;
	_ =	sdelay $0x1  }
0x64a: {  	v20 =	vld [tilespmem:s8+$0xB10];
	v19 =	vtrunc.f32 v61;
	[tilespmem:s8+$0x6760] =	vst v14  }
0x64b: {  	v14 =	vcvt.f32.s32 v19;
	v15 =	vld.idx.msk [tilespmem:v15+s24+$0x0], $0xffff;
	_ =	sdelay $0x1  }
0x64c: {  	v26 =	vld [tilespmem:s6+$0xB30];
	v25 =	vtrunc.f32 v22;
	[tilespmem:s6+$0x6B00] =	vst v11  }
0x64d: {  	v11 =	vcvt.f32.s32 v25;
	v12 =	vld.idx.msk [tilespmem:v12+s24+$0x0], $0xffff;
	_ =	sdelay $0x1  }
0x64e: {  	v24 =	vld [tilespmem:s8+$0xB20];
	v23 =	vtrunc.f32 v20;
	[tilespmem:s8+$0x6770] =	vst v15  }
0x64f: {  	v15 =	vcvt.f32.s32 v23;
	v14 =	vld.idx.msk [tilespmem:v14+s24+$0x0], $0xffff;
	_ =	sdelay $0x1  }
0x650: {  	v30 =	vld [tilespmem:s6+$0xB40];
	v29 =	vtrunc.f32 v26;
	[tilespmem:s6+$0x6B10] =	vst v12  }
0x651: {  	v12 =	vcvt.f32.s32 v29;
	v11 =	vld.idx.msk [tilespmem:v11+s24+$0x0], $0xffff;
	_ =	sdelay $0x1  }
0x652: {  	v28 =	vld [tilespmem:s8+$0xB30];
	v27 =	vtrunc.f32 v24;
	[tilespmem:s8+$0x6B00] =	vst v14  }
0x653: {  	v14 =	vcvt.f32.s32 v27;
	v15 =	vld.idx.msk [tilespmem:v15+s24+$0x0], $0xffff;
	_ =	sdelay $0x1  }
0x654: {  	v34 =	vld [tilespmem:s6+$0xB50];
	v33 =	vtrunc.f32 v30;
	[tilespmem:s6+$0x6B20] =	vst v11  }
0x655: {  	v11 =	vcvt.f32.s32 v33;
	v12 =	vld.idx.msk [tilespmem:v12+s24+$0x0], $0xffff;
	_ =	sdelay $0x1  }
0x656: {  	v32 =	vld [tilespmem:s8+$0xB40];
	v31 =	vtrunc.f32 v28;
	[tilespmem:s8+$0x6B10] =	vst v15  }
0x657: {  	v15 =	vcvt.f32.s32 v31;
	v14 =	vld.idx.msk [tilespmem:v14+s24+$0x0], $0xffff;
	_ =	sdelay $0x1  }
0x658: {  	v38 =	vld [tilespmem:s6+$0xB60];
	v37 =	vtrunc.f32 v34;
	[tilespmem:s6+$0x6B30] =	vst v12  }
0x659: {  	v12 =	vcvt.f32.s32 v37;
	v11 =	vld.idx.msk [tilespmem:v11+s24+$0x0], $0xffff;
	_ =	sdelay $0x1  }
0x65a: {  	v36 =	vld [tilespmem:s8+$0xB50];
	v35 =	vtrunc.f32 v32;
	[tilespmem:s8+$0x6B20] =	vst v14  }
0x65b: {  	v14 =	vcvt.f32.s32 v35;
	v15 =	vld.idx.msk [tilespmem:v15+s24+$0x0], $0xffff;
	_ =	sdelay $0x1  }
0x65c: {  	v42 =	vld [tilespmem:s6+$0xB70];
	v41 =	vtrunc.f32 v38;
	[tilespmem:s6+$0x6B40] =	vst v11  }
0x65d: {  	v11 =	vcvt.f32.s32 v41;
	v12 =	vld.idx.msk [tilespmem:v12+s24+$0x0], $0xffff;
	_ =	sdelay $0x1  }
0x65e: {  	v40 =	vld [tilespmem:s8+$0xB60];
	v39 =	vtrunc.f32 v36;
	[tilespmem:s8+$0x6B30] =	vst v15  }
0x65f: {  	v15 =	vcvt.f32.s32 v39;
	v14 =	vld.idx.msk [tilespmem:v14+s24+$0x0], $0xffff;
	_ =	sdelay $0x1  }
0x660: {  	[tilespmem:s6+$0x6B50] =	vst v12;
	v45 =	vtrunc.f32 v42  }
0x661: {  	v11 =	vld.idx.msk [tilespmem:v11+s24+$0x0], $0xffff;
	v12 =	vcvt.f32.s32 v45  }
0x662: {  	v44 =	vld [tilespmem:s8+$0xB70]  }
0x663: {  	v46 =	vld [tilespmem:s6+$0xF00];
	v43 =	vtrunc.f32 v40;
	[tilespmem:s8+$0x6B40] =	vst v14  }
0x664: {  	v14 =	vcvt.f32.s32 v43;
	v15 =	vld.idx.msk [tilespmem:v15+s24+$0x0], $0xffff;
	_ =	sdelay $0x1  }
0x665: {  	v7 =	vld.idx.msk [tilespmem:v7+s24+$0x0], $0xffff;
	[tilespmem:s6+$0x6B60] =	vst v11  }
0x666: {  	v12 =	vld.idx.msk [tilespmem:v12+s24+$0x0], $0xffff  }
0x667: {  	v51 =	vtrunc.f32 v46;
	v49 =	vld [tilespmem:s8+$0xF00]  }
0x668: {  	v11 =	vcvt.f32.s32 v51;
	v47 =	vtrunc.f32 v44;
	v52 =	vld [tilespmem:s6+$0xF10];
	[tilespmem:s8+$0x6B50] =	vst v15  }
0x669: {  	[tilespmem:s2+$0x6F10] =	vst v8;
	v48 =	vcvt.f32.s32 v47;
	v14 =	vld.idx.msk [tilespmem:v14+s24+$0x0], $0xffff  }
0x66a: {  	v9 =	vld.idx.msk [tilespmem:v9+s24+$0x0], $0xffff  }
0x66b: {  	v10 =	vtrunc.f32 v10;
	v55 =	vld [tilespmem:s8+$0xF10]  }
0x66c: {  	v10 =	vcvt.f32.s32 v10;
	v50 =	vld [tilespmem:s2+$0xF40]  }
0x66d: {  	v58 =	vld [tilespmem:s6+$0xF20];
	[tilespmem:s6+$0x6B70] =	vst v12;
	v57 =	vtrunc.f32 v52  }
0x66e: {  	v11 =	vld.idx.msk [tilespmem:v11+s24+$0x0], $0xffff;
	v53 =	vtrunc.f32 v49;
	v12 =	vcvt.f32.s32 v57;
	[tilespmem:s8+$0x6B60] =	vst v14  }
0x66f: {  	v14 =	vcvt.f32.s32 v53;
	v8 =	vld.idx.msk [tilespmem:v48+s24+$0x0], $0xffff  }
0x670: {  	v17 =	vld [tilespmem:s2+$0x1300]  }
0x671: {  	v61 =	vld [tilespmem:s8+$0xF20];
	[tilespmem:s2+$0x6F20] =	vst v9  }
0x672: {  	v10 =	vld.idx.msk [tilespmem:v10+s24+$0x0], $0xffff;
	v54 =	vtrunc.f32 v50  }
0x673: {  	v9 =	vcvt.f32.s32 v54;
	v20 =	vtrunc.f32 v58;
	[tilespmem:s6+$0x6F00] =	vst v11;
	v56 =	vld [tilespmem:s2+$0xF50]  }
0x674: {  	v59 =	vtrunc.f32 v55;
	v11 =	vcvt.f32.s32 v20;
	v12 =	vld.idx.msk [tilespmem:v12+s24+$0x0], $0xffff;
	[tilespmem:s8+$0x6B70] =	vst v8  }
0x675: {  	v60 =	vcvt.f32.s32 v59;
	v8 =	vld.idx.msk [tilespmem:v14+s24+$0x0], $0xffff  }
0x676: {  	v21 =	vld [tilespmem:s6+$0xF30]  }
0x677: {  	v63 =	vld [tilespmem:s2+$0xF60]  }
0x678: {  	v24 =	vld [tilespmem:s8+$0xF30];
	[tilespmem:s2+$0x6F30] =	vst v10;
	v62 =	vtrunc.f32 v56  }
0x679: {  	v9 =	vld.idx.msk [tilespmem:v9+s24+$0x0], $0xffff;
	[tilespmem:s6+$0x6F10] =	vst v12;
	v15 =	vcvt.f32.s32 v62  }
0x67a: {  	v22 =	vtrunc.f32 v61;
	v11 =	vld.idx.msk [tilespmem:v11+s24+$0x0], $0xffff;
	[tilespmem:s8+$0x6F00] =	vst v8  }
0x67b: {  	v26 =	vtrunc.f32 v21;
	v8 =	vcvt.f32.s32 v22;
	v10 =	vld.idx.msk [tilespmem:v60+s24+$0x0], $0xffff  }
0x67c: {  	v12 =	vcvt.f32.s32 v26;
	v27 =	vld [tilespmem:s6+$0xF40]  }
0x67d: {  	v25 =	vld [tilespmem:s2+$0xF70]  }
0x67e: {  	[tilespmem:s2+$0x6F40] =	vst v9;
	v32 =	vld [tilespmem:s6+$0xF50];
	v23 =	vtrunc.f32 v63  }
0x67f: {  	v9 =	vcvt.f32.s32 v23;
	v15 =	vld.idx.msk [tilespmem:v15+s24+$0x0], $0xffff  }
0x680: {  	v28 =	vtrunc.f32 v24;
	v29 =	vld [tilespmem:s8+$0xF40];
	[tilespmem:s8+$0x6F10] =	vst v10  }
0x681: {  	[tilespmem:s6+$0x6F20] =	vst v11;
	v31 =	vtrunc.f32 v27;
	v14 =	vcvt.f32.s32 v28;
	v10 =	vld.idx.msk [tilespmem:v8+s24+$0x0], $0xffff  }
0x682: {  	v12 =	vld.idx.msk [tilespmem:v12+s24+$0x0], $0xffff;
	v11 =	vcvt.f32.s32 v31  }
0x683: {  	v36 =	vld [tilespmem:s2+$0x1310]  }
0x684: {  	v30 =	vtrunc.f32 v25;
	v37 =	vtrunc.f32 v32;
	v32 =	vld [tilespmem:s6+$0x1340];
	[tilespmem:s2+$0x6F50] =	vst v15  }
0x685: {  	v16 =	vcvt.f32.s32 v30;
	v9 =	vld.idx.msk [tilespmem:v9+s24+$0x0], $0xffff  }
0x686: {  	v33 =	vtrunc.f32 v29;
	v35 =	vld [tilespmem:s8+$0xF50];
	[tilespmem:s8+$0x6F20] =	vst v10  }
0x687: {  	[tilespmem:s6+$0x6F30] =	vst v12;
	v10 =	vcvt.f32.s32 v33;
	v14 =	vld.idx.msk [tilespmem:v14+s24+$0x0], $0xffff  }
0x688: {  	v12 =	vcvt.f32.s32 v37;
	v11 =	vld.idx.msk [tilespmem:v11+s24+$0x0], $0xffff  }
0x689: {  	v38 =	vld [tilespmem:s6+$0xF60]  }
0x68a: {  	v34 =	vtrunc.f32 v17;
	v40 =	vld [tilespmem:s8+$0xF60];
	[tilespmem:s2+$0x6F60] =	vst v9  }
0x68b: {  	v6 =	vtrunc.f32 v6;
	v9 =	vcvt.f32.s32 v34;
	v16 =	vld.idx.msk [tilespmem:v16+s24+$0x0], $0xffff  }
0x68c: {  	v6 =	vcvt.f32.s32 v6;
	v45 =	vld [tilespmem:s6+$0xF70];
	v39 =	vtrunc.f32 v35;
	[tilespmem:s8+$0x6F30] =	vst v14  }
0x68d: {  	[tilespmem:s6+$0x6F40] =	vst v11;
	v15 =	vcvt.f32.s32 v39;
	v14 =	vld.idx.msk [tilespmem:v10+s24+$0x0], $0xffff  }
0x68e: {  	v11 =	vld.idx.msk [tilespmem:v12+s24+$0x0], $0xffff  }
0x68f: {  	v43 =	vld [tilespmem:s2+$0x1320]  }
0x690: {  	v41 =	vtrunc.f32 v36;
	v48 =	vld [tilespmem:s8+$0xF70];
	[tilespmem:s2+$0x6F70] =	vst v16  }
0x691: {  	[tilespmem:s0+$0x7370] =	vst v7;
	v42 =	vcvt.f32.s32 v41;
	v44 =	vtrunc.f32 v38;
	v9 =	vld.idx.msk [tilespmem:v9+s24+$0x0], $0xffff  }
0x692: {  	v46 =	vtrunc.f32 v40;
	v10 =	vld.idx.msk [tilespmem:v6+s24+$0x0], $0xffff;
	v6 =	vcvt.f32.s32 v44;
	[tilespmem:s8+$0x6F40] =	vst v14  }
0x693: {  	v13 =	vcvt.f32.s32 v46;
	v14 =	vld.idx.msk [tilespmem:v15+s24+$0x0], $0xffff  }
0x694: {  	v54 =	vld [tilespmem:s8+$0x1300]  }
0x695: {  	v51 =	vld [tilespmem:s6+$0x1300]  }
0x696: {  	v49 =	vld [tilespmem:s2+$0x1330];
	v47 =	vtrunc.f32 v43;
	[tilespmem:s2+$0x7300] =	vst v9  }
0x697: {  	v50 =	vtrunc.f32 v45;
	[tilespmem:s6+$0x6F50] =	vst v11;
	v9 =	vcvt.f32.s32 v47;
	v7 =	vld.idx.msk [tilespmem:v42+s24+$0x0], $0xffff  }
0x698: {  	v12 =	vcvt.f32.s32 v50;
	v52 =	vtrunc.f32 v48;
	v11 =	vld.idx.msk [tilespmem:v6+s24+$0x0], $0xffff;
	[tilespmem:s8+$0x6F50] =	vst v14  }
0x699: {  	v53 =	vcvt.f32.s32 v52;
	v13 =	vld.idx.msk [tilespmem:v13+s24+$0x0], $0xffff  }
0x69a: {  	v57 =	vld [tilespmem:s2+$0x1340]  }
0x69b: {  	v59 =	vld [tilespmem:s6+$0x1310]  }
0x69c: {  	v62 =	vld [tilespmem:s8+$0x1310];
	[tilespmem:s2+$0x7310] =	vst v7  }
0x69d: {  	v58 =	vtrunc.f32 v51;
	v9 =	vld.idx.msk [tilespmem:v9+s24+$0x0], $0xffff;
	[tilespmem:s6+$0x6F60] =	vst v11  }
0x69e: {  	v60 =	vtrunc.f32 v54;
	v11 =	vcvt.f32.s32 v58;
	v12 =	vld.idx.msk [tilespmem:v12+s24+$0x0], $0xffff;
	[tilespmem:s8+$0x6F60] =	vst v13  }
0x69f: {  	v13 =	vcvt.f32.s32 v60;
	v61 =	vld.idx.msk [tilespmem:v53+s24+$0x0], $0xffff  }
0x6a0: {  	v18 =	vld [tilespmem:s2+$0x1350]  }
0x6a1: {  	v21 =	vld [tilespmem:s6+$0x1320];
	v36 =	vtrunc.f32 v32;
	v55 =	vtrunc.f32 v49  }
0x6a2: {  	v32 =	vld [tilespmem:s6+$0x1720];
	v56 =	vcvt.f32.s32 v55;
	v16 =	vtrunc.f32 v57;
	[tilespmem:s2+$0x7320] =	vst v9  }
0x6a3: {  	v20 =	vtrunc.f32 v59;
	v22 =	vld [tilespmem:s8+$0x1320];
	v63 =	vcvt.f32.s32 v16;
	[tilespmem:s6+$0x6F70] =	vst v12  }
0x6a4: {  	v16 =	vcvt.f32.s32 v20;
	v9 =	vtrunc.f32 v62;
	v11 =	vld.idx.msk [tilespmem:v11+s24+$0x0], $0xffff;
	[tilespmem:s8+$0x6F70] =	vst v61  }
0x6a5: {  	v9 =	vcvt.f32.s32 v9;
	v13 =	vld.idx.msk [tilespmem:v13+s24+$0x0], $0xffff  }
0x6a6: {  	v30 =	vld [tilespmem:s8+$0x1330]  }
0x6a7: {  	v26 =	vld [tilespmem:s6+$0x1330]  }
0x6a8: {  	v59 =	vld [tilespmem:s6+$0x1710]  }
0x6a9: {  	v23 =	vtrunc.f32 v21;
	v15 =	vld.idx.msk [tilespmem:v56+s24+$0x0], $0xffff;
	[tilespmem:s6+$0x7300] =	vst v11  }
0x6aa: {  	v25 =	vcvt.f32.s32 v23;
	v27 =	vtrunc.f32 v22;
	v24 =	vld.idx.msk [tilespmem:v16+s24+$0x0], $0xffff;
	[tilespmem:s8+$0x7300] =	vst v13  }
0x6ab: {  	v28 =	vcvt.f32.s32 v27;
	v9 =	vld.idx.msk [tilespmem:v9+s24+$0x0], $0xffff  }
0x6ac: {  	v19 =	vld [tilespmem:s0+$0x1720]  }
0x6ad: {  	v21 =	vld [tilespmem:s2+$0x1740]  }
0x6ae: {  	v41 =	vld [tilespmem:s8+$0x1350];
	[tilespmem:s2+$0x7330] =	vst v15  }
0x6af: {  	v31 =	vtrunc.f32 v26;
	v35 =	vld [tilespmem:s8+$0x1340];
	[tilespmem:s6+$0x7310] =	vst v24  }
0x6b0: {  	v33 =	vtrunc.f32 v30;
	v16 =	vcvt.f32.s32 v31;
	v15 =	vld.idx.msk [tilespmem:v25+s24+$0x0], $0xffff;
	[tilespmem:s8+$0x7310] =	vst v9  }
0x6b1: {  	v34 =	vcvt.f32.s32 v33;
	v13 =	vld.idx.msk [tilespmem:v28+s24+$0x0], $0xffff  }
0x6b2: {  	v23 =	vld [tilespmem:s2+$0x1370]  }
0x6b3: {  	v37 =	vld [tilespmem:s6+$0x1350]  }
0x6b4: {  	v45 =	vld [tilespmem:s8+$0x1360]  }
0x6b5: {  	v26 =	vld [tilespmem:s2+$0x1700];
	[tilespmem:s6+$0x7320] =	vst v15  }
0x6b6: {  	v38 =	vtrunc.f32 v35;
	v15 =	vcvt.f32.s32 v36;
	v16 =	vld.idx.msk [tilespmem:v16+s24+$0x0], $0xffff;
	[tilespmem:s8+$0x7320] =	vst v13  }
0x6b7: {  	v13 =	vcvt.f32.s32 v38;
	v39 =	vld.idx.msk [tilespmem:v34+s24+$0x0], $0xffff  }
0x6b8: {  	v51 =	vld [tilespmem:s8+$0x1370]  }
0x6b9: {  	v29 =	vtrunc.f32 v18;
	v20 =	vld [tilespmem:s2+$0x1360]  }
0x6ba: {  	v18 =	vcvt.f32.s32 v29;
	v12 =	vld.idx.msk [tilespmem:v63+s24+$0x0], $0xffff  }
0x6bb: {  	v43 =	vld [tilespmem:s6+$0x1360];
	v42 =	vtrunc.f32 v37;
	[tilespmem:s6+$0x7330] =	vst v16  }
0x6bc: {  	v44 =	vtrunc.f32 v41;
	v16 =	vcvt.f32.s32 v42;
	v15 =	vld.idx.msk [tilespmem:v15+s24+$0x0], $0xffff;
	[tilespmem:s8+$0x7330] =	vst v39  }
0x6bd: {  	v14 =	vcvt.f32.s32 v44;
	v13 =	vld.idx.msk [tilespmem:v13+s24+$0x0], $0xffff  }
0x6be: {  	v55 =	vld [tilespmem:s8+$0x1700]  }
0x6bf: {  	v48 =	vld [tilespmem:s6+$0x1370];
	v40 =	vtrunc.f32 v20;
	[tilespmem:s2+$0x7340] =	vst v12  }
0x6c0: {  	v22 =	vcvt.f32.s32 v40;
	v18 =	vld.idx.msk [tilespmem:v18+s24+$0x0], $0xffff  }
0x6c1: {  	v57 =	vld [tilespmem:s6+$0x1730];
	v47 =	vtrunc.f32 v43;
	[tilespmem:s6+$0x7340] =	vst v15  }
0x6c2: {  	v49 =	vtrunc.f32 v45;
	v15 =	vcvt.f32.s32 v47;
	v16 =	vld.idx.msk [tilespmem:v16+s24+$0x0], $0xffff;
	[tilespmem:s8+$0x7340] =	vst v13  }
0x6c3: {  	v13 =	vcvt.f32.s32 v49;
	v14 =	vld.idx.msk [tilespmem:v14+s24+$0x0], $0xffff  }
0x6c4: {  	v27 =	vld [tilespmem:s2+$0x1710]  }
0x6c5: {  	v50 =	vtrunc.f32 v23;
	v8 =	vld [tilespmem:s0+$0x1710];
	[tilespmem:s2+$0x7350] =	vst v18  }
0x6c6: {  	v18 =	vcvt.f32.s32 v50;
	v46 =	vld.idx.msk [tilespmem:v22+s24+$0x0], $0xffff  }
0x6c7: {  	v52 =	vtrunc.f32 v48;
	v53 =	vld [tilespmem:s6+$0x1700];
	[tilespmem:s6+$0x7350] =	vst v16  }
0x6c8: {  	v54 =	vtrunc.f32 v51;
	v16 =	vcvt.f32.s32 v52;
	v15 =	vld.idx.msk [tilespmem:v15+s24+$0x0], $0xffff;
	[tilespmem:s8+$0x7350] =	vst v14  }
0x6c9: {  	v14 =	vcvt.f32.s32 v54;
	v13 =	vld.idx.msk [tilespmem:v13+s24+$0x0], $0xffff  }
0x6ca: {  	v43 =	vld [tilespmem:s8+$0x1740];
	v8 =	vtrunc.f32 v8  }
0x6cb: {  	v30 =	vld [tilespmem:s2+$0x1720];
	v8 =	vcvt.f32.s32 v8;
	v56 =	vtrunc.f32 v26;
	[tilespmem:s2+$0x7360] =	vst v46  }
0x6cc: {  	v23 =	vcvt.f32.s32 v56;
	v18 =	vld.idx.msk [tilespmem:v18+s24+$0x0], $0xffff  }
0x6cd: {  	v58 =	vtrunc.f32 v53;
	v61 =	vld [tilespmem:s8+$0x1710];
	[tilespmem:s6+$0x7360] =	vst v15  }
0x6ce: {  	v60 =	vtrunc.f32 v55;
	v15 =	vcvt.f32.s32 v58;
	v16 =	vld.idx.msk [tilespmem:v16+s24+$0x0], $0xffff;
	[tilespmem:s8+$0x7360] =	vst v13  }
0x6cf: {  	v13 =	vcvt.f32.s32 v60;
	v14 =	vld.idx.msk [tilespmem:v14+s24+$0x0], $0xffff  }
0x6d0: {  	v35 =	vtrunc.f32 v19;
	v40 =	vld [tilespmem:s8+$0x1730];
	[tilespmem:s0+$0x7700] =	vst v10  }
0x6d1: {  	v10 =	vcvt.f32.s32 v35;
	v8 =	vld.idx.msk [tilespmem:v8+s24+$0x0], $0xffff;
	[tilespmem:s2+$0x7370] =	vst v18  }
0x6d2: {  	v63 =	vtrunc.f32 v27;
	v62 =	vld.idx.msk [tilespmem:v23+s24+$0x0], $0xffff  }
0x6d3: {  	v17 =	vtrunc.f32 v59;
	v31 =	vcvt.f32.s32 v63;
	v34 =	vld [tilespmem:s8+$0x1720];
	[tilespmem:s6+$0x7370] =	vst v16  }
0x6d4: {  	v17 =	vcvt.f32.s32 v17;
	v33 =	vtrunc.f32 v61;
	v15 =	vld.idx.msk [tilespmem:v15+s24+$0x0], $0xffff;
	[tilespmem:s8+$0x7370] =	vst v14  }
0x6d5: {  	v14 =	vcvt.f32.s32 v33;
	v13 =	vld.idx.msk [tilespmem:v13+s24+$0x0], $0xffff  }
0x6d6: {  	v5 =	vtrunc.f32 v5;
	v7 =	vld [tilespmem:s2+$0x1760];
	[tilespmem:s0+$0x7710] =	vst v8  }
0x6d7: {  	v5 =	vcvt.f32.s32 v5;
	v8 =	vld.idx.msk [tilespmem:v10+s24+$0x0], $0xffff  }
0x6d8: {  	v24 =	vld [tilespmem:s2+$0x1730];
	v36 =	vtrunc.f32 v30;
	[tilespmem:s2+$0x7700] =	vst v62  }
0x6d9: {  	v38 =	vcvt.f32.s32 v36;
	v37 =	vld.idx.msk [tilespmem:v31+s24+$0x0], $0xffff;
	v39 =	vtrunc.f32 v32;
	[tilespmem:s6+$0x7700] =	vst v15  }
0x6da: {  	v18 =	vtrunc.f32 v34;
	v19 =	vcvt.f32.s32 v39;
	v17 =	vld.idx.msk [tilespmem:v17+s24+$0x0], $0xffff;
	[tilespmem:s8+$0x7700] =	vst v13  }
0x6db: {  	v18 =	vcvt.f32.s32 v18;
	v14 =	vld.idx.msk [tilespmem:v14+s24+$0x0], $0xffff  }
0x6dc: {  	v6 =	vld [tilespmem:s2+$0x1770];
	[tilespmem:s0+$0x7720] =	vst v8  }
0x6dd: {  	v5 =	vld.idx.msk [tilespmem:v5+s24+$0x0], $0xffff  }
0x6de: {  	v25 =	vld [tilespmem:s6+$0x1740];
	v41 =	vtrunc.f32 v24;
	[tilespmem:s2+$0x7710] =	vst v37  }
0x6df: {  	v10 =	vcvt.f32.s32 v41;
	v42 =	vtrunc.f32 v57;
	v15 =	vld.idx.msk [tilespmem:v38+s24+$0x0], $0xffff;
	[tilespmem:s6+$0x7710] =	vst v17  }
0x6e0: {  	v16 =	vcvt.f32.s32 v42;
	v13 =	vtrunc.f32 v40;
	v17 =	vld.idx.msk [tilespmem:v19+s24+$0x0], $0xffff;
	[tilespmem:s8+$0x7710] =	vst v14  }
0x6e1: {  	v13 =	vcvt.f32.s32 v13;
	v18 =	vld.idx.msk [tilespmem:v18+s24+$0x0], $0xffff  }
0x6e2: {  	v4 =	vtrunc.f32 v4;
	v11 =	vld [tilespmem:s2+$0x1750]  }
0x6e3: {  	v4 =	vcvt.f32.s32 v4;
	v22 =	vld [tilespmem:s6+$0x1750]  }
0x6e4: {  	v44 =	vtrunc.f32 v21;
	v46 =	vld [tilespmem:s8+$0x1750];
	[tilespmem:s2+$0x7720] =	vst v15  }
0x6e5: {  	v8 =	vcvt.f32.s32 v44;
	v45 =	vtrunc.f32 v25;
	v10 =	vld.idx.msk [tilespmem:v10+s24+$0x0], $0xffff;
	[tilespmem:s6+$0x7720] =	vst v17  }
0x6e6: {  	v15 =	vcvt.f32.s32 v45;
	v14 =	vtrunc.f32 v43;
	v16 =	vld.idx.msk [tilespmem:v16+s24+$0x0], $0xffff;
	[tilespmem:s8+$0x7720] =	vst v18  }
0x6e7: {  	v14 =	vcvt.f32.s32 v14;
	v13 =	vld.idx.msk [tilespmem:v13+s24+$0x0], $0xffff  }
0x6e8: {  	v3 =	vtrunc.f32 v3;
	v12 =	vld [tilespmem:s6+$0x1760];
	[tilespmem:s0+$0x7730] =	vst v5  }
0x6e9: {  	v3 =	vcvt.f32.s32 v3;
	v4 =	vld.idx.msk [tilespmem:v4+s24+$0x0], $0xffff  }
0x6ea: {  	v50 =	vld [tilespmem:s8+$0x1760];
	v47 =	vtrunc.f32 v11;
	[tilespmem:s2+$0x7730] =	vst v10  }
0x6eb: {  	v48 =	vtrunc.f32 v22;
	v5 =	vcvt.f32.s32 v47;
	v8 =	vld.idx.msk [tilespmem:v8+s24+$0x0], $0xffff;
	[tilespmem:s6+$0x7730] =	vst v16  }
0x6ec: {  	v51 =	vtrunc.f32 v46;
	v10 =	vcvt.f32.s32 v48;
	v49 =	vld.idx.msk [tilespmem:v15+s24+$0x0], $0xffff;
	[tilespmem:s8+$0x7730] =	vst v13  }
0x6ed: {  	v13 =	vcvt.f32.s32 v51;
	v14 =	vld.idx.msk [tilespmem:v14+s24+$0x0], $0xffff  }
0x6ee: {  	v56 =	vld [tilespmem:s8+$0x1770];
	[tilespmem:s0+$0x7740] =	vst v4  }
0x6ef: {  	v2 =	vtrunc.f32 v2;
	v3 =	vld.idx.msk [tilespmem:v3+s24+$0x0], $0xffff  }
0x6f0: {  	v2 =	vcvt.f32.s32 v2;
	v53 =	vtrunc.f32 v7;
	v9 =	vld [tilespmem:s6+$0x1770];
	[tilespmem:s2+$0x7740] =	vst v8  }
0x6f1: {  	v55 =	vtrunc.f32 v12;
	v52 =	vld.idx.msk [tilespmem:v5+s24+$0x0], $0xffff;
	v5 =	vcvt.f32.s32 v53;
	[tilespmem:s6+$0x7740] =	vst v49  }
0x6f2: {  	v57 =	vtrunc.f32 v50;
	v8 =	vcvt.f32.s32 v55;
	v54 =	vld.idx.msk [tilespmem:v10+s24+$0x0], $0xffff;
	[tilespmem:s8+$0x7740] =	vst v14  }
0x6f3: {  	v11 =	vcvt.f32.s32 v57;
	v58 =	vld.idx.msk [tilespmem:v13+s24+$0x0], $0xffff;
	_ =	sdelay $0x1  }
0x6f4: {  	v1 =	vtrunc.f32 v1;
	[tilespmem:s0+$0x7750] =	vst v3  }
0x6f5: {  	v1 =	vcvt.f32.s32 v1;
	v3 =	vtrunc.f32 v6;
	v2 =	vld.idx.msk [tilespmem:v2+s24+$0x0], $0xffff;
	[tilespmem:s2+$0x7750] =	vst v52  }
0x6f6: {  	v3 =	vcvt.f32.s32 v3;
	v59 =	vtrunc.f32 v9;
	v4 =	vld.idx.msk [tilespmem:v5+s24+$0x0], $0xffff;
	[tilespmem:s6+$0x7750] =	vst v54  }
0x6f7: {  	v61 =	vtrunc.f32 v56;
	v5 =	vcvt.f32.s32 v59;
	v60 =	vld.idx.msk [tilespmem:v8+s24+$0x0], $0xffff;
	[tilespmem:s8+$0x7750] =	vst v58  }
0x6f8: {  	v7 =	vcvt.f32.s32 v61;
	v62 =	vld.idx.msk [tilespmem:v11+s24+$0x0], $0xffff;
	_ =	sdelay $0x1  }
0x6f9: {  	[tilespmem:s0+$0x7760] =	vst v2  }
0x6fa: {  	v1 =	vld.idx.msk [tilespmem:v1+s24+$0x0], $0xffff;
	[tilespmem:s2+$0x7760] =	vst v4  }
0x6fb: {  	v2 =	vld.idx.msk [tilespmem:v3+s24+$0x0], $0xffff;
	[tilespmem:s6+$0x7760] =	vst v60  }
0x6fc: {  	v3 =	vld.idx.msk [tilespmem:v5+s24+$0x0], $0xffff;
	[tilespmem:s8+$0x7760] =	vst v62  }
0x6fd: {  	v63 =	vld.idx.msk [tilespmem:v7+s24+$0x0], $0xffff;
	_ =	sdelay $0x1  }
0x6fe: {  	[tilespmem:s0+$0x7770] =	vst v1  }
0x6ff: {  	[tilespmem:s2+$0x7770] =	vst v2  }
0x700: {  	[tilespmem:s6+$0x7770] =	vst v3  }
0x701: {  	[tilespmem:s8+$0x7770] =	vst v63  }
0x702: {  	s0 =	rddreg [dreg:$0xa]  }
0x703: {  	[hbm4b:s0+s4] =	stream.linear.scatter [tilespmem:s25], [sflag:$0x3], $0x3000, $0x38;
	[tilespmem:$0xC300] =	vst v63  }
0x704: {  	_ =	swait.ge [sflag:s12], $0x3000  }
0x705: {  	[sflag:s12] =	ssyncset.done $0x0  }
0x706: {  	s29 =	simm.s32 $0x4;
	[sflag:s12] =	ssyncadd.s32 $0xFFFFD000  }
0x707: {  	_ =	swait.ge [sflag:s29], $0x3000  }
0x708: {  	s30 =	rddreg [dreg:$0xc]  }
0x709: {  	s31 =	rddreg [dreg:$0xb];
	s6 =	sadd.s32 $0x1, s30  }
0x70a: {  	p0 =	sne.s32 s6, s31  }
.Ltmp5:
0x70b: {  	_ = 	snop;
	(pc) =	sbr.rel @p0 .LBB2_1-.Ltmp5, $3  }
0x70c: {  	_ =	sdelay $0x1  }
0x70d: {  	[sflag:s29] =	ssyncset.done $0x0  }
0x70e: {  	[sflag:s29] =	ssyncadd.s32 $0xFFFFD000  }
0x70f: {  	_ =	sfence.sel $0x180000  }
0x710: {  	[bflag:$0x0] =	sbarrier.arrive $0xFFFF  }
0x711: {  	_ =	strace $0x90000047  }
0x712: {  	s0 =	stileid.u32;
	[bflag:$0x2] =	sbarrier.arrive $0xFFFF  }
0x713: {  	p0 =	sne.s32 s0, $0x0;
	s0 =	rddreg [dreg:$0x3]  }
0x714: {  	s0 =	sadd.s32 @!p0 $0x100000, s0  }
0x715: {  	[sflag:s0] =	ssyncadd.tile.s32 @!p0 $0x1;
	_ =	shalt  }
.Lfunc_end2:
_tile_overlayer_lowered:
.L_overlay_start_2:
0x716: {  	(tag) =	ssettag $0x2  }
0x717: {  	s0 =	rddreg [dreg:$0x0];
	s2 =	stileid.u32  }
0x718: {  	s1 =	rddreg [dreg:$0x1];
	p0 =	sne.s32 s2, $0x0  }
0x719: {  	s3 =	rddreg [dreg:$0x2];
	[bflag:$0x3] =	sbarrier.arrive $0xFFFF;
	s2 =	simm.s32 @!p0 $0x1C05  }
0x71a: {  	[timem:s3], [sflag:s2] =	dma.local @!p0 [hbm:s0], s1  }
0x71b: {  	s0 =	simm.s32 @!p0 $0x5  }
0x71c: {  	_ =	swait.ge @!p0 [sflag:s0], s1  }
0x71d: {  	s1 =	ssub.s32 @!p0 $0x0, s1;
	[sflag:s0] =	ssyncset.done @!p0 $0x0  }
0x71e: {  	[sflag:s0] =	ssyncadd.s32 @!p0 s1  }
0x71f: {  	[bflag:$0x3] =	sbarrier.arrive $0xFFFF  }
0x720: {  	_ =	shalt  }

</sc_bundles>
